<compile_context>
chip_gen: v7x
topology: tpu7x:2x2x1
jax: 0.10.2.dev20260603
libtpu: 0.0.44.dev20260713+nightly
codegen_flags: <defaults>
</compile_context>

<pallas_src>
import functools

import jax
import jax.numpy as jnp
from jax import lax
from jax.experimental import pallas as pl
from jax.experimental.pallas import tpu as pltpu
from jax.experimental.pallas import tpu_sc as plsc

N = 10000
C = 128
E = 320000
HALF = N // 2
ACC_R = 5248
DUMMY = HALF
B = 640
NB = E // B
GB = 128
C2 = 2 * C


def _sc_spmm(x2, rows, cols, vr, vi):
    mesh = plsc.VectorSubcoreMesh(core_axis_name="c", subcore_axis_name="s")

    @functools.partial(
        pl.kernel,
        mesh=mesh,
        compiler_params=pltpu.CompilerParams(
            needs_layout_passes=False, use_tc_tiling_on_sc=False,
            disable_bounds_checks=True),
        out_type=jax.ShapeDtypeStruct((2 * C2 * ACC_R,), jnp.float32),
        scratch_types=[
            pltpu.VMEM((B,), jnp.int32),
            pltpu.VMEM((B,), jnp.int32),
            pltpu.VMEM((B,), jnp.int32),
            pltpu.VMEM((B,), jnp.int32),
            pltpu.VMEM((B,), jnp.float32),
            pltpu.VMEM((B,), jnp.float32),
            pltpu.VMEM((B,), jnp.float32),
            pltpu.VMEM((B,), jnp.float32),
            pltpu.VMEM((B,), jnp.int32),
            pltpu.VMEM((B,), jnp.int32),
            pltpu.VMEM((B, 16), jnp.float32),
            pltpu.VMEM((B, 16), jnp.float32),
            pltpu.VMEM((16, ACC_R), jnp.float32),
            pltpu.SemaphoreType.DMA,
            pltpu.SemaphoreType.DMA,
            pltpu.SemaphoreType.DMA,
            pltpu.SemaphoreType.DMA,
        ],
    )
    def k(x_hbm, rows_hbm, cols_hbm, vr_hbm, vi_hbm, a_out,
          rows_v0, rows_v1, cols_v0, cols_v1, vr_v0, vr_v1, vi_v0, vi_v1,
          colg_v0, colg_v1, xbuf0, xbuf1, acc_t, sm0, sm1, sg0, sg1):
        c = lax.axis_index("c")
        s = lax.axis_index("s")
        row_base = c * HALF
        zero16 = jnp.zeros((16,), jnp.float32)
        iota = lax.iota(jnp.int32, 16)
        xg = x_hbm

        def fire_meta(b, bufs, sem):
            rv, cv, vrv, viv = bufs
            sl = pl.ds(b * B, B)
            pltpu.async_copy(rows_hbm.at[sl], rv, sem)
            pltpu.async_copy(cols_hbm.at[sl], cv, sem)
            pltpu.async_copy(vr_hbm.at[sl], vrv, sem)
            pltpu.async_copy(vi_hbm.at[sl], viv, sem)

        def wait_meta(bufs, sem):
            rv, cv, vrv, viv = bufs
            sl = pl.ds(0, B)
            pltpu.make_async_copy(rows_hbm.at[sl], rv, sem).wait()
            pltpu.make_async_copy(cols_hbm.at[sl], cv, sem).wait()
            pltpu.make_async_copy(vr_hbm.at[sl], vrv, sem).wait()
            pltpu.make_async_copy(vi_hbm.at[sl], viv, sem).wait()

        def prep(bufs, cg):
            cv = bufs[1]
            @plsc.parallel_loop(0, B // 16, unroll=2)
            def _(kk):
                cols16 = cv[pl.ds(kk * 16, 16)]
                cg[pl.ds(kk * 16, 16)] = cols16 * 16 + s

        def fire_gathers(cg, xb, sem):
            for q in range(B // GB):
                pltpu.async_copy(xg.at[cg.at[pl.ds(q * GB, GB)]],
                                 xb.at[pl.ds(q * GB, GB)], sem)

        def wait_gathers(cg, xb, sem):
            for q in range(B // GB):
                pltpu.make_async_copy(xg.at[cg.at[pl.ds(q * GB, GB)]],
                                      xb.at[pl.ds(q * GB, GB)], sem).wait()

        def compute(bufs, xb):
            rv, _, vrv, viv = bufs

            @plsc.parallel_loop(0, B // 16, unroll=2)
            def grp_body(kk):
                eidx = kk * 16 + iota
                rows16 = rv[pl.ds(kk * 16, 16)]
                vrr = vrv[pl.ds(kk * 16, 16)]
                vii = viv[pl.ds(kk * 16, 16)]
                local = rows16 - row_base
                ok = (local >= 0) & (local < HALF)
                lr = jnp.where(ok, local, DUMMY)
                for m in range(8):
                    xr = plsc.load_gather(xb, [eidx, jnp.full((16,), 2 * m, jnp.int32)])
                    xi = plsc.load_gather(xb, [eidx, jnp.full((16,), 2 * m + 1, jnp.int32)])
                    orv = vrr * xr - vii * xi
                    oiv = vii * xr + vrr * xi
                    plsc.addupdate_scatter(
                        acc_t, [jnp.full((16,), 2 * m, jnp.int32), lr], orv)
                    plsc.addupdate_scatter(
                        acc_t, [jnp.full((16,), 2 * m + 1, jnp.int32), lr], oiv)

        bufs0 = (rows_v0, cols_v0, vr_v0, vi_v0)
        bufs1 = (rows_v1, cols_v1, vr_v1, vi_v1)

        fire_meta(0, bufs0, sm0)
        fire_meta(1, bufs1, sm1)

        def zrow(r, carry):
            for ch in range(16):
                acc_t[ch, pl.ds(r * 16, 16)] = zero16
            return carry
        lax.fori_loop(0, ACC_R // 16, zrow, 0)

        wait_meta(bufs0, sm0)
        prep(bufs0, colg_v0)
        fire_gathers(colg_v0, xbuf0, sg0)

        def pair_body(t, carry):
            b0 = 2 * t
            wait_meta(bufs1, sm1)
            prep(bufs1, colg_v1)
            fire_gathers(colg_v1, xbuf1, sg1)

            wait_gathers(colg_v0, xbuf0, sg0)
            compute(bufs0, xbuf0)

            @pl.when(b0 + 2 < NB)
            def _():
                fire_meta(b0 + 2, bufs0, sm0)

            wait_gathers(colg_v1, xbuf1, sg1)
            compute(bufs1, xbuf1)

            @pl.when(b0 + 3 < NB)
            def _():
                fire_meta(b0 + 3, bufs1, sm1)

            @pl.when(b0 + 2 < NB)
            def _():
                wait_meta(bufs0, sm0)
                prep(bufs0, colg_v0)
                fire_gathers(colg_v0, xbuf0, sg0)
            return carry
        lax.fori_loop(0, NB // 2, pair_body, 0)

        for ch in range(16):
            u = c * C2 + 16 * s + ch
            pltpu.sync_copy(acc_t.at[ch],
                            a_out.at[pl.ds(u * ACC_R, ACC_R)])

    return k(x2, rows, cols, vr, vi)


def _src_perm_f32(rows_are_src):
    r_io = lax.broadcasted_iota(jnp.int32, (C2, C2), 0)
    c_io = lax.broadcasted_iota(jnp.int32, (C2, C2), 1)
    v = r_io if rows_are_src else c_io
    other = c_io if rows_are_src else r_io
    src = (v % 2) * C + 8 * (v // 16) + (v % 16) // 2
    return jnp.where(other == src, 1.0, 0.0).astype(jnp.float32)


def _tc_pre_body(xr_ref, xi_ref, o_ref):
    cat = jnp.concatenate([xr_ref[...], xi_ref[...]], axis=1)
    p_int = _src_perm_f32(rows_are_src=False)
    o_ref[...] = jnp.dot(cat, p_int, preferred_element_type=jnp.float32)


def _tc_interleave(x_real, x_imag):
    rb = 2000
    return pl.pallas_call(
        _tc_pre_body,
        grid=(N // rb,),
        in_specs=[
            pl.BlockSpec((rb, C), lambda i: (i, 0)),
            pl.BlockSpec((rb, C), lambda i: (i, 0)),
        ],
        out_specs=pl.BlockSpec((rb, C2), lambda i: (i, 0)),
        out_shape=jax.ShapeDtypeStruct((N, C2), jnp.float32),
    )(x_real, x_imag)


def _tc_body(a_ref, w_ref, xr_ref, xi_ref, or_ref, oi_ref):
    a = a_ref[0]
    w = w_ref[...]
    zc = jnp.zeros((C, C), jnp.float32)
    wblock = jnp.concatenate(
        [jnp.concatenate([w, zc], axis=1),
         jnp.concatenate([zc, w], axis=1)], axis=0)
    m_perm = _src_perm_f32(rows_are_src=True)
    w_big = jnp.dot(m_perm, wblock, preferred_element_type=jnp.float32)
    res = lax.dot_general(a, w_big, (((0,), (0,)), ((), ())),
                          preferred_element_type=jnp.float32)
    or_ref[...] = res[:HALF, :C] + xr_ref[...]
    oi_ref[...] = res[:HALF, C:] + xi_ref[...]


def _tc_matmul(a_full, x_real, x_imag, weight):
    return pl.pallas_call(
        _tc_body,
        grid=(2,),
        in_specs=[
            pl.BlockSpec((1, C2, ACC_R), lambda i: (i, 0, 0)),
            pl.BlockSpec((C, C), lambda i: (0, 0)),
            pl.BlockSpec((HALF, C), lambda i: (i, 0)),
            pl.BlockSpec((HALF, C), lambda i: (i, 0)),
        ],
        out_specs=[
            pl.BlockSpec((HALF, C), lambda i: (i, 0)),
            pl.BlockSpec((HALF, C), lambda i: (i, 0)),
        ],
        out_shape=[
            jax.ShapeDtypeStruct((N, C), jnp.float32),
            jax.ShapeDtypeStruct((N, C), jnp.float32),
        ],
    )(a_full, weight, x_real, x_imag)


@jax.jit
def kernel(X_real, X_imag, edge_index, L_real_vals, L_imag_vals, weight):
    x2 = _tc_interleave(X_real, X_imag).reshape(N * 16, 16)
    rows = edge_index[0]
    cols = edge_index[1]

    a1d = _sc_spmm(x2, rows, cols, L_real_vals, L_imag_vals)
    a_full = a1d.reshape(2, C2, ACC_R)
    return _tc_matmul(a_full, X_real, X_imag, weight)

# --- scband reference (transcript-rebuilt; emitter-appended) ---
"""Pipeline reference for scband-cheb-conv-38809324486714 (READ-ONLY COPY).

The authoritative reference and input builder live on the scoring server;
editing this copy changes nothing except your own understanding.
"""

import jax, jax.numpy as jnp
import numpy as np

N = 10000
E = 320000
C = 128

def _spmm(rows, cols, vals, X):
    # sparse [N,N] @ dense [N,C]: gather rows of X by col index, scale by nnz value,
    # scatter-add into destination rows (SparseCore-friendly gather + segment_sum)
    return jax.ops.segment_sum(vals[:, None] * X[cols], rows, num_segments=N)

def setup_inputs(seed: int = 0) -> dict:
    key = jax.random.key(seed)
    ks = jax.random.split(key, 6)
    X_real = jax.random.normal(ks[0], (N, C), dtype=jnp.float32)
    X_imag = jax.random.normal(ks[1], (N, C), dtype=jnp.float32)
    edge_index = jax.random.randint(ks[2], (2, E), 0, N, dtype=jnp.int32)
    L_real_vals = jax.random.normal(ks[3], (E,), dtype=jnp.float32) * 0.05
    L_imag_vals = jax.random.normal(ks[4], (E,), dtype=jnp.float32) * 0.05
    # xavier_uniform-like init for weight [in_c, out_c]
    limit = float(np.sqrt(6.0 / (C + C)))
    weight = jax.random.uniform(ks[5], (C, C), dtype=jnp.float32, minval=-limit, maxval=limit)
    return {"X_real": X_real, "X_imag": X_imag, "edge_index": edge_index,
            "L_real_vals": L_real_vals, "L_imag_vals": L_imag_vals, "weight": weight}

def reference(X_real, X_imag, edge_index, L_real_vals, L_imag_vals, weight):
    rows = edge_index[0]
    cols = edge_index[1]
    # process_: complex sparse Laplacian application followed by dense weight matmul
    real = _spmm(rows, cols, L_real_vals, X_real) @ weight
    real = real + (-1.0 * _spmm(rows, cols, L_imag_vals, X_imag)) @ weight
    imag = _spmm(rows, cols, L_imag_vals, X_real) @ weight
    imag = imag + _spmm(rows, cols, L_real_vals, X_imag) @ weight
    # residual add per the torch forward
    return (real + X_real, imag + X_imag)

if __name__ == "__main__":
    import jax
    _d = setup_inputs()
    print(jax.jit(kernel)(*tuple(_d.values())))

</pallas_src>

<mosaic_0001>
#map = affine_map<(d0, d1) -> (0, 0)>
#map1 = affine_map<(d0, d1) -> (0)>
module attributes {stable_mosaic.version = 14 : i64} {
  func.func @k(%arg0: i32, %arg1: i32, %arg2: memref<160000x16xf32, #tpu.memory_space<hbm>>, %arg3: memref<320000xi32, #tpu.memory_space<hbm>>, %arg4: memref<320000xi32, #tpu.memory_space<hbm>>, %arg5: memref<320000xf32, #tpu.memory_space<hbm>>, %arg6: memref<320000xf32, #tpu.memory_space<hbm>>, %arg7: memref<2686976xf32, #tpu.memory_space<hbm>>, %arg8: memref<640xi32, #tpu.memory_space<vmem>>, %arg9: memref<640xi32, #tpu.memory_space<vmem>>, %arg10: memref<640xi32, #tpu.memory_space<vmem>>, %arg11: memref<640xi32, #tpu.memory_space<vmem>>, %arg12: memref<640xf32, #tpu.memory_space<vmem>>, %arg13: memref<640xf32, #tpu.memory_space<vmem>>, %arg14: memref<640xf32, #tpu.memory_space<vmem>>, %arg15: memref<640xf32, #tpu.memory_space<vmem>>, %arg16: memref<640xi32, #tpu.memory_space<vmem>>, %arg17: memref<640xi32, #tpu.memory_space<vmem>>, %arg18: memref<640x16xf32, #tpu.memory_space<vmem>>, %arg19: memref<640x16xf32, #tpu.memory_space<vmem>>, %arg20: memref<16x5248xf32, #tpu.memory_space<vmem>>, %arg21: memref<!tpu.dma_semaphore, #tpu.memory_space<semaphore_mem>>, %arg22: memref<!tpu.dma_semaphore, #tpu.memory_space<semaphore_mem>>, %arg23: memref<!tpu.dma_semaphore, #tpu.memory_space<semaphore_mem>>, %arg24: memref<!tpu.dma_semaphore, #tpu.memory_space<semaphore_mem>>) attributes {dimension_semantics = [#tpu.dimension_semantics<core_parallel>, #tpu.dimension_semantics<subcore_parallel>], iteration_bounds = array<i64: 2, 16>, scalar_prefetch = 0 : i64, scratch_operands = 17 : i64, tpu.core_type = #tpu.core_type<sc_vector_subcore>, window_params = [{transform_indices = #map}, {transform_indices = #map1}, {transform_indices = #map1}, {transform_indices = #map1}, {transform_indices = #map1}, {transform_indices = #map1}]} {
    %mul3A = arith.constant 5000 : i32
    %mul3A_0 = arith.muli %arg0, %mul3A : i32
    %broadcast_in_dim3A = arith.constant 0.000000e+00 : f32
    %broadcast_in_dim3A_1 = vector.broadcast %broadcast_in_dim3A : f32 to vector<16xf32>
    %iota3A = tpu.iota {dimensions = array<i32: 0>} : vector<16xi32>
    %dma_start3A = arith.constant 0 : i32
    %dma_start3A_2 = tpu.memref_slice %arg3[%dma_start3A] : memref<320000xi32, #tpu.memory_space<hbm>> -> memref<640xi32, #tpu.memory_space<hbm>>
    %dma_start3A_3 = arith.constant 0 : i32
    %dma_start3A_4 = tpu.memref_slice %arg3[%dma_start3A_3] : memref<320000xi32, #tpu.memory_space<hbm>> -> memref<640xi32, #tpu.memory_space<hbm>>
    tpu.enqueue_dma source(%dma_start3A_4 : memref<640xi32, #tpu.memory_space<hbm>>) target(%arg8 : memref<640xi32, #tpu.memory_space<vmem>>) target_semaphore(%arg21 : memref<!tpu.dma_semaphore, #tpu.memory_space<semaphore_mem>>)
    %dma_start3A_5 = arith.constant 0 : i32
    %dma_start3A_6 = tpu.memref_slice %arg4[%dma_start3A_5] : memref<320000xi32, #tpu.memory_space<hbm>> -> memref<640xi32, #tpu.memory_space<hbm>>
    %dma_start3A_7 = arith.constant 0 : i32
    %dma_start3A_8 = tpu.memref_slice %arg4[%dma_start3A_7] : memref<320000xi32, #tpu.memory_space<hbm>> -> memref<640xi32, #tpu.memory_space<hbm>>
    tpu.enqueue_dma source(%dma_start3A_8 : memref<640xi32, #tpu.memory_space<hbm>>) target(%arg10 : memref<640xi32, #tpu.memory_space<vmem>>) target_semaphore(%arg21 : memref<!tpu.dma_semaphore, #tpu.memory_space<semaphore_mem>>)
    %dma_start3A_9 = arith.constant 0 : i32
    %dma_start3A_10 = tpu.memref_slice %arg5[%dma_start3A_9] : memref<320000xf32, #tpu.memory_space<hbm>> -> memref<640xf32, #tpu.memory_space<hbm>>
    %dma_start3A_11 = arith.constant 0 : i32
    %dma_start3A_12 = tpu.memref_slice %arg5[%dma_start3A_11] : memref<320000xf32, #tpu.memory_space<hbm>> -> memref<640xf32, #tpu.memory_space<hbm>>
    tpu.enqueue_dma source(%dma_start3A_12 : memref<640xf32, #tpu.memory_space<hbm>>) target(%arg12 : memref<640xf32, #tpu.memory_space<vmem>>) target_semaphore(%arg21 : memref<!tpu.dma_semaphore, #tpu.memory_space<semaphore_mem>>)
    %dma_start3A_13 = arith.constant 0 : i32
    %dma_start3A_14 = tpu.memref_slice %arg6[%dma_start3A_13] : memref<320000xf32, #tpu.memory_space<hbm>> -> memref<640xf32, #tpu.memory_space<hbm>>
    %dma_start3A_15 = arith.constant 0 : i32
    %dma_start3A_16 = tpu.memref_slice %arg6[%dma_start3A_15] : memref<320000xf32, #tpu.memory_space<hbm>> -> memref<640xf32, #tpu.memory_space<hbm>>
    tpu.enqueue_dma source(%dma_start3A_16 : memref<640xf32, #tpu.memory_space<hbm>>) target(%arg14 : memref<640xf32, #tpu.memory_space<vmem>>) target_semaphore(%arg21 : memref<!tpu.dma_semaphore, #tpu.memory_space<semaphore_mem>>)
    %dma_start3A_17 = arith.constant 640 : i32
    %dma_start3A_18 = tpu.memref_slice %arg3[%dma_start3A_17] : memref<320000xi32, #tpu.memory_space<hbm>> -> memref<640xi32, #tpu.memory_space<hbm>>
    %dma_start3A_19 = arith.constant 640 : i32
    %dma_start3A_20 = tpu.memref_slice %arg3[%dma_start3A_19] : memref<320000xi32, #tpu.memory_space<hbm>> -> memref<640xi32, #tpu.memory_space<hbm>>
    tpu.enqueue_dma source(%dma_start3A_20 : memref<640xi32, #tpu.memory_space<hbm>>) target(%arg9 : memref<640xi32, #tpu.memory_space<vmem>>) target_semaphore(%arg22 : memref<!tpu.dma_semaphore, #tpu.memory_space<semaphore_mem>>)
    %dma_start3A_21 = arith.constant 640 : i32
    %dma_start3A_22 = tpu.memref_slice %arg4[%dma_start3A_21] : memref<320000xi32, #tpu.memory_space<hbm>> -> memref<640xi32, #tpu.memory_space<hbm>>
    %dma_start3A_23 = arith.constant 640 : i32
    %dma_start3A_24 = tpu.memref_slice %arg4[%dma_start3A_23] : memref<320000xi32, #tpu.memory_space<hbm>> -> memref<640xi32, #tpu.memory_space<hbm>>
    tpu.enqueue_dma source(%dma_start3A_24 : memref<640xi32, #tpu.memory_space<hbm>>) target(%arg11 : memref<640xi32, #tpu.memory_space<vmem>>) target_semaphore(%arg22 : memref<!tpu.dma_semaphore, #tpu.memory_space<semaphore_mem>>)
    %dma_start3A_25 = arith.constant 640 : i32
    %dma_start3A_26 = tpu.memref_slice %arg5[%dma_start3A_25] : memref<320000xf32, #tpu.memory_space<hbm>> -> memref<640xf32, #tpu.memory_space<hbm>>
    %dma_start3A_27 = arith.constant 640 : i32
    %dma_start3A_28 = tpu.memref_slice %arg5[%dma_start3A_27] : memref<320000xf32, #tpu.memory_space<hbm>> -> memref<640xf32, #tpu.memory_space<hbm>>
    tpu.enqueue_dma source(%dma_start3A_28 : memref<640xf32, #tpu.memory_space<hbm>>) target(%arg13 : memref<640xf32, #tpu.memory_space<vmem>>) target_semaphore(%arg22 : memref<!tpu.dma_semaphore, #tpu.memory_space<semaphore_mem>>)
    %dma_start3A_29 = arith.constant 640 : i32
    %dma_start3A_30 = tpu.memref_slice %arg6[%dma_start3A_29] : memref<320000xf32, #tpu.memory_space<hbm>> -> memref<640xf32, #tpu.memory_space<hbm>>
    %dma_start3A_31 = arith.constant 640 : i32
    %dma_start3A_32 = tpu.memref_slice %arg6[%dma_start3A_31] : memref<320000xf32, #tpu.memory_space<hbm>> -> memref<640xf32, #tpu.memory_space<hbm>>
    tpu.enqueue_dma source(%dma_start3A_32 : memref<640xf32, #tpu.memory_space<hbm>>) target(%arg15 : memref<640xf32, #tpu.memory_space<vmem>>) target_semaphore(%arg22 : memref<!tpu.dma_semaphore, #tpu.memory_space<semaphore_mem>>)
    %scan3A = arith.constant 0 : i32
    %scan3A_33 = arith.constant 0 : i32
    %scan3A_34 = arith.constant 328 : i32
    %scan3A_35 = arith.addi %scan3A_33, %scan3A_34 : i32
    %scan3A_36 = arith.constant 1 : i32
    scf.for %scan3A_259 = %scan3A_33 to %scan3A_35 step %scan3A_36  : i32 {
      %mul3A_260 = arith.constant 16 : i32
      %mul3A_261 = arith.muli %scan3A_259, %mul3A_260 : i32
      %swap3A = arith.constant 0 : i32
      %swap3A_262 = arith.index_cast %swap3A : i32 to index
      %swap3A_263 = arith.index_cast %mul3A_261 : i32 to index
      %swap3A_264 = tpu.vector_load %arg20[%swap3A_262, %swap3A_263] {strides = array<i32>} : memref<16x5248xf32, #tpu.memory_space<vmem>>, vector<16xf32>,
      tpu.vector_store %arg20[%swap3A_262, %swap3A_263], %broadcast_in_dim3A_1 {strides = array<i32>} : memref<16x5248xf32, #tpu.memory_space<vmem>>, vector<16xf32>,
      %mul3A_265 = arith.constant 16 : i32
      %mul3A_266 = arith.muli %scan3A_259, %mul3A_265 : i32
      %swap3A_267 = arith.constant 1 : i32
      %swap3A_268 = arith.index_cast %swap3A_267 : i32 to index
      %swap3A_269 = arith.index_cast %mul3A_266 : i32 to index
      %swap3A_270 = tpu.vector_load %arg20[%swap3A_268, %swap3A_269] {strides = array<i32>} : memref<16x5248xf32, #tpu.memory_space<vmem>>, vector<16xf32>,
      tpu.vector_store %arg20[%swap3A_268, %swap3A_269], %broadcast_in_dim3A_1 {strides = array<i32>} : memref<16x5248xf32, #tpu.memory_space<vmem>>, vector<16xf32>,
      %mul3A_271 = arith.constant 16 : i32
      %mul3A_272 = arith.muli %scan3A_259, %mul3A_271 : i32
      %swap3A_273 = arith.constant 2 : i32
      %swap3A_274 = arith.index_cast %swap3A_273 : i32 to index
      %swap3A_275 = arith.index_cast %mul3A_272 : i32 to index
      %swap3A_276 = tpu.vector_load %arg20[%swap3A_274, %swap3A_275] {strides = array<i32>} : memref<16x5248xf32, #tpu.memory_space<vmem>>, vector<16xf32>,
      tpu.vector_store %arg20[%swap3A_274, %swap3A_275], %broadcast_in_dim3A_1 {strides = array<i32>} : memref<16x5248xf32, #tpu.memory_space<vmem>>, vector<16xf32>,
      %mul3A_277 = arith.constant 16 : i32
      %mul3A_278 = arith.muli %scan3A_259, %mul3A_277 : i32
      %swap3A_279 = arith.constant 3 : i32
      %swap3A_280 = arith.index_cast %swap3A_279 : i32 to index
      %swap3A_281 = arith.index_cast %mul3A_278 : i32 to index
      %swap3A_282 = tpu.vector_load %arg20[%swap3A_280, %swap3A_281] {strides = array<i32>} : memref<16x5248xf32, #tpu.memory_space<vmem>>, vector<16xf32>,
      tpu.vector_store %arg20[%swap3A_280, %swap3A_281], %broadcast_in_dim3A_1 {strides = array<i32>} : memref<16x5248xf32, #tpu.memory_space<vmem>>, vector<16xf32>,
      %mul3A_283 = arith.constant 16 : i32
      %mul3A_284 = arith.muli %scan3A_259, %mul3A_283 : i32
      %swap3A_285 = arith.constant 4 : i32
      %swap3A_286 = arith.index_cast %swap3A_285 : i32 to index
      %swap3A_287 = arith.index_cast %mul3A_284 : i32 to index
      %swap3A_288 = tpu.vector_load %arg20[%swap3A_286, %swap3A_287] {strides = array<i32>} : memref<16x5248xf32, #tpu.memory_space<vmem>>, vector<16xf32>,
      tpu.vector_store %arg20[%swap3A_286, %swap3A_287], %broadcast_in_dim3A_1 {strides = array<i32>} : memref<16x5248xf32, #tpu.memory_space<vmem>>, vector<16xf32>,
      %mul3A_289 = arith.constant 16 : i32
      %mul3A_290 = arith.muli %scan3A_259, %mul3A_289 : i32
      %swap3A_291 = arith.constant 5 : i32
      %swap3A_292 = arith.index_cast %swap3A_291 : i32 to index
      %swap3A_293 = arith.index_cast %mul3A_290 : i32 to index
      %swap3A_294 = tpu.vector_load %arg20[%swap3A_292, %swap3A_293] {strides = array<i32>} : memref<16x5248xf32, #tpu.memory_space<vmem>>, vector<16xf32>,
      tpu.vector_store %arg20[%swap3A_292, %swap3A_293], %broadcast_in_dim3A_1 {strides = array<i32>} : memref<16x5248xf32, #tpu.memory_space<vmem>>, vector<16xf32>,
      %mul3A_295 = arith.constant 16 : i32
      %mul3A_296 = arith.muli %scan3A_259, %mul3A_295 : i32
      %swap3A_297 = arith.constant 6 : i32
      %swap3A_298 = arith.index_cast %swap3A_297 : i32 to index
      %swap3A_299 = arith.index_cast %mul3A_296 : i32 to index
      %swap3A_300 = tpu.vector_load %arg20[%swap3A_298, %swap3A_299] {strides = array<i32>} : memref<16x5248xf32, #tpu.memory_space<vmem>>, vector<16xf32>,
      tpu.vector_store %arg20[%swap3A_298, %swap3A_299], %broadcast_in_dim3A_1 {strides = array<i32>} : memref<16x5248xf32, #tpu.memory_space<vmem>>, vector<16xf32>,
      %mul3A_301 = arith.constant 16 : i32
      %mul3A_302 = arith.muli %scan3A_259, %mul3A_301 : i32
      %swap3A_303 = arith.constant 7 : i32
      %swap3A_304 = arith.index_cast %swap3A_303 : i32 to index
      %swap3A_305 = arith.index_cast %mul3A_302 : i32 to index
      %swap3A_306 = tpu.vector_load %arg20[%swap3A_304, %swap3A_305] {strides = array<i32>} : memref<16x5248xf32, #tpu.memory_space<vmem>>, vector<16xf32>,
      tpu.vector_store %arg20[%swap3A_304, %swap3A_305], %broadcast_in_dim3A_1 {strides = array<i32>} : memref<16x5248xf32, #tpu.memory_space<vmem>>, vector<16xf32>,
      %mul3A_307 = arith.constant 16 : i32
      %mul3A_308 = arith.muli %scan3A_259, %mul3A_307 : i32
      %swap3A_309 = arith.constant 8 : i32
      %swap3A_310 = arith.index_cast %swap3A_309 : i32 to index
      %swap3A_311 = arith.index_cast %mul3A_308 : i32 to index
      %swap3A_312 = tpu.vector_load %arg20[%swap3A_310, %swap3A_311] {strides = array<i32>} : memref<16x5248xf32, #tpu.memory_space<vmem>>, vector<16xf32>,
      tpu.vector_store %arg20[%swap3A_310, %swap3A_311], %broadcast_in_dim3A_1 {strides = array<i32>} : memref<16x5248xf32, #tpu.memory_space<vmem>>, vector<16xf32>,
      %mul3A_313 = arith.constant 16 : i32
      %mul3A_314 = arith.muli %scan3A_259, %mul3A_313 : i32
      %swap3A_315 = arith.constant 9 : i32
      %swap3A_316 = arith.index_cast %swap3A_315 : i32 to index
      %swap3A_317 = arith.index_cast %mul3A_314 : i32 to index
      %swap3A_318 = tpu.vector_load %arg20[%swap3A_316, %swap3A_317] {strides = array<i32>} : memref<16x5248xf32, #tpu.memory_space<vmem>>, vector<16xf32>,
      tpu.vector_store %arg20[%swap3A_316, %swap3A_317], %broadcast_in_dim3A_1 {strides = array<i32>} : memref<16x5248xf32, #tpu.memory_space<vmem>>, vector<16xf32>,
      %mul3A_319 = arith.constant 16 : i32
      %mul3A_320 = arith.muli %scan3A_259, %mul3A_319 : i32
      %swap3A_321 = arith.constant 10 : i32
      %swap3A_322 = arith.index_cast %swap3A_321 : i32 to index
      %swap3A_323 = arith.index_cast %mul3A_320 : i32 to index
      %swap3A_324 = tpu.vector_load %arg20[%swap3A_322, %swap3A_323] {strides = array<i32>} : memref<16x5248xf32, #tpu.memory_space<vmem>>, vector<16xf32>,
      tpu.vector_store %arg20[%swap3A_322, %swap3A_323], %broadcast_in_dim3A_1 {strides = array<i32>} : memref<16x5248xf32, #tpu.memory_space<vmem>>, vector<16xf32>,
      %mul3A_325 = arith.constant 16 : i32
      %mul3A_326 = arith.muli %scan3A_259, %mul3A_325 : i32
      %swap3A_327 = arith.constant 11 : i32
      %swap3A_328 = arith.index_cast %swap3A_327 : i32 to index
      %swap3A_329 = arith.index_cast %mul3A_326 : i32 to index
      %swap3A_330 = tpu.vector_load %arg20[%swap3A_328, %swap3A_329] {strides = array<i32>} : memref<16x5248xf32, #tpu.memory_space<vmem>>, vector<16xf32>,
      tpu.vector_store %arg20[%swap3A_328, %swap3A_329], %broadcast_in_dim3A_1 {strides = array<i32>} : memref<16x5248xf32, #tpu.memory_space<vmem>>, vector<16xf32>,
      %mul3A_331 = arith.constant 16 : i32
      %mul3A_332 = arith.muli %scan3A_259, %mul3A_331 : i32
      %swap3A_333 = arith.constant 12 : i32
      %swap3A_334 = arith.index_cast %swap3A_333 : i32 to index
      %swap3A_335 = arith.index_cast %mul3A_332 : i32 to index
      %swap3A_336 = tpu.vector_load %arg20[%swap3A_334, %swap3A_335] {strides = array<i32>} : memref<16x5248xf32, #tpu.memory_space<vmem>>, vector<16xf32>,
      tpu.vector_store %arg20[%swap3A_334, %swap3A_335], %broadcast_in_dim3A_1 {strides = array<i32>} : memref<16x5248xf32, #tpu.memory_space<vmem>>, vector<16xf32>,
      %mul3A_337 = arith.constant 16 : i32
      %mul3A_338 = arith.muli %scan3A_259, %mul3A_337 : i32
      %swap3A_339 = arith.constant 13 : i32
      %swap3A_340 = arith.index_cast %swap3A_339 : i32 to index
      %swap3A_341 = arith.index_cast %mul3A_338 : i32 to index
      %swap3A_342 = tpu.vector_load %arg20[%swap3A_340, %swap3A_341] {strides = array<i32>} : memref<16x5248xf32, #tpu.memory_space<vmem>>, vector<16xf32>,
      tpu.vector_store %arg20[%swap3A_340, %swap3A_341], %broadcast_in_dim3A_1 {strides = array<i32>} : memref<16x5248xf32, #tpu.memory_space<vmem>>, vector<16xf32>,
      %mul3A_343 = arith.constant 16 : i32
      %mul3A_344 = arith.muli %scan3A_259, %mul3A_343 : i32
      %swap3A_345 = arith.constant 14 : i32
      %swap3A_346 = arith.index_cast %swap3A_345 : i32 to index
      %swap3A_347 = arith.index_cast %mul3A_344 : i32 to index
      %swap3A_348 = tpu.vector_load %arg20[%swap3A_346, %swap3A_347] {strides = array<i32>} : memref<16x5248xf32, #tpu.memory_space<vmem>>, vector<16xf32>,
      tpu.vector_store %arg20[%swap3A_346, %swap3A_347], %broadcast_in_dim3A_1 {strides = array<i32>} : memref<16x5248xf32, #tpu.memory_space<vmem>>, vector<16xf32>,
      %mul3A_349 = arith.constant 16 : i32
      %mul3A_350 = arith.muli %scan3A_259, %mul3A_349 : i32
      %swap3A_351 = arith.constant 15 : i32
      %swap3A_352 = arith.index_cast %swap3A_351 : i32 to index
      %swap3A_353 = arith.index_cast %mul3A_350 : i32 to index
      %swap3A_354 = tpu.vector_load %arg20[%swap3A_352, %swap3A_353] {strides = array<i32>} : memref<16x5248xf32, #tpu.memory_space<vmem>>, vector<16xf32>,
      tpu.vector_store %arg20[%swap3A_352, %swap3A_353], %broadcast_in_dim3A_1 {strides = array<i32>} : memref<16x5248xf32, #tpu.memory_space<vmem>>, vector<16xf32>,
    }
    %scan3A_37 = arith.constant 328 : i32
    %dma_wait3A = arith.constant 0 : i32
    %dma_wait3A_38 = tpu.memref_slice %arg3[%dma_wait3A] : memref<320000xi32, #tpu.memory_space<hbm>> -> memref<640xi32, #tpu.memory_space<hbm>>
    %dma_wait3A_39 = arith.constant 0 : i32
    %dma_wait3A_40 = tpu.memref_slice %arg3[%dma_wait3A_39] : memref<320000xi32, #tpu.memory_space<hbm>> -> memref<640xi32, #tpu.memory_space<hbm>>
    tpu.wait_dma2 semaphore(%arg21 : memref<!tpu.dma_semaphore, #tpu.memory_space<semaphore_mem>>) src(%dma_wait3A_40 : memref<640xi32, #tpu.memory_space<hbm>>) dst(%arg8 : memref<640xi32, #tpu.memory_space<vmem>>)
    %dma_wait3A_41 = arith.constant 0 : i32
    %dma_wait3A_42 = tpu.memref_slice %arg4[%dma_wait3A_41] : memref<320000xi32, #tpu.memory_space<hbm>> -> memref<640xi32, #tpu.memory_space<hbm>>
    %dma_wait3A_43 = arith.constant 0 : i32
    %dma_wait3A_44 = tpu.memref_slice %arg4[%dma_wait3A_43] : memref<320000xi32, #tpu.memory_space<hbm>> -> memref<640xi32, #tpu.memory_space<hbm>>
    tpu.wait_dma2 semaphore(%arg21 : memref<!tpu.dma_semaphore, #tpu.memory_space<semaphore_mem>>) src(%dma_wait3A_44 : memref<640xi32, #tpu.memory_space<hbm>>) dst(%arg10 : memref<640xi32, #tpu.memory_space<vmem>>)
    %dma_wait3A_45 = arith.constant 0 : i32
    %dma_wait3A_46 = tpu.memref_slice %arg5[%dma_wait3A_45] : memref<320000xf32, #tpu.memory_space<hbm>> -> memref<640xf32, #tpu.memory_space<hbm>>
    %dma_wait3A_47 = arith.constant 0 : i32
    %dma_wait3A_48 = tpu.memref_slice %arg5[%dma_wait3A_47] : memref<320000xf32, #tpu.memory_space<hbm>> -> memref<640xf32, #tpu.memory_space<hbm>>
    tpu.wait_dma2 semaphore(%arg21 : memref<!tpu.dma_semaphore, #tpu.memory_space<semaphore_mem>>) src(%dma_wait3A_48 : memref<640xf32, #tpu.memory_space<hbm>>) dst(%arg12 : memref<640xf32, #tpu.memory_space<vmem>>)
    %dma_wait3A_49 = arith.constant 0 : i32
    %dma_wait3A_50 = tpu.memref_slice %arg6[%dma_wait3A_49] : memref<320000xf32, #tpu.memory_space<hbm>> -> memref<640xf32, #tpu.memory_space<hbm>>
    %dma_wait3A_51 = arith.constant 0 : i32
    %dma_wait3A_52 = tpu.memref_slice %arg6[%dma_wait3A_51] : memref<320000xf32, #tpu.memory_space<hbm>> -> memref<640xf32, #tpu.memory_space<hbm>>
    tpu.wait_dma2 semaphore(%arg21 : memref<!tpu.dma_semaphore, #tpu.memory_space<semaphore_mem>>) src(%dma_wait3A_52 : memref<640xf32, #tpu.memory_space<hbm>>) dst(%arg14 : memref<640xf32, #tpu.memory_space<vmem>>)
    %parallel_loop3A = arith.constant 0 : i32
    %parallel_loop3A_53 = arith.constant 40 : i32
    %parallel_loop3A_54 = arith.constant 1 : i32
    scf.for %parallel_loop3A_259 = %parallel_loop3A to %parallel_loop3A_53 step %parallel_loop3A_54  : i32 {
      %parallel_loop3A_260 = arith.constant 16 : i32
      %parallel_loop3A_261 = arith.muli %parallel_loop3A_259, %parallel_loop3A_260 : i32
      %parallel_loop3A_262 = arith.index_cast %parallel_loop3A_261 : i32 to index
      %parallel_loop3A_263 = tpu.vector_load %arg10[%parallel_loop3A_262] {strides = array<i32>} : memref<640xi32, #tpu.memory_space<vmem>>, vector<16xi32>,
      %parallel_loop3A_264 = arith.constant 16 : i32
      %parallel_loop3A_265 = vector.broadcast %parallel_loop3A_264 : i32 to vector<16xi32>
      %parallel_loop3A_266 = arith.muli %parallel_loop3A_263, %parallel_loop3A_265 : vector<16xi32>
      %parallel_loop3A_267 = vector.broadcast %arg1 : i32 to vector<16xi32>
      %parallel_loop3A_268 = arith.addi %parallel_loop3A_266, %parallel_loop3A_267 : vector<16xi32>
      %parallel_loop3A_269 = arith.constant 16 : i32
      %parallel_loop3A_270 = arith.muli %parallel_loop3A_259, %parallel_loop3A_269 : i32
      %parallel_loop3A_271 = arith.index_cast %parallel_loop3A_270 : i32 to index
      %parallel_loop3A_272 = tpu.vector_load %arg16[%parallel_loop3A_271] {strides = array<i32>} : memref<640xi32, #tpu.memory_space<vmem>>, vector<16xi32>,
      tpu.vector_store %arg16[%parallel_loop3A_271], %parallel_loop3A_268 {strides = array<i32>} : memref<640xi32, #tpu.memory_space<vmem>>, vector<16xi32>,
    } {sc.loop_unroll_factor = 2 : i64, sc.parallel_access}
    %dma_start3A_55 = arith.constant 0 : i32
    %dma_start3A_56 = arith.constant 0 : i32
    %dma_start3A_57 = tpu.memref_slice %arg18[%dma_start3A_55, %dma_start3A_56] : memref<640x16xf32, #tpu.memory_space<vmem>> -> memref<128x16xf32, #tpu.memory_space<vmem>>
    %dma_start3A_58 = arith.constant 0 : i32
    %dma_start3A_59 = tpu.memref_slice %arg16[%dma_start3A_58] : memref<640xi32, #tpu.memory_space<vmem>> -> memref<128xi32, #tpu.memory_space<vmem>>
    %dma_start3A_60 = arith.constant 0 : i32
    %dma_start3A_61 = arith.constant 0 : i32
    %dma_start3A_62 = tpu.memref_slice %arg2[%dma_start3A_60, %dma_start3A_61] : memref<160000x16xf32, #tpu.memory_space<hbm>> -> memref<160000x16xf32, #tpu.memory_space<hbm>>
    tpu.enqueue_indirect_dma source(%dma_start3A_62 : memref<160000x16xf32, #tpu.memory_space<hbm>>) target(%dma_start3A_57 : memref<128x16xf32, #tpu.memory_space<vmem>>) offsets(%dma_start3A_59 : memref<128xi32, #tpu.memory_space<vmem>>) semaphore(%arg23 : memref<!tpu.dma_semaphore, #tpu.memory_space<semaphore_mem>>)
    %dma_start3A_63 = arith.constant 128 : i32
    %dma_start3A_64 = arith.constant 0 : i32
    %dma_start3A_65 = tpu.memref_slice %arg18[%dma_start3A_63, %dma_start3A_64] : memref<640x16xf32, #tpu.memory_space<vmem>> -> memref<128x16xf32, #tpu.memory_space<vmem>>
    %dma_start3A_66 = arith.constant 128 : i32
    %dma_start3A_67 = tpu.memref_slice %arg16[%dma_start3A_66] : memref<640xi32, #tpu.memory_space<vmem>> -> memref<128xi32, #tpu.memory_space<vmem>>
    %dma_start3A_68 = arith.constant 0 : i32
    %dma_start3A_69 = arith.constant 0 : i32
    %dma_start3A_70 = tpu.memref_slice %arg2[%dma_start3A_68, %dma_start3A_69] : memref<160000x16xf32, #tpu.memory_space<hbm>> -> memref<160000x16xf32, #tpu.memory_space<hbm>>
    tpu.enqueue_indirect_dma source(%dma_start3A_70 : memref<160000x16xf32, #tpu.memory_space<hbm>>) target(%dma_start3A_65 : memref<128x16xf32, #tpu.memory_space<vmem>>) offsets(%dma_start3A_67 : memref<128xi32, #tpu.memory_space<vmem>>) semaphore(%arg23 : memref<!tpu.dma_semaphore, #tpu.memory_space<semaphore_mem>>)
    %dma_start3A_71 = arith.constant 256 : i32
    %dma_start3A_72 = arith.constant 0 : i32
    %dma_start3A_73 = tpu.memref_slice %arg18[%dma_start3A_71, %dma_start3A_72] : memref<640x16xf32, #tpu.memory_space<vmem>> -> memref<128x16xf32, #tpu.memory_space<vmem>>
    %dma_start3A_74 = arith.constant 256 : i32
    %dma_start3A_75 = tpu.memref_slice %arg16[%dma_start3A_74] : memref<640xi32, #tpu.memory_space<vmem>> -> memref<128xi32, #tpu.memory_space<vmem>>
    %dma_start3A_76 = arith.constant 0 : i32
    %dma_start3A_77 = arith.constant 0 : i32
    %dma_start3A_78 = tpu.memref_slice %arg2[%dma_start3A_76, %dma_start3A_77] : memref<160000x16xf32, #tpu.memory_space<hbm>> -> memref<160000x16xf32, #tpu.memory_space<hbm>>
    tpu.enqueue_indirect_dma source(%dma_start3A_78 : memref<160000x16xf32, #tpu.memory_space<hbm>>) target(%dma_start3A_73 : memref<128x16xf32, #tpu.memory_space<vmem>>) offsets(%dma_start3A_75 : memref<128xi32, #tpu.memory_space<vmem>>) semaphore(%arg23 : memref<!tpu.dma_semaphore, #tpu.memory_space<semaphore_mem>>)
    %dma_start3A_79 = arith.constant 384 : i32
    %dma_start3A_80 = arith.constant 0 : i32
    %dma_start3A_81 = tpu.memref_slice %arg18[%dma_start3A_79, %dma_start3A_80] : memref<640x16xf32, #tpu.memory_space<vmem>> -> memref<128x16xf32, #tpu.memory_space<vmem>>
    %dma_start3A_82 = arith.constant 384 : i32
    %dma_start3A_83 = tpu.memref_slice %arg16[%dma_start3A_82] : memref<640xi32, #tpu.memory_space<vmem>> -> memref<128xi32, #tpu.memory_space<vmem>>
    %dma_start3A_84 = arith.constant 0 : i32
    %dma_start3A_85 = arith.constant 0 : i32
    %dma_start3A_86 = tpu.memref_slice %arg2[%dma_start3A_84, %dma_start3A_85] : memref<160000x16xf32, #tpu.memory_space<hbm>> -> memref<160000x16xf32, #tpu.memory_space<hbm>>
    tpu.enqueue_indirect_dma source(%dma_start3A_86 : memref<160000x16xf32, #tpu.memory_space<hbm>>) target(%dma_start3A_81 : memref<128x16xf32, #tpu.memory_space<vmem>>) offsets(%dma_start3A_83 : memref<128xi32, #tpu.memory_space<vmem>>) semaphore(%arg23 : memref<!tpu.dma_semaphore, #tpu.memory_space<semaphore_mem>>)
    %dma_start3A_87 = arith.constant 512 : i32
    %dma_start3A_88 = arith.constant 0 : i32
    %dma_start3A_89 = tpu.memref_slice %arg18[%dma_start3A_87, %dma_start3A_88] : memref<640x16xf32, #tpu.memory_space<vmem>> -> memref<128x16xf32, #tpu.memory_space<vmem>>
    %dma_start3A_90 = arith.constant 512 : i32
    %dma_start3A_91 = tpu.memref_slice %arg16[%dma_start3A_90] : memref<640xi32, #tpu.memory_space<vmem>> -> memref<128xi32, #tpu.memory_space<vmem>>
    %dma_start3A_92 = arith.constant 0 : i32
    %dma_start3A_93 = arith.constant 0 : i32
    %dma_start3A_94 = tpu.memref_slice %arg2[%dma_start3A_92, %dma_start3A_93] : memref<160000x16xf32, #tpu.memory_space<hbm>> -> memref<160000x16xf32, #tpu.memory_space<hbm>>
    tpu.enqueue_indirect_dma source(%dma_start3A_94 : memref<160000x16xf32, #tpu.memory_space<hbm>>) target(%dma_start3A_89 : memref<128x16xf32, #tpu.memory_space<vmem>>) offsets(%dma_start3A_91 : memref<128xi32, #tpu.memory_space<vmem>>) semaphore(%arg23 : memref<!tpu.dma_semaphore, #tpu.memory_space<semaphore_mem>>)
    %scan3A_95 = arith.constant 0 : i32
    %scan3A_96 = arith.constant 0 : i32
    %scan3A_97 = arith.constant 250 : i32
    %scan3A_98 = arith.addi %scan3A_96, %scan3A_97 : i32
    %scan3A_99 = arith.constant 1 : i32
    scf.for %scan3A_259 = %scan3A_96 to %scan3A_98 step %scan3A_99  : i32 {
      %mul3A_260 = arith.constant 2 : i32
      %mul3A_261 = arith.muli %mul3A_260, %scan3A_259 : i32
      %dma_wait3A_262 = arith.constant 0 : i32
      %dma_wait3A_263 = tpu.memref_slice %arg3[%dma_wait3A_262] : memref<320000xi32, #tpu.memory_space<hbm>> -> memref<640xi32, #tpu.memory_space<hbm>>
      %dma_wait3A_264 = arith.constant 0 : i32
      %dma_wait3A_265 = tpu.memref_slice %arg3[%dma_wait3A_264] : memref<320000xi32, #tpu.memory_space<hbm>> -> memref<640xi32, #tpu.memory_space<hbm>>
      tpu.wait_dma2 semaphore(%arg22 : memref<!tpu.dma_semaphore, #tpu.memory_space<semaphore_mem>>) src(%dma_wait3A_265 : memref<640xi32, #tpu.memory_space<hbm>>) dst(%arg9 : memref<640xi32, #tpu.memory_space<vmem>>)
      %dma_wait3A_266 = arith.constant 0 : i32
      %dma_wait3A_267 = tpu.memref_slice %arg4[%dma_wait3A_266] : memref<320000xi32, #tpu.memory_space<hbm>> -> memref<640xi32, #tpu.memory_space<hbm>>
      %dma_wait3A_268 = arith.constant 0 : i32
      %dma_wait3A_269 = tpu.memref_slice %arg4[%dma_wait3A_268] : memref<320000xi32, #tpu.memory_space<hbm>> -> memref<640xi32, #tpu.memory_space<hbm>>
      tpu.wait_dma2 semaphore(%arg22 : memref<!tpu.dma_semaphore, #tpu.memory_space<semaphore_mem>>) src(%dma_wait3A_269 : memref<640xi32, #tpu.memory_space<hbm>>) dst(%arg11 : memref<640xi32, #tpu.memory_space<vmem>>)
      %dma_wait3A_270 = arith.constant 0 : i32
      %dma_wait3A_271 = tpu.memref_slice %arg5[%dma_wait3A_270] : memref<320000xf32, #tpu.memory_space<hbm>> -> memref<640xf32, #tpu.memory_space<hbm>>
      %dma_wait3A_272 = arith.constant 0 : i32
      %dma_wait3A_273 = tpu.memref_slice %arg5[%dma_wait3A_272] : memref<320000xf32, #tpu.memory_space<hbm>> -> memref<640xf32, #tpu.memory_space<hbm>>
      tpu.wait_dma2 semaphore(%arg22 : memref<!tpu.dma_semaphore, #tpu.memory_space<semaphore_mem>>) src(%dma_wait3A_273 : memref<640xf32, #tpu.memory_space<hbm>>) dst(%arg13 : memref<640xf32, #tpu.memory_space<vmem>>)
      %dma_wait3A_274 = arith.constant 0 : i32
      %dma_wait3A_275 = tpu.memref_slice %arg6[%dma_wait3A_274] : memref<320000xf32, #tpu.memory_space<hbm>> -> memref<640xf32, #tpu.memory_space<hbm>>
      %dma_wait3A_276 = arith.constant 0 : i32
      %dma_wait3A_277 = tpu.memref_slice %arg6[%dma_wait3A_276] : memref<320000xf32, #tpu.memory_space<hbm>> -> memref<640xf32, #tpu.memory_space<hbm>>
      tpu.wait_dma2 semaphore(%arg22 : memref<!tpu.dma_semaphore, #tpu.memory_space<semaphore_mem>>) src(%dma_wait3A_277 : memref<640xf32, #tpu.memory_space<hbm>>) dst(%arg15 : memref<640xf32, #tpu.memory_space<vmem>>)
      %parallel_loop3A_278 = arith.constant 0 : i32
      %parallel_loop3A_279 = arith.constant 40 : i32
      %parallel_loop3A_280 = arith.constant 1 : i32
      scf.for %parallel_loop3A_425 = %parallel_loop3A_278 to %parallel_loop3A_279 step %parallel_loop3A_280  : i32 {
        %parallel_loop3A_426 = arith.constant 16 : i32
        %parallel_loop3A_427 = arith.muli %parallel_loop3A_425, %parallel_loop3A_426 : i32
        %parallel_loop3A_428 = arith.index_cast %parallel_loop3A_427 : i32 to index
        %parallel_loop3A_429 = tpu.vector_load %arg11[%parallel_loop3A_428] {strides = array<i32>} : memref<640xi32, #tpu.memory_space<vmem>>, vector<16xi32>,
        %parallel_loop3A_430 = arith.constant 16 : i32
        %parallel_loop3A_431 = vector.broadcast %parallel_loop3A_430 : i32 to vector<16xi32>
        %parallel_loop3A_432 = arith.muli %parallel_loop3A_429, %parallel_loop3A_431 : vector<16xi32>
        %parallel_loop3A_433 = vector.broadcast %arg1 : i32 to vector<16xi32>
        %parallel_loop3A_434 = arith.addi %parallel_loop3A_432, %parallel_loop3A_433 : vector<16xi32>
        %parallel_loop3A_435 = arith.constant 16 : i32
        %parallel_loop3A_436 = arith.muli %parallel_loop3A_425, %parallel_loop3A_435 : i32
        %parallel_loop3A_437 = arith.index_cast %parallel_loop3A_436 : i32 to index
        %parallel_loop3A_438 = tpu.vector_load %arg17[%parallel_loop3A_437] {strides = array<i32>} : memref<640xi32, #tpu.memory_space<vmem>>, vector<16xi32>,
        tpu.vector_store %arg17[%parallel_loop3A_437], %parallel_loop3A_434 {strides = array<i32>} : memref<640xi32, #tpu.memory_space<vmem>>, vector<16xi32>,
      } {sc.loop_unroll_factor = 2 : i64, sc.parallel_access}
      %dma_start3A_281 = arith.constant 0 : i32
      %dma_start3A_282 = arith.constant 0 : i32
      %dma_start3A_283 = tpu.memref_slice %arg19[%dma_start3A_281, %dma_start3A_282] : memref<640x16xf32, #tpu.memory_space<vmem>> -> memref<128x16xf32, #tpu.memory_space<vmem>>
      %dma_start3A_284 = arith.constant 0 : i32
      %dma_start3A_285 = tpu.memref_slice %arg17[%dma_start3A_284] : memref<640xi32, #tpu.memory_space<vmem>> -> memref<128xi32, #tpu.memory_space<vmem>>
      %dma_start3A_286 = arith.constant 0 : i32
      %dma_start3A_287 = arith.constant 0 : i32
      %dma_start3A_288 = tpu.memref_slice %arg2[%dma_start3A_286, %dma_start3A_287] : memref<160000x16xf32, #tpu.memory_space<hbm>> -> memref<160000x16xf32, #tpu.memory_space<hbm>>
      tpu.enqueue_indirect_dma source(%dma_start3A_288 : memref<160000x16xf32, #tpu.memory_space<hbm>>) target(%dma_start3A_283 : memref<128x16xf32, #tpu.memory_space<vmem>>) offsets(%dma_start3A_285 : memref<128xi32, #tpu.memory_space<vmem>>) semaphore(%arg24 : memref<!tpu.dma_semaphore, #tpu.memory_space<semaphore_mem>>)
      %dma_start3A_289 = arith.constant 128 : i32
      %dma_start3A_290 = arith.constant 0 : i32
      %dma_start3A_291 = tpu.memref_slice %arg19[%dma_start3A_289, %dma_start3A_290] : memref<640x16xf32, #tpu.memory_space<vmem>> -> memref<128x16xf32, #tpu.memory_space<vmem>>
      %dma_start3A_292 = arith.constant 128 : i32
      %dma_start3A_293 = tpu.memref_slice %arg17[%dma_start3A_292] : memref<640xi32, #tpu.memory_space<vmem>> -> memref<128xi32, #tpu.memory_space<vmem>>
      %dma_start3A_294 = arith.constant 0 : i32
      %dma_start3A_295 = arith.constant 0 : i32
      %dma_start3A_296 = tpu.memref_slice %arg2[%dma_start3A_294, %dma_start3A_295] : memref<160000x16xf32, #tpu.memory_space<hbm>> -> memref<160000x16xf32, #tpu.memory_space<hbm>>
      tpu.enqueue_indirect_dma source(%dma_start3A_296 : memref<160000x16xf32, #tpu.memory_space<hbm>>) target(%dma_start3A_291 : memref<128x16xf32, #tpu.memory_space<vmem>>) offsets(%dma_start3A_293 : memref<128xi32, #tpu.memory_space<vmem>>) semaphore(%arg24 : memref<!tpu.dma_semaphore, #tpu.memory_space<semaphore_mem>>)
      %dma_start3A_297 = arith.constant 256 : i32
      %dma_start3A_298 = arith.constant 0 : i32
      %dma_start3A_299 = tpu.memref_slice %arg19[%dma_start3A_297, %dma_start3A_298] : memref<640x16xf32, #tpu.memory_space<vmem>> -> memref<128x16xf32, #tpu.memory_space<vmem>>
      %dma_start3A_300 = arith.constant 256 : i32
      %dma_start3A_301 = tpu.memref_slice %arg17[%dma_start3A_300] : memref<640xi32, #tpu.memory_space<vmem>> -> memref<128xi32, #tpu.memory_space<vmem>>
      %dma_start3A_302 = arith.constant 0 : i32
      %dma_start3A_303 = arith.constant 0 : i32
      %dma_start3A_304 = tpu.memref_slice %arg2[%dma_start3A_302, %dma_start3A_303] : memref<160000x16xf32, #tpu.memory_space<hbm>> -> memref<160000x16xf32, #tpu.memory_space<hbm>>
      tpu.enqueue_indirect_dma source(%dma_start3A_304 : memref<160000x16xf32, #tpu.memory_space<hbm>>) target(%dma_start3A_299 : memref<128x16xf32, #tpu.memory_space<vmem>>) offsets(%dma_start3A_301 : memref<128xi32, #tpu.memory_space<vmem>>) semaphore(%arg24 : memref<!tpu.dma_semaphore, #tpu.memory_space<semaphore_mem>>)
      %dma_start3A_305 = arith.constant 384 : i32
      %dma_start3A_306 = arith.constant 0 : i32
      %dma_start3A_307 = tpu.memref_slice %arg19[%dma_start3A_305, %dma_start3A_306] : memref<640x16xf32, #tpu.memory_space<vmem>> -> memref<128x16xf32, #tpu.memory_space<vmem>>
      %dma_start3A_308 = arith.constant 384 : i32
      %dma_start3A_309 = tpu.memref_slice %arg17[%dma_start3A_308] : memref<640xi32, #tpu.memory_space<vmem>> -> memref<128xi32, #tpu.memory_space<vmem>>
      %dma_start3A_310 = arith.constant 0 : i32
      %dma_start3A_311 = arith.constant 0 : i32
      %dma_start3A_312 = tpu.memref_slice %arg2[%dma_start3A_310, %dma_start3A_311] : memref<160000x16xf32, #tpu.memory_space<hbm>> -> memref<160000x16xf32, #tpu.memory_space<hbm>>
      tpu.enqueue_indirect_dma source(%dma_start3A_312 : memref<160000x16xf32, #tpu.memory_space<hbm>>) target(%dma_start3A_307 : memref<128x16xf32, #tpu.memory_space<vmem>>) offsets(%dma_start3A_309 : memref<128xi32, #tpu.memory_space<vmem>>) semaphore(%arg24 : memref<!tpu.dma_semaphore, #tpu.memory_space<semaphore_mem>>)
      %dma_start3A_313 = arith.constant 512 : i32
      %dma_start3A_314 = arith.constant 0 : i32
      %dma_start3A_315 = tpu.memref_slice %arg19[%dma_start3A_313, %dma_start3A_314] : memref<640x16xf32, #tpu.memory_space<vmem>> -> memref<128x16xf32, #tpu.memory_space<vmem>>
      %dma_start3A_316 = arith.constant 512 : i32
      %dma_start3A_317 = tpu.memref_slice %arg17[%dma_start3A_316] : memref<640xi32, #tpu.memory_space<vmem>> -> memref<128xi32, #tpu.memory_space<vmem>>
      %dma_start3A_318 = arith.constant 0 : i32
      %dma_start3A_319 = arith.constant 0 : i32
      %dma_start3A_320 = tpu.memref_slice %arg2[%dma_start3A_318, %dma_start3A_319] : memref<160000x16xf32, #tpu.memory_space<hbm>> -> memref<160000x16xf32, #tpu.memory_space<hbm>>
      tpu.enqueue_indirect_dma source(%dma_start3A_320 : memref<160000x16xf32, #tpu.memory_space<hbm>>) target(%dma_start3A_315 : memref<128x16xf32, #tpu.memory_space<vmem>>) offsets(%dma_start3A_317 : memref<128xi32, #tpu.memory_space<vmem>>) semaphore(%arg24 : memref<!tpu.dma_semaphore, #tpu.memory_space<semaphore_mem>>)
      %dma_wait3A_321 = arith.constant 0 : i32
      %dma_wait3A_322 = arith.constant 0 : i32
      %dma_wait3A_323 = tpu.memref_slice %arg18[%dma_wait3A_321, %dma_wait3A_322] : memref<640x16xf32, #tpu.memory_space<vmem>> -> memref<128x16xf32, #tpu.memory_space<vmem>>
      %dma_wait3A_324 = arith.constant 0 : i32
      %dma_wait3A_325 = tpu.memref_slice %arg16[%dma_wait3A_324] : memref<640xi32, #tpu.memory_space<vmem>> -> memref<128xi32, #tpu.memory_space<vmem>>
      %dma_wait3A_326 = arith.constant 0 : i32
      %dma_wait3A_327 = arith.constant 0 : i32
      %dma_wait3A_328 = tpu.memref_slice %arg2[%dma_wait3A_326, %dma_wait3A_327] : memref<160000x16xf32, #tpu.memory_space<hbm>> -> memref<160000x16xf32, #tpu.memory_space<hbm>>
      tpu.wait_indirect_dma semaphore(%arg23 : memref<!tpu.dma_semaphore, #tpu.memory_space<semaphore_mem>>) src(%dma_wait3A_328 : memref<160000x16xf32, #tpu.memory_space<hbm>>) dst(%dma_wait3A_323 : memref<128x16xf32, #tpu.memory_space<vmem>>)
      %dma_wait3A_329 = arith.constant 128 : i32
      %dma_wait3A_330 = arith.constant 0 : i32
      %dma_wait3A_331 = tpu.memref_slice %arg18[%dma_wait3A_329, %dma_wait3A_330] : memref<640x16xf32, #tpu.memory_space<vmem>> -> memref<128x16xf32, #tpu.memory_space<vmem>>
      %dma_wait3A_332 = arith.constant 128 : i32
      %dma_wait3A_333 = tpu.memref_slice %arg16[%dma_wait3A_332] : memref<640xi32, #tpu.memory_space<vmem>> -> memref<128xi32, #tpu.memory_space<vmem>>
      %dma_wait3A_334 = arith.constant 0 : i32
      %dma_wait3A_335 = arith.constant 0 : i32
      %dma_wait3A_336 = tpu.memref_slice %arg2[%dma_wait3A_334, %dma_wait3A_335] : memref<160000x16xf32, #tpu.memory_space<hbm>> -> memref<160000x16xf32, #tpu.memory_space<hbm>>
      tpu.wait_indirect_dma semaphore(%arg23 : memref<!tpu.dma_semaphore, #tpu.memory_space<semaphore_mem>>) src(%dma_wait3A_336 : memref<160000x16xf32, #tpu.memory_space<hbm>>) dst(%dma_wait3A_331 : memref<128x16xf32, #tpu.memory_space<vmem>>)
      %dma_wait3A_337 = arith.constant 256 : i32
      %dma_wait3A_338 = arith.constant 0 : i32
      %dma_wait3A_339 = tpu.memref_slice %arg18[%dma_wait3A_337, %dma_wait3A_338] : memref<640x16xf32, #tpu.memory_space<vmem>> -> memref<128x16xf32, #tpu.memory_space<vmem>>
      %dma_wait3A_340 = arith.constant 256 : i32
      %dma_wait3A_341 = tpu.memref_slice %arg16[%dma_wait3A_340] : memref<640xi32, #tpu.memory_space<vmem>> -> memref<128xi32, #tpu.memory_space<vmem>>
      %dma_wait3A_342 = arith.constant 0 : i32
      %dma_wait3A_343 = arith.constant 0 : i32
      %dma_wait3A_344 = tpu.memref_slice %arg2[%dma_wait3A_342, %dma_wait3A_343] : memref<160000x16xf32, #tpu.memory_space<hbm>> -> memref<160000x16xf32, #tpu.memory_space<hbm>>
      tpu.wait_indirect_dma semaphore(%arg23 : memref<!tpu.dma_semaphore, #tpu.memory_space<semaphore_mem>>) src(%dma_wait3A_344 : memref<160000x16xf32, #tpu.memory_space<hbm>>) dst(%dma_wait3A_339 : memref<128x16xf32, #tpu.memory_space<vmem>>)
      %dma_wait3A_345 = arith.constant 384 : i32
      %dma_wait3A_346 = arith.constant 0 : i32
      %dma_wait3A_347 = tpu.memref_slice %arg18[%dma_wait3A_345, %dma_wait3A_346] : memref<640x16xf32, #tpu.memory_space<vmem>> -> memref<128x16xf32, #tpu.memory_space<vmem>>
      %dma_wait3A_348 = arith.constant 384 : i32
      %dma_wait3A_349 = tpu.memref_slice %arg16[%dma_wait3A_348] : memref<640xi32, #tpu.memory_space<vmem>> -> memref<128xi32, #tpu.memory_space<vmem>>
      %dma_wait3A_350 = arith.constant 0 : i32
      %dma_wait3A_351 = arith.constant 0 : i32
      %dma_wait3A_352 = tpu.memref_slice %arg2[%dma_wait3A_350, %dma_wait3A_351] : memref<160000x16xf32, #tpu.memory_space<hbm>> -> memref<160000x16xf32, #tpu.memory_space<hbm>>
      tpu.wait_indirect_dma semaphore(%arg23 : memref<!tpu.dma_semaphore, #tpu.memory_space<semaphore_mem>>) src(%dma_wait3A_352 : memref<160000x16xf32, #tpu.memory_space<hbm>>) dst(%dma_wait3A_347 : memref<128x16xf32, #tpu.memory_space<vmem>>)
      %dma_wait3A_353 = arith.constant 512 : i32
      %dma_wait3A_354 = arith.constant 0 : i32
      %dma_wait3A_355 = tpu.memref_slice %arg18[%dma_wait3A_353, %dma_wait3A_354] : memref<640x16xf32, #tpu.memory_space<vmem>> -> memref<128x16xf32, #tpu.memory_space<vmem>>
      %dma_wait3A_356 = arith.constant 512 : i32
      %dma_wait3A_357 = tpu.memref_slice %arg16[%dma_wait3A_356] : memref<640xi32, #tpu.memory_space<vmem>> -> memref<128xi32, #tpu.memory_space<vmem>>
      %dma_wait3A_358 = arith.constant 0 : i32
      %dma_wait3A_359 = arith.constant 0 : i32
      %dma_wait3A_360 = tpu.memref_slice %arg2[%dma_wait3A_358, %dma_wait3A_359] : memref<160000x16xf32, #tpu.memory_space<hbm>> -> memref<160000x16xf32, #tpu.memory_space<hbm>>
      tpu.wait_indirect_dma semaphore(%arg23 : memref<!tpu.dma_semaphore, #tpu.memory_space<semaphore_mem>>) src(%dma_wait3A_360 : memref<160000x16xf32, #tpu.memory_space<hbm>>) dst(%dma_wait3A_355 : memref<128x16xf32, #tpu.memory_space<vmem>>)
      %parallel_loop3A_361 = arith.constant 0 : i32
      %parallel_loop3A_362 = arith.constant 40 : i32
      %parallel_loop3A_363 = arith.constant 1 : i32
      scf.for %parallel_loop3A_425 = %parallel_loop3A_361 to %parallel_loop3A_362 step %parallel_loop3A_363  : i32 {
        %parallel_loop3A_426 = arith.constant 16 : i32
        %parallel_loop3A_427 = arith.muli %parallel_loop3A_425, %parallel_loop3A_426 : i32
        %parallel_loop3A_428 = vector.broadcast %parallel_loop3A_427 : i32 to vector<16xi32>
        %parallel_loop3A_429 = arith.addi %parallel_loop3A_428, %iota3A : vector<16xi32>
        %parallel_loop3A_430 = arith.constant 16 : i32
        %parallel_loop3A_431 = arith.muli %parallel_loop3A_425, %parallel_loop3A_430 : i32
        %parallel_loop3A_432 = arith.index_cast %parallel_loop3A_431 : i32 to index
        %parallel_loop3A_433 = tpu.vector_load %arg8[%parallel_loop3A_432] {strides = array<i32>} : memref<640xi32, #tpu.memory_space<vmem>>, vector<16xi32>,
        %parallel_loop3A_434 = arith.constant 16 : i32
        %parallel_loop3A_435 = arith.muli %parallel_loop3A_425, %parallel_loop3A_434 : i32
        %parallel_loop3A_436 = arith.index_cast %parallel_loop3A_435 : i32 to index
        %parallel_loop3A_437 = tpu.vector_load %arg12[%parallel_loop3A_436] {strides = array<i32>} : memref<640xf32, #tpu.memory_space<vmem>>, vector<16xf32>,
        %parallel_loop3A_438 = arith.constant 16 : i32
        %parallel_loop3A_439 = arith.muli %parallel_loop3A_425, %parallel_loop3A_438 : i32
        %parallel_loop3A_440 = arith.index_cast %parallel_loop3A_439 : i32 to index
        %parallel_loop3A_441 = tpu.vector_load %arg14[%parallel_loop3A_440] {strides = array<i32>} : memref<640xf32, #tpu.memory_space<vmem>>, vector<16xf32>,
        %parallel_loop3A_442 = vector.broadcast %mul3A_0 : i32 to vector<16xi32>
        %parallel_loop3A_443 = arith.subi %parallel_loop3A_433, %parallel_loop3A_442 : vector<16xi32>
        %parallel_loop3A_444 = arith.constant 0 : i32
        %parallel_loop3A_445 = vector.broadcast %parallel_loop3A_444 : i32 to vector<16xi32>
        %parallel_loop3A_446 = arith.cmpi sge, %parallel_loop3A_443, %parallel_loop3A_445 : vector<16xi32>
        %parallel_loop3A_447 = arith.constant 5000 : i32
        %parallel_loop3A_448 = vector.broadcast %parallel_loop3A_447 : i32 to vector<16xi32>
        %parallel_loop3A_449 = arith.cmpi slt, %parallel_loop3A_443, %parallel_loop3A_448 : vector<16xi32>
        %parallel_loop3A_450 = arith.andi %parallel_loop3A_446, %parallel_loop3A_449 : vector<16xi1>
        %parallel_loop3A_451 = arith.constant 5000 : i32
        %parallel_loop3A_452 = vector.broadcast %parallel_loop3A_451 : i32 to vector<16xi32>
        %parallel_loop3A_453 = arith.select %parallel_loop3A_450, %parallel_loop3A_443, %parallel_loop3A_452 : vector<16xi1>, vector<16xi32>
        %parallel_loop3A_454 = arith.constant 0 : i32
        %parallel_loop3A_455 = vector.broadcast %parallel_loop3A_454 : i32 to vector<16xi32>
        %parallel_loop3A_456 = tpu.vector_load_idx %arg18[%parallel_loop3A_429, %parallel_loop3A_455] : memref<640x16xf32, #tpu.memory_space<vmem>>[vector<16xi32>, vector<16xi32>], vector<16xf32>,
        %parallel_loop3A_457 = arith.constant 1 : i32
        %parallel_loop3A_458 = vector.broadcast %parallel_loop3A_457 : i32 to vector<16xi32>
        %parallel_loop3A_459 = tpu.vector_load_idx %arg18[%parallel_loop3A_429, %parallel_loop3A_458] : memref<640x16xf32, #tpu.memory_space<vmem>>[vector<16xi32>, vector<16xi32>], vector<16xf32>,
        %parallel_loop3A_460 = arith.mulf %parallel_loop3A_437, %parallel_loop3A_456 : vector<16xf32>
        %parallel_loop3A_461 = arith.mulf %parallel_loop3A_441, %parallel_loop3A_459 : vector<16xf32>
        %parallel_loop3A_462 = arith.subf %parallel_loop3A_460, %parallel_loop3A_461 : vector<16xf32>
        %parallel_loop3A_463 = arith.mulf %parallel_loop3A_441, %parallel_loop3A_456 : vector<16xf32>
        %parallel_loop3A_464 = arith.mulf %parallel_loop3A_437, %parallel_loop3A_459 : vector<16xf32>
        %parallel_loop3A_465 = arith.addf %parallel_loop3A_463, %parallel_loop3A_464 : vector<16xf32>
        %parallel_loop3A_466 = arith.constant 0 : i32
        %parallel_loop3A_467 = vector.broadcast %parallel_loop3A_466 : i32 to vector<16xi32>
        tpu.vector_store_idx %arg20[%parallel_loop3A_467, %parallel_loop3A_453], %parallel_loop3A_462 {add = true} : memref<16x5248xf32, #tpu.memory_space<vmem>>[vector<16xi32>, vector<16xi32>], vector<16xf32>,
        %parallel_loop3A_468 = arith.constant 1 : i32
        %parallel_loop3A_469 = vector.broadcast %parallel_loop3A_468 : i32 to vector<16xi32>
        tpu.vector_store_idx %arg20[%parallel_loop3A_469, %parallel_loop3A_453], %parallel_loop3A_465 {add = true} : memref<16x5248xf32, #tpu.memory_space<vmem>>[vector<16xi32>, vector<16xi32>], vector<16xf32>,
        %parallel_loop3A_470 = arith.constant 2 : i32
        %parallel_loop3A_471 = vector.broadcast %parallel_loop3A_470 : i32 to vector<16xi32>
        %parallel_loop3A_472 = tpu.vector_load_idx %arg18[%parallel_loop3A_429, %parallel_loop3A_471] : memref<640x16xf32, #tpu.memory_space<vmem>>[vector<16xi32>, vector<16xi32>], vector<16xf32>,
        %parallel_loop3A_473 = arith.constant 3 : i32
        %parallel_loop3A_474 = vector.broadcast %parallel_loop3A_473 : i32 to vector<16xi32>
        %parallel_loop3A_475 = tpu.vector_load_idx %arg18[%parallel_loop3A_429, %parallel_loop3A_474] : memref<640x16xf32, #tpu.memory_space<vmem>>[vector<16xi32>, vector<16xi32>], vector<16xf32>,
        %parallel_loop3A_476 = arith.mulf %parallel_loop3A_437, %parallel_loop3A_472 : vector<16xf32>
        %parallel_loop3A_477 = arith.mulf %parallel_loop3A_441, %parallel_loop3A_475 : vector<16xf32>
        %parallel_loop3A_478 = arith.subf %parallel_loop3A_476, %parallel_loop3A_477 : vector<16xf32>
        %parallel_loop3A_479 = arith.mulf %parallel_loop3A_441, %parallel_loop3A_472 : vector<16xf32>
        %parallel_loop3A_480 = arith.mulf %parallel_loop3A_437, %parallel_loop3A_475 : vector<16xf32>
        %parallel_loop3A_481 = arith.addf %parallel_loop3A_479, %parallel_loop3A_480 : vector<16xf32>
        %parallel_loop3A_482 = arith.constant 2 : i32
        %parallel_loop3A_483 = vector.broadcast %parallel_loop3A_482 : i32 to vector<16xi32>
        tpu.vector_store_idx %arg20[%parallel_loop3A_483, %parallel_loop3A_453], %parallel_loop3A_478 {add = true} : memref<16x5248xf32, #tpu.memory_space<vmem>>[vector<16xi32>, vector<16xi32>], vector<16xf32>,
        %parallel_loop3A_484 = arith.constant 3 : i32
        %parallel_loop3A_485 = vector.broadcast %parallel_loop3A_484 : i32 to vector<16xi32>
        tpu.vector_store_idx %arg20[%parallel_loop3A_485, %parallel_loop3A_453], %parallel_loop3A_481 {add = true} : memref<16x5248xf32, #tpu.memory_space<vmem>>[vector<16xi32>, vector<16xi32>], vector<16xf32>,
        %parallel_loop3A_486 = arith.constant 4 : i32
        %parallel_loop3A_487 = vector.broadcast %parallel_loop3A_486 : i32 to vector<16xi32>
        %parallel_loop3A_488 = tpu.vector_load_idx %arg18[%parallel_loop3A_429, %parallel_loop3A_487] : memref<640x16xf32, #tpu.memory_space<vmem>>[vector<16xi32>, vector<16xi32>], vector<16xf32>,
        %parallel_loop3A_489 = arith.constant 5 : i32
        %parallel_loop3A_490 = vector.broadcast %parallel_loop3A_489 : i32 to vector<16xi32>
        %parallel_loop3A_491 = tpu.vector_load_idx %arg18[%parallel_loop3A_429, %parallel_loop3A_490] : memref<640x16xf32, #tpu.memory_space<vmem>>[vector<16xi32>, vector<16xi32>], vector<16xf32>,
        %parallel_loop3A_492 = arith.mulf %parallel_loop3A_437, %parallel_loop3A_488 : vector<16xf32>
        %parallel_loop3A_493 = arith.mulf %parallel_loop3A_441, %parallel_loop3A_491 : vector<16xf32>
        %parallel_loop3A_494 = arith.subf %parallel_loop3A_492, %parallel_loop3A_493 : vector<16xf32>
        %parallel_loop3A_495 = arith.mulf %parallel_loop3A_441, %parallel_loop3A_488 : vector<16xf32>
        %parallel_loop3A_496 = arith.mulf %parallel_loop3A_437, %parallel_loop3A_491 : vector<16xf32>
        %parallel_loop3A_497 = arith.addf %parallel_loop3A_495, %parallel_loop3A_496 : vector<16xf32>
        %parallel_loop3A_498 = arith.constant 4 : i32
        %parallel_loop3A_499 = vector.broadcast %parallel_loop3A_498 : i32 to vector<16xi32>
        tpu.vector_store_idx %arg20[%parallel_loop3A_499, %parallel_loop3A_453], %parallel_loop3A_494 {add = true} : memref<16x5248xf32, #tpu.memory_space<vmem>>[vector<16xi32>, vector<16xi32>], vector<16xf32>,
        %parallel_loop3A_500 = arith.constant 5 : i32
        %parallel_loop3A_501 = vector.broadcast %parallel_loop3A_500 : i32 to vector<16xi32>
        tpu.vector_store_idx %arg20[%parallel_loop3A_501, %parallel_loop3A_453], %parallel_loop3A_497 {add = true} : memref<16x5248xf32, #tpu.memory_space<vmem>>[vector<16xi32>, vector<16xi32>], vector<16xf32>,
        %parallel_loop3A_502 = arith.constant 6 : i32
        %parallel_loop3A_503 = vector.broadcast %parallel_loop3A_502 : i32 to vector<16xi32>
        %parallel_loop3A_504 = tpu.vector_load_idx %arg18[%parallel_loop3A_429, %parallel_loop3A_503] : memref<640x16xf32, #tpu.memory_space<vmem>>[vector<16xi32>, vector<16xi32>], vector<16xf32>,
        %parallel_loop3A_505 = arith.constant 7 : i32
        %parallel_loop3A_506 = vector.broadcast %parallel_loop3A_505 : i32 to vector<16xi32>
        %parallel_loop3A_507 = tpu.vector_load_idx %arg18[%parallel_loop3A_429, %parallel_loop3A_506] : memref<640x16xf32, #tpu.memory_space<vmem>>[vector<16xi32>, vector<16xi32>], vector<16xf32>,
        %parallel_loop3A_508 = arith.mulf %parallel_loop3A_437, %parallel_loop3A_504 : vector<16xf32>
        %parallel_loop3A_509 = arith.mulf %parallel_loop3A_441, %parallel_loop3A_507 : vector<16xf32>
        %parallel_loop3A_510 = arith.subf %parallel_loop3A_508, %parallel_loop3A_509 : vector<16xf32>
        %parallel_loop3A_511 = arith.mulf %parallel_loop3A_441, %parallel_loop3A_504 : vector<16xf32>
        %parallel_loop3A_512 = arith.mulf %parallel_loop3A_437, %parallel_loop3A_507 : vector<16xf32>
        %parallel_loop3A_513 = arith.addf %parallel_loop3A_511, %parallel_loop3A_512 : vector<16xf32>
        %parallel_loop3A_514 = arith.constant 6 : i32
        %parallel_loop3A_515 = vector.broadcast %parallel_loop3A_514 : i32 to vector<16xi32>
        tpu.vector_store_idx %arg20[%parallel_loop3A_515, %parallel_loop3A_453], %parallel_loop3A_510 {add = true} : memref<16x5248xf32, #tpu.memory_space<vmem>>[vector<16xi32>, vector<16xi32>], vector<16xf32>,
        %parallel_loop3A_516 = arith.constant 7 : i32
        %parallel_loop3A_517 = vector.broadcast %parallel_loop3A_516 : i32 to vector<16xi32>
        tpu.vector_store_idx %arg20[%parallel_loop3A_517, %parallel_loop3A_453], %parallel_loop3A_513 {add = true} : memref<16x5248xf32, #tpu.memory_space<vmem>>[vector<16xi32>, vector<16xi32>], vector<16xf32>,
        %parallel_loop3A_518 = arith.constant 8 : i32
        %parallel_loop3A_519 = vector.broadcast %parallel_loop3A_518 : i32 to vector<16xi32>
        %parallel_loop3A_520 = tpu.vector_load_idx %arg18[%parallel_loop3A_429, %parallel_loop3A_519] : memref<640x16xf32, #tpu.memory_space<vmem>>[vector<16xi32>, vector<16xi32>], vector<16xf32>,
        %parallel_loop3A_521 = arith.constant 9 : i32
        %parallel_loop3A_522 = vector.broadcast %parallel_loop3A_521 : i32 to vector<16xi32>
        %parallel_loop3A_523 = tpu.vector_load_idx %arg18[%parallel_loop3A_429, %parallel_loop3A_522] : memref<640x16xf32, #tpu.memory_space<vmem>>[vector<16xi32>, vector<16xi32>], vector<16xf32>,
        %parallel_loop3A_524 = arith.mulf %parallel_loop3A_437, %parallel_loop3A_520 : vector<16xf32>
        %parallel_loop3A_525 = arith.mulf %parallel_loop3A_441, %parallel_loop3A_523 : vector<16xf32>
        %parallel_loop3A_526 = arith.subf %parallel_loop3A_524, %parallel_loop3A_525 : vector<16xf32>
        %parallel_loop3A_527 = arith.mulf %parallel_loop3A_441, %parallel_loop3A_520 : vector<16xf32>
        %parallel_loop3A_528 = arith.mulf %parallel_loop3A_437, %parallel_loop3A_523 : vector<16xf32>
        %parallel_loop3A_529 = arith.addf %parallel_loop3A_527, %parallel_loop3A_528 : vector<16xf32>
        %parallel_loop3A_530 = arith.constant 8 : i32
        %parallel_loop3A_531 = vector.broadcast %parallel_loop3A_530 : i32 to vector<16xi32>
        tpu.vector_store_idx %arg20[%parallel_loop3A_531, %parallel_loop3A_453], %parallel_loop3A_526 {add = true} : memref<16x5248xf32, #tpu.memory_space<vmem>>[vector<16xi32>, vector<16xi32>], vector<16xf32>,
        %parallel_loop3A_532 = arith.constant 9 : i32
        %parallel_loop3A_533 = vector.broadcast %parallel_loop3A_532 : i32 to vector<16xi32>
        tpu.vector_store_idx %arg20[%parallel_loop3A_533, %parallel_loop3A_453], %parallel_loop3A_529 {add = true} : memref<16x5248xf32, #tpu.memory_space<vmem>>[vector<16xi32>, vector<16xi32>], vector<16xf32>,
        %parallel_loop3A_534 = arith.constant 10 : i32
        %parallel_loop3A_535 = vector.broadcast %parallel_loop3A_534 : i32 to vector<16xi32>
        %parallel_loop3A_536 = tpu.vector_load_idx %arg18[%parallel_loop3A_429, %parallel_loop3A_535] : memref<640x16xf32, #tpu.memory_space<vmem>>[vector<16xi32>, vector<16xi32>], vector<16xf32>,
        %parallel_loop3A_537 = arith.constant 11 : i32
        %parallel_loop3A_538 = vector.broadcast %parallel_loop3A_537 : i32 to vector<16xi32>
        %parallel_loop3A_539 = tpu.vector_load_idx %arg18[%parallel_loop3A_429, %parallel_loop3A_538] : memref<640x16xf32, #tpu.memory_space<vmem>>[vector<16xi32>, vector<16xi32>], vector<16xf32>,
        %parallel_loop3A_540 = arith.mulf %parallel_loop3A_437, %parallel_loop3A_536 : vector<16xf32>
        %parallel_loop3A_541 = arith.mulf %parallel_loop3A_441, %parallel_loop3A_539 : vector<16xf32>
        %parallel_loop3A_542 = arith.subf %parallel_loop3A_540, %parallel_loop3A_541 : vector<16xf32>
        %parallel_loop3A_543 = arith.mulf %parallel_loop3A_441, %parallel_loop3A_536 : vector<16xf32>
        %parallel_loop3A_544 = arith.mulf %parallel_loop3A_437, %parallel_loop3A_539 : vector<16xf32>
        %parallel_loop3A_545 = arith.addf %parallel_loop3A_543, %parallel_loop3A_544 : vector<16xf32>
        %parallel_loop3A_546 = arith.constant 10 : i32
        %parallel_loop3A_547 = vector.broadcast %parallel_loop3A_546 : i32 to vector<16xi32>
        tpu.vector_store_idx %arg20[%parallel_loop3A_547, %parallel_loop3A_453], %parallel_loop3A_542 {add = true} : memref<16x5248xf32, #tpu.memory_space<vmem>>[vector<16xi32>, vector<16xi32>], vector<16xf32>,
        %parallel_loop3A_548 = arith.constant 11 : i32
        %parallel_loop3A_549 = vector.broadcast %parallel_loop3A_548 : i32 to vector<16xi32>
        tpu.vector_store_idx %arg20[%parallel_loop3A_549, %parallel_loop3A_453], %parallel_loop3A_545 {add = true} : memref<16x5248xf32, #tpu.memory_space<vmem>>[vector<16xi32>, vector<16xi32>], vector<16xf32>,
        %parallel_loop3A_550 = arith.constant 12 : i32
        %parallel_loop3A_551 = vector.broadcast %parallel_loop3A_550 : i32 to vector<16xi32>
        %parallel_loop3A_552 = tpu.vector_load_idx %arg18[%parallel_loop3A_429, %parallel_loop3A_551] : memref<640x16xf32, #tpu.memory_space<vmem>>[vector<16xi32>, vector<16xi32>], vector<16xf32>,
        %parallel_loop3A_553 = arith.constant 13 : i32
        %parallel_loop3A_554 = vector.broadcast %parallel_loop3A_553 : i32 to vector<16xi32>
        %parallel_loop3A_555 = tpu.vector_load_idx %arg18[%parallel_loop3A_429, %parallel_loop3A_554] : memref<640x16xf32, #tpu.memory_space<vmem>>[vector<16xi32>, vector<16xi32>], vector<16xf32>,
        %parallel_loop3A_556 = arith.mulf %parallel_loop3A_437, %parallel_loop3A_552 : vector<16xf32>
        %parallel_loop3A_557 = arith.mulf %parallel_loop3A_441, %parallel_loop3A_555 : vector<16xf32>
        %parallel_loop3A_558 = arith.subf %parallel_loop3A_556, %parallel_loop3A_557 : vector<16xf32>
        %parallel_loop3A_559 = arith.mulf %parallel_loop3A_441, %parallel_loop3A_552 : vector<16xf32>
        %parallel_loop3A_560 = arith.mulf %parallel_loop3A_437, %parallel_loop3A_555 : vector<16xf32>
        %parallel_loop3A_561 = arith.addf %parallel_loop3A_559, %parallel_loop3A_560 : vector<16xf32>
        %parallel_loop3A_562 = arith.constant 12 : i32
        %parallel_loop3A_563 = vector.broadcast %parallel_loop3A_562 : i32 to vector<16xi32>
        tpu.vector_store_idx %arg20[%parallel_loop3A_563, %parallel_loop3A_453], %parallel_loop3A_558 {add = true} : memref<16x5248xf32, #tpu.memory_space<vmem>>[vector<16xi32>, vector<16xi32>], vector<16xf32>,
        %parallel_loop3A_564 = arith.constant 13 : i32
        %parallel_loop3A_565 = vector.broadcast %parallel_loop3A_564 : i32 to vector<16xi32>
        tpu.vector_store_idx %arg20[%parallel_loop3A_565, %parallel_loop3A_453], %parallel_loop3A_561 {add = true} : memref<16x5248xf32, #tpu.memory_space<vmem>>[vector<16xi32>, vector<16xi32>], vector<16xf32>,
        %parallel_loop3A_566 = arith.constant 14 : i32
        %parallel_loop3A_567 = vector.broadcast %parallel_loop3A_566 : i32 to vector<16xi32>
        %parallel_loop3A_568 = tpu.vector_load_idx %arg18[%parallel_loop3A_429, %parallel_loop3A_567] : memref<640x16xf32, #tpu.memory_space<vmem>>[vector<16xi32>, vector<16xi32>], vector<16xf32>,
        %parallel_loop3A_569 = arith.constant 15 : i32
        %parallel_loop3A_570 = vector.broadcast %parallel_loop3A_569 : i32 to vector<16xi32>
        %parallel_loop3A_571 = tpu.vector_load_idx %arg18[%parallel_loop3A_429, %parallel_loop3A_570] : memref<640x16xf32, #tpu.memory_space<vmem>>[vector<16xi32>, vector<16xi32>], vector<16xf32>,
        %parallel_loop3A_572 = arith.mulf %parallel_loop3A_437, %parallel_loop3A_568 : vector<16xf32>
        %parallel_loop3A_573 = arith.mulf %parallel_loop3A_441, %parallel_loop3A_571 : vector<16xf32>
        %parallel_loop3A_574 = arith.subf %parallel_loop3A_572, %parallel_loop3A_573 : vector<16xf32>
        %parallel_loop3A_575 = arith.mulf %parallel_loop3A_441, %parallel_loop3A_568 : vector<16xf32>
        %parallel_loop3A_576 = arith.mulf %parallel_loop3A_437, %parallel_loop3A_571 : vector<16xf32>
        %parallel_loop3A_577 = arith.addf %parallel_loop3A_575, %parallel_loop3A_576 : vector<16xf32>
        %parallel_loop3A_578 = arith.constant 14 : i32
        %parallel_loop3A_579 = vector.broadcast %parallel_loop3A_578 : i32 to vector<16xi32>
        tpu.vector_store_idx %arg20[%parallel_loop3A_579, %parallel_loop3A_453], %parallel_loop3A_574 {add = true} : memref<16x5248xf32, #tpu.memory_space<vmem>>[vector<16xi32>, vector<16xi32>], vector<16xf32>,
        %parallel_loop3A_580 = arith.constant 15 : i32
        %parallel_loop3A_581 = vector.broadcast %parallel_loop3A_580 : i32 to vector<16xi32>
        tpu.vector_store_idx %arg20[%parallel_loop3A_581, %parallel_loop3A_453], %parallel_loop3A_577 {add = true} : memref<16x5248xf32, #tpu.memory_space<vmem>>[vector<16xi32>, vector<16xi32>], vector<16xf32>,
      } {sc.loop_unroll_factor = 2 : i64, sc.parallel_access}
      %add3A_364 = arith.constant 2 : i32
      %add3A_365 = arith.addi %mul3A_261, %add3A_364 : i32
      %lt3A = arith.constant 500 : i32
      %lt3A_366 = arith.cmpi slt, %add3A_365, %lt3A : i32
      %convert_element_type3A = arith.extui %lt3A_366 : i1 to i32
      %cond3A = arith.constant 0 : i32
      %cond3A_367 = arith.cmpi ne, %convert_element_type3A, %cond3A : i32
      scf.if %cond3A_367 {
        %add3A_425 = arith.constant 2 : i32
        %add3A_426 = arith.addi %mul3A_261, %add3A_425 : i32
        %mul3A_427 = arith.constant 640 : i32
        %mul3A_428 = arith.muli %add3A_426, %mul3A_427 : i32
        %dma_start3A_429 = tpu.memref_slice %arg3[%mul3A_428] : memref<320000xi32, #tpu.memory_space<hbm>> -> memref<640xi32, #tpu.memory_space<hbm>>
        %dma_start3A_430 = tpu.memref_slice %arg3[%mul3A_428] : memref<320000xi32, #tpu.memory_space<hbm>> -> memref<640xi32, #tpu.memory_space<hbm>>
        tpu.enqueue_dma source(%dma_start3A_430 : memref<640xi32, #tpu.memory_space<hbm>>) target(%arg8 : memref<640xi32, #tpu.memory_space<vmem>>) target_semaphore(%arg21 : memref<!tpu.dma_semaphore, #tpu.memory_space<semaphore_mem>>)
        %dma_start3A_431 = tpu.memref_slice %arg4[%mul3A_428] : memref<320000xi32, #tpu.memory_space<hbm>> -> memref<640xi32, #tpu.memory_space<hbm>>
        %dma_start3A_432 = tpu.memref_slice %arg4[%mul3A_428] : memref<320000xi32, #tpu.memory_space<hbm>> -> memref<640xi32, #tpu.memory_space<hbm>>
        tpu.enqueue_dma source(%dma_start3A_432 : memref<640xi32, #tpu.memory_space<hbm>>) target(%arg10 : memref<640xi32, #tpu.memory_space<vmem>>) target_semaphore(%arg21 : memref<!tpu.dma_semaphore, #tpu.memory_space<semaphore_mem>>)
        %dma_start3A_433 = tpu.memref_slice %arg5[%mul3A_428] : memref<320000xf32, #tpu.memory_space<hbm>> -> memref<640xf32, #tpu.memory_space<hbm>>
        %dma_start3A_434 = tpu.memref_slice %arg5[%mul3A_428] : memref<320000xf32, #tpu.memory_space<hbm>> -> memref<640xf32, #tpu.memory_space<hbm>>
        tpu.enqueue_dma source(%dma_start3A_434 : memref<640xf32, #tpu.memory_space<hbm>>) target(%arg12 : memref<640xf32, #tpu.memory_space<vmem>>) target_semaphore(%arg21 : memref<!tpu.dma_semaphore, #tpu.memory_space<semaphore_mem>>)
        %dma_start3A_435 = tpu.memref_slice %arg6[%mul3A_428] : memref<320000xf32, #tpu.memory_space<hbm>> -> memref<640xf32, #tpu.memory_space<hbm>>
        %dma_start3A_436 = tpu.memref_slice %arg6[%mul3A_428] : memref<320000xf32, #tpu.memory_space<hbm>> -> memref<640xf32, #tpu.memory_space<hbm>>
        tpu.enqueue_dma source(%dma_start3A_436 : memref<640xf32, #tpu.memory_space<hbm>>) target(%arg14 : memref<640xf32, #tpu.memory_space<vmem>>) target_semaphore(%arg21 : memref<!tpu.dma_semaphore, #tpu.memory_space<semaphore_mem>>)
      } else {
      }
      %dma_wait3A_368 = arith.constant 0 : i32
      %dma_wait3A_369 = arith.constant 0 : i32
      %dma_wait3A_370 = tpu.memref_slice %arg19[%dma_wait3A_368, %dma_wait3A_369] : memref<640x16xf32, #tpu.memory_space<vmem>> -> memref<128x16xf32, #tpu.memory_space<vmem>>
      %dma_wait3A_371 = arith.constant 0 : i32
      %dma_wait3A_372 = tpu.memref_slice %arg17[%dma_wait3A_371] : memref<640xi32, #tpu.memory_space<vmem>> -> memref<128xi32, #tpu.memory_space<vmem>>
      %dma_wait3A_373 = arith.constant 0 : i32
      %dma_wait3A_374 = arith.constant 0 : i32
      %dma_wait3A_375 = tpu.memref_slice %arg2[%dma_wait3A_373, %dma_wait3A_374] : memref<160000x16xf32, #tpu.memory_space<hbm>> -> memref<160000x16xf32, #tpu.memory_space<hbm>>
      tpu.wait_indirect_dma semaphore(%arg24 : memref<!tpu.dma_semaphore, #tpu.memory_space<semaphore_mem>>) src(%dma_wait3A_375 : memref<160000x16xf32, #tpu.memory_space<hbm>>) dst(%dma_wait3A_370 : memref<128x16xf32, #tpu.memory_space<vmem>>)
      %dma_wait3A_376 = arith.constant 128 : i32
      %dma_wait3A_377 = arith.constant 0 : i32
      %dma_wait3A_378 = tpu.memref_slice %arg19[%dma_wait3A_376, %dma_wait3A_377] : memref<640x16xf32, #tpu.memory_space<vmem>> -> memref<128x16xf32, #tpu.memory_space<vmem>>
      %dma_wait3A_379 = arith.constant 128 : i32
      %dma_wait3A_380 = tpu.memref_slice %arg17[%dma_wait3A_379] : memref<640xi32, #tpu.memory_space<vmem>> -> memref<128xi32, #tpu.memory_space<vmem>>
      %dma_wait3A_381 = arith.constant 0 : i32
      %dma_wait3A_382 = arith.constant 0 : i32
      %dma_wait3A_383 = tpu.memref_slice %arg2[%dma_wait3A_381, %dma_wait3A_382] : memref<160000x16xf32, #tpu.memory_space<hbm>> -> memref<160000x16xf32, #tpu.memory_space<hbm>>
      tpu.wait_indirect_dma semaphore(%arg24 : memref<!tpu.dma_semaphore, #tpu.memory_space<semaphore_mem>>) src(%dma_wait3A_383 : memref<160000x16xf32, #tpu.memory_space<hbm>>) dst(%dma_wait3A_378 : memref<128x16xf32, #tpu.memory_space<vmem>>)
      %dma_wait3A_384 = arith.constant 256 : i32
      %dma_wait3A_385 = arith.constant 0 : i32
      %dma_wait3A_386 = tpu.memref_slice %arg19[%dma_wait3A_384, %dma_wait3A_385] : memref<640x16xf32, #tpu.memory_space<vmem>> -> memref<128x16xf32, #tpu.memory_space<vmem>>
      %dma_wait3A_387 = arith.constant 256 : i32
      %dma_wait3A_388 = tpu.memref_slice %arg17[%dma_wait3A_387] : memref<640xi32, #tpu.memory_space<vmem>> -> memref<128xi32, #tpu.memory_space<vmem>>
      %dma_wait3A_389 = arith.constant 0 : i32
      %dma_wait3A_390 = arith.constant 0 : i32
      %dma_wait3A_391 = tpu.memref_slice %arg2[%dma_wait3A_389, %dma_wait3A_390] : memref<160000x16xf32, #tpu.memory_space<hbm>> -> memref<160000x16xf32, #tpu.memory_space<hbm>>
      tpu.wait_indirect_dma semaphore(%arg24 : memref<!tpu.dma_semaphore, #tpu.memory_space<semaphore_mem>>) src(%dma_wait3A_391 : memref<160000x16xf32, #tpu.memory_space<hbm>>) dst(%dma_wait3A_386 : memref<128x16xf32, #tpu.memory_space<vmem>>)
      %dma_wait3A_392 = arith.constant 384 : i32
      %dma_wait3A_393 = arith.constant 0 : i32
      %dma_wait3A_394 = tpu.memref_slice %arg19[%dma_wait3A_392, %dma_wait3A_393] : memref<640x16xf32, #tpu.memory_space<vmem>> -> memref<128x16xf32, #tpu.memory_space<vmem>>
      %dma_wait3A_395 = arith.constant 384 : i32
      %dma_wait3A_396 = tpu.memref_slice %arg17[%dma_wait3A_395] : memref<640xi32, #tpu.memory_space<vmem>> -> memref<128xi32, #tpu.memory_space<vmem>>
      %dma_wait3A_397 = arith.constant 0 : i32
      %dma_wait3A_398 = arith.constant 0 : i32
      %dma_wait3A_399 = tpu.memref_slice %arg2[%dma_wait3A_397, %dma_wait3A_398] : memref<160000x16xf32, #tpu.memory_space<hbm>> -> memref<160000x16xf32, #tpu.memory_space<hbm>>
      tpu.wait_indirect_dma semaphore(%arg24 : memref<!tpu.dma_semaphore, #tpu.memory_space<semaphore_mem>>) src(%dma_wait3A_399 : memref<160000x16xf32, #tpu.memory_space<hbm>>) dst(%dma_wait3A_394 : memref<128x16xf32, #tpu.memory_space<vmem>>)
      %dma_wait3A_400 = arith.constant 512 : i32
      %dma_wait3A_401 = arith.constant 0 : i32
      %dma_wait3A_402 = tpu.memref_slice %arg19[%dma_wait3A_400, %dma_wait3A_401] : memref<640x16xf32, #tpu.memory_space<vmem>> -> memref<128x16xf32, #tpu.memory_space<vmem>>
      %dma_wait3A_403 = arith.constant 512 : i32
      %dma_wait3A_404 = tpu.memref_slice %arg17[%dma_wait3A_403] : memref<640xi32, #tpu.memory_space<vmem>> -> memref<128xi32, #tpu.memory_space<vmem>>
      %dma_wait3A_405 = arith.constant 0 : i32
      %dma_wait3A_406 = arith.constant 0 : i32
      %dma_wait3A_407 = tpu.memref_slice %arg2[%dma_wait3A_405, %dma_wait3A_406] : memref<160000x16xf32, #tpu.memory_space<hbm>> -> memref<160000x16xf32, #tpu.memory_space<hbm>>
      tpu.wait_indirect_dma semaphore(%arg24 : memref<!tpu.dma_semaphore, #tpu.memory_space<semaphore_mem>>) src(%dma_wait3A_407 : memref<160000x16xf32, #tpu.memory_space<hbm>>) dst(%dma_wait3A_402 : memref<128x16xf32, #tpu.memory_space<vmem>>)
      %parallel_loop3A_408 = arith.constant 0 : i32
      %parallel_loop3A_409 = arith.constant 40 : i32
      %parallel_loop3A_410 = arith.constant 1 : i32
      scf.for %parallel_loop3A_425 = %parallel_loop3A_408 to %parallel_loop3A_409 step %parallel_loop3A_410  : i32 {
        %parallel_loop3A_426 = arith.constant 16 : i32
        %parallel_loop3A_427 = arith.muli %parallel_loop3A_425, %parallel_loop3A_426 : i32
        %parallel_loop3A_428 = vector.broadcast %parallel_loop3A_427 : i32 to vector<16xi32>
        %parallel_loop3A_429 = arith.addi %parallel_loop3A_428, %iota3A : vector<16xi32>
        %parallel_loop3A_430 = arith.constant 16 : i32
        %parallel_loop3A_431 = arith.muli %parallel_loop3A_425, %parallel_loop3A_430 : i32
        %parallel_loop3A_432 = arith.index_cast %parallel_loop3A_431 : i32 to index
        %parallel_loop3A_433 = tpu.vector_load %arg9[%parallel_loop3A_432] {strides = array<i32>} : memref<640xi32, #tpu.memory_space<vmem>>, vector<16xi32>,
        %parallel_loop3A_434 = arith.constant 16 : i32
        %parallel_loop3A_435 = arith.muli %parallel_loop3A_425, %parallel_loop3A_434 : i32
        %parallel_loop3A_436 = arith.index_cast %parallel_loop3A_435 : i32 to index
        %parallel_loop3A_437 = tpu.vector_load %arg13[%parallel_loop3A_436] {strides = array<i32>} : memref<640xf32, #tpu.memory_space<vmem>>, vector<16xf32>,
        %parallel_loop3A_438 = arith.constant 16 : i32
        %parallel_loop3A_439 = arith.muli %parallel_loop3A_425, %parallel_loop3A_438 : i32
        %parallel_loop3A_440 = arith.index_cast %parallel_loop3A_439 : i32 to index
        %parallel_loop3A_441 = tpu.vector_load %arg15[%parallel_loop3A_440] {strides = array<i32>} : memref<640xf32, #tpu.memory_space<vmem>>, vector<16xf32>,
        %parallel_loop3A_442 = vector.broadcast %mul3A_0 : i32 to vector<16xi32>
        %parallel_loop3A_443 = arith.subi %parallel_loop3A_433, %parallel_loop3A_442 : vector<16xi32>
        %parallel_loop3A_444 = arith.constant 0 : i32
        %parallel_loop3A_445 = vector.broadcast %parallel_loop3A_444 : i32 to vector<16xi32>
        %parallel_loop3A_446 = arith.cmpi sge, %parallel_loop3A_443, %parallel_loop3A_445 : vector<16xi32>
        %parallel_loop3A_447 = arith.constant 5000 : i32
        %parallel_loop3A_448 = vector.broadcast %parallel_loop3A_447 : i32 to vector<16xi32>
        %parallel_loop3A_449 = arith.cmpi slt, %parallel_loop3A_443, %parallel_loop3A_448 : vector<16xi32>
        %parallel_loop3A_450 = arith.andi %parallel_loop3A_446, %parallel_loop3A_449 : vector<16xi1>
        %parallel_loop3A_451 = arith.constant 5000 : i32
        %parallel_loop3A_452 = vector.broadcast %parallel_loop3A_451 : i32 to vector<16xi32>
        %parallel_loop3A_453 = arith.select %parallel_loop3A_450, %parallel_loop3A_443, %parallel_loop3A_452 : vector<16xi1>, vector<16xi32>
        %parallel_loop3A_454 = arith.constant 0 : i32
        %parallel_loop3A_455 = vector.broadcast %parallel_loop3A_454 : i32 to vector<16xi32>
        %parallel_loop3A_456 = tpu.vector_load_idx %arg19[%parallel_loop3A_429, %parallel_loop3A_455] : memref<640x16xf32, #tpu.memory_space<vmem>>[vector<16xi32>, vector<16xi32>], vector<16xf32>,
        %parallel_loop3A_457 = arith.constant 1 : i32
        %parallel_loop3A_458 = vector.broadcast %parallel_loop3A_457 : i32 to vector<16xi32>
        %parallel_loop3A_459 = tpu.vector_load_idx %arg19[%parallel_loop3A_429, %parallel_loop3A_458] : memref<640x16xf32, #tpu.memory_space<vmem>>[vector<16xi32>, vector<16xi32>], vector<16xf32>,
        %parallel_loop3A_460 = arith.mulf %parallel_loop3A_437, %parallel_loop3A_456 : vector<16xf32>
        %parallel_loop3A_461 = arith.mulf %parallel_loop3A_441, %parallel_loop3A_459 : vector<16xf32>
        %parallel_loop3A_462 = arith.subf %parallel_loop3A_460, %parallel_loop3A_461 : vector<16xf32>
        %parallel_loop3A_463 = arith.mulf %parallel_loop3A_441, %parallel_loop3A_456 : vector<16xf32>
        %parallel_loop3A_464 = arith.mulf %parallel_loop3A_437, %parallel_loop3A_459 : vector<16xf32>
        %parallel_loop3A_465 = arith.addf %parallel_loop3A_463, %parallel_loop3A_464 : vector<16xf32>
        %parallel_loop3A_466 = arith.constant 0 : i32
        %parallel_loop3A_467 = vector.broadcast %parallel_loop3A_466 : i32 to vector<16xi32>
        tpu.vector_store_idx %arg20[%parallel_loop3A_467, %parallel_loop3A_453], %parallel_loop3A_462 {add = true} : memref<16x5248xf32, #tpu.memory_space<vmem>>[vector<16xi32>, vector<16xi32>], vector<16xf32>,
        %parallel_loop3A_468 = arith.constant 1 : i32
        %parallel_loop3A_469 = vector.broadcast %parallel_loop3A_468 : i32 to vector<16xi32>
        tpu.vector_store_idx %arg20[%parallel_loop3A_469, %parallel_loop3A_453], %parallel_loop3A_465 {add = true} : memref<16x5248xf32, #tpu.memory_space<vmem>>[vector<16xi32>, vector<16xi32>], vector<16xf32>,
        %parallel_loop3A_470 = arith.constant 2 : i32
        %parallel_loop3A_471 = vector.broadcast %parallel_loop3A_470 : i32 to vector<16xi32>
        %parallel_loop3A_472 = tpu.vector_load_idx %arg19[%parallel_loop3A_429, %parallel_loop3A_471] : memref<640x16xf32, #tpu.memory_space<vmem>>[vector<16xi32>, vector<16xi32>], vector<16xf32>,
        %parallel_loop3A_473 = arith.constant 3 : i32
        %parallel_loop3A_474 = vector.broadcast %parallel_loop3A_473 : i32 to vector<16xi32>
        %parallel_loop3A_475 = tpu.vector_load_idx %arg19[%parallel_loop3A_429, %parallel_loop3A_474] : memref<640x16xf32, #tpu.memory_space<vmem>>[vector<16xi32>, vector<16xi32>], vector<16xf32>,
        %parallel_loop3A_476 = arith.mulf %parallel_loop3A_437, %parallel_loop3A_472 : vector<16xf32>
        %parallel_loop3A_477 = arith.mulf %parallel_loop3A_441, %parallel_loop3A_475 : vector<16xf32>
        %parallel_loop3A_478 = arith.subf %parallel_loop3A_476, %parallel_loop3A_477 : vector<16xf32>
        %parallel_loop3A_479 = arith.mulf %parallel_loop3A_441, %parallel_loop3A_472 : vector<16xf32>
        %parallel_loop3A_480 = arith.mulf %parallel_loop3A_437, %parallel_loop3A_475 : vector<16xf32>
        %parallel_loop3A_481 = arith.addf %parallel_loop3A_479, %parallel_loop3A_480 : vector<16xf32>
        %parallel_loop3A_482 = arith.constant 2 : i32
        %parallel_loop3A_483 = vector.broadcast %parallel_loop3A_482 : i32 to vector<16xi32>
        tpu.vector_store_idx %arg20[%parallel_loop3A_483, %parallel_loop3A_453], %parallel_loop3A_478 {add = true} : memref<16x5248xf32, #tpu.memory_space<vmem>>[vector<16xi32>, vector<16xi32>], vector<16xf32>,
        %parallel_loop3A_484 = arith.constant 3 : i32
        %parallel_loop3A_485 = vector.broadcast %parallel_loop3A_484 : i32 to vector<16xi32>
        tpu.vector_store_idx %arg20[%parallel_loop3A_485, %parallel_loop3A_453], %parallel_loop3A_481 {add = true} : memref<16x5248xf32, #tpu.memory_space<vmem>>[vector<16xi32>, vector<16xi32>], vector<16xf32>,
        %parallel_loop3A_486 = arith.constant 4 : i32
        %parallel_loop3A_487 = vector.broadcast %parallel_loop3A_486 : i32 to vector<16xi32>
        %parallel_loop3A_488 = tpu.vector_load_idx %arg19[%parallel_loop3A_429, %parallel_loop3A_487] : memref<640x16xf32, #tpu.memory_space<vmem>>[vector<16xi32>, vector<16xi32>], vector<16xf32>,
        %parallel_loop3A_489 = arith.constant 5 : i32
        %parallel_loop3A_490 = vector.broadcast %parallel_loop3A_489 : i32 to vector<16xi32>
        %parallel_loop3A_491 = tpu.vector_load_idx %arg19[%parallel_loop3A_429, %parallel_loop3A_490] : memref<640x16xf32, #tpu.memory_space<vmem>>[vector<16xi32>, vector<16xi32>], vector<16xf32>,
        %parallel_loop3A_492 = arith.mulf %parallel_loop3A_437, %parallel_loop3A_488 : vector<16xf32>
        %parallel_loop3A_493 = arith.mulf %parallel_loop3A_441, %parallel_loop3A_491 : vector<16xf32>
        %parallel_loop3A_494 = arith.subf %parallel_loop3A_492, %parallel_loop3A_493 : vector<16xf32>
        %parallel_loop3A_495 = arith.mulf %parallel_loop3A_441, %parallel_loop3A_488 : vector<16xf32>
        %parallel_loop3A_496 = arith.mulf %parallel_loop3A_437, %parallel_loop3A_491 : vector<16xf32>
        %parallel_loop3A_497 = arith.addf %parallel_loop3A_495, %parallel_loop3A_496 : vector<16xf32>
        %parallel_loop3A_498 = arith.constant 4 : i32
        %parallel_loop3A_499 = vector.broadcast %parallel_loop3A_498 : i32 to vector<16xi32>
        tpu.vector_store_idx %arg20[%parallel_loop3A_499, %parallel_loop3A_453], %parallel_loop3A_494 {add = true} : memref<16x5248xf32, #tpu.memory_space<vmem>>[vector<16xi32>, vector<16xi32>], vector<16xf32>,
        %parallel_loop3A_500 = arith.constant 5 : i32
        %parallel_loop3A_501 = vector.broadcast %parallel_loop3A_500 : i32 to vector<16xi32>
        tpu.vector_store_idx %arg20[%parallel_loop3A_501, %parallel_loop3A_453], %parallel_loop3A_497 {add = true} : memref<16x5248xf32, #tpu.memory_space<vmem>>[vector<16xi32>, vector<16xi32>], vector<16xf32>,
        %parallel_loop3A_502 = arith.constant 6 : i32
        %parallel_loop3A_503 = vector.broadcast %parallel_loop3A_502 : i32 to vector<16xi32>
        %parallel_loop3A_504 = tpu.vector_load_idx %arg19[%parallel_loop3A_429, %parallel_loop3A_503] : memref<640x16xf32, #tpu.memory_space<vmem>>[vector<16xi32>, vector<16xi32>], vector<16xf32>,
        %parallel_loop3A_505 = arith.constant 7 : i32
        %parallel_loop3A_506 = vector.broadcast %parallel_loop3A_505 : i32 to vector<16xi32>
        %parallel_loop3A_507 = tpu.vector_load_idx %arg19[%parallel_loop3A_429, %parallel_loop3A_506] : memref<640x16xf32, #tpu.memory_space<vmem>>[vector<16xi32>, vector<16xi32>], vector<16xf32>,
        %parallel_loop3A_508 = arith.mulf %parallel_loop3A_437, %parallel_loop3A_504 : vector<16xf32>
        %parallel_loop3A_509 = arith.mulf %parallel_loop3A_441, %parallel_loop3A_507 : vector<16xf32>
        %parallel_loop3A_510 = arith.subf %parallel_loop3A_508, %parallel_loop3A_509 : vector<16xf32>
        %parallel_loop3A_511 = arith.mulf %parallel_loop3A_441, %parallel_loop3A_504 : vector<16xf32>
        %parallel_loop3A_512 = arith.mulf %parallel_loop3A_437, %parallel_loop3A_507 : vector<16xf32>
        %parallel_loop3A_513 = arith.addf %parallel_loop3A_511, %parallel_loop3A_512 : vector<16xf32>
        %parallel_loop3A_514 = arith.constant 6 : i32
        %parallel_loop3A_515 = vector.broadcast %parallel_loop3A_514 : i32 to vector<16xi32>
        tpu.vector_store_idx %arg20[%parallel_loop3A_515, %parallel_loop3A_453], %parallel_loop3A_510 {add = true} : memref<16x5248xf32, #tpu.memory_space<vmem>>[vector<16xi32>, vector<16xi32>], vector<16xf32>,
        %parallel_loop3A_516 = arith.constant 7 : i32
        %parallel_loop3A_517 = vector.broadcast %parallel_loop3A_516 : i32 to vector<16xi32>
        tpu.vector_store_idx %arg20[%parallel_loop3A_517, %parallel_loop3A_453], %parallel_loop3A_513 {add = true} : memref<16x5248xf32, #tpu.memory_space<vmem>>[vector<16xi32>, vector<16xi32>], vector<16xf32>,
        %parallel_loop3A_518 = arith.constant 8 : i32
        %parallel_loop3A_519 = vector.broadcast %parallel_loop3A_518 : i32 to vector<16xi32>
        %parallel_loop3A_520 = tpu.vector_load_idx %arg19[%parallel_loop3A_429, %parallel_loop3A_519] : memref<640x16xf32, #tpu.memory_space<vmem>>[vector<16xi32>, vector<16xi32>], vector<16xf32>,
        %parallel_loop3A_521 = arith.constant 9 : i32
        %parallel_loop3A_522 = vector.broadcast %parallel_loop3A_521 : i32 to vector<16xi32>
        %parallel_loop3A_523 = tpu.vector_load_idx %arg19[%parallel_loop3A_429, %parallel_loop3A_522] : memref<640x16xf32, #tpu.memory_space<vmem>>[vector<16xi32>, vector<16xi32>], vector<16xf32>,
        %parallel_loop3A_524 = arith.mulf %parallel_loop3A_437, %parallel_loop3A_520 : vector<16xf32>
        %parallel_loop3A_525 = arith.mulf %parallel_loop3A_441, %parallel_loop3A_523 : vector<16xf32>
        %parallel_loop3A_526 = arith.subf %parallel_loop3A_524, %parallel_loop3A_525 : vector<16xf32>
        %parallel_loop3A_527 = arith.mulf %parallel_loop3A_441, %parallel_loop3A_520 : vector<16xf32>
        %parallel_loop3A_528 = arith.mulf %parallel_loop3A_437, %parallel_loop3A_523 : vector<16xf32>
        %parallel_loop3A_529 = arith.addf %parallel_loop3A_527, %parallel_loop3A_528 : vector<16xf32>
        %parallel_loop3A_530 = arith.constant 8 : i32
        %parallel_loop3A_531 = vector.broadcast %parallel_loop3A_530 : i32 to vector<16xi32>
        tpu.vector_store_idx %arg20[%parallel_loop3A_531, %parallel_loop3A_453], %parallel_loop3A_526 {add = true} : memref<16x5248xf32, #tpu.memory_space<vmem>>[vector<16xi32>, vector<16xi32>], vector<16xf32>,
        %parallel_loop3A_532 = arith.constant 9 : i32
        %parallel_loop3A_533 = vector.broadcast %parallel_loop3A_532 : i32 to vector<16xi32>
        tpu.vector_store_idx %arg20[%parallel_loop3A_533, %parallel_loop3A_453], %parallel_loop3A_529 {add = true} : memref<16x5248xf32, #tpu.memory_space<vmem>>[vector<16xi32>, vector<16xi32>], vector<16xf32>,
        %parallel_loop3A_534 = arith.constant 10 : i32
        %parallel_loop3A_535 = vector.broadcast %parallel_loop3A_534 : i32 to vector<16xi32>
        %parallel_loop3A_536 = tpu.vector_load_idx %arg19[%parallel_loop3A_429, %parallel_loop3A_535] : memref<640x16xf32, #tpu.memory_space<vmem>>[vector<16xi32>, vector<16xi32>], vector<16xf32>,
        %parallel_loop3A_537 = arith.constant 11 : i32
        %parallel_loop3A_538 = vector.broadcast %parallel_loop3A_537 : i32 to vector<16xi32>
        %parallel_loop3A_539 = tpu.vector_load_idx %arg19[%parallel_loop3A_429, %parallel_loop3A_538] : memref<640x16xf32, #tpu.memory_space<vmem>>[vector<16xi32>, vector<16xi32>], vector<16xf32>,
        %parallel_loop3A_540 = arith.mulf %parallel_loop3A_437, %parallel_loop3A_536 : vector<16xf32>
        %parallel_loop3A_541 = arith.mulf %parallel_loop3A_441, %parallel_loop3A_539 : vector<16xf32>
        %parallel_loop3A_542 = arith.subf %parallel_loop3A_540, %parallel_loop3A_541 : vector<16xf32>
        %parallel_loop3A_543 = arith.mulf %parallel_loop3A_441, %parallel_loop3A_536 : vector<16xf32>
        %parallel_loop3A_544 = arith.mulf %parallel_loop3A_437, %parallel_loop3A_539 : vector<16xf32>
        %parallel_loop3A_545 = arith.addf %parallel_loop3A_543, %parallel_loop3A_544 : vector<16xf32>
        %parallel_loop3A_546 = arith.constant 10 : i32
        %parallel_loop3A_547 = vector.broadcast %parallel_loop3A_546 : i32 to vector<16xi32>
        tpu.vector_store_idx %arg20[%parallel_loop3A_547, %parallel_loop3A_453], %parallel_loop3A_542 {add = true} : memref<16x5248xf32, #tpu.memory_space<vmem>>[vector<16xi32>, vector<16xi32>], vector<16xf32>,
        %parallel_loop3A_548 = arith.constant 11 : i32
        %parallel_loop3A_549 = vector.broadcast %parallel_loop3A_548 : i32 to vector<16xi32>
        tpu.vector_store_idx %arg20[%parallel_loop3A_549, %parallel_loop3A_453], %parallel_loop3A_545 {add = true} : memref<16x5248xf32, #tpu.memory_space<vmem>>[vector<16xi32>, vector<16xi32>], vector<16xf32>,
        %parallel_loop3A_550 = arith.constant 12 : i32
        %parallel_loop3A_551 = vector.broadcast %parallel_loop3A_550 : i32 to vector<16xi32>
        %parallel_loop3A_552 = tpu.vector_load_idx %arg19[%parallel_loop3A_429, %parallel_loop3A_551] : memref<640x16xf32, #tpu.memory_space<vmem>>[vector<16xi32>, vector<16xi32>], vector<16xf32>,
        %parallel_loop3A_553 = arith.constant 13 : i32
        %parallel_loop3A_554 = vector.broadcast %parallel_loop3A_553 : i32 to vector<16xi32>
        %parallel_loop3A_555 = tpu.vector_load_idx %arg19[%parallel_loop3A_429, %parallel_loop3A_554] : memref<640x16xf32, #tpu.memory_space<vmem>>[vector<16xi32>, vector<16xi32>], vector<16xf32>,
        %parallel_loop3A_556 = arith.mulf %parallel_loop3A_437, %parallel_loop3A_552 : vector<16xf32>
        %parallel_loop3A_557 = arith.mulf %parallel_loop3A_441, %parallel_loop3A_555 : vector<16xf32>
        %parallel_loop3A_558 = arith.subf %parallel_loop3A_556, %parallel_loop3A_557 : vector<16xf32>
        %parallel_loop3A_559 = arith.mulf %parallel_loop3A_441, %parallel_loop3A_552 : vector<16xf32>
        %parallel_loop3A_560 = arith.mulf %parallel_loop3A_437, %parallel_loop3A_555 : vector<16xf32>
        %parallel_loop3A_561 = arith.addf %parallel_loop3A_559, %parallel_loop3A_560 : vector<16xf32>
        %parallel_loop3A_562 = arith.constant 12 : i32
        %parallel_loop3A_563 = vector.broadcast %parallel_loop3A_562 : i32 to vector<16xi32>
        tpu.vector_store_idx %arg20[%parallel_loop3A_563, %parallel_loop3A_453], %parallel_loop3A_558 {add = true} : memref<16x5248xf32, #tpu.memory_space<vmem>>[vector<16xi32>, vector<16xi32>], vector<16xf32>,
        %parallel_loop3A_564 = arith.constant 13 : i32
        %parallel_loop3A_565 = vector.broadcast %parallel_loop3A_564 : i32 to vector<16xi32>
        tpu.vector_store_idx %arg20[%parallel_loop3A_565, %parallel_loop3A_453], %parallel_loop3A_561 {add = true} : memref<16x5248xf32, #tpu.memory_space<vmem>>[vector<16xi32>, vector<16xi32>], vector<16xf32>,
        %parallel_loop3A_566 = arith.constant 14 : i32
        %parallel_loop3A_567 = vector.broadcast %parallel_loop3A_566 : i32 to vector<16xi32>
        %parallel_loop3A_568 = tpu.vector_load_idx %arg19[%parallel_loop3A_429, %parallel_loop3A_567] : memref<640x16xf32, #tpu.memory_space<vmem>>[vector<16xi32>, vector<16xi32>], vector<16xf32>,
        %parallel_loop3A_569 = arith.constant 15 : i32
        %parallel_loop3A_570 = vector.broadcast %parallel_loop3A_569 : i32 to vector<16xi32>
        %parallel_loop3A_571 = tpu.vector_load_idx %arg19[%parallel_loop3A_429, %parallel_loop3A_570] : memref<640x16xf32, #tpu.memory_space<vmem>>[vector<16xi32>, vector<16xi32>], vector<16xf32>,
        %parallel_loop3A_572 = arith.mulf %parallel_loop3A_437, %parallel_loop3A_568 : vector<16xf32>
        %parallel_loop3A_573 = arith.mulf %parallel_loop3A_441, %parallel_loop3A_571 : vector<16xf32>
        %parallel_loop3A_574 = arith.subf %parallel_loop3A_572, %parallel_loop3A_573 : vector<16xf32>
        %parallel_loop3A_575 = arith.mulf %parallel_loop3A_441, %parallel_loop3A_568 : vector<16xf32>
        %parallel_loop3A_576 = arith.mulf %parallel_loop3A_437, %parallel_loop3A_571 : vector<16xf32>
        %parallel_loop3A_577 = arith.addf %parallel_loop3A_575, %parallel_loop3A_576 : vector<16xf32>
        %parallel_loop3A_578 = arith.constant 14 : i32
        %parallel_loop3A_579 = vector.broadcast %parallel_loop3A_578 : i32 to vector<16xi32>
        tpu.vector_store_idx %arg20[%parallel_loop3A_579, %parallel_loop3A_453], %parallel_loop3A_574 {add = true} : memref<16x5248xf32, #tpu.memory_space<vmem>>[vector<16xi32>, vector<16xi32>], vector<16xf32>,
        %parallel_loop3A_580 = arith.constant 15 : i32
        %parallel_loop3A_581 = vector.broadcast %parallel_loop3A_580 : i32 to vector<16xi32>
        tpu.vector_store_idx %arg20[%parallel_loop3A_581, %parallel_loop3A_453], %parallel_loop3A_577 {add = true} : memref<16x5248xf32, #tpu.memory_space<vmem>>[vector<16xi32>, vector<16xi32>], vector<16xf32>,
      } {sc.loop_unroll_factor = 2 : i64, sc.parallel_access}
      %add3A_411 = arith.constant 3 : i32
      %add3A_412 = arith.addi %mul3A_261, %add3A_411 : i32
      %lt3A_413 = arith.constant 500 : i32
      %lt3A_414 = arith.cmpi slt, %add3A_412, %lt3A_413 : i32
      %convert_element_type3A_415 = arith.extui %lt3A_414 : i1 to i32
      %cond3A_416 = arith.constant 0 : i32
      %cond3A_417 = arith.cmpi ne, %convert_element_type3A_415, %cond3A_416 : i32
      scf.if %cond3A_417 {
        %add3A_425 = arith.constant 3 : i32
        %add3A_426 = arith.addi %mul3A_261, %add3A_425 : i32
        %mul3A_427 = arith.constant 640 : i32
        %mul3A_428 = arith.muli %add3A_426, %mul3A_427 : i32
        %dma_start3A_429 = tpu.memref_slice %arg3[%mul3A_428] : memref<320000xi32, #tpu.memory_space<hbm>> -> memref<640xi32, #tpu.memory_space<hbm>>
        %dma_start3A_430 = tpu.memref_slice %arg3[%mul3A_428] : memref<320000xi32, #tpu.memory_space<hbm>> -> memref<640xi32, #tpu.memory_space<hbm>>
        tpu.enqueue_dma source(%dma_start3A_430 : memref<640xi32, #tpu.memory_space<hbm>>) target(%arg9 : memref<640xi32, #tpu.memory_space<vmem>>) target_semaphore(%arg22 : memref<!tpu.dma_semaphore, #tpu.memory_space<semaphore_mem>>)
        %dma_start3A_431 = tpu.memref_slice %arg4[%mul3A_428] : memref<320000xi32, #tpu.memory_space<hbm>> -> memref<640xi32, #tpu.memory_space<hbm>>
        %dma_start3A_432 = tpu.memref_slice %arg4[%mul3A_428] : memref<320000xi32, #tpu.memory_space<hbm>> -> memref<640xi32, #tpu.memory_space<hbm>>
        tpu.enqueue_dma source(%dma_start3A_432 : memref<640xi32, #tpu.memory_space<hbm>>) target(%arg11 : memref<640xi32, #tpu.memory_space<vmem>>) target_semaphore(%arg22 : memref<!tpu.dma_semaphore, #tpu.memory_space<semaphore_mem>>)
        %dma_start3A_433 = tpu.memref_slice %arg5[%mul3A_428] : memref<320000xf32, #tpu.memory_space<hbm>> -> memref<640xf32, #tpu.memory_space<hbm>>
        %dma_start3A_434 = tpu.memref_slice %arg5[%mul3A_428] : memref<320000xf32, #tpu.memory_space<hbm>> -> memref<640xf32, #tpu.memory_space<hbm>>
        tpu.enqueue_dma source(%dma_start3A_434 : memref<640xf32, #tpu.memory_space<hbm>>) target(%arg13 : memref<640xf32, #tpu.memory_space<vmem>>) target_semaphore(%arg22 : memref<!tpu.dma_semaphore, #tpu.memory_space<semaphore_mem>>)
        %dma_start3A_435 = tpu.memref_slice %arg6[%mul3A_428] : memref<320000xf32, #tpu.memory_space<hbm>> -> memref<640xf32, #tpu.memory_space<hbm>>
        %dma_start3A_436 = tpu.memref_slice %arg6[%mul3A_428] : memref<320000xf32, #tpu.memory_space<hbm>> -> memref<640xf32, #tpu.memory_space<hbm>>
        tpu.enqueue_dma source(%dma_start3A_436 : memref<640xf32, #tpu.memory_space<hbm>>) target(%arg15 : memref<640xf32, #tpu.memory_space<vmem>>) target_semaphore(%arg22 : memref<!tpu.dma_semaphore, #tpu.memory_space<semaphore_mem>>)
      } else {
      }
      %add3A_418 = arith.constant 2 : i32
      %add3A_419 = arith.addi %mul3A_261, %add3A_418 : i32
      %lt3A_420 = arith.constant 500 : i32
      %lt3A_421 = arith.cmpi slt, %add3A_419, %lt3A_420 : i32
      %convert_element_type3A_422 = arith.extui %lt3A_421 : i1 to i32
      %cond3A_423 = arith.constant 0 : i32
      %cond3A_424 = arith.cmpi ne, %convert_element_type3A_422, %cond3A_423 : i32
      scf.if %cond3A_424 {
        %dma_wait3A_425 = arith.constant 0 : i32
        %dma_wait3A_426 = tpu.memref_slice %arg3[%dma_wait3A_425] : memref<320000xi32, #tpu.memory_space<hbm>> -> memref<640xi32, #tpu.memory_space<hbm>>
        %dma_wait3A_427 = arith.constant 0 : i32
        %dma_wait3A_428 = tpu.memref_slice %arg3[%dma_wait3A_427] : memref<320000xi32, #tpu.memory_space<hbm>> -> memref<640xi32, #tpu.memory_space<hbm>>
        tpu.wait_dma2 semaphore(%arg21 : memref<!tpu.dma_semaphore, #tpu.memory_space<semaphore_mem>>) src(%dma_wait3A_428 : memref<640xi32, #tpu.memory_space<hbm>>) dst(%arg8 : memref<640xi32, #tpu.memory_space<vmem>>)
        %dma_wait3A_429 = arith.constant 0 : i32
        %dma_wait3A_430 = tpu.memref_slice %arg4[%dma_wait3A_429] : memref<320000xi32, #tpu.memory_space<hbm>> -> memref<640xi32, #tpu.memory_space<hbm>>
        %dma_wait3A_431 = arith.constant 0 : i32
        %dma_wait3A_432 = tpu.memref_slice %arg4[%dma_wait3A_431] : memref<320000xi32, #tpu.memory_space<hbm>> -> memref<640xi32, #tpu.memory_space<hbm>>
        tpu.wait_dma2 semaphore(%arg21 : memref<!tpu.dma_semaphore, #tpu.memory_space<semaphore_mem>>) src(%dma_wait3A_432 : memref<640xi32, #tpu.memory_space<hbm>>) dst(%arg10 : memref<640xi32, #tpu.memory_space<vmem>>)
        %dma_wait3A_433 = arith.constant 0 : i32
        %dma_wait3A_434 = tpu.memref_slice %arg5[%dma_wait3A_433] : memref<320000xf32, #tpu.memory_space<hbm>> -> memref<640xf32, #tpu.memory_space<hbm>>
        %dma_wait3A_435 = arith.constant 0 : i32
        %dma_wait3A_436 = tpu.memref_slice %arg5[%dma_wait3A_435] : memref<320000xf32, #tpu.memory_space<hbm>> -> memref<640xf32, #tpu.memory_space<hbm>>
        tpu.wait_dma2 semaphore(%arg21 : memref<!tpu.dma_semaphore, #tpu.memory_space<semaphore_mem>>) src(%dma_wait3A_436 : memref<640xf32, #tpu.memory_space<hbm>>) dst(%arg12 : memref<640xf32, #tpu.memory_space<vmem>>)
        %dma_wait3A_437 = arith.constant 0 : i32
        %dma_wait3A_438 = tpu.memref_slice %arg6[%dma_wait3A_437] : memref<320000xf32, #tpu.memory_space<hbm>> -> memref<640xf32, #tpu.memory_space<hbm>>
        %dma_wait3A_439 = arith.constant 0 : i32
        %dma_wait3A_440 = tpu.memref_slice %arg6[%dma_wait3A_439] : memref<320000xf32, #tpu.memory_space<hbm>> -> memref<640xf32, #tpu.memory_space<hbm>>
        tpu.wait_dma2 semaphore(%arg21 : memref<!tpu.dma_semaphore, #tpu.memory_space<semaphore_mem>>) src(%dma_wait3A_440 : memref<640xf32, #tpu.memory_space<hbm>>) dst(%arg14 : memref<640xf32, #tpu.memory_space<vmem>>)
        %parallel_loop3A_441 = arith.constant 0 : i32
        %parallel_loop3A_442 = arith.constant 40 : i32
        %parallel_loop3A_443 = arith.constant 1 : i32
        scf.for %parallel_loop3A_484 = %parallel_loop3A_441 to %parallel_loop3A_442 step %parallel_loop3A_443  : i32 {
          %parallel_loop3A_485 = arith.constant 16 : i32
          %parallel_loop3A_486 = arith.muli %parallel_loop3A_484, %parallel_loop3A_485 : i32
          %parallel_loop3A_487 = arith.index_cast %parallel_loop3A_486 : i32 to index
          %parallel_loop3A_488 = tpu.vector_load %arg10[%parallel_loop3A_487] {strides = array<i32>} : memref<640xi32, #tpu.memory_space<vmem>>, vector<16xi32>,
          %parallel_loop3A_489 = arith.constant 16 : i32
          %parallel_loop3A_490 = vector.broadcast %parallel_loop3A_489 : i32 to vector<16xi32>
          %parallel_loop3A_491 = arith.muli %parallel_loop3A_488, %parallel_loop3A_490 : vector<16xi32>
          %parallel_loop3A_492 = vector.broadcast %arg1 : i32 to vector<16xi32>
          %parallel_loop3A_493 = arith.addi %parallel_loop3A_491, %parallel_loop3A_492 : vector<16xi32>
          %parallel_loop3A_494 = arith.constant 16 : i32
          %parallel_loop3A_495 = arith.muli %parallel_loop3A_484, %parallel_loop3A_494 : i32
          %parallel_loop3A_496 = arith.index_cast %parallel_loop3A_495 : i32 to index
          %parallel_loop3A_497 = tpu.vector_load %arg16[%parallel_loop3A_496] {strides = array<i32>} : memref<640xi32, #tpu.memory_space<vmem>>, vector<16xi32>,
          tpu.vector_store %arg16[%parallel_loop3A_496], %parallel_loop3A_493 {strides = array<i32>} : memref<640xi32, #tpu.memory_space<vmem>>, vector<16xi32>,
        } {sc.loop_unroll_factor = 2 : i64, sc.parallel_access}
        %dma_start3A_444 = arith.constant 0 : i32
        %dma_start3A_445 = arith.constant 0 : i32
        %dma_start3A_446 = tpu.memref_slice %arg18[%dma_start3A_444, %dma_start3A_445] : memref<640x16xf32, #tpu.memory_space<vmem>> -> memref<128x16xf32, #tpu.memory_space<vmem>>
        %dma_start3A_447 = arith.constant 0 : i32
        %dma_start3A_448 = tpu.memref_slice %arg16[%dma_start3A_447] : memref<640xi32, #tpu.memory_space<vmem>> -> memref<128xi32, #tpu.memory_space<vmem>>
        %dma_start3A_449 = arith.constant 0 : i32
        %dma_start3A_450 = arith.constant 0 : i32
        %dma_start3A_451 = tpu.memref_slice %arg2[%dma_start3A_449, %dma_start3A_450] : memref<160000x16xf32, #tpu.memory_space<hbm>> -> memref<160000x16xf32, #tpu.memory_space<hbm>>
        tpu.enqueue_indirect_dma source(%dma_start3A_451 : memref<160000x16xf32, #tpu.memory_space<hbm>>) target(%dma_start3A_446 : memref<128x16xf32, #tpu.memory_space<vmem>>) offsets(%dma_start3A_448 : memref<128xi32, #tpu.memory_space<vmem>>) semaphore(%arg23 : memref<!tpu.dma_semaphore, #tpu.memory_space<semaphore_mem>>)
        %dma_start3A_452 = arith.constant 128 : i32
        %dma_start3A_453 = arith.constant 0 : i32
        %dma_start3A_454 = tpu.memref_slice %arg18[%dma_start3A_452, %dma_start3A_453] : memref<640x16xf32, #tpu.memory_space<vmem>> -> memref<128x16xf32, #tpu.memory_space<vmem>>
        %dma_start3A_455 = arith.constant 128 : i32
        %dma_start3A_456 = tpu.memref_slice %arg16[%dma_start3A_455] : memref<640xi32, #tpu.memory_space<vmem>> -> memref<128xi32, #tpu.memory_space<vmem>>
        %dma_start3A_457 = arith.constant 0 : i32
        %dma_start3A_458 = arith.constant 0 : i32
        %dma_start3A_459 = tpu.memref_slice %arg2[%dma_start3A_457, %dma_start3A_458] : memref<160000x16xf32, #tpu.memory_space<hbm>> -> memref<160000x16xf32, #tpu.memory_space<hbm>>
        tpu.enqueue_indirect_dma source(%dma_start3A_459 : memref<160000x16xf32, #tpu.memory_space<hbm>>) target(%dma_start3A_454 : memref<128x16xf32, #tpu.memory_space<vmem>>) offsets(%dma_start3A_456 : memref<128xi32, #tpu.memory_space<vmem>>) semaphore(%arg23 : memref<!tpu.dma_semaphore, #tpu.memory_space<semaphore_mem>>)
        %dma_start3A_460 = arith.constant 256 : i32
        %dma_start3A_461 = arith.constant 0 : i32
        %dma_start3A_462 = tpu.memref_slice %arg18[%dma_start3A_460, %dma_start3A_461] : memref<640x16xf32, #tpu.memory_space<vmem>> -> memref<128x16xf32, #tpu.memory_space<vmem>>
        %dma_start3A_463 = arith.constant 256 : i32
        %dma_start3A_464 = tpu.memref_slice %arg16[%dma_start3A_463] : memref<640xi32, #tpu.memory_space<vmem>> -> memref<128xi32, #tpu.memory_space<vmem>>
        %dma_start3A_465 = arith.constant 0 : i32
        %dma_start3A_466 = arith.constant 0 : i32
        %dma_start3A_467 = tpu.memref_slice %arg2[%dma_start3A_465, %dma_start3A_466] : memref<160000x16xf32, #tpu.memory_space<hbm>> -> memref<160000x16xf32, #tpu.memory_space<hbm>>
        tpu.enqueue_indirect_dma source(%dma_start3A_467 : memref<160000x16xf32, #tpu.memory_space<hbm>>) target(%dma_start3A_462 : memref<128x16xf32, #tpu.memory_space<vmem>>) offsets(%dma_start3A_464 : memref<128xi32, #tpu.memory_space<vmem>>) semaphore(%arg23 : memref<!tpu.dma_semaphore, #tpu.memory_space<semaphore_mem>>)
        %dma_start3A_468 = arith.constant 384 : i32
        %dma_start3A_469 = arith.constant 0 : i32
        %dma_start3A_470 = tpu.memref_slice %arg18[%dma_start3A_468, %dma_start3A_469] : memref<640x16xf32, #tpu.memory_space<vmem>> -> memref<128x16xf32, #tpu.memory_space<vmem>>
        %dma_start3A_471 = arith.constant 384 : i32
        %dma_start3A_472 = tpu.memref_slice %arg16[%dma_start3A_471] : memref<640xi32, #tpu.memory_space<vmem>> -> memref<128xi32, #tpu.memory_space<vmem>>
        %dma_start3A_473 = arith.constant 0 : i32
        %dma_start3A_474 = arith.constant 0 : i32
        %dma_start3A_475 = tpu.memref_slice %arg2[%dma_start3A_473, %dma_start3A_474] : memref<160000x16xf32, #tpu.memory_space<hbm>> -> memref<160000x16xf32, #tpu.memory_space<hbm>>
        tpu.enqueue_indirect_dma source(%dma_start3A_475 : memref<160000x16xf32, #tpu.memory_space<hbm>>) target(%dma_start3A_470 : memref<128x16xf32, #tpu.memory_space<vmem>>) offsets(%dma_start3A_472 : memref<128xi32, #tpu.memory_space<vmem>>) semaphore(%arg23 : memref<!tpu.dma_semaphore, #tpu.memory_space<semaphore_mem>>)
        %dma_start3A_476 = arith.constant 512 : i32
        %dma_start3A_477 = arith.constant 0 : i32
        %dma_start3A_478 = tpu.memref_slice %arg18[%dma_start3A_476, %dma_start3A_477] : memref<640x16xf32, #tpu.memory_space<vmem>> -> memref<128x16xf32, #tpu.memory_space<vmem>>
        %dma_start3A_479 = arith.constant 512 : i32
        %dma_start3A_480 = tpu.memref_slice %arg16[%dma_start3A_479] : memref<640xi32, #tpu.memory_space<vmem>> -> memref<128xi32, #tpu.memory_space<vmem>>
        %dma_start3A_481 = arith.constant 0 : i32
        %dma_start3A_482 = arith.constant 0 : i32
        %dma_start3A_483 = tpu.memref_slice %arg2[%dma_start3A_481, %dma_start3A_482] : memref<160000x16xf32, #tpu.memory_space<hbm>> -> memref<160000x16xf32, #tpu.memory_space<hbm>>
        tpu.enqueue_indirect_dma source(%dma_start3A_483 : memref<160000x16xf32, #tpu.memory_space<hbm>>) target(%dma_start3A_478 : memref<128x16xf32, #tpu.memory_space<vmem>>) offsets(%dma_start3A_480 : memref<128xi32, #tpu.memory_space<vmem>>) semaphore(%arg23 : memref<!tpu.dma_semaphore, #tpu.memory_space<semaphore_mem>>)
      } else {
      }
    }
    %scan3A_100 = arith.constant 250 : i32
    %mul3A_101 = arith.constant 256 : i32
    %mul3A_102 = arith.muli %arg0, %mul3A_101 : i32
    %mul3A_103 = arith.constant 16 : i32
    %mul3A_104 = arith.muli %mul3A_103, %arg1 : i32
    %add3A = arith.addi %mul3A_102, %mul3A_104 : i32
    %add3A_105 = arith.constant 0 : i32
    %add3A_106 = arith.addi %add3A, %add3A_105 : i32
    %mul3A_107 = arith.constant 5248 : i32
    %mul3A_108 = arith.muli %add3A_106, %mul3A_107 : i32
    %run_scoped3A = arith.constant 0 : i32
    "tpu.region"() ({
      %run_scoped3A_259 = tpu.sem_alloc : memref<!tpu.dma_semaphore, #tpu.memory_space<semaphore_mem>>
      %dma_start3A_260 = arith.constant 0 : i32
      %dma_start3A_261 = tpu.memref_slice %arg20[%run_scoped3A, %dma_start3A_260] : memref<16x5248xf32, #tpu.memory_space<vmem>> -> memref<1x5248xf32, #tpu.memory_space<vmem>>
      %dma_start3A_262 = tpu.memref_squeeze %dma_start3A_261 : memref<1x5248xf32, #tpu.memory_space<vmem>> -> memref<5248xf32, #tpu.memory_space<vmem>>
      %dma_start3A_263 = tpu.memref_slice %arg7[%mul3A_108] : memref<2686976xf32, #tpu.memory_space<hbm>> -> memref<5248xf32, #tpu.memory_space<hbm>>
      %dma_start3A_264 = tpu.memref_slice %arg7[%mul3A_108] : memref<2686976xf32, #tpu.memory_space<hbm>> -> memref<5248xf32, #tpu.memory_space<hbm>>
      %dma_start3A_265 = arith.constant 0 : i32
      %dma_start3A_266 = tpu.memref_slice %arg20[%run_scoped3A, %dma_start3A_265] : memref<16x5248xf32, #tpu.memory_space<vmem>> -> memref<1x5248xf32, #tpu.memory_space<vmem>>
      %dma_start3A_267 = tpu.memref_squeeze %dma_start3A_266 : memref<1x5248xf32, #tpu.memory_space<vmem>> -> memref<5248xf32, #tpu.memory_space<vmem>>
      tpu.enqueue_dma source(%dma_start3A_267 : memref<5248xf32, #tpu.memory_space<vmem>>) target(%dma_start3A_264 : memref<5248xf32, #tpu.memory_space<hbm>>) target_semaphore(%run_scoped3A_259 : memref<!tpu.dma_semaphore, #tpu.memory_space<semaphore_mem>>)
      %dma_wait3A_268 = arith.constant 0 : i32
      %dma_wait3A_269 = tpu.memref_slice %arg20[%run_scoped3A, %dma_wait3A_268] : memref<16x5248xf32, #tpu.memory_space<vmem>> -> memref<1x5248xf32, #tpu.memory_space<vmem>>
      %dma_wait3A_270 = tpu.memref_squeeze %dma_wait3A_269 : memref<1x5248xf32, #tpu.memory_space<vmem>> -> memref<5248xf32, #tpu.memory_space<vmem>>
      %dma_wait3A_271 = tpu.memref_slice %arg7[%mul3A_108] : memref<2686976xf32, #tpu.memory_space<hbm>> -> memref<5248xf32, #tpu.memory_space<hbm>>
      %dma_wait3A_272 = tpu.memref_slice %arg7[%mul3A_108] : memref<2686976xf32, #tpu.memory_space<hbm>> -> memref<5248xf32, #tpu.memory_space<hbm>>
      %dma_wait3A_273 = arith.constant 0 : i32
      %dma_wait3A_274 = tpu.memref_slice %arg20[%run_scoped3A, %dma_wait3A_273] : memref<16x5248xf32, #tpu.memory_space<vmem>> -> memref<1x5248xf32, #tpu.memory_space<vmem>>
      %dma_wait3A_275 = tpu.memref_squeeze %dma_wait3A_274 : memref<1x5248xf32, #tpu.memory_space<vmem>> -> memref<5248xf32, #tpu.memory_space<vmem>>
      tpu.wait_dma2 semaphore(%run_scoped3A_259 : memref<!tpu.dma_semaphore, #tpu.memory_space<semaphore_mem>>) src(%dma_wait3A_275 : memref<5248xf32, #tpu.memory_space<vmem>>) dst(%dma_wait3A_272 : memref<5248xf32, #tpu.memory_space<hbm>>)
      tpu.yield
    }) : () -> ()
    %mul3A_109 = arith.constant 256 : i32
    %mul3A_110 = arith.muli %arg0, %mul3A_109 : i32
    %mul3A_111 = arith.constant 16 : i32
    %mul3A_112 = arith.muli %mul3A_111, %arg1 : i32
    %add3A_113 = arith.addi %mul3A_110, %mul3A_112 : i32
    %add3A_114 = arith.constant 1 : i32
    %add3A_115 = arith.addi %add3A_113, %add3A_114 : i32
    %mul3A_116 = arith.constant 5248 : i32
    %mul3A_117 = arith.muli %add3A_115, %mul3A_116 : i32
    %run_scoped3A_118 = arith.constant 1 : i32
    "tpu.region"() ({
      %run_scoped3A_259 = tpu.sem_alloc : memref<!tpu.dma_semaphore, #tpu.memory_space<semaphore_mem>>
      %dma_start3A_260 = arith.constant 0 : i32
      %dma_start3A_261 = tpu.memref_slice %arg20[%run_scoped3A_118, %dma_start3A_260] : memref<16x5248xf32, #tpu.memory_space<vmem>> -> memref<1x5248xf32, #tpu.memory_space<vmem>>
      %dma_start3A_262 = tpu.memref_squeeze %dma_start3A_261 : memref<1x5248xf32, #tpu.memory_space<vmem>> -> memref<5248xf32, #tpu.memory_space<vmem>>
      %dma_start3A_263 = tpu.memref_slice %arg7[%mul3A_117] : memref<2686976xf32, #tpu.memory_space<hbm>> -> memref<5248xf32, #tpu.memory_space<hbm>>
      %dma_start3A_264 = tpu.memref_slice %arg7[%mul3A_117] : memref<2686976xf32, #tpu.memory_space<hbm>> -> memref<5248xf32, #tpu.memory_space<hbm>>
      %dma_start3A_265 = arith.constant 0 : i32
      %dma_start3A_266 = tpu.memref_slice %arg20[%run_scoped3A_118, %dma_start3A_265] : memref<16x5248xf32, #tpu.memory_space<vmem>> -> memref<1x5248xf32, #tpu.memory_space<vmem>>
      %dma_start3A_267 = tpu.memref_squeeze %dma_start3A_266 : memref<1x5248xf32, #tpu.memory_space<vmem>> -> memref<5248xf32, #tpu.memory_space<vmem>>
      tpu.enqueue_dma source(%dma_start3A_267 : memref<5248xf32, #tpu.memory_space<vmem>>) target(%dma_start3A_264 : memref<5248xf32, #tpu.memory_space<hbm>>) target_semaphore(%run_scoped3A_259 : memref<!tpu.dma_semaphore, #tpu.memory_space<semaphore_mem>>)
      %dma_wait3A_268 = arith.constant 0 : i32
      %dma_wait3A_269 = tpu.memref_slice %arg20[%run_scoped3A_118, %dma_wait3A_268] : memref<16x5248xf32, #tpu.memory_space<vmem>> -> memref<1x5248xf32, #tpu.memory_space<vmem>>
      %dma_wait3A_270 = tpu.memref_squeeze %dma_wait3A_269 : memref<1x5248xf32, #tpu.memory_space<vmem>> -> memref<5248xf32, #tpu.memory_space<vmem>>
      %dma_wait3A_271 = tpu.memref_slice %arg7[%mul3A_117] : memref<2686976xf32, #tpu.memory_space<hbm>> -> memref<5248xf32, #tpu.memory_space<hbm>>
      %dma_wait3A_272 = tpu.memref_slice %arg7[%mul3A_117] : memref<2686976xf32, #tpu.memory_space<hbm>> -> memref<5248xf32, #tpu.memory_space<hbm>>
      %dma_wait3A_273 = arith.constant 0 : i32
      %dma_wait3A_274 = tpu.memref_slice %arg20[%run_scoped3A_118, %dma_wait3A_273] : memref<16x5248xf32, #tpu.memory_space<vmem>> -> memref<1x5248xf32, #tpu.memory_space<vmem>>
      %dma_wait3A_275 = tpu.memref_squeeze %dma_wait3A_274 : memref<1x5248xf32, #tpu.memory_space<vmem>> -> memref<5248xf32, #tpu.memory_space<vmem>>
      tpu.wait_dma2 semaphore(%run_scoped3A_259 : memref<!tpu.dma_semaphore, #tpu.memory_space<semaphore_mem>>) src(%dma_wait3A_275 : memref<5248xf32, #tpu.memory_space<vmem>>) dst(%dma_wait3A_272 : memref<5248xf32, #tpu.memory_space<hbm>>)
      tpu.yield
    }) : () -> ()
    %mul3A_119 = arith.constant 256 : i32
    %mul3A_120 = arith.muli %arg0, %mul3A_119 : i32
    %mul3A_121 = arith.constant 16 : i32
    %mul3A_122 = arith.muli %mul3A_121, %arg1 : i32
    %add3A_123 = arith.addi %mul3A_120, %mul3A_122 : i32
    %add3A_124 = arith.constant 2 : i32
    %add3A_125 = arith.addi %add3A_123, %add3A_124 : i32
    %mul3A_126 = arith.constant 5248 : i32
    %mul3A_127 = arith.muli %add3A_125, %mul3A_126 : i32
    %run_scoped3A_128 = arith.constant 2 : i32
    "tpu.region"() ({
      %run_scoped3A_259 = tpu.sem_alloc : memref<!tpu.dma_semaphore, #tpu.memory_space<semaphore_mem>>
      %dma_start3A_260 = arith.constant 0 : i32
      %dma_start3A_261 = tpu.memref_slice %arg20[%run_scoped3A_128, %dma_start3A_260] : memref<16x5248xf32, #tpu.memory_space<vmem>> -> memref<1x5248xf32, #tpu.memory_space<vmem>>
      %dma_start3A_262 = tpu.memref_squeeze %dma_start3A_261 : memref<1x5248xf32, #tpu.memory_space<vmem>> -> memref<5248xf32, #tpu.memory_space<vmem>>
      %dma_start3A_263 = tpu.memref_slice %arg7[%mul3A_127] : memref<2686976xf32, #tpu.memory_space<hbm>> -> memref<5248xf32, #tpu.memory_space<hbm>>
      %dma_start3A_264 = tpu.memref_slice %arg7[%mul3A_127] : memref<2686976xf32, #tpu.memory_space<hbm>> -> memref<5248xf32, #tpu.memory_space<hbm>>
      %dma_start3A_265 = arith.constant 0 : i32
      %dma_start3A_266 = tpu.memref_slice %arg20[%run_scoped3A_128, %dma_start3A_265] : memref<16x5248xf32, #tpu.memory_space<vmem>> -> memref<1x5248xf32, #tpu.memory_space<vmem>>
      %dma_start3A_267 = tpu.memref_squeeze %dma_start3A_266 : memref<1x5248xf32, #tpu.memory_space<vmem>> -> memref<5248xf32, #tpu.memory_space<vmem>>
      tpu.enqueue_dma source(%dma_start3A_267 : memref<5248xf32, #tpu.memory_space<vmem>>) target(%dma_start3A_264 : memref<5248xf32, #tpu.memory_space<hbm>>) target_semaphore(%run_scoped3A_259 : memref<!tpu.dma_semaphore, #tpu.memory_space<semaphore_mem>>)
      %dma_wait3A_268 = arith.constant 0 : i32
      %dma_wait3A_269 = tpu.memref_slice %arg20[%run_scoped3A_128, %dma_wait3A_268] : memref<16x5248xf32, #tpu.memory_space<vmem>> -> memref<1x5248xf32, #tpu.memory_space<vmem>>
      %dma_wait3A_270 = tpu.memref_squeeze %dma_wait3A_269 : memref<1x5248xf32, #tpu.memory_space<vmem>> -> memref<5248xf32, #tpu.memory_space<vmem>>
      %dma_wait3A_271 = tpu.memref_slice %arg7[%mul3A_127] : memref<2686976xf32, #tpu.memory_space<hbm>> -> memref<5248xf32, #tpu.memory_space<hbm>>
      %dma_wait3A_272 = tpu.memref_slice %arg7[%mul3A_127] : memref<2686976xf32, #tpu.memory_space<hbm>> -> memref<5248xf32, #tpu.memory_space<hbm>>
      %dma_wait3A_273 = arith.constant 0 : i32
      %dma_wait3A_274 = tpu.memref_slice %arg20[%run_scoped3A_128, %dma_wait3A_273] : memref<16x5248xf32, #tpu.memory_space<vmem>> -> memref<1x5248xf32, #tpu.memory_space<vmem>>
      %dma_wait3A_275 = tpu.memref_squeeze %dma_wait3A_274 : memref<1x5248xf32, #tpu.memory_space<vmem>> -> memref<5248xf32, #tpu.memory_space<vmem>>
      tpu.wait_dma2 semaphore(%run_scoped3A_259 : memref<!tpu.dma_semaphore, #tpu.memory_space<semaphore_mem>>) src(%dma_wait3A_275 : memref<5248xf32, #tpu.memory_space<vmem>>) dst(%dma_wait3A_272 : memref<5248xf32, #tpu.memory_space<hbm>>)
      tpu.yield
    }) : () -> ()
    %mul3A_129 = arith.constant 256 : i32
    %mul3A_130 = arith.muli %arg0, %mul3A_129 : i32
    %mul3A_131 = arith.constant 16 : i32
    %mul3A_132 = arith.muli %mul3A_131, %arg1 : i32
    %add3A_133 = arith.addi %mul3A_130, %mul3A_132 : i32
    %add3A_134 = arith.constant 3 : i32
    %add3A_135 = arith.addi %add3A_133, %add3A_134 : i32
    %mul3A_136 = arith.constant 5248 : i32
    %mul3A_137 = arith.muli %add3A_135, %mul3A_136 : i32
    %run_scoped3A_138 = arith.constant 3 : i32
    "tpu.region"() ({
      %run_scoped3A_259 = tpu.sem_alloc : memref<!tpu.dma_semaphore, #tpu.memory_space<semaphore_mem>>
      %dma_start3A_260 = arith.constant 0 : i32
      %dma_start3A_261 = tpu.memref_slice %arg20[%run_scoped3A_138, %dma_start3A_260] : memref<16x5248xf32, #tpu.memory_space<vmem>> -> memref<1x5248xf32, #tpu.memory_space<vmem>>
      %dma_start3A_262 = tpu.memref_squeeze %dma_start3A_261 : memref<1x5248xf32, #tpu.memory_space<vmem>> -> memref<5248xf32, #tpu.memory_space<vmem>>
      %dma_start3A_263 = tpu.memref_slice %arg7[%mul3A_137] : memref<2686976xf32, #tpu.memory_space<hbm>> -> memref<5248xf32, #tpu.memory_space<hbm>>
      %dma_start3A_264 = tpu.memref_slice %arg7[%mul3A_137] : memref<2686976xf32, #tpu.memory_space<hbm>> -> memref<5248xf32, #tpu.memory_space<hbm>>
      %dma_start3A_265 = arith.constant 0 : i32
      %dma_start3A_266 = tpu.memref_slice %arg20[%run_scoped3A_138, %dma_start3A_265] : memref<16x5248xf32, #tpu.memory_space<vmem>> -> memref<1x5248xf32, #tpu.memory_space<vmem>>
      %dma_start3A_267 = tpu.memref_squeeze %dma_start3A_266 : memref<1x5248xf32, #tpu.memory_space<vmem>> -> memref<5248xf32, #tpu.memory_space<vmem>>
      tpu.enqueue_dma source(%dma_start3A_267 : memref<5248xf32, #tpu.memory_space<vmem>>) target(%dma_start3A_264 : memref<5248xf32, #tpu.memory_space<hbm>>) target_semaphore(%run_scoped3A_259 : memref<!tpu.dma_semaphore, #tpu.memory_space<semaphore_mem>>)
      %dma_wait3A_268 = arith.constant 0 : i32
      %dma_wait3A_269 = tpu.memref_slice %arg20[%run_scoped3A_138, %dma_wait3A_268] : memref<16x5248xf32, #tpu.memory_space<vmem>> -> memref<1x5248xf32, #tpu.memory_space<vmem>>
      %dma_wait3A_270 = tpu.memref_squeeze %dma_wait3A_269 : memref<1x5248xf32, #tpu.memory_space<vmem>> -> memref<5248xf32, #tpu.memory_space<vmem>>
      %dma_wait3A_271 = tpu.memref_slice %arg7[%mul3A_137] : memref<2686976xf32, #tpu.memory_space<hbm>> -> memref<5248xf32, #tpu.memory_space<hbm>>
      %dma_wait3A_272 = tpu.memref_slice %arg7[%mul3A_137] : memref<2686976xf32, #tpu.memory_space<hbm>> -> memref<5248xf32, #tpu.memory_space<hbm>>
      %dma_wait3A_273 = arith.constant 0 : i32
      %dma_wait3A_274 = tpu.memref_slice %arg20[%run_scoped3A_138, %dma_wait3A_273] : memref<16x5248xf32, #tpu.memory_space<vmem>> -> memref<1x5248xf32, #tpu.memory_space<vmem>>
      %dma_wait3A_275 = tpu.memref_squeeze %dma_wait3A_274 : memref<1x5248xf32, #tpu.memory_space<vmem>> -> memref<5248xf32, #tpu.memory_space<vmem>>
      tpu.wait_dma2 semaphore(%run_scoped3A_259 : memref<!tpu.dma_semaphore, #tpu.memory_space<semaphore_mem>>) src(%dma_wait3A_275 : memref<5248xf32, #tpu.memory_space<vmem>>) dst(%dma_wait3A_272 : memref<5248xf32, #tpu.memory_space<hbm>>)
      tpu.yield
    }) : () -> ()
    %mul3A_139 = arith.constant 256 : i32
    %mul3A_140 = arith.muli %arg0, %mul3A_139 : i32
    %mul3A_141 = arith.constant 16 : i32
    %mul3A_142 = arith.muli %mul3A_141, %arg1 : i32
    %add3A_143 = arith.addi %mul3A_140, %mul3A_142 : i32
    %add3A_144 = arith.constant 4 : i32
    %add3A_145 = arith.addi %add3A_143, %add3A_144 : i32
    %mul3A_146 = arith.constant 5248 : i32
    %mul3A_147 = arith.muli %add3A_145, %mul3A_146 : i32
    %run_scoped3A_148 = arith.constant 4 : i32
    "tpu.region"() ({
      %run_scoped3A_259 = tpu.sem_alloc : memref<!tpu.dma_semaphore, #tpu.memory_space<semaphore_mem>>
      %dma_start3A_260 = arith.constant 0 : i32
      %dma_start3A_261 = tpu.memref_slice %arg20[%run_scoped3A_148, %dma_start3A_260] : memref<16x5248xf32, #tpu.memory_space<vmem>> -> memref<1x5248xf32, #tpu.memory_space<vmem>>
      %dma_start3A_262 = tpu.memref_squeeze %dma_start3A_261 : memref<1x5248xf32, #tpu.memory_space<vmem>> -> memref<5248xf32, #tpu.memory_space<vmem>>
      %dma_start3A_263 = tpu.memref_slice %arg7[%mul3A_147] : memref<2686976xf32, #tpu.memory_space<hbm>> -> memref<5248xf32, #tpu.memory_space<hbm>>
      %dma_start3A_264 = tpu.memref_slice %arg7[%mul3A_147] : memref<2686976xf32, #tpu.memory_space<hbm>> -> memref<5248xf32, #tpu.memory_space<hbm>>
      %dma_start3A_265 = arith.constant 0 : i32
      %dma_start3A_266 = tpu.memref_slice %arg20[%run_scoped3A_148, %dma_start3A_265] : memref<16x5248xf32, #tpu.memory_space<vmem>> -> memref<1x5248xf32, #tpu.memory_space<vmem>>
      %dma_start3A_267 = tpu.memref_squeeze %dma_start3A_266 : memref<1x5248xf32, #tpu.memory_space<vmem>> -> memref<5248xf32, #tpu.memory_space<vmem>>
      tpu.enqueue_dma source(%dma_start3A_267 : memref<5248xf32, #tpu.memory_space<vmem>>) target(%dma_start3A_264 : memref<5248xf32, #tpu.memory_space<hbm>>) target_semaphore(%run_scoped3A_259 : memref<!tpu.dma_semaphore, #tpu.memory_space<semaphore_mem>>)
      %dma_wait3A_268 = arith.constant 0 : i32
      %dma_wait3A_269 = tpu.memref_slice %arg20[%run_scoped3A_148, %dma_wait3A_268] : memref<16x5248xf32, #tpu.memory_space<vmem>> -> memref<1x5248xf32, #tpu.memory_space<vmem>>
      %dma_wait3A_270 = tpu.memref_squeeze %dma_wait3A_269 : memref<1x5248xf32, #tpu.memory_space<vmem>> -> memref<5248xf32, #tpu.memory_space<vmem>>
      %dma_wait3A_271 = tpu.memref_slice %arg7[%mul3A_147] : memref<2686976xf32, #tpu.memory_space<hbm>> -> memref<5248xf32, #tpu.memory_space<hbm>>
      %dma_wait3A_272 = tpu.memref_slice %arg7[%mul3A_147] : memref<2686976xf32, #tpu.memory_space<hbm>> -> memref<5248xf32, #tpu.memory_space<hbm>>
      %dma_wait3A_273 = arith.constant 0 : i32
      %dma_wait3A_274 = tpu.memref_slice %arg20[%run_scoped3A_148, %dma_wait3A_273] : memref<16x5248xf32, #tpu.memory_space<vmem>> -> memref<1x5248xf32, #tpu.memory_space<vmem>>
      %dma_wait3A_275 = tpu.memref_squeeze %dma_wait3A_274 : memref<1x5248xf32, #tpu.memory_space<vmem>> -> memref<5248xf32, #tpu.memory_space<vmem>>
      tpu.wait_dma2 semaphore(%run_scoped3A_259 : memref<!tpu.dma_semaphore, #tpu.memory_space<semaphore_mem>>) src(%dma_wait3A_275 : memref<5248xf32, #tpu.memory_space<vmem>>) dst(%dma_wait3A_272 : memref<5248xf32, #tpu.memory_space<hbm>>)
      tpu.yield
    }) : () -> ()
    %mul3A_149 = arith.constant 256 : i32
    %mul3A_150 = arith.muli %arg0, %mul3A_149 : i32
    %mul3A_151 = arith.constant 16 : i32
    %mul3A_152 = arith.muli %mul3A_151, %arg1 : i32
    %add3A_153 = arith.addi %mul3A_150, %mul3A_152 : i32
    %add3A_154 = arith.constant 5 : i32
    %add3A_155 = arith.addi %add3A_153, %add3A_154 : i32
    %mul3A_156 = arith.constant 5248 : i32
    %mul3A_157 = arith.muli %add3A_155, %mul3A_156 : i32
    %run_scoped3A_158 = arith.constant 5 : i32
    "tpu.region"() ({
      %run_scoped3A_259 = tpu.sem_alloc : memref<!tpu.dma_semaphore, #tpu.memory_space<semaphore_mem>>
      %dma_start3A_260 = arith.constant 0 : i32
      %dma_start3A_261 = tpu.memref_slice %arg20[%run_scoped3A_158, %dma_start3A_260] : memref<16x5248xf32, #tpu.memory_space<vmem>> -> memref<1x5248xf32, #tpu.memory_space<vmem>>
      %dma_start3A_262 = tpu.memref_squeeze %dma_start3A_261 : memref<1x5248xf32, #tpu.memory_space<vmem>> -> memref<5248xf32, #tpu.memory_space<vmem>>
      %dma_start3A_263 = tpu.memref_slice %arg7[%mul3A_157] : memref<2686976xf32, #tpu.memory_space<hbm>> -> memref<5248xf32, #tpu.memory_space<hbm>>
      %dma_start3A_264 = tpu.memref_slice %arg7[%mul3A_157] : memref<2686976xf32, #tpu.memory_space<hbm>> -> memref<5248xf32, #tpu.memory_space<hbm>>
      %dma_start3A_265 = arith.constant 0 : i32
      %dma_start3A_266 = tpu.memref_slice %arg20[%run_scoped3A_158, %dma_start3A_265] : memref<16x5248xf32, #tpu.memory_space<vmem>> -> memref<1x5248xf32, #tpu.memory_space<vmem>>
      %dma_start3A_267 = tpu.memref_squeeze %dma_start3A_266 : memref<1x5248xf32, #tpu.memory_space<vmem>> -> memref<5248xf32, #tpu.memory_space<vmem>>
      tpu.enqueue_dma source(%dma_start3A_267 : memref<5248xf32, #tpu.memory_space<vmem>>) target(%dma_start3A_264 : memref<5248xf32, #tpu.memory_space<hbm>>) target_semaphore(%run_scoped3A_259 : memref<!tpu.dma_semaphore, #tpu.memory_space<semaphore_mem>>)
      %dma_wait3A_268 = arith.constant 0 : i32
      %dma_wait3A_269 = tpu.memref_slice %arg20[%run_scoped3A_158, %dma_wait3A_268] : memref<16x5248xf32, #tpu.memory_space<vmem>> -> memref<1x5248xf32, #tpu.memory_space<vmem>>
      %dma_wait3A_270 = tpu.memref_squeeze %dma_wait3A_269 : memref<1x5248xf32, #tpu.memory_space<vmem>> -> memref<5248xf32, #tpu.memory_space<vmem>>
      %dma_wait3A_271 = tpu.memref_slice %arg7[%mul3A_157] : memref<2686976xf32, #tpu.memory_space<hbm>> -> memref<5248xf32, #tpu.memory_space<hbm>>
      %dma_wait3A_272 = tpu.memref_slice %arg7[%mul3A_157] : memref<2686976xf32, #tpu.memory_space<hbm>> -> memref<5248xf32, #tpu.memory_space<hbm>>
      %dma_wait3A_273 = arith.constant 0 : i32
      %dma_wait3A_274 = tpu.memref_slice %arg20[%run_scoped3A_158, %dma_wait3A_273] : memref<16x5248xf32, #tpu.memory_space<vmem>> -> memref<1x5248xf32, #tpu.memory_space<vmem>>
      %dma_wait3A_275 = tpu.memref_squeeze %dma_wait3A_274 : memref<1x5248xf32, #tpu.memory_space<vmem>> -> memref<5248xf32, #tpu.memory_space<vmem>>
      tpu.wait_dma2 semaphore(%run_scoped3A_259 : memref<!tpu.dma_semaphore, #tpu.memory_space<semaphore_mem>>) src(%dma_wait3A_275 : memref<5248xf32, #tpu.memory_space<vmem>>) dst(%dma_wait3A_272 : memref<5248xf32, #tpu.memory_space<hbm>>)
      tpu.yield
    }) : () -> ()
    %mul3A_159 = arith.constant 256 : i32
    %mul3A_160 = arith.muli %arg0, %mul3A_159 : i32
    %mul3A_161 = arith.constant 16 : i32
    %mul3A_162 = arith.muli %mul3A_161, %arg1 : i32
    %add3A_163 = arith.addi %mul3A_160, %mul3A_162 : i32
    %add3A_164 = arith.constant 6 : i32
    %add3A_165 = arith.addi %add3A_163, %add3A_164 : i32
    %mul3A_166 = arith.constant 5248 : i32
    %mul3A_167 = arith.muli %add3A_165, %mul3A_166 : i32
    %run_scoped3A_168 = arith.constant 6 : i32
    "tpu.region"() ({
      %run_scoped3A_259 = tpu.sem_alloc : memref<!tpu.dma_semaphore, #tpu.memory_space<semaphore_mem>>
      %dma_start3A_260 = arith.constant 0 : i32
      %dma_start3A_261 = tpu.memref_slice %arg20[%run_scoped3A_168, %dma_start3A_260] : memref<16x5248xf32, #tpu.memory_space<vmem>> -> memref<1x5248xf32, #tpu.memory_space<vmem>>
      %dma_start3A_262 = tpu.memref_squeeze %dma_start3A_261 : memref<1x5248xf32, #tpu.memory_space<vmem>> -> memref<5248xf32, #tpu.memory_space<vmem>>
      %dma_start3A_263 = tpu.memref_slice %arg7[%mul3A_167] : memref<2686976xf32, #tpu.memory_space<hbm>> -> memref<5248xf32, #tpu.memory_space<hbm>>
      %dma_start3A_264 = tpu.memref_slice %arg7[%mul3A_167] : memref<2686976xf32, #tpu.memory_space<hbm>> -> memref<5248xf32, #tpu.memory_space<hbm>>
      %dma_start3A_265 = arith.constant 0 : i32
      %dma_start3A_266 = tpu.memref_slice %arg20[%run_scoped3A_168, %dma_start3A_265] : memref<16x5248xf32, #tpu.memory_space<vmem>> -> memref<1x5248xf32, #tpu.memory_space<vmem>>
      %dma_start3A_267 = tpu.memref_squeeze %dma_start3A_266 : memref<1x5248xf32, #tpu.memory_space<vmem>> -> memref<5248xf32, #tpu.memory_space<vmem>>
      tpu.enqueue_dma source(%dma_start3A_267 : memref<5248xf32, #tpu.memory_space<vmem>>) target(%dma_start3A_264 : memref<5248xf32, #tpu.memory_space<hbm>>) target_semaphore(%run_scoped3A_259 : memref<!tpu.dma_semaphore, #tpu.memory_space<semaphore_mem>>)
      %dma_wait3A_268 = arith.constant 0 : i32
      %dma_wait3A_269 = tpu.memref_slice %arg20[%run_scoped3A_168, %dma_wait3A_268] : memref<16x5248xf32, #tpu.memory_space<vmem>> -> memref<1x5248xf32, #tpu.memory_space<vmem>>
      %dma_wait3A_270 = tpu.memref_squeeze %dma_wait3A_269 : memref<1x5248xf32, #tpu.memory_space<vmem>> -> memref<5248xf32, #tpu.memory_space<vmem>>
      %dma_wait3A_271 = tpu.memref_slice %arg7[%mul3A_167] : memref<2686976xf32, #tpu.memory_space<hbm>> -> memref<5248xf32, #tpu.memory_space<hbm>>
      %dma_wait3A_272 = tpu.memref_slice %arg7[%mul3A_167] : memref<2686976xf32, #tpu.memory_space<hbm>> -> memref<5248xf32, #tpu.memory_space<hbm>>
      %dma_wait3A_273 = arith.constant 0 : i32
      %dma_wait3A_274 = tpu.memref_slice %arg20[%run_scoped3A_168, %dma_wait3A_273] : memref<16x5248xf32, #tpu.memory_space<vmem>> -> memref<1x5248xf32, #tpu.memory_space<vmem>>
      %dma_wait3A_275 = tpu.memref_squeeze %dma_wait3A_274 : memref<1x5248xf32, #tpu.memory_space<vmem>> -> memref<5248xf32, #tpu.memory_space<vmem>>
      tpu.wait_dma2 semaphore(%run_scoped3A_259 : memref<!tpu.dma_semaphore, #tpu.memory_space<semaphore_mem>>) src(%dma_wait3A_275 : memref<5248xf32, #tpu.memory_space<vmem>>) dst(%dma_wait3A_272 : memref<5248xf32, #tpu.memory_space<hbm>>)
      tpu.yield
    }) : () -> ()
    %mul3A_169 = arith.constant 256 : i32
    %mul3A_170 = arith.muli %arg0, %mul3A_169 : i32
    %mul3A_171 = arith.constant 16 : i32
    %mul3A_172 = arith.muli %mul3A_171, %arg1 : i32
    %add3A_173 = arith.addi %mul3A_170, %mul3A_172 : i32
    %add3A_174 = arith.constant 7 : i32
    %add3A_175 = arith.addi %add3A_173, %add3A_174 : i32
    %mul3A_176 = arith.constant 5248 : i32
    %mul3A_177 = arith.muli %add3A_175, %mul3A_176 : i32
    %run_scoped3A_178 = arith.constant 7 : i32
    "tpu.region"() ({
      %run_scoped3A_259 = tpu.sem_alloc : memref<!tpu.dma_semaphore, #tpu.memory_space<semaphore_mem>>
      %dma_start3A_260 = arith.constant 0 : i32
      %dma_start3A_261 = tpu.memref_slice %arg20[%run_scoped3A_178, %dma_start3A_260] : memref<16x5248xf32, #tpu.memory_space<vmem>> -> memref<1x5248xf32, #tpu.memory_space<vmem>>
      %dma_start3A_262 = tpu.memref_squeeze %dma_start3A_261 : memref<1x5248xf32, #tpu.memory_space<vmem>> -> memref<5248xf32, #tpu.memory_space<vmem>>
      %dma_start3A_263 = tpu.memref_slice %arg7[%mul3A_177] : memref<2686976xf32, #tpu.memory_space<hbm>> -> memref<5248xf32, #tpu.memory_space<hbm>>
      %dma_start3A_264 = tpu.memref_slice %arg7[%mul3A_177] : memref<2686976xf32, #tpu.memory_space<hbm>> -> memref<5248xf32, #tpu.memory_space<hbm>>
      %dma_start3A_265 = arith.constant 0 : i32
      %dma_start3A_266 = tpu.memref_slice %arg20[%run_scoped3A_178, %dma_start3A_265] : memref<16x5248xf32, #tpu.memory_space<vmem>> -> memref<1x5248xf32, #tpu.memory_space<vmem>>
      %dma_start3A_267 = tpu.memref_squeeze %dma_start3A_266 : memref<1x5248xf32, #tpu.memory_space<vmem>> -> memref<5248xf32, #tpu.memory_space<vmem>>
      tpu.enqueue_dma source(%dma_start3A_267 : memref<5248xf32, #tpu.memory_space<vmem>>) target(%dma_start3A_264 : memref<5248xf32, #tpu.memory_space<hbm>>) target_semaphore(%run_scoped3A_259 : memref<!tpu.dma_semaphore, #tpu.memory_space<semaphore_mem>>)
      %dma_wait3A_268 = arith.constant 0 : i32
      %dma_wait3A_269 = tpu.memref_slice %arg20[%run_scoped3A_178, %dma_wait3A_268] : memref<16x5248xf32, #tpu.memory_space<vmem>> -> memref<1x5248xf32, #tpu.memory_space<vmem>>
      %dma_wait3A_270 = tpu.memref_squeeze %dma_wait3A_269 : memref<1x5248xf32, #tpu.memory_space<vmem>> -> memref<5248xf32, #tpu.memory_space<vmem>>
      %dma_wait3A_271 = tpu.memref_slice %arg7[%mul3A_177] : memref<2686976xf32, #tpu.memory_space<hbm>> -> memref<5248xf32, #tpu.memory_space<hbm>>
      %dma_wait3A_272 = tpu.memref_slice %arg7[%mul3A_177] : memref<2686976xf32, #tpu.memory_space<hbm>> -> memref<5248xf32, #tpu.memory_space<hbm>>
      %dma_wait3A_273 = arith.constant 0 : i32
      %dma_wait3A_274 = tpu.memref_slice %arg20[%run_scoped3A_178, %dma_wait3A_273] : memref<16x5248xf32, #tpu.memory_space<vmem>> -> memref<1x5248xf32, #tpu.memory_space<vmem>>
      %dma_wait3A_275 = tpu.memref_squeeze %dma_wait3A_274 : memref<1x5248xf32, #tpu.memory_space<vmem>> -> memref<5248xf32, #tpu.memory_space<vmem>>
      tpu.wait_dma2 semaphore(%run_scoped3A_259 : memref<!tpu.dma_semaphore, #tpu.memory_space<semaphore_mem>>) src(%dma_wait3A_275 : memref<5248xf32, #tpu.memory_space<vmem>>) dst(%dma_wait3A_272 : memref<5248xf32, #tpu.memory_space<hbm>>)
      tpu.yield
    }) : () -> ()
    %mul3A_179 = arith.constant 256 : i32
    %mul3A_180 = arith.muli %arg0, %mul3A_179 : i32
    %mul3A_181 = arith.constant 16 : i32
    %mul3A_182 = arith.muli %mul3A_181, %arg1 : i32
    %add3A_183 = arith.addi %mul3A_180, %mul3A_182 : i32
    %add3A_184 = arith.constant 8 : i32
    %add3A_185 = arith.addi %add3A_183, %add3A_184 : i32
    %mul3A_186 = arith.constant 5248 : i32
    %mul3A_187 = arith.muli %add3A_185, %mul3A_186 : i32
    %run_scoped3A_188 = arith.constant 8 : i32
    "tpu.region"() ({
      %run_scoped3A_259 = tpu.sem_alloc : memref<!tpu.dma_semaphore, #tpu.memory_space<semaphore_mem>>
      %dma_start3A_260 = arith.constant 0 : i32
      %dma_start3A_261 = tpu.memref_slice %arg20[%run_scoped3A_188, %dma_start3A_260] : memref<16x5248xf32, #tpu.memory_space<vmem>> -> memref<1x5248xf32, #tpu.memory_space<vmem>>
      %dma_start3A_262 = tpu.memref_squeeze %dma_start3A_261 : memref<1x5248xf32, #tpu.memory_space<vmem>> -> memref<5248xf32, #tpu.memory_space<vmem>>
      %dma_start3A_263 = tpu.memref_slice %arg7[%mul3A_187] : memref<2686976xf32, #tpu.memory_space<hbm>> -> memref<5248xf32, #tpu.memory_space<hbm>>
      %dma_start3A_264 = tpu.memref_slice %arg7[%mul3A_187] : memref<2686976xf32, #tpu.memory_space<hbm>> -> memref<5248xf32, #tpu.memory_space<hbm>>
      %dma_start3A_265 = arith.constant 0 : i32
      %dma_start3A_266 = tpu.memref_slice %arg20[%run_scoped3A_188, %dma_start3A_265] : memref<16x5248xf32, #tpu.memory_space<vmem>> -> memref<1x5248xf32, #tpu.memory_space<vmem>>
      %dma_start3A_267 = tpu.memref_squeeze %dma_start3A_266 : memref<1x5248xf32, #tpu.memory_space<vmem>> -> memref<5248xf32, #tpu.memory_space<vmem>>
      tpu.enqueue_dma source(%dma_start3A_267 : memref<5248xf32, #tpu.memory_space<vmem>>) target(%dma_start3A_264 : memref<5248xf32, #tpu.memory_space<hbm>>) target_semaphore(%run_scoped3A_259 : memref<!tpu.dma_semaphore, #tpu.memory_space<semaphore_mem>>)
      %dma_wait3A_268 = arith.constant 0 : i32
      %dma_wait3A_269 = tpu.memref_slice %arg20[%run_scoped3A_188, %dma_wait3A_268] : memref<16x5248xf32, #tpu.memory_space<vmem>> -> memref<1x5248xf32, #tpu.memory_space<vmem>>
      %dma_wait3A_270 = tpu.memref_squeeze %dma_wait3A_269 : memref<1x5248xf32, #tpu.memory_space<vmem>> -> memref<5248xf32, #tpu.memory_space<vmem>>
      %dma_wait3A_271 = tpu.memref_slice %arg7[%mul3A_187] : memref<2686976xf32, #tpu.memory_space<hbm>> -> memref<5248xf32, #tpu.memory_space<hbm>>
      %dma_wait3A_272 = tpu.memref_slice %arg7[%mul3A_187] : memref<2686976xf32, #tpu.memory_space<hbm>> -> memref<5248xf32, #tpu.memory_space<hbm>>
      %dma_wait3A_273 = arith.constant 0 : i32
      %dma_wait3A_274 = tpu.memref_slice %arg20[%run_scoped3A_188, %dma_wait3A_273] : memref<16x5248xf32, #tpu.memory_space<vmem>> -> memref<1x5248xf32, #tpu.memory_space<vmem>>
      %dma_wait3A_275 = tpu.memref_squeeze %dma_wait3A_274 : memref<1x5248xf32, #tpu.memory_space<vmem>> -> memref<5248xf32, #tpu.memory_space<vmem>>
      tpu.wait_dma2 semaphore(%run_scoped3A_259 : memref<!tpu.dma_semaphore, #tpu.memory_space<semaphore_mem>>) src(%dma_wait3A_275 : memref<5248xf32, #tpu.memory_space<vmem>>) dst(%dma_wait3A_272 : memref<5248xf32, #tpu.memory_space<hbm>>)
      tpu.yield
    }) : () -> ()
    %mul3A_189 = arith.constant 256 : i32
    %mul3A_190 = arith.muli %arg0, %mul3A_189 : i32
    %mul3A_191 = arith.constant 16 : i32
    %mul3A_192 = arith.muli %mul3A_191, %arg1 : i32
    %add3A_193 = arith.addi %mul3A_190, %mul3A_192 : i32
    %add3A_194 = arith.constant 9 : i32
    %add3A_195 = arith.addi %add3A_193, %add3A_194 : i32
    %mul3A_196 = arith.constant 5248 : i32
    %mul3A_197 = arith.muli %add3A_195, %mul3A_196 : i32
    %run_scoped3A_198 = arith.constant 9 : i32
    "tpu.region"() ({
      %run_scoped3A_259 = tpu.sem_alloc : memref<!tpu.dma_semaphore, #tpu.memory_space<semaphore_mem>>
      %dma_start3A_260 = arith.constant 0 : i32
      %dma_start3A_261 = tpu.memref_slice %arg20[%run_scoped3A_198, %dma_start3A_260] : memref<16x5248xf32, #tpu.memory_space<vmem>> -> memref<1x5248xf32, #tpu.memory_space<vmem>>
      %dma_start3A_262 = tpu.memref_squeeze %dma_start3A_261 : memref<1x5248xf32, #tpu.memory_space<vmem>> -> memref<5248xf32, #tpu.memory_space<vmem>>
      %dma_start3A_263 = tpu.memref_slice %arg7[%mul3A_197] : memref<2686976xf32, #tpu.memory_space<hbm>> -> memref<5248xf32, #tpu.memory_space<hbm>>
      %dma_start3A_264 = tpu.memref_slice %arg7[%mul3A_197] : memref<2686976xf32, #tpu.memory_space<hbm>> -> memref<5248xf32, #tpu.memory_space<hbm>>
      %dma_start3A_265 = arith.constant 0 : i32
      %dma_start3A_266 = tpu.memref_slice %arg20[%run_scoped3A_198, %dma_start3A_265] : memref<16x5248xf32, #tpu.memory_space<vmem>> -> memref<1x5248xf32, #tpu.memory_space<vmem>>
      %dma_start3A_267 = tpu.memref_squeeze %dma_start3A_266 : memref<1x5248xf32, #tpu.memory_space<vmem>> -> memref<5248xf32, #tpu.memory_space<vmem>>
      tpu.enqueue_dma source(%dma_start3A_267 : memref<5248xf32, #tpu.memory_space<vmem>>) target(%dma_start3A_264 : memref<5248xf32, #tpu.memory_space<hbm>>) target_semaphore(%run_scoped3A_259 : memref<!tpu.dma_semaphore, #tpu.memory_space<semaphore_mem>>)
      %dma_wait3A_268 = arith.constant 0 : i32
      %dma_wait3A_269 = tpu.memref_slice %arg20[%run_scoped3A_198, %dma_wait3A_268] : memref<16x5248xf32, #tpu.memory_space<vmem>> -> memref<1x5248xf32, #tpu.memory_space<vmem>>
      %dma_wait3A_270 = tpu.memref_squeeze %dma_wait3A_269 : memref<1x5248xf32, #tpu.memory_space<vmem>> -> memref<5248xf32, #tpu.memory_space<vmem>>
      %dma_wait3A_271 = tpu.memref_slice %arg7[%mul3A_197] : memref<2686976xf32, #tpu.memory_space<hbm>> -> memref<5248xf32, #tpu.memory_space<hbm>>
      %dma_wait3A_272 = tpu.memref_slice %arg7[%mul3A_197] : memref<2686976xf32, #tpu.memory_space<hbm>> -> memref<5248xf32, #tpu.memory_space<hbm>>
      %dma_wait3A_273 = arith.constant 0 : i32
      %dma_wait3A_274 = tpu.memref_slice %arg20[%run_scoped3A_198, %dma_wait3A_273] : memref<16x5248xf32, #tpu.memory_space<vmem>> -> memref<1x5248xf32, #tpu.memory_space<vmem>>
      %dma_wait3A_275 = tpu.memref_squeeze %dma_wait3A_274 : memref<1x5248xf32, #tpu.memory_space<vmem>> -> memref<5248xf32, #tpu.memory_space<vmem>>
      tpu.wait_dma2 semaphore(%run_scoped3A_259 : memref<!tpu.dma_semaphore, #tpu.memory_space<semaphore_mem>>) src(%dma_wait3A_275 : memref<5248xf32, #tpu.memory_space<vmem>>) dst(%dma_wait3A_272 : memref<5248xf32, #tpu.memory_space<hbm>>)
      tpu.yield
    }) : () -> ()
    %mul3A_199 = arith.constant 256 : i32
    %mul3A_200 = arith.muli %arg0, %mul3A_199 : i32
    %mul3A_201 = arith.constant 16 : i32
    %mul3A_202 = arith.muli %mul3A_201, %arg1 : i32
    %add3A_203 = arith.addi %mul3A_200, %mul3A_202 : i32
    %add3A_204 = arith.constant 10 : i32
    %add3A_205 = arith.addi %add3A_203, %add3A_204 : i32
    %mul3A_206 = arith.constant 5248 : i32
    %mul3A_207 = arith.muli %add3A_205, %mul3A_206 : i32
    %run_scoped3A_208 = arith.constant 10 : i32
    "tpu.region"() ({
      %run_scoped3A_259 = tpu.sem_alloc : memref<!tpu.dma_semaphore, #tpu.memory_space<semaphore_mem>>
      %dma_start3A_260 = arith.constant 0 : i32
      %dma_start3A_261 = tpu.memref_slice %arg20[%run_scoped3A_208, %dma_start3A_260] : memref<16x5248xf32, #tpu.memory_space<vmem>> -> memref<1x5248xf32, #tpu.memory_space<vmem>>
      %dma_start3A_262 = tpu.memref_squeeze %dma_start3A_261 : memref<1x5248xf32, #tpu.memory_space<vmem>> -> memref<5248xf32, #tpu.memory_space<vmem>>
      %dma_start3A_263 = tpu.memref_slice %arg7[%mul3A_207] : memref<2686976xf32, #tpu.memory_space<hbm>> -> memref<5248xf32, #tpu.memory_space<hbm>>
      %dma_start3A_264 = tpu.memref_slice %arg7[%mul3A_207] : memref<2686976xf32, #tpu.memory_space<hbm>> -> memref<5248xf32, #tpu.memory_space<hbm>>
      %dma_start3A_265 = arith.constant 0 : i32
      %dma_start3A_266 = tpu.memref_slice %arg20[%run_scoped3A_208, %dma_start3A_265] : memref<16x5248xf32, #tpu.memory_space<vmem>> -> memref<1x5248xf32, #tpu.memory_space<vmem>>
      %dma_start3A_267 = tpu.memref_squeeze %dma_start3A_266 : memref<1x5248xf32, #tpu.memory_space<vmem>> -> memref<5248xf32, #tpu.memory_space<vmem>>
      tpu.enqueue_dma source(%dma_start3A_267 : memref<5248xf32, #tpu.memory_space<vmem>>) target(%dma_start3A_264 : memref<5248xf32, #tpu.memory_space<hbm>>) target_semaphore(%run_scoped3A_259 : memref<!tpu.dma_semaphore, #tpu.memory_space<semaphore_mem>>)
      %dma_wait3A_268 = arith.constant 0 : i32
      %dma_wait3A_269 = tpu.memref_slice %arg20[%run_scoped3A_208, %dma_wait3A_268] : memref<16x5248xf32, #tpu.memory_space<vmem>> -> memref<1x5248xf32, #tpu.memory_space<vmem>>
      %dma_wait3A_270 = tpu.memref_squeeze %dma_wait3A_269 : memref<1x5248xf32, #tpu.memory_space<vmem>> -> memref<5248xf32, #tpu.memory_space<vmem>>
      %dma_wait3A_271 = tpu.memref_slice %arg7[%mul3A_207] : memref<2686976xf32, #tpu.memory_space<hbm>> -> memref<5248xf32, #tpu.memory_space<hbm>>
      %dma_wait3A_272 = tpu.memref_slice %arg7[%mul3A_207] : memref<2686976xf32, #tpu.memory_space<hbm>> -> memref<5248xf32, #tpu.memory_space<hbm>>
      %dma_wait3A_273 = arith.constant 0 : i32
      %dma_wait3A_274 = tpu.memref_slice %arg20[%run_scoped3A_208, %dma_wait3A_273] : memref<16x5248xf32, #tpu.memory_space<vmem>> -> memref<1x5248xf32, #tpu.memory_space<vmem>>
      %dma_wait3A_275 = tpu.memref_squeeze %dma_wait3A_274 : memref<1x5248xf32, #tpu.memory_space<vmem>> -> memref<5248xf32, #tpu.memory_space<vmem>>
      tpu.wait_dma2 semaphore(%run_scoped3A_259 : memref<!tpu.dma_semaphore, #tpu.memory_space<semaphore_mem>>) src(%dma_wait3A_275 : memref<5248xf32, #tpu.memory_space<vmem>>) dst(%dma_wait3A_272 : memref<5248xf32, #tpu.memory_space<hbm>>)
      tpu.yield
    }) : () -> ()
    %mul3A_209 = arith.constant 256 : i32
    %mul3A_210 = arith.muli %arg0, %mul3A_209 : i32
    %mul3A_211 = arith.constant 16 : i32
    %mul3A_212 = arith.muli %mul3A_211, %arg1 : i32
    %add3A_213 = arith.addi %mul3A_210, %mul3A_212 : i32
    %add3A_214 = arith.constant 11 : i32
    %add3A_215 = arith.addi %add3A_213, %add3A_214 : i32
    %mul3A_216 = arith.constant 5248 : i32
    %mul3A_217 = arith.muli %add3A_215, %mul3A_216 : i32
    %run_scoped3A_218 = arith.constant 11 : i32
    "tpu.region"() ({
      %run_scoped3A_259 = tpu.sem_alloc : memref<!tpu.dma_semaphore, #tpu.memory_space<semaphore_mem>>
      %dma_start3A_260 = arith.constant 0 : i32
      %dma_start3A_261 = tpu.memref_slice %arg20[%run_scoped3A_218, %dma_start3A_260] : memref<16x5248xf32, #tpu.memory_space<vmem>> -> memref<1x5248xf32, #tpu.memory_space<vmem>>
      %dma_start3A_262 = tpu.memref_squeeze %dma_start3A_261 : memref<1x5248xf32, #tpu.memory_space<vmem>> -> memref<5248xf32, #tpu.memory_space<vmem>>
      %dma_start3A_263 = tpu.memref_slice %arg7[%mul3A_217] : memref<2686976xf32, #tpu.memory_space<hbm>> -> memref<5248xf32, #tpu.memory_space<hbm>>
      %dma_start3A_264 = tpu.memref_slice %arg7[%mul3A_217] : memref<2686976xf32, #tpu.memory_space<hbm>> -> memref<5248xf32, #tpu.memory_space<hbm>>
      %dma_start3A_265 = arith.constant 0 : i32
      %dma_start3A_266 = tpu.memref_slice %arg20[%run_scoped3A_218, %dma_start3A_265] : memref<16x5248xf32, #tpu.memory_space<vmem>> -> memref<1x5248xf32, #tpu.memory_space<vmem>>
      %dma_start3A_267 = tpu.memref_squeeze %dma_start3A_266 : memref<1x5248xf32, #tpu.memory_space<vmem>> -> memref<5248xf32, #tpu.memory_space<vmem>>
      tpu.enqueue_dma source(%dma_start3A_267 : memref<5248xf32, #tpu.memory_space<vmem>>) target(%dma_start3A_264 : memref<5248xf32, #tpu.memory_space<hbm>>) target_semaphore(%run_scoped3A_259 : memref<!tpu.dma_semaphore, #tpu.memory_space<semaphore_mem>>)
      %dma_wait3A_268 = arith.constant 0 : i32
      %dma_wait3A_269 = tpu.memref_slice %arg20[%run_scoped3A_218, %dma_wait3A_268] : memref<16x5248xf32, #tpu.memory_space<vmem>> -> memref<1x5248xf32, #tpu.memory_space<vmem>>
      %dma_wait3A_270 = tpu.memref_squeeze %dma_wait3A_269 : memref<1x5248xf32, #tpu.memory_space<vmem>> -> memref<5248xf32, #tpu.memory_space<vmem>>
      %dma_wait3A_271 = tpu.memref_slice %arg7[%mul3A_217] : memref<2686976xf32, #tpu.memory_space<hbm>> -> memref<5248xf32, #tpu.memory_space<hbm>>
      %dma_wait3A_272 = tpu.memref_slice %arg7[%mul3A_217] : memref<2686976xf32, #tpu.memory_space<hbm>> -> memref<5248xf32, #tpu.memory_space<hbm>>
      %dma_wait3A_273 = arith.constant 0 : i32
      %dma_wait3A_274 = tpu.memref_slice %arg20[%run_scoped3A_218, %dma_wait3A_273] : memref<16x5248xf32, #tpu.memory_space<vmem>> -> memref<1x5248xf32, #tpu.memory_space<vmem>>
      %dma_wait3A_275 = tpu.memref_squeeze %dma_wait3A_274 : memref<1x5248xf32, #tpu.memory_space<vmem>> -> memref<5248xf32, #tpu.memory_space<vmem>>
      tpu.wait_dma2 semaphore(%run_scoped3A_259 : memref<!tpu.dma_semaphore, #tpu.memory_space<semaphore_mem>>) src(%dma_wait3A_275 : memref<5248xf32, #tpu.memory_space<vmem>>) dst(%dma_wait3A_272 : memref<5248xf32, #tpu.memory_space<hbm>>)
      tpu.yield
    }) : () -> ()
    %mul3A_219 = arith.constant 256 : i32
    %mul3A_220 = arith.muli %arg0, %mul3A_219 : i32
    %mul3A_221 = arith.constant 16 : i32
    %mul3A_222 = arith.muli %mul3A_221, %arg1 : i32
    %add3A_223 = arith.addi %mul3A_220, %mul3A_222 : i32
    %add3A_224 = arith.constant 12 : i32
    %add3A_225 = arith.addi %add3A_223, %add3A_224 : i32
    %mul3A_226 = arith.constant 5248 : i32
    %mul3A_227 = arith.muli %add3A_225, %mul3A_226 : i32
    %run_scoped3A_228 = arith.constant 12 : i32
    "tpu.region"() ({
      %run_scoped3A_259 = tpu.sem_alloc : memref<!tpu.dma_semaphore, #tpu.memory_space<semaphore_mem>>
      %dma_start3A_260 = arith.constant 0 : i32
      %dma_start3A_261 = tpu.memref_slice %arg20[%run_scoped3A_228, %dma_start3A_260] : memref<16x5248xf32, #tpu.memory_space<vmem>> -> memref<1x5248xf32, #tpu.memory_space<vmem>>
      %dma_start3A_262 = tpu.memref_squeeze %dma_start3A_261 : memref<1x5248xf32, #tpu.memory_space<vmem>> -> memref<5248xf32, #tpu.memory_space<vmem>>
      %dma_start3A_263 = tpu.memref_slice %arg7[%mul3A_227] : memref<2686976xf32, #tpu.memory_space<hbm>> -> memref<5248xf32, #tpu.memory_space<hbm>>
      %dma_start3A_264 = tpu.memref_slice %arg7[%mul3A_227] : memref<2686976xf32, #tpu.memory_space<hbm>> -> memref<5248xf32, #tpu.memory_space<hbm>>
      %dma_start3A_265 = arith.constant 0 : i32
      %dma_start3A_266 = tpu.memref_slice %arg20[%run_scoped3A_228, %dma_start3A_265] : memref<16x5248xf32, #tpu.memory_space<vmem>> -> memref<1x5248xf32, #tpu.memory_space<vmem>>
      %dma_start3A_267 = tpu.memref_squeeze %dma_start3A_266 : memref<1x5248xf32, #tpu.memory_space<vmem>> -> memref<5248xf32, #tpu.memory_space<vmem>>
      tpu.enqueue_dma source(%dma_start3A_267 : memref<5248xf32, #tpu.memory_space<vmem>>) target(%dma_start3A_264 : memref<5248xf32, #tpu.memory_space<hbm>>) target_semaphore(%run_scoped3A_259 : memref<!tpu.dma_semaphore, #tpu.memory_space<semaphore_mem>>)
      %dma_wait3A_268 = arith.constant 0 : i32
      %dma_wait3A_269 = tpu.memref_slice %arg20[%run_scoped3A_228, %dma_wait3A_268] : memref<16x5248xf32, #tpu.memory_space<vmem>> -> memref<1x5248xf32, #tpu.memory_space<vmem>>
      %dma_wait3A_270 = tpu.memref_squeeze %dma_wait3A_269 : memref<1x5248xf32, #tpu.memory_space<vmem>> -> memref<5248xf32, #tpu.memory_space<vmem>>
      %dma_wait3A_271 = tpu.memref_slice %arg7[%mul3A_227] : memref<2686976xf32, #tpu.memory_space<hbm>> -> memref<5248xf32, #tpu.memory_space<hbm>>
      %dma_wait3A_272 = tpu.memref_slice %arg7[%mul3A_227] : memref<2686976xf32, #tpu.memory_space<hbm>> -> memref<5248xf32, #tpu.memory_space<hbm>>
      %dma_wait3A_273 = arith.constant 0 : i32
      %dma_wait3A_274 = tpu.memref_slice %arg20[%run_scoped3A_228, %dma_wait3A_273] : memref<16x5248xf32, #tpu.memory_space<vmem>> -> memref<1x5248xf32, #tpu.memory_space<vmem>>
      %dma_wait3A_275 = tpu.memref_squeeze %dma_wait3A_274 : memref<1x5248xf32, #tpu.memory_space<vmem>> -> memref<5248xf32, #tpu.memory_space<vmem>>
      tpu.wait_dma2 semaphore(%run_scoped3A_259 : memref<!tpu.dma_semaphore, #tpu.memory_space<semaphore_mem>>) src(%dma_wait3A_275 : memref<5248xf32, #tpu.memory_space<vmem>>) dst(%dma_wait3A_272 : memref<5248xf32, #tpu.memory_space<hbm>>)
      tpu.yield
    }) : () -> ()
    %mul3A_229 = arith.constant 256 : i32
    %mul3A_230 = arith.muli %arg0, %mul3A_229 : i32
    %mul3A_231 = arith.constant 16 : i32
    %mul3A_232 = arith.muli %mul3A_231, %arg1 : i32
    %add3A_233 = arith.addi %mul3A_230, %mul3A_232 : i32
    %add3A_234 = arith.constant 13 : i32
    %add3A_235 = arith.addi %add3A_233, %add3A_234 : i32
    %mul3A_236 = arith.constant 5248 : i32
    %mul3A_237 = arith.muli %add3A_235, %mul3A_236 : i32
    %run_scoped3A_238 = arith.constant 13 : i32
    "tpu.region"() ({
      %run_scoped3A_259 = tpu.sem_alloc : memref<!tpu.dma_semaphore, #tpu.memory_space<semaphore_mem>>
      %dma_start3A_260 = arith.constant 0 : i32
      %dma_start3A_261 = tpu.memref_slice %arg20[%run_scoped3A_238, %dma_start3A_260] : memref<16x5248xf32, #tpu.memory_space<vmem>> -> memref<1x5248xf32, #tpu.memory_space<vmem>>
      %dma_start3A_262 = tpu.memref_squeeze %dma_start3A_261 : memref<1x5248xf32, #tpu.memory_space<vmem>> -> memref<5248xf32, #tpu.memory_space<vmem>>
      %dma_start3A_263 = tpu.memref_slice %arg7[%mul3A_237] : memref<2686976xf32, #tpu.memory_space<hbm>> -> memref<5248xf32, #tpu.memory_space<hbm>>
      %dma_start3A_264 = tpu.memref_slice %arg7[%mul3A_237] : memref<2686976xf32, #tpu.memory_space<hbm>> -> memref<5248xf32, #tpu.memory_space<hbm>>
      %dma_start3A_265 = arith.constant 0 : i32
      %dma_start3A_266 = tpu.memref_slice %arg20[%run_scoped3A_238, %dma_start3A_265] : memref<16x5248xf32, #tpu.memory_space<vmem>> -> memref<1x5248xf32, #tpu.memory_space<vmem>>
      %dma_start3A_267 = tpu.memref_squeeze %dma_start3A_266 : memref<1x5248xf32, #tpu.memory_space<vmem>> -> memref<5248xf32, #tpu.memory_space<vmem>>
      tpu.enqueue_dma source(%dma_start3A_267 : memref<5248xf32, #tpu.memory_space<vmem>>) target(%dma_start3A_264 : memref<5248xf32, #tpu.memory_space<hbm>>) target_semaphore(%run_scoped3A_259 : memref<!tpu.dma_semaphore, #tpu.memory_space<semaphore_mem>>)
      %dma_wait3A_268 = arith.constant 0 : i32
      %dma_wait3A_269 = tpu.memref_slice %arg20[%run_scoped3A_238, %dma_wait3A_268] : memref<16x5248xf32, #tpu.memory_space<vmem>> -> memref<1x5248xf32, #tpu.memory_space<vmem>>
      %dma_wait3A_270 = tpu.memref_squeeze %dma_wait3A_269 : memref<1x5248xf32, #tpu.memory_space<vmem>> -> memref<5248xf32, #tpu.memory_space<vmem>>
      %dma_wait3A_271 = tpu.memref_slice %arg7[%mul3A_237] : memref<2686976xf32, #tpu.memory_space<hbm>> -> memref<5248xf32, #tpu.memory_space<hbm>>
      %dma_wait3A_272 = tpu.memref_slice %arg7[%mul3A_237] : memref<2686976xf32, #tpu.memory_space<hbm>> -> memref<5248xf32, #tpu.memory_space<hbm>>
      %dma_wait3A_273 = arith.constant 0 : i32
      %dma_wait3A_274 = tpu.memref_slice %arg20[%run_scoped3A_238, %dma_wait3A_273] : memref<16x5248xf32, #tpu.memory_space<vmem>> -> memref<1x5248xf32, #tpu.memory_space<vmem>>
      %dma_wait3A_275 = tpu.memref_squeeze %dma_wait3A_274 : memref<1x5248xf32, #tpu.memory_space<vmem>> -> memref<5248xf32, #tpu.memory_space<vmem>>
      tpu.wait_dma2 semaphore(%run_scoped3A_259 : memref<!tpu.dma_semaphore, #tpu.memory_space<semaphore_mem>>) src(%dma_wait3A_275 : memref<5248xf32, #tpu.memory_space<vmem>>) dst(%dma_wait3A_272 : memref<5248xf32, #tpu.memory_space<hbm>>)
      tpu.yield
    }) : () -> ()
    %mul3A_239 = arith.constant 256 : i32
    %mul3A_240 = arith.muli %arg0, %mul3A_239 : i32
    %mul3A_241 = arith.constant 16 : i32
    %mul3A_242 = arith.muli %mul3A_241, %arg1 : i32
    %add3A_243 = arith.addi %mul3A_240, %mul3A_242 : i32
    %add3A_244 = arith.constant 14 : i32
    %add3A_245 = arith.addi %add3A_243, %add3A_244 : i32
    %mul3A_246 = arith.constant 5248 : i32
    %mul3A_247 = arith.muli %add3A_245, %mul3A_246 : i32
    %run_scoped3A_248 = arith.constant 14 : i32
    "tpu.region"() ({
      %run_scoped3A_259 = tpu.sem_alloc : memref<!tpu.dma_semaphore, #tpu.memory_space<semaphore_mem>>
      %dma_start3A_260 = arith.constant 0 : i32
      %dma_start3A_261 = tpu.memref_slice %arg20[%run_scoped3A_248, %dma_start3A_260] : memref<16x5248xf32, #tpu.memory_space<vmem>> -> memref<1x5248xf32, #tpu.memory_space<vmem>>
      %dma_start3A_262 = tpu.memref_squeeze %dma_start3A_261 : memref<1x5248xf32, #tpu.memory_space<vmem>> -> memref<5248xf32, #tpu.memory_space<vmem>>
      %dma_start3A_263 = tpu.memref_slice %arg7[%mul3A_247] : memref<2686976xf32, #tpu.memory_space<hbm>> -> memref<5248xf32, #tpu.memory_space<hbm>>
      %dma_start3A_264 = tpu.memref_slice %arg7[%mul3A_247] : memref<2686976xf32, #tpu.memory_space<hbm>> -> memref<5248xf32, #tpu.memory_space<hbm>>
      %dma_start3A_265 = arith.constant 0 : i32
      %dma_start3A_266 = tpu.memref_slice %arg20[%run_scoped3A_248, %dma_start3A_265] : memref<16x5248xf32, #tpu.memory_space<vmem>> -> memref<1x5248xf32, #tpu.memory_space<vmem>>
      %dma_start3A_267 = tpu.memref_squeeze %dma_start3A_266 : memref<1x5248xf32, #tpu.memory_space<vmem>> -> memref<5248xf32, #tpu.memory_space<vmem>>
      tpu.enqueue_dma source(%dma_start3A_267 : memref<5248xf32, #tpu.memory_space<vmem>>) target(%dma_start3A_264 : memref<5248xf32, #tpu.memory_space<hbm>>) target_semaphore(%run_scoped3A_259 : memref<!tpu.dma_semaphore, #tpu.memory_space<semaphore_mem>>)
      %dma_wait3A_268 = arith.constant 0 : i32
      %dma_wait3A_269 = tpu.memref_slice %arg20[%run_scoped3A_248, %dma_wait3A_268] : memref<16x5248xf32, #tpu.memory_space<vmem>> -> memref<1x5248xf32, #tpu.memory_space<vmem>>
      %dma_wait3A_270 = tpu.memref_squeeze %dma_wait3A_269 : memref<1x5248xf32, #tpu.memory_space<vmem>> -> memref<5248xf32, #tpu.memory_space<vmem>>
      %dma_wait3A_271 = tpu.memref_slice %arg7[%mul3A_247] : memref<2686976xf32, #tpu.memory_space<hbm>> -> memref<5248xf32, #tpu.memory_space<hbm>>
      %dma_wait3A_272 = tpu.memref_slice %arg7[%mul3A_247] : memref<2686976xf32, #tpu.memory_space<hbm>> -> memref<5248xf32, #tpu.memory_space<hbm>>
      %dma_wait3A_273 = arith.constant 0 : i32
      %dma_wait3A_274 = tpu.memref_slice %arg20[%run_scoped3A_248, %dma_wait3A_273] : memref<16x5248xf32, #tpu.memory_space<vmem>> -> memref<1x5248xf32, #tpu.memory_space<vmem>>
      %dma_wait3A_275 = tpu.memref_squeeze %dma_wait3A_274 : memref<1x5248xf32, #tpu.memory_space<vmem>> -> memref<5248xf32, #tpu.memory_space<vmem>>
      tpu.wait_dma2 semaphore(%run_scoped3A_259 : memref<!tpu.dma_semaphore, #tpu.memory_space<semaphore_mem>>) src(%dma_wait3A_275 : memref<5248xf32, #tpu.memory_space<vmem>>) dst(%dma_wait3A_272 : memref<5248xf32, #tpu.memory_space<hbm>>)
      tpu.yield
    }) : () -> ()
    %mul3A_249 = arith.constant 256 : i32
    %mul3A_250 = arith.muli %arg0, %mul3A_249 : i32
    %mul3A_251 = arith.constant 16 : i32
    %mul3A_252 = arith.muli %mul3A_251, %arg1 : i32
    %add3A_253 = arith.addi %mul3A_250, %mul3A_252 : i32
    %add3A_254 = arith.constant 15 : i32
    %add3A_255 = arith.addi %add3A_253, %add3A_254 : i32
    %mul3A_256 = arith.constant 5248 : i32
    %mul3A_257 = arith.muli %add3A_255, %mul3A_256 : i32
    %run_scoped3A_258 = arith.constant 15 : i32
    "tpu.region"() ({
      %run_scoped3A_259 = tpu.sem_alloc : memref<!tpu.dma_semaphore, #tpu.memory_space<semaphore_mem>>
      %dma_start3A_260 = arith.constant 0 : i32
      %dma_start3A_261 = tpu.memref_slice %arg20[%run_scoped3A_258, %dma_start3A_260] : memref<16x5248xf32, #tpu.memory_space<vmem>> -> memref<1x5248xf32, #tpu.memory_space<vmem>>
      %dma_start3A_262 = tpu.memref_squeeze %dma_start3A_261 : memref<1x5248xf32, #tpu.memory_space<vmem>> -> memref<5248xf32, #tpu.memory_space<vmem>>
      %dma_start3A_263 = tpu.memref_slice %arg7[%mul3A_257] : memref<2686976xf32, #tpu.memory_space<hbm>> -> memref<5248xf32, #tpu.memory_space<hbm>>
      %dma_start3A_264 = tpu.memref_slice %arg7[%mul3A_257] : memref<2686976xf32, #tpu.memory_space<hbm>> -> memref<5248xf32, #tpu.memory_space<hbm>>
      %dma_start3A_265 = arith.constant 0 : i32
      %dma_start3A_266 = tpu.memref_slice %arg20[%run_scoped3A_258, %dma_start3A_265] : memref<16x5248xf32, #tpu.memory_space<vmem>> -> memref<1x5248xf32, #tpu.memory_space<vmem>>
      %dma_start3A_267 = tpu.memref_squeeze %dma_start3A_266 : memref<1x5248xf32, #tpu.memory_space<vmem>> -> memref<5248xf32, #tpu.memory_space<vmem>>
      tpu.enqueue_dma source(%dma_start3A_267 : memref<5248xf32, #tpu.memory_space<vmem>>) target(%dma_start3A_264 : memref<5248xf32, #tpu.memory_space<hbm>>) target_semaphore(%run_scoped3A_259 : memref<!tpu.dma_semaphore, #tpu.memory_space<semaphore_mem>>)
      %dma_wait3A_268 = arith.constant 0 : i32
      %dma_wait3A_269 = tpu.memref_slice %arg20[%run_scoped3A_258, %dma_wait3A_268] : memref<16x5248xf32, #tpu.memory_space<vmem>> -> memref<1x5248xf32, #tpu.memory_space<vmem>>
      %dma_wait3A_270 = tpu.memref_squeeze %dma_wait3A_269 : memref<1x5248xf32, #tpu.memory_space<vmem>> -> memref<5248xf32, #tpu.memory_space<vmem>>
      %dma_wait3A_271 = tpu.memref_slice %arg7[%mul3A_257] : memref<2686976xf32, #tpu.memory_space<hbm>> -> memref<5248xf32, #tpu.memory_space<hbm>>
      %dma_wait3A_272 = tpu.memref_slice %arg7[%mul3A_257] : memref<2686976xf32, #tpu.memory_space<hbm>> -> memref<5248xf32, #tpu.memory_space<hbm>>
      %dma_wait3A_273 = arith.constant 0 : i32
      %dma_wait3A_274 = tpu.memref_slice %arg20[%run_scoped3A_258, %dma_wait3A_273] : memref<16x5248xf32, #tpu.memory_space<vmem>> -> memref<1x5248xf32, #tpu.memory_space<vmem>>
      %dma_wait3A_275 = tpu.memref_squeeze %dma_wait3A_274 : memref<1x5248xf32, #tpu.memory_space<vmem>> -> memref<5248xf32, #tpu.memory_space<vmem>>
      tpu.wait_dma2 semaphore(%run_scoped3A_259 : memref<!tpu.dma_semaphore, #tpu.memory_space<semaphore_mem>>) src(%dma_wait3A_275 : memref<5248xf32, #tpu.memory_space<vmem>>) dst(%dma_wait3A_272 : memref<5248xf32, #tpu.memory_space<hbm>>)
      tpu.yield
    }) : () -> ()
    return
  }
}

module attributes {stable_mosaic.version = 14 : i64} {
  func.func @_tc_pre_body(%arg0: i32, %arg1: memref<2000x128xf32, #tpu.memory_space<vmem>>, %arg2: memref<2000x128xf32, #tpu.memory_space<vmem>>, %arg3: memref<2000x256xf32, #tpu.memory_space<vmem>>) attributes {dimension_semantics = [#tpu.dimension_semantics<arbitrary>], iteration_bounds = array<i64: 5>, scalar_prefetch = 0 : i64, scratch_operands = 0 : i64, tpu.core_type = #tpu.core_type<tc>, window_params = [{transform_indices = @transform_0, window_bounds = array<i64: 2000, 128>}, {transform_indices = @transform_1, window_bounds = array<i64: 2000, 128>}, {transform_indices = @transform_2, window_bounds = array<i64: 2000, 256>}]} {
    %get3A = arith.constant 0 : index
    %get3A_0 = arith.constant 0 : index
    %get3A_1 = vector.load %arg1[%get3A, %get3A_0] : memref<2000x128xf32, #tpu.memory_space<vmem>>, vector<2000x128xf32>
    %get3A_2 = arith.constant 0 : index
    %get3A_3 = arith.constant 0 : index
    %get3A_4 = vector.load %arg2[%get3A_2, %get3A_3] : memref<2000x128xf32, #tpu.memory_space<vmem>>, vector<2000x128xf32>
    %concatenate3A = tpu.concatenate %get3A_1, %get3A_4 in 1 : vector<2000x128xf32>, vector<2000x128xf32> -> vector<2000x256xf32>
    %iota3A = tpu.iota {dimensions = array<i32: 0>} : vector<256x256xi32>
    %iota3A_5 = tpu.iota {dimensions = array<i32: 1>} : vector<256x256xi32>
    %jit3A = arith.constant 2 : i32
    %eq3A = arith.constant 0 : i32
    %eq3A_6 = arith.cmpi eq, %jit3A, %eq3A : i32
    %jit3A_7 = arith.constant 1 : i32
    %select_n3A = arith.select %eq3A_6, %jit3A_7, %jit3A : i32
    %rem3A = vector.broadcast %select_n3A : i32 to vector<256x256xi32>
    %rem3A_8 = arith.remsi %iota3A_5, %rem3A : vector<256x256xi32>
    %ne3A = arith.constant 0 : i32
    %ne3A_9 = vector.broadcast %ne3A : i32 to vector<256x256xi32>
    %ne3A_10 = arith.cmpi ne, %rem3A_8, %ne3A_9 : vector<256x256xi32>
    %lt3A = arith.constant 0 : i32
    %lt3A_11 = vector.broadcast %lt3A : i32 to vector<256x256xi32>
    %lt3A_12 = arith.cmpi slt, %rem3A_8, %lt3A_11 : vector<256x256xi32>
    %lt3A_13 = arith.constant 0 : i32
    %lt3A_14 = arith.cmpi slt, %select_n3A, %lt3A_13 : i32
    %ne3A_15 = vector.broadcast %lt3A_14 : i1 to vector<256x256xi1>
    %ne3A_16 = vector.broadcast %ne3A_15 : vector<256x256xi1> to vector<256x256xi1>
    %ne3A_17 = arith.xori %lt3A_12, %ne3A_16 : vector<256x256xi1>
    %and3A = arith.andi %ne3A_17, %ne3A_10 : vector<256x256xi1>
    %add3A = vector.broadcast %select_n3A : i32 to vector<256x256xi32>
    %add3A_18 = arith.addi %rem3A_8, %add3A : vector<256x256xi32>
    %select_n3A_19 = arith.select %and3A, %add3A_18, %rem3A_8 : vector<256x256xi1>, vector<256x256xi32>
    %mul3A = arith.constant 128 : i32
    %mul3A_20 = vector.broadcast %mul3A : i32 to vector<256x256xi32>
    %mul3A_21 = arith.muli %select_n3A_19, %mul3A_20 : vector<256x256xi32>
    %jit3A_22 = arith.constant 16 : i32
    %div3A = vector.broadcast %jit3A_22 : i32 to vector<256x256xi32>
    %div3A_23 = arith.divsi %iota3A_5, %div3A : vector<256x256xi32>
    %sign3A = arith.constant 0 : i32
    %sign3A_24 = vector.broadcast %sign3A : i32 to vector<256x256xi32>
    %sign3A_25 = arith.cmpi sgt, %iota3A_5, %sign3A_24 : vector<256x256xi32>
    %sign3A_26 = arith.extui %sign3A_25 : vector<256x256xi1> to vector<256x256xi32>
    %sign3A_27 = arith.constant 0 : i32
    %sign3A_28 = vector.broadcast %sign3A_27 : i32 to vector<256x256xi32>
    %sign3A_29 = arith.cmpi slt, %iota3A_5, %sign3A_28 : vector<256x256xi32>
    %sign3A_30 = arith.extui %sign3A_29 : vector<256x256xi1> to vector<256x256xi32>
    %sign3A_31 = arith.subi %sign3A_26, %sign3A_30 : vector<256x256xi32>
    %sign3A_32 = arith.constant 0 : i32
    %sign3A_33 = arith.cmpi sgt, %jit3A_22, %sign3A_32 : i32
    %sign3A_34 = arith.extui %sign3A_33 : i1 to i32
    %sign3A_35 = arith.constant 0 : i32
    %sign3A_36 = arith.cmpi slt, %jit3A_22, %sign3A_35 : i32
    %sign3A_37 = arith.extui %sign3A_36 : i1 to i32
    %sign3A_38 = arith.subi %sign3A_34, %sign3A_37 : i32
    %ne3A_39 = vector.broadcast %sign3A_38 : i32 to vector<256x256xi32>
    %ne3A_40 = arith.cmpi ne, %sign3A_31, %ne3A_39 : vector<256x256xi32>
    %rem3A_41 = vector.broadcast %jit3A_22 : i32 to vector<256x256xi32>
    %rem3A_42 = arith.remsi %iota3A_5, %rem3A_41 : vector<256x256xi32>
    %ne3A_43 = arith.constant 0 : i32
    %ne3A_44 = vector.broadcast %ne3A_43 : i32 to vector<256x256xi32>
    %ne3A_45 = arith.cmpi ne, %rem3A_42, %ne3A_44 : vector<256x256xi32>
    %and3A_46 = arith.andi %ne3A_40, %ne3A_45 : vector<256x256xi1>
    %sub3A = arith.constant 1 : i32
    %sub3A_47 = vector.broadcast %sub3A : i32 to vector<256x256xi32>
    %sub3A_48 = arith.subi %div3A_23, %sub3A_47 : vector<256x256xi32>
    %select_n3A_49 = arith.select %and3A_46, %sub3A_48, %div3A_23 : vector<256x256xi1>, vector<256x256xi32>
    %mul3A_50 = arith.constant 8 : i32
    %mul3A_51 = vector.broadcast %mul3A_50 : i32 to vector<256x256xi32>
    %mul3A_52 = arith.muli %mul3A_51, %select_n3A_49 : vector<256x256xi32>
    %add3A_53 = arith.addi %mul3A_21, %mul3A_52 : vector<256x256xi32>
    %jit3A_54 = arith.constant 16 : i32
    %eq3A_55 = arith.constant 0 : i32
    %eq3A_56 = arith.cmpi eq, %jit3A_54, %eq3A_55 : i32
    %jit3A_57 = arith.constant 1 : i32
    %select_n3A_58 = arith.select %eq3A_56, %jit3A_57, %jit3A_54 : i32
    %rem3A_59 = vector.broadcast %select_n3A_58 : i32 to vector<256x256xi32>
    %rem3A_60 = arith.remsi %iota3A_5, %rem3A_59 : vector<256x256xi32>
    %ne3A_61 = arith.constant 0 : i32
    %ne3A_62 = vector.broadcast %ne3A_61 : i32 to vector<256x256xi32>
    %ne3A_63 = arith.cmpi ne, %rem3A_60, %ne3A_62 : vector<256x256xi32>
    %lt3A_64 = arith.constant 0 : i32
    %lt3A_65 = vector.broadcast %lt3A_64 : i32 to vector<256x256xi32>
    %lt3A_66 = arith.cmpi slt, %rem3A_60, %lt3A_65 : vector<256x256xi32>
    %lt3A_67 = arith.constant 0 : i32
    %lt3A_68 = arith.cmpi slt, %select_n3A_58, %lt3A_67 : i32
    %ne3A_69 = vector.broadcast %lt3A_68 : i1 to vector<256x256xi1>
    %ne3A_70 = vector.broadcast %ne3A_69 : vector<256x256xi1> to vector<256x256xi1>
    %ne3A_71 = arith.xori %lt3A_66, %ne3A_70 : vector<256x256xi1>
    %and3A_72 = arith.andi %ne3A_71, %ne3A_63 : vector<256x256xi1>
    %add3A_73 = vector.broadcast %select_n3A_58 : i32 to vector<256x256xi32>
    %add3A_74 = arith.addi %rem3A_60, %add3A_73 : vector<256x256xi32>
    %select_n3A_75 = arith.select %and3A_72, %add3A_74, %rem3A_60 : vector<256x256xi1>, vector<256x256xi32>
    %jit3A_76 = arith.constant 2 : i32
    %div3A_77 = vector.broadcast %jit3A_76 : i32 to vector<256x256xi32>
    %div3A_78 = arith.divsi %select_n3A_75, %div3A_77 : vector<256x256xi32>
    %sign3A_79 = arith.constant 0 : i32
    %sign3A_80 = vector.broadcast %sign3A_79 : i32 to vector<256x256xi32>
    %sign3A_81 = arith.cmpi sgt, %select_n3A_75, %sign3A_80 : vector<256x256xi32>
    %sign3A_82 = arith.extui %sign3A_81 : vector<256x256xi1> to vector<256x256xi32>
    %sign3A_83 = arith.constant 0 : i32
    %sign3A_84 = vector.broadcast %sign3A_83 : i32 to vector<256x256xi32>
    %sign3A_85 = arith.cmpi slt, %select_n3A_75, %sign3A_84 : vector<256x256xi32>
    %sign3A_86 = arith.extui %sign3A_85 : vector<256x256xi1> to vector<256x256xi32>
    %sign3A_87 = arith.subi %sign3A_82, %sign3A_86 : vector<256x256xi32>
    %sign3A_88 = arith.constant 0 : i32
    %sign3A_89 = arith.cmpi sgt, %jit3A_76, %sign3A_88 : i32
    %sign3A_90 = arith.extui %sign3A_89 : i1 to i32
    %sign3A_91 = arith.constant 0 : i32
    %sign3A_92 = arith.cmpi slt, %jit3A_76, %sign3A_91 : i32
    %sign3A_93 = arith.extui %sign3A_92 : i1 to i32
    %sign3A_94 = arith.subi %sign3A_90, %sign3A_93 : i32
    %ne3A_95 = vector.broadcast %sign3A_94 : i32 to vector<256x256xi32>
    %ne3A_96 = arith.cmpi ne, %sign3A_87, %ne3A_95 : vector<256x256xi32>
    %rem3A_97 = vector.broadcast %jit3A_76 : i32 to vector<256x256xi32>
    %rem3A_98 = arith.remsi %select_n3A_75, %rem3A_97 : vector<256x256xi32>
    %ne3A_99 = arith.constant 0 : i32
    %ne3A_100 = vector.broadcast %ne3A_99 : i32 to vector<256x256xi32>
    %ne3A_101 = arith.cmpi ne, %rem3A_98, %ne3A_100 : vector<256x256xi32>
    %and3A_102 = arith.andi %ne3A_96, %ne3A_101 : vector<256x256xi1>
    %sub3A_103 = arith.constant 1 : i32
    %sub3A_104 = vector.broadcast %sub3A_103 : i32 to vector<256x256xi32>
    %sub3A_105 = arith.subi %div3A_78, %sub3A_104 : vector<256x256xi32>
    %select_n3A_106 = arith.select %and3A_102, %sub3A_105, %div3A_78 : vector<256x256xi1>, vector<256x256xi32>
    %add3A_107 = arith.addi %add3A_53, %select_n3A_106 : vector<256x256xi32>
    %eq3A_108 = arith.cmpi eq, %iota3A, %add3A_107 : vector<256x256xi32>
    %jit3A_109 = arith.constant 1.000000e+00 : f32
    %jit3A_110 = arith.constant 0.000000e+00 : f32
    %broadcast_in_dim3A = vector.broadcast %jit3A_109 : f32 to vector<256x256xf32>
    %broadcast_in_dim3A_111 = vector.broadcast %jit3A_110 : f32 to vector<256x256xf32>
    %select_n3A_112 = arith.select %eq3A_108, %broadcast_in_dim3A, %broadcast_in_dim3A_111 : vector<256x256xi1>, vector<256x256xf32>
    %dot_general3A = arith.constant dense<0.000000e+00> : vector<2000x256xf32>
    %dot_general3A_113 = tpu.matmul %concatenate3A, %select_n3A_112, %dot_general3A {dimension_numbers = #tpu.dot_dimension_numbers<[1], [0], [0], [1], [0, 0, 1, 1], [], []>, transpose_lhs_hint = false} : vector<2000x256xf32>, vector<256x256xf32>, vector<2000x256xf32> -> vector<2000x256xf32>
    %swap3A = arith.constant 0 : index
    %swap3A_114 = arith.constant 0 : index
    %swap3A_115 = vector.load %arg3[%swap3A, %swap3A_114] : memref<2000x256xf32, #tpu.memory_space<vmem>>, vector<2000x256xf32>
    tpu.vector_store %arg3[%swap3A, %swap3A_114], %dot_general3A_113 {strides = array<i32>} : memref<2000x256xf32, #tpu.memory_space<vmem>>, vector<2000x256xf32>,
    return
  }
  func.func @transform_0(%arg0: i32) -> (i32, i32) {
    %c0_i32 = arith.constant 0 : i32
    %c0_i32_0 = arith.constant 0 : i32
    return %arg0, %c0_i32 : i32, i32
  }
  func.func @transform_1(%arg0: i32) -> (i32, i32) {
    %c0_i32 = arith.constant 0 : i32
    %c0_i32_0 = arith.constant 0 : i32
    return %arg0, %c0_i32 : i32, i32
  }
  func.func @transform_2(%arg0: i32) -> (i32, i32) {
    %c0_i32 = arith.constant 0 : i32
    %c0_i32_0 = arith.constant 0 : i32
    return %arg0, %c0_i32 : i32, i32
  }
}

module attributes {stable_mosaic.version = 14 : i64} {
  func.func @_tc_body(%arg0: i32, %arg1: memref<1x256x5248xf32, #tpu.memory_space<vmem>>, %arg2: memref<128x128xf32, #tpu.memory_space<vmem>>, %arg3: memref<5000x128xf32, #tpu.memory_space<vmem>>, %arg4: memref<5000x128xf32, #tpu.memory_space<vmem>>, %arg5: memref<5000x128xf32, #tpu.memory_space<vmem>>, %arg6: memref<5000x128xf32, #tpu.memory_space<vmem>>) attributes {dimension_semantics = [#tpu.dimension_semantics<arbitrary>], iteration_bounds = array<i64: 2>, scalar_prefetch = 0 : i64, scratch_operands = 0 : i64, tpu.core_type = #tpu.core_type<tc>, window_params = [{transform_indices = @transform_0, window_bounds = array<i64: 1, 256, 5248>}, {pipeline_mode = #tpu.pipeline_mode<synchronous>, transform_indices = @transform_1, window_bounds = array<i64: 128, 128>}, {transform_indices = @transform_2, window_bounds = array<i64: 5000, 128>}, {transform_indices = @transform_3, window_bounds = array<i64: 5000, 128>}, {transform_indices = @transform_4, window_bounds = array<i64: 5000, 128>}, {transform_indices = @transform_5, window_bounds = array<i64: 5000, 128>}]} {
    %get3A = arith.constant 0 : index
    %get3A_0 = arith.constant 0 : index
    %get3A_1 = arith.constant 0 : index
    %get3A_2 = vector.load %arg1[%get3A, %get3A_0, %get3A_1] : memref<1x256x5248xf32, #tpu.memory_space<vmem>>, vector<1x256x5248xf32>
    %get3A_3 = vector.shape_cast %get3A_2 : vector<1x256x5248xf32> to vector<256x5248xf32>
    %get3A_4 = arith.constant 0 : index
    %get3A_5 = arith.constant 0 : index
    %get3A_6 = vector.load %arg2[%get3A_4, %get3A_5] : memref<128x128xf32, #tpu.memory_space<vmem>>, vector<128x128xf32>
    %broadcast_in_dim3A = arith.constant 0.000000e+00 : f32
    %broadcast_in_dim3A_7 = vector.broadcast %broadcast_in_dim3A : f32 to vector<128x128xf32>
    %concatenate3A = tpu.concatenate %get3A_6, %broadcast_in_dim3A_7 in 1 : vector<128x128xf32>, vector<128x128xf32> -> vector<128x256xf32>
    %concatenate3A_8 = tpu.concatenate %broadcast_in_dim3A_7, %get3A_6 in 1 : vector<128x128xf32>, vector<128x128xf32> -> vector<128x256xf32>
    %concatenate3A_9 = tpu.concatenate %concatenate3A, %concatenate3A_8 in 0 : vector<128x256xf32>, vector<128x256xf32> -> vector<256x256xf32>
    %iota3A = tpu.iota {dimensions = array<i32: 0>} : vector<256x256xi32>
    %iota3A_10 = tpu.iota {dimensions = array<i32: 1>} : vector<256x256xi32>
    %jit3A = arith.constant 2 : i32
    %eq3A = arith.constant 0 : i32
    %eq3A_11 = arith.cmpi eq, %jit3A, %eq3A : i32
    %jit3A_12 = arith.constant 1 : i32
    %select_n3A = arith.select %eq3A_11, %jit3A_12, %jit3A : i32
    %rem3A = vector.broadcast %select_n3A : i32 to vector<256x256xi32>
    %rem3A_13 = arith.remsi %iota3A, %rem3A : vector<256x256xi32>
    %ne3A = arith.constant 0 : i32
    %ne3A_14 = vector.broadcast %ne3A : i32 to vector<256x256xi32>
    %ne3A_15 = arith.cmpi ne, %rem3A_13, %ne3A_14 : vector<256x256xi32>
    %lt3A = arith.constant 0 : i32
    %lt3A_16 = vector.broadcast %lt3A : i32 to vector<256x256xi32>
    %lt3A_17 = arith.cmpi slt, %rem3A_13, %lt3A_16 : vector<256x256xi32>
    %lt3A_18 = arith.constant 0 : i32
    %lt3A_19 = arith.cmpi slt, %select_n3A, %lt3A_18 : i32
    %ne3A_20 = vector.broadcast %lt3A_19 : i1 to vector<256x256xi1>
    %ne3A_21 = vector.broadcast %ne3A_20 : vector<256x256xi1> to vector<256x256xi1>
    %ne3A_22 = arith.xori %lt3A_17, %ne3A_21 : vector<256x256xi1>
    %and3A = arith.andi %ne3A_22, %ne3A_15 : vector<256x256xi1>
    %add3A = vector.broadcast %select_n3A : i32 to vector<256x256xi32>
    %add3A_23 = arith.addi %rem3A_13, %add3A : vector<256x256xi32>
    %select_n3A_24 = arith.select %and3A, %add3A_23, %rem3A_13 : vector<256x256xi1>, vector<256x256xi32>
    %mul3A = arith.constant 128 : i32
    %mul3A_25 = vector.broadcast %mul3A : i32 to vector<256x256xi32>
    %mul3A_26 = arith.muli %select_n3A_24, %mul3A_25 : vector<256x256xi32>
    %jit3A_27 = arith.constant 16 : i32
    %div3A = vector.broadcast %jit3A_27 : i32 to vector<256x256xi32>
    %div3A_28 = arith.divsi %iota3A, %div3A : vector<256x256xi32>
    %sign3A = arith.constant 0 : i32
    %sign3A_29 = vector.broadcast %sign3A : i32 to vector<256x256xi32>
    %sign3A_30 = arith.cmpi sgt, %iota3A, %sign3A_29 : vector<256x256xi32>
    %sign3A_31 = arith.extui %sign3A_30 : vector<256x256xi1> to vector<256x256xi32>
    %sign3A_32 = arith.constant 0 : i32
    %sign3A_33 = vector.broadcast %sign3A_32 : i32 to vector<256x256xi32>
    %sign3A_34 = arith.cmpi slt, %iota3A, %sign3A_33 : vector<256x256xi32>
    %sign3A_35 = arith.extui %sign3A_34 : vector<256x256xi1> to vector<256x256xi32>
    %sign3A_36 = arith.subi %sign3A_31, %sign3A_35 : vector<256x256xi32>
    %sign3A_37 = arith.constant 0 : i32
    %sign3A_38 = arith.cmpi sgt, %jit3A_27, %sign3A_37 : i32
    %sign3A_39 = arith.extui %sign3A_38 : i1 to i32
    %sign3A_40 = arith.constant 0 : i32
    %sign3A_41 = arith.cmpi slt, %jit3A_27, %sign3A_40 : i32
    %sign3A_42 = arith.extui %sign3A_41 : i1 to i32
    %sign3A_43 = arith.subi %sign3A_39, %sign3A_42 : i32
    %ne3A_44 = vector.broadcast %sign3A_43 : i32 to vector<256x256xi32>
    %ne3A_45 = arith.cmpi ne, %sign3A_36, %ne3A_44 : vector<256x256xi32>
    %rem3A_46 = vector.broadcast %jit3A_27 : i32 to vector<256x256xi32>
    %rem3A_47 = arith.remsi %iota3A, %rem3A_46 : vector<256x256xi32>
    %ne3A_48 = arith.constant 0 : i32
    %ne3A_49 = vector.broadcast %ne3A_48 : i32 to vector<256x256xi32>
    %ne3A_50 = arith.cmpi ne, %rem3A_47, %ne3A_49 : vector<256x256xi32>
    %and3A_51 = arith.andi %ne3A_45, %ne3A_50 : vector<256x256xi1>
    %sub3A = arith.constant 1 : i32
    %sub3A_52 = vector.broadcast %sub3A : i32 to vector<256x256xi32>
    %sub3A_53 = arith.subi %div3A_28, %sub3A_52 : vector<256x256xi32>
    %select_n3A_54 = arith.select %and3A_51, %sub3A_53, %div3A_28 : vector<256x256xi1>, vector<256x256xi32>
    %mul3A_55 = arith.constant 8 : i32
    %mul3A_56 = vector.broadcast %mul3A_55 : i32 to vector<256x256xi32>
    %mul3A_57 = arith.muli %mul3A_56, %select_n3A_54 : vector<256x256xi32>
    %add3A_58 = arith.addi %mul3A_26, %mul3A_57 : vector<256x256xi32>
    %jit3A_59 = arith.constant 16 : i32
    %eq3A_60 = arith.constant 0 : i32
    %eq3A_61 = arith.cmpi eq, %jit3A_59, %eq3A_60 : i32
    %jit3A_62 = arith.constant 1 : i32
    %select_n3A_63 = arith.select %eq3A_61, %jit3A_62, %jit3A_59 : i32
    %rem3A_64 = vector.broadcast %select_n3A_63 : i32 to vector<256x256xi32>
    %rem3A_65 = arith.remsi %iota3A, %rem3A_64 : vector<256x256xi32>
    %ne3A_66 = arith.constant 0 : i32
    %ne3A_67 = vector.broadcast %ne3A_66 : i32 to vector<256x256xi32>
    %ne3A_68 = arith.cmpi ne, %rem3A_65, %ne3A_67 : vector<256x256xi32>
    %lt3A_69 = arith.constant 0 : i32
    %lt3A_70 = vector.broadcast %lt3A_69 : i32 to vector<256x256xi32>
    %lt3A_71 = arith.cmpi slt, %rem3A_65, %lt3A_70 : vector<256x256xi32>
    %lt3A_72 = arith.constant 0 : i32
    %lt3A_73 = arith.cmpi slt, %select_n3A_63, %lt3A_72 : i32
    %ne3A_74 = vector.broadcast %lt3A_73 : i1 to vector<256x256xi1>
    %ne3A_75 = vector.broadcast %ne3A_74 : vector<256x256xi1> to vector<256x256xi1>
    %ne3A_76 = arith.xori %lt3A_71, %ne3A_75 : vector<256x256xi1>
    %and3A_77 = arith.andi %ne3A_76, %ne3A_68 : vector<256x256xi1>
    %add3A_78 = vector.broadcast %select_n3A_63 : i32 to vector<256x256xi32>
    %add3A_79 = arith.addi %rem3A_65, %add3A_78 : vector<256x256xi32>
    %select_n3A_80 = arith.select %and3A_77, %add3A_79, %rem3A_65 : vector<256x256xi1>, vector<256x256xi32>
    %jit3A_81 = arith.constant 2 : i32
    %div3A_82 = vector.broadcast %jit3A_81 : i32 to vector<256x256xi32>
    %div3A_83 = arith.divsi %select_n3A_80, %div3A_82 : vector<256x256xi32>
    %sign3A_84 = arith.constant 0 : i32
    %sign3A_85 = vector.broadcast %sign3A_84 : i32 to vector<256x256xi32>
    %sign3A_86 = arith.cmpi sgt, %select_n3A_80, %sign3A_85 : vector<256x256xi32>
    %sign3A_87 = arith.extui %sign3A_86 : vector<256x256xi1> to vector<256x256xi32>
    %sign3A_88 = arith.constant 0 : i32
    %sign3A_89 = vector.broadcast %sign3A_88 : i32 to vector<256x256xi32>
    %sign3A_90 = arith.cmpi slt, %select_n3A_80, %sign3A_89 : vector<256x256xi32>
    %sign3A_91 = arith.extui %sign3A_90 : vector<256x256xi1> to vector<256x256xi32>
    %sign3A_92 = arith.subi %sign3A_87, %sign3A_91 : vector<256x256xi32>
    %sign3A_93 = arith.constant 0 : i32
    %sign3A_94 = arith.cmpi sgt, %jit3A_81, %sign3A_93 : i32
    %sign3A_95 = arith.extui %sign3A_94 : i1 to i32
    %sign3A_96 = arith.constant 0 : i32
    %sign3A_97 = arith.cmpi slt, %jit3A_81, %sign3A_96 : i32
    %sign3A_98 = arith.extui %sign3A_97 : i1 to i32
    %sign3A_99 = arith.subi %sign3A_95, %sign3A_98 : i32
    %ne3A_100 = vector.broadcast %sign3A_99 : i32 to vector<256x256xi32>
    %ne3A_101 = arith.cmpi ne, %sign3A_92, %ne3A_100 : vector<256x256xi32>
    %rem3A_102 = vector.broadcast %jit3A_81 : i32 to vector<256x256xi32>
    %rem3A_103 = arith.remsi %select_n3A_80, %rem3A_102 : vector<256x256xi32>
    %ne3A_104 = arith.constant 0 : i32
    %ne3A_105 = vector.broadcast %ne3A_104 : i32 to vector<256x256xi32>
    %ne3A_106 = arith.cmpi ne, %rem3A_103, %ne3A_105 : vector<256x256xi32>
    %and3A_107 = arith.andi %ne3A_101, %ne3A_106 : vector<256x256xi1>
    %sub3A_108 = arith.constant 1 : i32
    %sub3A_109 = vector.broadcast %sub3A_108 : i32 to vector<256x256xi32>
    %sub3A_110 = arith.subi %div3A_83, %sub3A_109 : vector<256x256xi32>
    %select_n3A_111 = arith.select %and3A_107, %sub3A_110, %div3A_83 : vector<256x256xi1>, vector<256x256xi32>
    %add3A_112 = arith.addi %add3A_58, %select_n3A_111 : vector<256x256xi32>
    %eq3A_113 = arith.cmpi eq, %iota3A_10, %add3A_112 : vector<256x256xi32>
    %jit3A_114 = arith.constant 1.000000e+00 : f32
    %jit3A_115 = arith.constant 0.000000e+00 : f32
    %broadcast_in_dim3A_116 = vector.broadcast %jit3A_114 : f32 to vector<256x256xf32>
    %broadcast_in_dim3A_117 = vector.broadcast %jit3A_115 : f32 to vector<256x256xf32>
    %select_n3A_118 = arith.select %eq3A_113, %broadcast_in_dim3A_116, %broadcast_in_dim3A_117 : vector<256x256xi1>, vector<256x256xf32>
    %dot_general3A = arith.constant dense<0.000000e+00> : vector<256x256xf32>
    %dot_general3A_119 = tpu.matmul %select_n3A_118, %concatenate3A_9, %dot_general3A {dimension_numbers = #tpu.dot_dimension_numbers<[1], [0], [0], [1], [0, 0, 1, 1], [], []>, transpose_lhs_hint = false} : vector<256x256xf32>, vector<256x256xf32>, vector<256x256xf32> -> vector<256x256xf32>
    %dot_general3A_120 = arith.constant dense<0.000000e+00> : vector<5248x256xf32>
    %dot_general3A_121 = tpu.matmul %get3A_3, %dot_general3A_119, %dot_general3A_120 {dimension_numbers = #tpu.dot_dimension_numbers<[0], [0], [1], [1], [0, 1, 1, 1], [], []>, transpose_lhs_hint = false} : vector<256x5248xf32>, vector<256x256xf32>, vector<5248x256xf32> -> vector<5248x256xf32>
    %slice3A = vector.extract_strided_slice %dot_general3A_121 {offsets = [0, 0], sizes = [5000, 128], strides = [1, 1]} : vector<5248x256xf32> to vector<5000x128xf32>
    %get3A_122 = arith.constant 0 : index
    %get3A_123 = arith.constant 0 : index
    %get3A_124 = vector.load %arg3[%get3A_122, %get3A_123] : memref<5000x128xf32, #tpu.memory_space<vmem>>, vector<5000x128xf32>
    %add3A_125 = arith.addf %slice3A, %get3A_124 : vector<5000x128xf32>
    %swap3A = arith.constant 0 : index
    %swap3A_126 = arith.constant 0 : index
    %swap3A_127 = vector.load %arg5[%swap3A, %swap3A_126] : memref<5000x128xf32, #tpu.memory_space<vmem>>, vector<5000x128xf32>
    tpu.vector_store %arg5[%swap3A, %swap3A_126], %add3A_125 {strides = array<i32>} : memref<5000x128xf32, #tpu.memory_space<vmem>>, vector<5000x128xf32>,
    %slice3A_128 = vector.extract_strided_slice %dot_general3A_121 {offsets = [0, 128], sizes = [5000, 128], strides = [1, 1]} : vector<5248x256xf32> to vector<5000x128xf32>
    %get3A_129 = arith.constant 0 : index
    %get3A_130 = arith.constant 0 : index
    %get3A_131 = vector.load %arg4[%get3A_129, %get3A_130] : memref<5000x128xf32, #tpu.memory_space<vmem>>, vector<5000x128xf32>
    %add3A_132 = arith.addf %slice3A_128, %get3A_131 : vector<5000x128xf32>
    %swap3A_133 = arith.constant 0 : index
    %swap3A_134 = arith.constant 0 : index
    %swap3A_135 = vector.load %arg6[%swap3A_133, %swap3A_134] : memref<5000x128xf32, #tpu.memory_space<vmem>>, vector<5000x128xf32>
    tpu.vector_store %arg6[%swap3A_133, %swap3A_134], %add3A_132 {strides = array<i32>} : memref<5000x128xf32, #tpu.memory_space<vmem>>, vector<5000x128xf32>,
    return
  }
  func.func @transform_0(%arg0: i32) -> (i32, i32, i32) {
    %c0_i32 = arith.constant 0 : i32
    %c0_i32_0 = arith.constant 0 : i32
    %c0_i32_1 = arith.constant 0 : i32
    return %arg0, %c0_i32, %c0_i32_0 : i32, i32, i32
  }
  func.func @transform_1(%arg0: i32) -> (i32, i32) {
    %c0_i32 = arith.constant 0 : i32
    %c0_i32_0 = arith.constant 0 : i32
    %c0_i32_1 = arith.constant 0 : i32
    return %c0_i32, %c0_i32_0 : i32, i32
  }
  func.func @transform_2(%arg0: i32) -> (i32, i32) {
    %c0_i32 = arith.constant 0 : i32
    %c0_i32_0 = arith.constant 0 : i32
    return %arg0, %c0_i32 : i32, i32
  }
  func.func @transform_3(%arg0: i32) -> (i32, i32) {
    %c0_i32 = arith.constant 0 : i32
    %c0_i32_0 = arith.constant 0 : i32
    return %arg0, %c0_i32 : i32, i32
  }
  func.func @transform_4(%arg0: i32) -> (i32, i32) {
    %c0_i32 = arith.constant 0 : i32
    %c0_i32_0 = arith.constant 0 : i32
    return %arg0, %c0_i32 : i32, i32
  }
  func.func @transform_5(%arg0: i32) -> (i32, i32) {
    %c0_i32 = arith.constant 0 : i32
    %c0_i32_0 = arith.constant 0 : i32
    return %arg0, %c0_i32 : i32, i32
  }
}

</mosaic_0001>

<sc_bundles>
// kernel: kernel.5.cloned.1.call-start
scs
__scs_entry_jumppad:
0x0: {  	(pc) =	sbr.rel $0x88, $3  }
0x1: {  	(tag) =	ssettag $0x0;
	lr =	simm.s32 $0x1  }
0x2: {  	[smem:$0x3F9B] =	sst lr;
	_ =	strace $0xD0000000  }
0x3: {  	_ = 	snop  }
0x4: {  	_ = 	snop  }
0x5: {  	_ = 	snop  }
0x6: {  	_ = 	snop  }
0x7: {  	_ = 	snop  }
__scs_overlays_trampoline_lowered:
0x8: {  	[smem:$0x3FAA] =	sst s0  }
0x9: {  	[smem:$0x3FAB] =	sst s1  }
0xa: {  	[smem:$0x3FAC] =	sst s2  }
0xb: {  	[smem:$0x3FAD] =	sst s3  }
0xc: {  	[smem:$0x3FAE] =	sst s4  }
0xd: {  	[smem:$0x3FAF] =	sst s5  }
0xe: {  	[smem:$0x3FB0] =	sst s6  }
0xf: {  	[smem:$0x3FB1] =	sst s7  }
0x10: {  	[smem:$0x3FB2] =	sst s8  }
0x11: {  	[smem:$0x3FB3] =	sst s9;
	s0 =	simm.s32 @!p0 $0x0  }
0x12: {  	s1 =	sld [smem:$0x3F99];
	s0 =	simm.s32 @p0 $0x1  }
0x13: {  	[smem:$0x3FB4] =	sst s0;
	s0 =	simm.s32 @!p1 $0x0  }
0x14: {  	s2 =	sld [smem:$0x3F98];
	s0 =	simm.s32 @p1 $0x1  }
0x15: {  	[smem:$0x3FB5] =	sst s0;
	s0 =	simm.s32 @!p2 $0x0  }
0x16: {  	s3 =	sld [smem:$0x3FDB];
	s0 =	simm.s32 @p2 $0x1  }
0x17: {  	s4 =	simm.s32 $0x1BF5;
	[smem:$0x3FB7] =	sst s0  }
0x18: {  	s0 =	sld [smem:$0x3F9A];
	_ =	swait.ge [sflag:s4], $0x0  }
0x19: {  	s7 =	sld [smem:$0x3F9B]  }
0x1a: {  	s8 =	sadd.s32 $0xFFFFE003, lr  }
0x1b: {  	s9 =	sadd.s32 $0xFFFFFEF7, lr;
	s5 =	simm.s32 $0xFFFFFFFF;
	p2 =	slt.u32 s8, $0xFFFFF086  }
0x1c: {  	p1 =	slt.u32 s9, $0xF7A;
	s5 =	simm.s32 @!p2 $0x0  }
0x1d: {  	s5 =	simm.s32 @p1 $0x1;
	p0 =	seq.s32 s7, s2  }
0x1e: {  	s7 =	smul.u32 @!p0 $0xF7A, s2;
	p2 =	seq.s32 @!p0 s5, $0x0  }
0x1f: {  	s9 =	smul.u32 $0xF7A, s1;
	s8 =	simm.s32 @!p0 $0x1BF5;
	p2 =	por !p2, p0  }
0x20: {  	[sflag:s8] =	ssyncset.s32 @!p0 $0xFFFFF086;
	s6 =	sadd.s32 @!p0 s3, s7;
	s7 =	simm.s32 @!p0 $0x108  }
0x21: {  	s3 =	sadd.s32 s3, s9;
	s6 =	sadd.s32 @!p0 $0x88, s6;
	s7 =	simm.s32 @p2 $0x1082  }
0x22: {  	[simem:s7], [sflag:s8] =	dma.local @!p0 [hbm:s6], $0xF7A  }
0x23: {  	s9 =	sor.u32 $0xD0000000, s2;
	s6 =	simm.s32 $0x108;
	_ =	swait.ge @!p0 [sflag:s8], $0x0  }
0x24: {  	s3 =	sadd.s32 $0x88, s3;
	s6 =	simm.s32 @!p1 $0x1082;
	[sflag:s4] =	ssyncset.s32 $0xFFFFF086  }
0x25: {  	[simem:s6], [sflag:s4] =	dma.local [hbm:s3], $0xF7A  }
0x26: {  	[smem:$0x3F9B] =	sst s1;
	(tag) =	ssettag s2;
	_ =	strace s9  }
0x27: {  	s1 =	sld [smem:$0x3FAB]  }
0x28: {  	s2 =	sld [smem:$0x3FAC]  }
0x29: {  	s4 =	sld [smem:$0x3FAE]  }
0x2a: {  	p0 =	seq.s32 s5, $0x0;
	s5 =	sld [smem:$0x3FAF]  }
0x2b: {  	s6 =	sld [smem:$0x3FB0]  }
0x2c: {  	s7 =	sld [smem:$0x3FB1]  }
0x2d: {  	s3 =	simm.s32 $0x108;
	s8 =	sld [smem:$0x3FB2]  }
0x2e: {  	s3 =	simm.s32 @!p0 $0x1082;
	s9 =	sld [smem:$0x3FB3]  }
0x2f: {  	lr =	sadd.s32 s0, s3;
	s0 =	sld [smem:$0x3FAA]  }
0x30: {  	s3 =	sld [smem:$0x3FAD]  }
0x31: {  	[smem:$0x3FB6] =	sst s10  }
0x32: {  	s10 =	sld [smem:$0x3FB4];
	_ =	sdelay $0x3  }
0x33: {  	p0 =	seq.s32 s10, $0x1;
	s10 =	sld [smem:$0x3FB6];
	_ =	sdelay $0x3  }
0x34: {  	[smem:$0x3FB6] =	sst s10  }
0x35: {  	s10 =	sld [smem:$0x3FB5];
	_ =	sdelay $0x3  }
0x36: {  	p1 =	seq.s32 s10, $0x1;
	s10 =	sld [smem:$0x3FB6];
	_ =	sdelay $0x3  }
0x37: {  	[smem:$0x3FB6] =	sst s10  }
0x38: {  	s10 =	sld [smem:$0x3FB7]  }
0x39: {  	_ = 	snop;
	(pc) =	sbr.ind lr, $3  }
0x3a: {  	_ = 	snop  }
0x3b: {  	_ = 	snop  }
0x3c: {  	p2 =	seq.s32 s10, $0x1;
	s10 =	sld [smem:$0x3FB6]  }
0x3d: {  	_ =	shalt  }
0x3e: {  	_ =	shalt  }
0x3f: {  	_ =	shalt  }
0x40: {  	_ =	shalt  }
0x41: {  	_ =	shalt  }
0x42: {  	_ =	shalt  }
0x43: {  	_ =	shalt  }
0x44: {  	_ =	shalt  }
0x45: {  	_ =	shalt  }
0x46: {  	_ =	shalt  }
0x47: {  	_ =	shalt  }
0x48: {  	_ =	shalt  }
0x49: {  	_ =	shalt  }
0x4a: {  	_ =	shalt  }
0x4b: {  	_ =	shalt  }
0x4c: {  	_ =	shalt  }
0x4d: {  	_ =	shalt  }
0x4e: {  	_ =	shalt  }
0x4f: {  	_ =	shalt  }
0x50: {  	_ =	shalt  }
0x51: {  	_ =	shalt  }
0x52: {  	_ =	shalt  }
0x53: {  	_ =	shalt  }
0x54: {  	_ =	shalt  }
0x55: {  	_ =	shalt  }
0x56: {  	_ =	shalt  }
0x57: {  	_ =	shalt  }
0x58: {  	_ =	shalt  }
0x59: {  	_ =	shalt  }
0x5a: {  	_ =	shalt  }
0x5b: {  	_ =	shalt  }
0x5c: {  	_ =	shalt  }
0x5d: {  	_ =	shalt  }
0x5e: {  	_ =	shalt  }
0x5f: {  	_ =	shalt  }
0x60: {  	_ =	shalt  }
0x61: {  	_ =	shalt  }
0x62: {  	_ =	shalt  }
0x63: {  	_ =	shalt  }
0x64: {  	_ =	shalt  }
0x65: {  	_ =	shalt  }
0x66: {  	_ =	shalt  }
0x67: {  	_ =	shalt  }
0x68: {  	_ =	shalt  }
0x69: {  	_ =	shalt  }
0x6a: {  	_ =	shalt  }
0x6b: {  	_ =	shalt  }
0x6c: {  	_ =	shalt  }
0x6d: {  	_ =	shalt  }
0x6e: {  	_ =	shalt  }
0x6f: {  	_ =	shalt  }
0x70: {  	_ =	shalt  }
0x71: {  	_ =	shalt  }
0x72: {  	_ =	shalt  }
0x73: {  	_ =	shalt  }
0x74: {  	_ =	shalt  }
0x75: {  	_ =	shalt  }
0x76: {  	_ =	shalt  }
0x77: {  	_ =	shalt  }
0x78: {  	_ =	shalt  }
0x79: {  	_ =	shalt  }
0x7a: {  	_ =	shalt  }
0x7b: {  	_ =	shalt  }
0x7c: {  	_ =	shalt  }
0x7d: {  	_ =	shalt  }
0x7e: {  	_ =	shalt  }
0x7f: {  	_ =	shalt  }
0x80: {  	_ =	shalt  }
0x81: {  	_ =	shalt  }
0x82: {  	_ =	shalt  }
0x83: {  	_ =	shalt  }
0x84: {  	_ =	shalt  }
0x85: {  	_ =	shalt  }
0x86: {  	_ =	shalt  }
0x87: {  	_ =	shalt  }
.Lfunc_end0:
.L_simem_size_0:
called_computation_lowered:
.L_overlay_start_0:
0x88: {  	s2 =	sld [smem:$0x3FD9]  }
0x89: {  	s3 =	sld [smem:$0x3FFE];
	_ =	sdelay $0x1  }
0x8a: {  	s1 =	srdreg.scid  }
0x8b: {  	s0 =	sand.u32 $0x1, s1  }
0x8c: {  	s14 =	sshll.u32 s0, $0xA;
	s2 =	sadd.s32 s3, s2  }
0x8d: {  	s2 =	sadd.s32 s2, s14  }
0x8e: {  	[smem:$0x3FC2] =	sst s2  }
0x8f: {  	_ = 	snop  }
0x90: {  	s2 =	sld [smem:$0x3FD0];
	_ =	sdelay $0x1  }
0x91: {  	s15 =	sld [smem:$0x3FC6]  }
0x92: {  	s5 =	simm.s32 $0xA;
	s6 =	simm.s32 $0x10;
	s4 =	sld [smem:$0x3FC5]  }
0x93: {  	[smem:s6], [sflag:s5] =	dma.local [hbm:s2], $0x1  }
0x94: {  	_ =	swait.eq [sflag:s5], $0x1  }
0x95: {  	[sflag:s5] =	ssyncset.done $0x0  }
0x96: {  	s16 =	sld [smem:$0x10];
	[sflag:s5] =	ssyncadd.s32 $0xFFFFFFFF  }
0x97: {  	s17 =	sld [smem:$0x11];
	(tm) =	ssettm $0x1  }
0x98: {  	s18 =	sld [smem:$0x3FFB];
	_ =	sdelay $0x3  }
0x99: {  	_ =	strace s18  }
0x9a: {  	s6 =	sld [smem:$0x3FFC];
	_ =	sdelay $0x3  }
0x9b: {  	_ =	strace s6  }
0x9c: {  	s6 =	sld [smem:$0x3FFD];
	_ =	sdelay $0x3  }
0x9d: {  	_ =	strace s6  }
0x9e: {  	_ =	strace $0x8FFFFFFF  }
0x9f: {  	s19 =	sld [smem:$0x3FDB];
	_ =	sdelay $0x1  }
0xa0: {  	s7 =	simm.s32 $_scs_section_size  }
0xa1: {  	s8 =	simm.s32 $_size__tile_overlayer_lowered;
	s9 =	simm.s32 $_tile_overlayer_lowered  }
0xa2: {  	s22 =	simm.s32 $0x1BFF;
	s21 =	sshll.u32 s9, $0x1;
	s6 =	sadd.s32 s7, s19  }
0xa3: {  	s10 =	simm.s32 $0x0;
	s20 =	sshll.u32 s8, $0x1;
	s8 =	sadd.s32 s21, s6  }
0xa4: {  	[timem:s10], [sflag:s22] =	dma.local [hbm:s8], s20  }
0xa5: {  	_ =	swait.ge [sflag:s22], s20  }
0xa6: {  	s7 =	ssub.s32 $0x0, s20;
	[sflag:s22] =	ssyncset.done $0x0  }
0xa7: {  	[sflag:s22] =	ssyncadd.s32 s7;
	_ =	sdelay $0x1  }
0xa8: {  	s23 =	simm.s32 $0x1B8B  }
0xa9: {  	_ =	swait.ge [sflag:s23], $0x1  }
0xaa: {  	[sflag:s23] =	ssyncset.done $0x0  }
0xab: {  	s25 =	simm.s32 $0x1B8E;
	s24 =	sld [smem:$0x3FFE];
	[sflag:s23] =	ssyncadd.s32 $0xFFFFFFFF  }
0xac: {  	s26 =	simm.s32 $execute0_lowered;
	[smem:$0x3FD2] =	sst s25  }
0xad: {  	s8 =	sshll.u32 s26, $0x1;
	_ =	strace $0x80000046;
	[dreg:$0x1] =	wrdreg $0xFFFFFFFF  }
0xae: {  	s28 =	simm.s32 $_size_execute0_lowered;
	s6 =	sadd.s32 s6, s8;
	[dreg:$0x0] =	wrdreg $0x0  }
0xaf: {  	s8 =	sshll.u32 s28, $0x1;
	[dreg:$0x2] =	wrdreg s6  }
0xb0: {  	[dreg:$0x3] =	wrdreg s8  }
0xb1: {  	[dreg:$0x4] =	wrdreg $0xC0  }
0xb2: {  	_ =	task [dreg:s10], $0x5FFFF  }
0xb3: {  	[dreg:$0x1] =	wrdreg $0xFFFFFFFF  }
0xb4: {  	[dreg:$0x0] =	wrdreg $0x60  }
0xb5: {  	[dreg:$0x2] =	wrdreg s24  }
0xb6: {  	[dreg:$0x3] =	wrdreg s16  }
0xb7: {  	[dreg:$0x4] =	wrdreg s17  }
0xb8: {  	[dreg:$0x5] =	wrdreg s15  }
0xb9: {  	[dreg:$0x6] =	wrdreg s4  }
0xba: {  	[dreg:$0x7] =	wrdreg $0x9  }
0xbb: {  	_ =	task.clear_ibuf [dreg:s10], $0x8FFFF;
	_ =	strace $0x90000046  }
0xbc: {  	s29 =	simm.s32 $0x9;
	_ =	strace $0x80000048  }
0xbd: {  	_ =	swait.ge [sflag:s29], $0x1  }
0xbe: {  	[sflag:s29] =	ssyncadd.s32 $0xFFFFFFFF  }
0xbf: {  	_ =	strace $0x90000048  }
0xc0: {  	_ =	sfence  }
0xc1: {  	s30 =	sld [smem:$0x0];
	_ =	sdelay $0x2  }
0xc2: {  	s31 =	sshll.u32 s1, $0xD;
	s1 =	sshrl.u32 s1, $0x2  }
0xc3: {  	s3 =	sand.u32 $0x4000, s31;
	s1 =	sadd.s32 s1, s30  }
0xc4: {  	s0 =	sor.u32 s3, s0;
	s1 =	sshll.u32 s1, $0x11  }
0xc5: {  	s0 =	sor.u32 s1, s0  }
0xc6: {  	s0 =	sadd.s32 $0x8F2B, s0  }
0xc7: {  	[sflag:s0] =	ssyncadd.remote.s32 $0x1  }
0xc8: {  	_ =	sfence.sel $0xFFFF  }
0xc9: {  	[dreg:$0x0] =	wrdreg $0xFFFFFFFF;
	(pc) =	sbr.abs _section_cstart, $3  }
0xca: {  	[dreg:$0x1] =	wrdreg $0xFFFFFFFF  }
0xcb: {  	_ =	task.clear_ibuf [dreg:s10], $0x2FFFF;
	_ =	strace $0x9FFFFFFF  }
0xcc: {  	(tm) =	ssettm $0x7FFFFFFF  }
0xcd: {  	_ =	shalt  }
tec
execute0_lowered:
.L_overlay_start_1:
0x0: {  	(tag) =	ssettag $0x1  }
0x1: {  	s0 =	rddreg [dreg:$0x0]  }
0x2: {  	s1 =	rddreg [dreg:$0x1]  }
0x3: {  	s2 =	rddreg [dreg:$0x2];
	s3 =	srdreg.scid  }
0x4: {  	s4 =	rddreg [dreg:$0x3];
	s14 =	stileid.u32;
	s3 =	sand.u32 $0x1, s3  }
0x5: {  	s6 =	simm.s32 $0x0;
	s8 =	sshll.u32 s14, $0x4;
	s7 =	sshll.u32 s3, $0x8  }
0x6: {  	[smem:$0x7FF] =	sst s6;
	s10 =	ssub.s32 $0x2, s3;
	s7 =	sor.u32 s8, s7  }
0x7: {  	s9 =	sadd.s32 $0x4E400, s0;
	s11 =	sshrl.u32 s10, $0x1;
	s8 =	smul.u32 $0x1480, s7  }
0x8: {  	s12 =	smul.u32 $0x290, s7;
	s7 =	sadd.s32 $0x200, s0;
	s0 =	ssub.s32 s10, s11  }
0x9: {  	s5 =	rddreg [dreg:$0x4];
	_ =	strace $0x80000047;
	s0 =	smax.u32 s0, $0x1  }
0xa: {  	s8 =	sshrl.u32 s8, $0x3;
	s23 =	sadd.s32 s9, s12;
	[dreg:$0x16] =	wrdreg s0  }
0xb: {  	s8 =	sadd.s32 s9, s8;
	[dreg:$0x6] =	wrdreg s23;
	s23 =	sadd.s32 $0x50, s1  }
0xc: {  	s24 =	sadd.s32 $0x290, s8;
	[dreg:$0x17] =	wrdreg s23  }
0xd: {  	s25 =	sadd.s32 $0x520, s8;
	[dreg:$0x7] =	wrdreg s24  }
0xe: {  	s26 =	sadd.s32 $0x7B0, s8;
	[dreg:$0x8] =	wrdreg s25  }
0xf: {  	s9 =	sadd.s32 $0xA40, s8;
	[dreg:$0x9] =	wrdreg s26  }
0x10: {  	s10 =	sadd.s32 $0xCD0, s8;
	[dreg:$0xa] =	wrdreg s9  }
0x11: {  	s28 =	simm.s32 $0x1800;
	s11 =	sadd.s32 $0xF60, s8;
	[dreg:$0xb] =	wrdreg s10  }
0x12: {  	s29 =	simm.s32 $0x5900;
	s12 =	sadd.s32 $0x11F0, s8;
	[dreg:$0xc] =	wrdreg s11  }
0x13: {  	s30 =	simm.s32 $0x6100;
	s15 =	sadd.s32 $0x1480, s8;
	[dreg:$0xd] =	wrdreg s12  }
0x14: {  	s31 =	simm.s32 $0x3;
	s16 =	sadd.s32 $0x1710, s8;
	[dreg:$0xe] =	wrdreg s15  }
0x15: {  	v2 =	vmov s14;
	s14 =	simm.s32 $0x0;
	s17 =	sadd.s32 $0x19A0, s8;
	[dreg:$0xf] =	wrdreg s16  }
0x16: {  	s13 =	smul.u32 $0x1388, s3;
	s18 =	sadd.s32 $0x1C30, s8;
	[dreg:$0x10] =	wrdreg s17  }
0x17: {  	s3 =	simm.s32 $0x6900;
	s19 =	sadd.s32 $0x1EC0, s8;
	[dreg:$0x11] =	wrdreg s18  }
0x18: {  	s0 =	simm.s32 $0x1880;
	s20 =	sadd.s32 $0x2150, s8;
	[dreg:$0x12] =	wrdreg s19  }
0x19: {  	s21 =	sadd.s32 $0x23E0, s8;
	s22 =	sadd.s32 $0x2670, s8;
	[dreg:$0x13] =	wrdreg s20  }
0x1a: {  	s8 =	simm.s32 $0x1;
	s23 =	simm.s32 $0x1700;
	[dreg:$0x14] =	wrdreg s21  }
0x1b: {  	[dreg:$0x15] =	wrdreg s22;
	s24 =	sadd.s32 $0x50, s2;
	s25 =	sadd.s32 $0x50, s4  }
.Ltmp0:
0x1c: {  	v3 =	vlaneseq.u32;
	s26 =	sadd.s32 $0x50, s5;
	s9 =	simm.s32 $0x80;
	(pc) =	sbr.rel .LBB2_1-.Ltmp0, $4  }
0x1d: {  	v54 =	vmul.u32 $0x10, v3;
	s11 =	simm.s32 $0x1900;
	s20 =	simm.s32 $0x2;
	[dreg:$0x18] =	wrdreg s24  }
0x1e: {  	[tilespmem:$0x1FFD0] =	vst v2;
	s21 =	simm.s32 $0x1680;
	s22 =	simm.s32 $0x4100;
	[dreg:$0x19] =	wrdreg s25  }
0x1f: {  	[tilespmem:$0x1FFE0] =	vst v54;
	v0 =	vmov s13;
	s10 =	simm.s32 $0x4;
	s12 =	simm.s32 $0x5;
	[dreg:$0x1a] =	wrdreg s26  }
0x20: {  	v1 =	vimm.f32 $0.0e+00;
	[tilespmem:$0x1FFF0] =	vst v0;
	s24 =	simm.s32 $0x4900;
	s25 =	simm.s32 $0x1780;
	s26 =	simm.s32 $0x5100  }
.LBB2_16:
0x21: {  	s13 =	rddreg [dreg:$0x6]  }
0x22: {  	[hbm4b:s13+s6] =	stream.linear.scatter [tilespmem:s3], [sflag:$0x5], $0x1480, $0x38;
	[tilespmem:$0x1B100] =	vst v63  }
0x23: {  	_ =	swait.ge [sflag:s12], $0x1480  }
0x24: {  	[sflag:s12] =	ssyncset.done $0x0  }
0x25: {  	s14 =	simm.s32 $0x7D80;
	s19 =	rddreg [dreg:$0x7];
	[sflag:s12] =	ssyncadd.s32 $0xFFFFEB80  }
0x26: {  	[hbm4b:s19+s6] =	stream.linear.scatter [tilespmem:s14], [sflag:$0x5], $0x1480, $0x38;
	[tilespmem:$0x1B100] =	vst v63  }
0x27: {  	_ =	swait.ge [sflag:s12], $0x1480  }
0x28: {  	[sflag:s12] =	ssyncset.done $0x0  }
0x29: {  	s15 =	simm.s32 $0x9200;
	s14 =	rddreg [dreg:$0x8];
	[sflag:s12] =	ssyncadd.s32 $0xFFFFEB80  }
0x2a: {  	[hbm4b:s14+s6] =	stream.linear.scatter [tilespmem:s15], [sflag:$0x5], $0x1480, $0x38;
	[tilespmem:$0x1B100] =	vst v63  }
0x2b: {  	_ =	swait.ge [sflag:s12], $0x1480  }
0x2c: {  	[sflag:s12] =	ssyncset.done $0x0  }
0x2d: {  	s17 =	simm.s32 $0xA680;
	s16 =	rddreg [dreg:$0x9];
	[sflag:s12] =	ssyncadd.s32 $0xFFFFEB80  }
0x2e: {  	[hbm4b:s16+s6] =	stream.linear.scatter [tilespmem:s17], [sflag:$0x5], $0x1480, $0x38;
	[tilespmem:$0x1B100] =	vst v63  }
0x2f: {  	_ =	swait.ge [sflag:s12], $0x1480  }
0x30: {  	[sflag:s12] =	ssyncset.done $0x0  }
0x31: {  	s19 =	simm.s32 $0xBB00;
	s18 =	rddreg [dreg:$0xa];
	[sflag:s12] =	ssyncadd.s32 $0xFFFFEB80  }
0x32: {  	[hbm4b:s18+s6] =	stream.linear.scatter [tilespmem:s19], [sflag:$0x5], $0x1480, $0x38;
	[tilespmem:$0x1B100] =	vst v63  }
0x33: {  	_ =	swait.ge [sflag:s12], $0x1480  }
0x34: {  	[sflag:s12] =	ssyncset.done $0x0  }
0x35: {  	s15 =	simm.s32 $0xCF80;
	s14 =	rddreg [dreg:$0xb];
	[sflag:s12] =	ssyncadd.s32 $0xFFFFEB80  }
0x36: {  	[hbm4b:s14+s6] =	stream.linear.scatter [tilespmem:s15], [sflag:$0x5], $0x1480, $0x38;
	[tilespmem:$0x1B100] =	vst v63  }
0x37: {  	_ =	swait.ge [sflag:s12], $0x1480  }
0x38: {  	[sflag:s12] =	ssyncset.done $0x0  }
0x39: {  	s17 =	simm.s32 $0xE400;
	s16 =	rddreg [dreg:$0xc];
	[sflag:s12] =	ssyncadd.s32 $0xFFFFEB80  }
0x3a: {  	[hbm4b:s16+s6] =	stream.linear.scatter [tilespmem:s17], [sflag:$0x5], $0x1480, $0x38;
	[tilespmem:$0x1B100] =	vst v63  }
0x3b: {  	_ =	swait.ge [sflag:s12], $0x1480  }
0x3c: {  	[sflag:s12] =	ssyncset.done $0x0  }
0x3d: {  	s19 =	simm.s32 $0xF880;
	s18 =	rddreg [dreg:$0xd];
	[sflag:s12] =	ssyncadd.s32 $0xFFFFEB80  }
0x3e: {  	[hbm4b:s18+s6] =	stream.linear.scatter [tilespmem:s19], [sflag:$0x5], $0x1480, $0x38;
	[tilespmem:$0x1B100] =	vst v63  }
0x3f: {  	_ =	swait.ge [sflag:s12], $0x1480  }
0x40: {  	[sflag:s12] =	ssyncset.done $0x0  }
0x41: {  	s15 =	simm.s32 $0x10D00;
	s14 =	rddreg [dreg:$0xe];
	[sflag:s12] =	ssyncadd.s32 $0xFFFFEB80  }
0x42: {  	[hbm4b:s14+s6] =	stream.linear.scatter [tilespmem:s15], [sflag:$0x5], $0x1480, $0x38;
	[tilespmem:$0x1B100] =	vst v63  }
0x43: {  	_ =	swait.ge [sflag:s12], $0x1480  }
0x44: {  	[sflag:s12] =	ssyncset.done $0x0  }
0x45: {  	s17 =	simm.s32 $0x12180;
	s16 =	rddreg [dreg:$0xf];
	[sflag:s12] =	ssyncadd.s32 $0xFFFFEB80  }
0x46: {  	[hbm4b:s16+s6] =	stream.linear.scatter [tilespmem:s17], [sflag:$0x5], $0x1480, $0x38;
	[tilespmem:$0x1B100] =	vst v63  }
0x47: {  	_ =	swait.ge [sflag:s12], $0x1480  }
0x48: {  	[sflag:s12] =	ssyncset.done $0x0  }
0x49: {  	s19 =	simm.s32 $0x13600;
	s18 =	rddreg [dreg:$0x10];
	[sflag:s12] =	ssyncadd.s32 $0xFFFFEB80  }
0x4a: {  	[hbm4b:s18+s6] =	stream.linear.scatter [tilespmem:s19], [sflag:$0x5], $0x1480, $0x38;
	[tilespmem:$0x1B100] =	vst v63  }
0x4b: {  	_ =	swait.ge [sflag:s12], $0x1480  }
0x4c: {  	[sflag:s12] =	ssyncset.done $0x0  }
0x4d: {  	s15 =	simm.s32 $0x14A80;
	s14 =	rddreg [dreg:$0x11];
	[sflag:s12] =	ssyncadd.s32 $0xFFFFEB80  }
0x4e: {  	[hbm4b:s14+s6] =	stream.linear.scatter [tilespmem:s15], [sflag:$0x5], $0x1480, $0x38;
	[tilespmem:$0x1B100] =	vst v63  }
0x4f: {  	_ =	swait.ge [sflag:s12], $0x1480  }
0x50: {  	[sflag:s12] =	ssyncset.done $0x0  }
0x51: {  	s17 =	simm.s32 $0x15F00;
	s16 =	rddreg [dreg:$0x12];
	[sflag:s12] =	ssyncadd.s32 $0xFFFFEB80  }
0x52: {  	[hbm4b:s16+s6] =	stream.linear.scatter [tilespmem:s17], [sflag:$0x5], $0x1480, $0x38;
	[tilespmem:$0x1B100] =	vst v63  }
0x53: {  	_ =	swait.ge [sflag:s12], $0x1480  }
0x54: {  	[sflag:s12] =	ssyncset.done $0x0  }
0x55: {  	s19 =	simm.s32 $0x17380;
	s18 =	rddreg [dreg:$0x13];
	[sflag:s12] =	ssyncadd.s32 $0xFFFFEB80  }
0x56: {  	[hbm4b:s18+s6] =	stream.linear.scatter [tilespmem:s19], [sflag:$0x5], $0x1480, $0x38;
	[tilespmem:$0x1B100] =	vst v63  }
0x57: {  	_ =	swait.ge [sflag:s12], $0x1480  }
0x58: {  	[sflag:s12] =	ssyncset.done $0x0  }
0x59: {  	s15 =	simm.s32 $0x18800;
	s14 =	rddreg [dreg:$0x14];
	[sflag:s12] =	ssyncadd.s32 $0xFFFFEB80  }
0x5a: {  	[hbm4b:s14+s6] =	stream.linear.scatter [tilespmem:s15], [sflag:$0x5], $0x1480, $0x38;
	[tilespmem:$0x1B100] =	vst v63  }
0x5b: {  	_ =	swait.ge [sflag:s12], $0x1480  }
0x5c: {  	[sflag:s12] =	ssyncset.done $0x0  }
0x5d: {  	s17 =	simm.s32 $0x19C80;
	s16 =	rddreg [dreg:$0x15];
	[sflag:s12] =	ssyncadd.s32 $0xFFFFEB80  }
0x5e: {  	[hbm4b:s16+s6] =	stream.linear.scatter [tilespmem:s17], [sflag:$0x5], $0x1480, $0x38;
	[tilespmem:$0x1B100] =	vst v63  }
0x5f: {  	_ =	swait.ge [sflag:s12], $0x1480  }
0x60: {  	s18 =	rddreg [dreg:$0x1b]  }
0x61: {  	s19 =	rddreg [dreg:$0x16];
	s14 =	sadd.s32 $0x1, s18  }
0x62: {  	p0 =	sne.s32 s14, s19  }
.Ltmp1:
0x63: {  	_ = 	snop;
	(pc) =	sbr.rel @!p0 .LBB2_17-.Ltmp1, $3  }
0x64: {  	_ =	sdelay $0x1  }
0x65: {  	[sflag:s12] =	ssyncset.done $0x0  }
0x66: {  	v0 =	vmov v19;
	v1 =	vimm.f32 $0.0e+00;
	v2 =	vld [tilespmem:$0x1FFD0];
	[sflag:s12] =	ssyncadd.s32 $0xFFFFEB80  }
.LBB2_1:
0x67: {  	[tilespmem:s6], [sflag:$0x1] =	stream.linear.gather [hbm4b:s1+s6], $0x280, $0x38;
	[tilespmem:$0x1B100] =	vst v63  }
0x68: {  	s13 =	simm.s32 $0x500  }
0x69: {  	[tilespmem:s13], [sflag:$0x1] =	stream.linear.gather [hbm4b:s2+s6], $0x280, $0x38;
	[tilespmem:$0x1B100] =	vst v63  }
0x6a: {  	s16 =	simm.s32 $0xA00  }
0x6b: {  	[tilespmem:s16], [sflag:$0x1] =	stream.linear.gather [hbm4b:s4+s6], $0x280, $0x38;
	[tilespmem:$0x1B100] =	vst v63  }
0x6c: {  	[dreg:$0x1b] =	wrdreg s14;
	s17 =	simm.s32 $0xF00  }
0x6d: {  	[tilespmem:s17], [sflag:$0x1] =	stream.linear.gather [hbm4b:s5+s6], $0x280, $0x38;
	[tilespmem:$0x1B100] =	vst v63  }
0x6e: {  	s18 =	rddreg [dreg:$0x17];
	s19 =	simm.s32 $0x280  }
0x6f: {  	[tilespmem:s19], [sflag:$0x2] =	stream.linear.gather [hbm4b:s18+s6], $0x280, $0x38;
	[tilespmem:$0x1B100] =	vst v63  }
0x70: {  	s14 =	rddreg [dreg:$0x18];
	s15 =	simm.s32 $0x780  }
0x71: {  	[tilespmem:s15], [sflag:$0x2] =	stream.linear.gather [hbm4b:s14+s6], $0x280, $0x38;
	[tilespmem:$0x1B100] =	vst v63  }
0x72: {  	s13 =	simm.s32 $0x0;
	s16 =	rddreg [dreg:$0x19];
	s17 =	simm.s32 $0xC80  }
0x73: {  	[tilespmem:s17], [sflag:$0x2] =	stream.linear.gather [hbm4b:s16+s6], $0x280, $0x38;
	[tilespmem:$0x1B100] =	vst v63  }
0x74: {  	s18 =	rddreg [dreg:$0x1a];
	s19 =	simm.s32 $0x1180;
	s14 =	simm.s32 $0x40  }
0x75: {  	[tilespmem:s19], [sflag:$0x2] =	stream.linear.gather [hbm4b:s18+s6], $0x280, $0x38;
	[tilespmem:$0x1B100] =	vst v63  }
.LBB2_2:
0x76: {  	p0 =	sne.s32 s14, $0x51C0;
	[tilespmem:s13+$0x19C80] =	vst v1  }
0x77: {  	[tilespmem:s13+$0x6900] =	vst v1  }
0x78: {  	[tilespmem:s13+$0x7D80] =	vst v1  }
0x79: {  	[tilespmem:s13+$0x9200] =	vst v1  }
0x7a: {  	[tilespmem:s13+$0xA680] =	vst v1  }
0x7b: {  	[tilespmem:s13+$0xBB00] =	vst v1  }
0x7c: {  	[tilespmem:s13+$0xCF80] =	vst v1  }
0x7d: {  	[tilespmem:s13+$0xE400] =	vst v1  }
0x7e: {  	[tilespmem:s13+$0xF880] =	vst v1  }
0x7f: {  	[tilespmem:s13+$0x10D00] =	vst v1  }
0x80: {  	[tilespmem:s13+$0x12180] =	vst v1  }
.Ltmp2:
0x81: {  	[tilespmem:s13+$0x13600] =	vst v1;
	(pc) =	sbr.rel @p0 .LBB2_2-.Ltmp2, $4  }
0x82: {  	[tilespmem:s13+$0x14A80] =	vst v1  }
0x83: {  	[tilespmem:s13+$0x15F00] =	vst v1  }
0x84: {  	[tilespmem:s13+$0x17380] =	vst v1  }
0x85: {  	[tilespmem:s13+$0x18800] =	vst v1;
	s13 =	sshra.s32 s14, $0x2;
	s14 =	sadd.s32 $0x40, s14  }
0x86: {  	[tilespmem:s13+$0x19C80] =	vst v1  }
0x87: {  	[tilespmem:s13+$0x6900] =	vst v1  }
0x88: {  	[tilespmem:s13+$0x7D80] =	vst v1  }
0x89: {  	[tilespmem:s13+$0x9200] =	vst v1  }
0x8a: {  	[tilespmem:s13+$0xA680] =	vst v1  }
0x8b: {  	[tilespmem:s13+$0xBB00] =	vst v1  }
0x8c: {  	[tilespmem:s13+$0xCF80] =	vst v1  }
0x8d: {  	[tilespmem:s13+$0xE400] =	vst v1  }
0x8e: {  	[tilespmem:s13+$0xF880] =	vst v1  }
0x8f: {  	[tilespmem:s13+$0x10D00] =	vst v1  }
0x90: {  	[tilespmem:s13+$0x12180] =	vst v1  }
0x91: {  	[tilespmem:s13+$0x13600] =	vst v1  }
0x92: {  	[tilespmem:s13+$0x14A80] =	vst v1  }
0x93: {  	[tilespmem:s13+$0x15F00] =	vst v1  }
0x94: {  	[tilespmem:s13+$0x17380] =	vst v1  }
0x95: {  	[tilespmem:s13+$0x18800] =	vst v1  }
0x96: {  	_ =	swait.ge [sflag:s8], $0x280  }
0x97: {  	[sflag:s8] =	ssyncset.done $0x0  }
0x98: {  	[sflag:s8] =	ssyncadd.s32 $0xFFFFFD80  }
0x99: {  	_ =	swait.ge [sflag:s8], $0x280  }
0x9a: {  	[sflag:s8] =	ssyncset.done $0x0  }
0x9b: {  	[sflag:s8] =	ssyncadd.s32 $0xFFFFFD80  }
0x9c: {  	_ =	swait.ge [sflag:s8], $0x280  }
0x9d: {  	[sflag:s8] =	ssyncset.done $0x0  }
0x9e: {  	[sflag:s8] =	ssyncadd.s32 $0xFFFFFD80  }
0x9f: {  	_ =	swait.ge [sflag:s8], $0x280  }
0xa0: {  	[sflag:s8] =	ssyncset.done $0x0  }
0xa1: {  	s19 =	simm.s32 $0x510;
	[sflag:s8] =	ssyncadd.s32 $0xFFFFFD80  }
0xa2: {  	v4 =	vld [tilespmem:s19+$0xFFFFFFF0]  }
0xa3: {  	v6 =	vld [tilespmem:s19+$0x0];
	_ =	sdelay $0x3  }
0xa4: {  	s14 =	simm.s32 $0x530;
	v4 =	vshll.u32 v4, $0x4  }
0xa5: {  	s13 =	simm.s32 $0x1410;
	v5 =	vld [tilespmem:s14+$0xFFFFFFF0];
	v6 =	vshll.u32 v6, $0x4;
	v7 =	vor.u32 v2, v4  }
0xa6: {  	s15 =	simm.s32 $0x2;
	v4 =	vld [tilespmem:s14+$0x0];
	v6 =	vor.u32 v2, v6;
	[tilespmem:s13+$0xFFFFFFF0] =	vst v7  }
.LBB2_4:
0xa7: {  	s15 =	sadd.s32 $0x2, s15  }
0xa8: {  	[tilespmem:s13+$0x0] =	vst v6;
	s13 =	sadd.s32 $0x20, s13;
	p0 =	slt.u32 s15, $0x26  }
.Ltmp3:
0xa9: {  	(pc) =	sbr.rel @p0 .LBB2_4-.Ltmp3, $4  }
0xaa: {  	_ = 	snop  }
0xab: {  	s14 =	sadd.s32 $0x20, s14;
	v6 =	vshll.u32 v5, $0x4  }
0xac: {  	v5 =	vld [tilespmem:s14+$0xFFFFFFF0];
	v6 =	vor.u32 v2, v6;
	v7 =	vshll.u32 v4, $0x4  }
0xad: {  	v4 =	vld [tilespmem:s14+$0x0];
	[tilespmem:s13+$0xFFFFFFF0] =	vst v6;
	v6 =	vor.u32 v2, v7  }
0xae: {  	_ =	sdelay $0x2  }
0xaf: {  	v5 =	vshll.u32 v5, $0x4  }
0xb0: {  	[tilespmem:s13+$0x0] =	vst v6;
	s17 =	sadd.s32 $0x20, s13;
	v5 =	vor.u32 v2, v5;
	v4 =	vshll.u32 v4, $0x4  }
0xb1: {  	[tilespmem:s17+$0xFFFFFFF0] =	vst v5;
	v4 =	vor.u32 v2, v4  }
0xb2: {  	s18 =	simm.s32 $0x1400;
	[tilespmem:s17+$0x0] =	vst v4  }
0xb3: {  	[tilespmem:s11], [sflag:$0x3] =	stream.indirect.gather [hbm4b:s7+s9], $0x10, s18, s9, $0xb8;
	[tilespmem:$0x1B100] =	vst v63  }
0xb4: {  	s19 =	simm.s32 $0x1480;
	s14 =	simm.s32 $0x2100  }
0xb5: {  	[tilespmem:s14], [sflag:$0x3] =	stream.indirect.gather [hbm4b:s7+s9], $0x10, s19, s9, $0xb8;
	[tilespmem:$0x1B100] =	vst v63  }
0xb6: {  	s15 =	simm.s32 $0x2900;
	s14 =	simm.s32 $0x1500  }
0xb7: {  	[tilespmem:s15], [sflag:$0x3] =	stream.indirect.gather [hbm4b:s7+s9], $0x10, s14, s9, $0xb8;
	[tilespmem:$0x1B100] =	vst v63  }
0xb8: {  	s16 =	simm.s32 $0x1580;
	s17 =	simm.s32 $0x3100  }
0xb9: {  	[tilespmem:s17], [sflag:$0x3] =	stream.indirect.gather [hbm4b:s7+s9], $0x10, s16, s9, $0xb8;
	[tilespmem:$0x1B100] =	vst v63  }
0xba: {  	s13 =	simm.s32 $0x0;
	s18 =	simm.s32 $0x1600;
	s19 =	simm.s32 $0x3900  }
0xbb: {  	[tilespmem:s19], [sflag:$0x3] =	stream.indirect.gather [hbm4b:s7+s9], $0x10, s18, s9, $0xb8;
	[tilespmem:$0x1B100] =	vst v63  }
.LBB2_6:
0xbc: {  	_ =	swait.ge [sflag:s20], $0x280  }
0xbd: {  	[sflag:s20] =	ssyncset.done $0x0  }
0xbe: {  	[sflag:s20] =	ssyncadd.s32 $0xFFFFFD80  }
0xbf: {  	_ =	swait.ge [sflag:s20], $0x280  }
0xc0: {  	[sflag:s20] =	ssyncset.done $0x0  }
0xc1: {  	[sflag:s20] =	ssyncadd.s32 $0xFFFFFD80  }
0xc2: {  	_ =	swait.ge [sflag:s20], $0x280  }
0xc3: {  	[sflag:s20] =	ssyncset.done $0x0  }
0xc4: {  	[sflag:s20] =	ssyncadd.s32 $0xFFFFFD80  }
0xc5: {  	_ =	swait.ge [sflag:s20], $0x280  }
0xc6: {  	[sflag:s20] =	ssyncset.done $0x0  }
0xc7: {  	s14 =	simm.s32 $0x790;
	[sflag:s20] =	ssyncadd.s32 $0xFFFFFD80  }
0xc8: {  	v4 =	vld [tilespmem:s14+$0xFFFFFFF0]  }
0xc9: {  	v6 =	vld [tilespmem:s14+$0x0];
	_ =	sdelay $0x3  }
0xca: {  	s15 =	simm.s32 $0x7B0;
	v4 =	vshll.u32 v4, $0x4  }
0xcb: {  	s14 =	simm.s32 $0x1690;
	v5 =	vld [tilespmem:s15+$0xFFFFFFF0];
	v6 =	vshll.u32 v6, $0x4;
	v7 =	vor.u32 v2, v4  }
0xcc: {  	s16 =	simm.s32 $0x2;
	v4 =	vld [tilespmem:s15+$0x0];
	v6 =	vor.u32 v2, v6;
	[tilespmem:s14+$0xFFFFFFF0] =	vst v7  }
.LBB2_7:
0xcd: {  	s16 =	sadd.s32 $0x2, s16  }
0xce: {  	[tilespmem:s14+$0x0] =	vst v6;
	s14 =	sadd.s32 $0x20, s14;
	p0 =	slt.u32 s16, $0x26  }
.Ltmp4:
0xcf: {  	(pc) =	sbr.rel @p0 .LBB2_7-.Ltmp4, $4  }
0xd0: {  	_ = 	snop  }
0xd1: {  	s15 =	sadd.s32 $0x20, s15;
	v6 =	vshll.u32 v5, $0x4  }
0xd2: {  	v5 =	vld [tilespmem:s15+$0xFFFFFFF0];
	v6 =	vor.u32 v2, v6;
	v7 =	vshll.u32 v4, $0x4  }
0xd3: {  	v4 =	vld [tilespmem:s15+$0x0];
	[tilespmem:s14+$0xFFFFFFF0] =	vst v6;
	v6 =	vor.u32 v2, v7  }
0xd4: {  	_ =	sdelay $0x2  }
0xd5: {  	v5 =	vshll.u32 v5, $0x4  }
0xd6: {  	[tilespmem:s14+$0x0] =	vst v6;
	s15 =	sadd.s32 $0x20, s14;
	v5 =	vor.u32 v2, v5;
	v4 =	vshll.u32 v4, $0x4  }
0xd7: {  	[tilespmem:s15+$0xFFFFFFF0] =	vst v5;
	v4 =	vor.u32 v2, v4  }
0xd8: {  	[tilespmem:s15+$0x0] =	vst v4  }
0xd9: {  	[tilespmem:s22], [sflag:$0x4] =	stream.indirect.gather [hbm4b:s7+s9], $0x10, s21, s9, $0xb8;
	[tilespmem:$0x1B100] =	vst v63  }
0xda: {  	_ = 	snop  }
0xdb: {  	[tilespmem:s24], [sflag:$0x4] =	stream.indirect.gather [hbm4b:s7+s9], $0x10, s23, s9, $0xb8;
	[tilespmem:$0x1B100] =	vst v63  }
0xdc: {  	_ = 	snop  }
0xdd: {  	[tilespmem:s26], [sflag:$0x4] =	stream.indirect.gather [hbm4b:s7+s9], $0x10, s25, s9, $0xb8;
	[tilespmem:$0x1B100] =	vst v63  }
0xde: {  	_ = 	snop  }
0xdf: {  	[tilespmem:s29], [sflag:$0x4] =	stream.indirect.gather [hbm4b:s7+s9], $0x10, s28, s9, $0xb8;
	[tilespmem:$0x1B100] =	vst v63  }
0xe0: {  	_ = 	snop  }
0xe1: {  	[tilespmem:s30], [sflag:$0x4] =	stream.indirect.gather [hbm4b:s7+s9], $0x10, s0, s9, $0xb8;
	[tilespmem:$0x1B100] =	vst v63  }
0xe2: {  	_ =	swait.ge [sflag:s31], $0x800  }
0xe3: {  	[sflag:s31] =	ssyncset.done $0x0  }
0xe4: {  	[sflag:s31] =	ssyncadd.s32 $0xFFFFF800  }
0xe5: {  	_ =	swait.ge [sflag:s31], $0x800  }
0xe6: {  	[sflag:s31] =	ssyncset.done $0x0  }
0xe7: {  	[sflag:s31] =	ssyncadd.s32 $0xFFFFF800  }
0xe8: {  	_ =	swait.ge [sflag:s31], $0x800  }
0xe9: {  	[sflag:s31] =	ssyncset.done $0x0  }
0xea: {  	[sflag:s31] =	ssyncadd.s32 $0xFFFFF800  }
0xeb: {  	s16 =	simm.s32 $0x0;
	_ =	swait.ge [sflag:s31], $0x800  }
0xec: {  	v4 =	vmov s16;
	[sflag:s31] =	ssyncset.done $0x0  }
0xed: {  	v4 =	vshll.u32 v4, $0x4;
	[sflag:s31] =	ssyncadd.s32 $0xFFFFF800  }
0xee: {  	v10 =	vor.u32 v54, v4;
	_ =	swait.ge [sflag:s31], $0x800  }
0xef: {  	v4 =	vor.u32 $0x1, v10;
	[sflag:s31] =	ssyncset.done $0x0  }
0xf0: {  	s17 =	simm.s32 $0xA10;
	[sflag:s31] =	ssyncadd.s32 $0xFFFFF800  }
0xf1: {  	s15 =	simm.s32 $0x10;
	v6 =	vld [tilespmem:s17+$0xFFFFFFF0]  }
0xf2: {  	v5 =	vld [tilespmem:s15+$0xFFFFFFF0]  }
0xf3: {  	v9 =	vld.idx.msk [tilespmem:v10+s11+$0x0], $0xffff  }
0xf4: {  	s16 =	simm.s32 $0xF10;
	v4 =	vld.idx.msk [tilespmem:v4+s11+$0x0], $0xffff  }
0xf5: {  	v7 =	vld [tilespmem:s16+$0xFFFFFFF0];
	_ =	sdelay $0x2  }
0xf6: {  	v5 =	vsub.s32 v5, v0  }
0xf7: {  	v8 =	vmin.u32 v5, $0x1388  }
0xf8: {  	v11 =	vmul.f32 v4, v7;
	v5 =	vmul.f32 v9, v6;
	v12 =	vadd.s32 $0x1480, v8  }
0xf9: {  	v13 =	vor.u32 $0x2, v10;
	v4 =	vmul.f32 v4, v6;
	v9 =	vmul.f32 v9, v7  }
0xfa: {  	v5 =	vsub.f32 v5, v11;
	v11 =	vor.u32 $0x3, v10  }
0xfb: {  	v4 =	vadd.f32 v4, v9  }
0xfc: {  	[tilespmem:v8+s3+$0x0] =	vst.idx.add.f32.msk $0xffff, v5  }
0xfd: {  	[tilespmem:v12+s3+$0x0] =	vst.idx.add.f32.msk $0xffff, v4  }
0xfe: {  	v5 =	vld.idx.msk [tilespmem:v13+s11+$0x0], $0xffff  }
0xff: {  	v14 =	vmov s15;
	v11 =	vld.idx.msk [tilespmem:v11+s11+$0x0], $0xffff  }
0x100: {  	v9 =	vshll.u32 v14, $0x4  }
0x101: {  	v9 =	vor.u32 v54, v9  }
0x102: {  	v4 =	vor.u32 $0x1, v9  }
0x103: {  	v18 =	vld [tilespmem:s15+$0x0];
	v12 =	vadd.s32 $0x2900, v8  }
0x104: {  	v17 =	vld [tilespmem:s17+$0x0];
	v16 =	vadd.s32 $0x3D80, v8;
	v14 =	vmul.f32 v5, v6;
	v15 =	vmul.f32 v11, v7  }
0x105: {  	v20 =	vor.u32 $0x4, v10;
	v19 =	vld [tilespmem:s16+$0x0];
	v5 =	vmul.f32 v5, v7;
	v11 =	vmul.f32 v11, v6  }
0x106: {  	v13 =	vld.idx.msk [tilespmem:v9+s11+$0x0], $0xffff;
	v14 =	vsub.f32 v14, v15;
	v15 =	vor.u32 $0x5, v10  }
0x107: {  	v4 =	vld.idx.msk [tilespmem:v4+s11+$0x0], $0xffff;
	v5 =	vadd.f32 v11, v5  }
0x108: {  	[tilespmem:v12+s3+$0x0] =	vst.idx.add.f32.msk $0xffff, v14  }
0x109: {  	[tilespmem:v16+s3+$0x0] =	vst.idx.add.f32.msk $0xffff, v5  }
0x10a: {  	v5 =	vsub.s32 v18, v0;
	v12 =	vld.idx.msk [tilespmem:v20+s11+$0x0], $0xffff  }
0x10b: {  	v11 =	vmin.u32 v5, $0x1388;
	v5 =	vld.idx.msk [tilespmem:v15+s11+$0x0], $0xffff  }
0x10c: {  	v14 =	vmul.f32 v13, v17;
	v15 =	vmul.f32 v4, v19;
	v16 =	vadd.s32 $0x1480, v11  }
0x10d: {  	v13 =	vmul.f32 v13, v19;
	v18 =	vor.u32 $0x2, v9;
	v4 =	vmul.f32 v4, v17  }
0x10e: {  	v20 =	vor.u32 $0x3, v9;
	v14 =	vsub.f32 v14, v15  }
0x10f: {  	v4 =	vadd.f32 v4, v13;
	v13 =	vadd.s32 $0x5200, v8  }
0x110: {  	v21 =	vadd.s32 $0x6680, v8;
	[tilespmem:v11+s3+$0x0] =	vst.idx.add.f32.msk $0xffff, v14;
	v14 =	vmul.f32 v12, v6;
	v15 =	vmul.f32 v5, v7  }
0x111: {  	[tilespmem:v16+s3+$0x0] =	vst.idx.add.f32.msk $0xffff, v4;
	v4 =	vmul.f32 v12, v7;
	v5 =	vmul.f32 v5, v6;
	v12 =	vor.u32 $0x6, v10  }
0x112: {  	v16 =	vld.idx.msk [tilespmem:v18+s11+$0x0], $0xffff;
	v14 =	vsub.f32 v14, v15;
	v15 =	vor.u32 $0x7, v10  }
0x113: {  	v18 =	vld.idx.msk [tilespmem:v20+s11+$0x0], $0xffff;
	v4 =	vadd.f32 v5, v4  }
0x114: {  	[tilespmem:v13+s3+$0x0] =	vst.idx.add.f32.msk $0xffff, v14  }
0x115: {  	[tilespmem:v21+s3+$0x0] =	vst.idx.add.f32.msk $0xffff, v4  }
0x116: {  	v4 =	vld.idx.msk [tilespmem:v12+s11+$0x0], $0xffff  }
0x117: {  	v5 =	vadd.s32 $0x2900, v11;
	v12 =	vld.idx.msk [tilespmem:v15+s11+$0x0], $0xffff  }
0x118: {  	v13 =	vadd.s32 $0x3D80, v11;
	v14 =	vmul.f32 v16, v17;
	v15 =	vmul.f32 v18, v19  }
0x119: {  	v20 =	vor.u32 $0x4, v9;
	v16 =	vmul.f32 v16, v19;
	v18 =	vmul.f32 v18, v17  }
0x11a: {  	v21 =	vor.u32 $0x5, v9;
	v14 =	vsub.f32 v14, v15  }
0x11b: {  	v15 =	vadd.f32 v18, v16;
	v16 =	vadd.s32 $0x7B00, v8  }
0x11c: {  	v18 =	vadd.s32 $0x8F80, v8;
	[tilespmem:v5+s3+$0x0] =	vst.idx.add.f32.msk $0xffff, v14;
	v5 =	vmul.f32 v4, v6;
	v14 =	vmul.f32 v12, v7  }
0x11d: {  	v4 =	vmul.f32 v4, v7;
	[tilespmem:v13+s3+$0x0] =	vst.idx.add.f32.msk $0xffff, v15;
	v12 =	vmul.f32 v12, v6;
	v13 =	vor.u32 $0x8, v10  }
0x11e: {  	v15 =	vld.idx.msk [tilespmem:v20+s11+$0x0], $0xffff;
	v5 =	vsub.f32 v5, v14;
	v14 =	vor.u32 $0x9, v10  }
0x11f: {  	v20 =	vld.idx.msk [tilespmem:v21+s11+$0x0], $0xffff;
	v4 =	vadd.f32 v12, v4  }
0x120: {  	[tilespmem:v16+s3+$0x0] =	vst.idx.add.f32.msk $0xffff, v5  }
0x121: {  	[tilespmem:v18+s3+$0x0] =	vst.idx.add.f32.msk $0xffff, v4  }
0x122: {  	v4 =	vld.idx.msk [tilespmem:v13+s11+$0x0], $0xffff  }
0x123: {  	v5 =	vld.idx.msk [tilespmem:v14+s11+$0x0], $0xffff  }
0x124: {  	v12 =	vadd.s32 $0x5200, v11;
	v13 =	vmul.f32 v15, v17  }
0x125: {  	v16 =	vmul.f32 v20, v19;
	v14 =	vmul.f32 v15, v19;
	v15 =	vadd.s32 $0x6680, v11  }
0x126: {  	v18 =	vmul.f32 v20, v17;
	v20 =	vor.u32 $0x6, v9  }
0x127: {  	s19 =	simm.s32 $0x30;
	v13 =	vsub.f32 v13, v16;
	v16 =	vadd.s32 $0xA400, v8  }
0x128: {  	v33 =	vld [tilespmem:s19+$0x0];
	v14 =	vadd.f32 v18, v14;
	v18 =	vmul.f32 v4, v6;
	v21 =	vmul.f32 v5, v7  }
0x129: {  	v22 =	vadd.s32 $0xB880, v8;
	[tilespmem:v12+s3+$0x0] =	vst.idx.add.f32.msk $0xffff, v13;
	v4 =	vmul.f32 v4, v7  }
0x12a: {  	v12 =	vor.u32 $0xA, v10;
	v5 =	vmul.f32 v5, v6;
	[tilespmem:v15+s3+$0x0] =	vst.idx.add.f32.msk $0xffff, v14;
	v13 =	vsub.f32 v18, v21  }
0x12b: {  	s18 =	simm.s32 $0x20;
	v14 =	vor.u32 $0xB, v10;
	v21 =	vld.idx.msk [tilespmem:v20+s11+$0x0], $0xffff  }
0x12c: {  	v4 =	vadd.f32 v5, v4;
	v5 =	vmov s18;
	s18 =	simm.s32 $0xF30;
	[tilespmem:v16+s3+$0x0] =	vst.idx.add.f32.msk $0xffff, v13  }
0x12d: {  	v5 =	vshll.u32 v5, $0x4;
	v16 =	vld [tilespmem:s18+$0xFFFFFFF0]  }
0x12e: {  	v20 =	vor.u32 v54, v5;
	[tilespmem:v22+s3+$0x0] =	vst.idx.add.f32.msk $0xffff, v4  }
0x12f: {  	v5 =	vld.idx.msk [tilespmem:v12+s11+$0x0], $0xffff;
	v12 =	vor.u32 $0x1, v20  }
0x130: {  	v18 =	vor.u32 $0x7, v9;
	v13 =	vld.idx.msk [tilespmem:v14+s11+$0x0], $0xffff  }
0x131: {  	s17 =	simm.s32 $0xA30;
	v22 =	vld [tilespmem:s19+$0xFFFFFFF0]  }
0x132: {  	v14 =	vld [tilespmem:s17+$0xFFFFFFF0]  }
0x133: {  	v23 =	vld.idx.msk [tilespmem:v20+s11+$0x0], $0xffff  }
0x134: {  	v24 =	vadd.s32 $0xCD00, v8;
	v12 =	vld.idx.msk [tilespmem:v12+s11+$0x0], $0xffff  }
0x135: {  	s14 =	simm.s32 $0x50;
	v27 =	vadd.s32 $0xE180, v8;
	v25 =	vld.idx.msk [tilespmem:v18+s11+$0x0], $0xffff;
	v18 =	vmul.f32 v5, v6;
	v26 =	vmul.f32 v13, v7  }
0x136: {  	v29 =	vor.u32 $0xC, v10;
	v48 =	vld [tilespmem:s14+$0x0];
	v5 =	vmul.f32 v5, v7;
	v13 =	vmul.f32 v13, v6  }
0x137: {  	v31 =	vor.u32 $0xD, v10;
	v1 =	vld [tilespmem:s17+$0x0];
	v26 =	vsub.f32 v18, v26;
	v18 =	vsub.s32 v22, v0  }
0x138: {  	v2 =	vld [tilespmem:s18+$0x0];
	v4 =	vmov s19;
	v5 =	vadd.f32 v13, v5;
	v18 =	vmin.u32 v18, $0x1388  }
0x139: {  	v13 =	vmul.f32 v23, v14;
	[tilespmem:v24+s3+$0x0] =	vst.idx.add.f32.msk $0xffff, v26;
	v24 =	vadd.s32 $0x1480, v18;
	v22 =	vmul.f32 v12, v16  }
0x13a: {  	[tilespmem:v27+s3+$0x0] =	vst.idx.add.f32.msk $0xffff, v5;
	v5 =	vmul.f32 v23, v16;
	v12 =	vmul.f32 v12, v14;
	v23 =	vor.u32 $0x2, v20  }
0x13b: {  	v4 =	vshll.u32 v4, $0x4;
	v26 =	vld.idx.msk [tilespmem:v29+s11+$0x0], $0xffff;
	v13 =	vsub.f32 v13, v22;
	v22 =	vor.u32 $0x3, v20  }
0x13c: {  	v15 =	vor.u32 v54, v4;
	v27 =	vld.idx.msk [tilespmem:v31+s11+$0x0], $0xffff;
	v5 =	vadd.f32 v12, v5  }
0x13d: {  	v4 =	vor.u32 $0x1, v15;
	v29 =	vmul.f32 v25, v19;
	v25 =	vmul.f32 v25, v17;
	[tilespmem:v18+s3+$0x0] =	vst.idx.add.f32.msk $0xffff, v13  }
0x13e: {  	v12 =	vmul.f32 v21, v17;
	v21 =	vmul.f32 v21, v19;
	v13 =	vadd.s32 $0x7B00, v11;
	[tilespmem:v24+s3+$0x0] =	vst.idx.add.f32.msk $0xffff, v5  }
0x13f: {  	v24 =	vadd.s32 $0x8F80, v11;
	v23 =	vld.idx.msk [tilespmem:v23+s11+$0x0], $0xffff  }
0x140: {  	v32 =	vadd.s32 $0x10A80, v8;
	v21 =	vadd.f32 v25, v21;
	v25 =	vadd.s32 $0xF600, v8;
	v22 =	vld.idx.msk [tilespmem:v22+s11+$0x0], $0xffff  }
0x141: {  	v30 =	vld.idx.msk [tilespmem:v15+s11+$0x0], $0xffff;
	v12 =	vsub.f32 v12, v29;
	v29 =	vmul.f32 v26, v6;
	v31 =	vmul.f32 v27, v7  }
0x142: {  	v34 =	vor.u32 $0xE, v10;
	v28 =	vld.idx.msk [tilespmem:v4+s11+$0x0], $0xffff;
	v26 =	vmul.f32 v26, v7;
	v27 =	vmul.f32 v27, v6  }
0x143: {  	v10 =	vor.u32 $0xF, v10;
	[tilespmem:v13+s3+$0x0] =	vst.idx.add.f32.msk $0xffff, v12;
	v12 =	vsub.f32 v29, v31  }
0x144: {  	v13 =	vadd.f32 v27, v26;
	[tilespmem:v24+s3+$0x0] =	vst.idx.add.f32.msk $0xffff, v21;
	v21 =	vadd.s32 $0x2900, v18  }
0x145: {  	[tilespmem:v25+s3+$0x0] =	vst.idx.add.f32.msk $0xffff, v12;
	v12 =	vmul.f32 v23, v14;
	v25 =	vadd.s32 $0x3D80, v18;
	v24 =	vmul.f32 v22, v16  }
0x146: {  	[tilespmem:v32+s3+$0x0] =	vst.idx.add.f32.msk $0xffff, v13;
	v13 =	vmul.f32 v23, v16;
	v22 =	vmul.f32 v22, v14;
	v23 =	vor.u32 $0x4, v20  }
0x147: {  	v27 =	vsub.s32 v33, v0;
	v26 =	vld.idx.msk [tilespmem:v34+s11+$0x0], $0xffff;
	v12 =	vsub.f32 v12, v24;
	v24 =	vor.u32 $0x5, v20  }
0x148: {  	v10 =	vld.idx.msk [tilespmem:v10+s11+$0x0], $0xffff;
	v13 =	vadd.f32 v22, v13;
	v22 =	vmin.u32 v27, $0x1388  }
0x149: {  	v29 =	vmul.f32 v28, v2;
	v27 =	vmul.f32 v30, v1;
	[tilespmem:v21+s3+$0x0] =	vst.idx.add.f32.msk $0xffff, v12;
	v12 =	vadd.s32 $0x1480, v22  }
0x14a: {  	v28 =	vmul.f32 v28, v1;
	v30 =	vmul.f32 v30, v2;
	v21 =	vor.u32 $0x2, v15;
	[tilespmem:v25+s3+$0x0] =	vst.idx.add.f32.msk $0xffff, v13  }
0x14b: {  	v13 =	vor.u32 $0x3, v15;
	v25 =	vsub.f32 v27, v29;
	v23 =	vld.idx.msk [tilespmem:v23+s11+$0x0], $0xffff  }
0x14c: {  	v28 =	vadd.f32 v28, v30;
	v27 =	vor.u32 $0x8, v9;
	v24 =	vld.idx.msk [tilespmem:v24+s11+$0x0], $0xffff  }
0x14d: {  	v29 =	vor.u32 $0x9, v9;
	v30 =	vmul.f32 v10, v7;
	v7 =	vmul.f32 v26, v7;
	[tilespmem:v22+s3+$0x0] =	vst.idx.add.f32.msk $0xffff, v25  }
0x14e: {  	v31 =	vadd.s32 $0x11F00, v8;
	v25 =	vmul.f32 v26, v6;
	v6 =	vmul.f32 v10, v6;
	[tilespmem:v12+s3+$0x0] =	vst.idx.add.f32.msk $0xffff, v28  }
0x14f: {  	v8 =	vadd.s32 $0x13380, v8;
	v10 =	vld.idx.msk [tilespmem:v21+s11+$0x0], $0xffff  }
0x150: {  	v12 =	vsub.f32 v25, v30;
	v6 =	vadd.f32 v6, v7;
	v7 =	vadd.s32 $0x5200, v18;
	v13 =	vld.idx.msk [tilespmem:v13+s11+$0x0], $0xffff  }
0x151: {  	v21 =	vld.idx.msk [tilespmem:v27+s11+$0x0], $0xffff;
	v27 =	vadd.s32 $0x6680, v18;
	v25 =	vmul.f32 v23, v14;
	v26 =	vmul.f32 v24, v16  }
0x152: {  	v28 =	vld.idx.msk [tilespmem:v29+s11+$0x0], $0xffff;
	v29 =	vor.u32 $0x6, v20;
	v23 =	vmul.f32 v23, v16;
	v24 =	vmul.f32 v24, v14  }
0x153: {  	[tilespmem:v31+s3+$0x0] =	vst.idx.add.f32.msk $0xffff, v12;
	v12 =	vsub.f32 v25, v26;
	v25 =	vor.u32 $0x7, v20  }
0x154: {  	[tilespmem:v8+s3+$0x0] =	vst.idx.add.f32.msk $0xffff, v6;
	v26 =	vadd.s32 $0x2900, v22;
	v6 =	vadd.f32 v24, v23  }
0x155: {  	v8 =	vadd.s32 $0x3D80, v22;
	v23 =	vmul.f32 v10, v1;
	[tilespmem:v7+s3+$0x0] =	vst.idx.add.f32.msk $0xffff, v12;
	v7 =	vmul.f32 v13, v2  }
0x156: {  	v10 =	vmul.f32 v10, v2;
	v12 =	vor.u32 $0x4, v15;
	v13 =	vmul.f32 v13, v1;
	[tilespmem:v27+s3+$0x0] =	vst.idx.add.f32.msk $0xffff, v6  }
0x157: {  	v6 =	vor.u32 $0x5, v15;
	v24 =	vld.idx.msk [tilespmem:v29+s11+$0x0], $0xffff;
	v7 =	vsub.f32 v23, v7  }
0x158: {  	v23 =	vadd.s32 $0xA400, v11;
	v10 =	vadd.f32 v13, v10;
	v13 =	vld.idx.msk [tilespmem:v25+s11+$0x0], $0xffff  }
0x159: {  	v27 =	vmul.f32 v21, v17;
	v29 =	vmul.f32 v28, v19;
	v25 =	vadd.s32 $0xB880, v11;
	[tilespmem:v26+s3+$0x0] =	vst.idx.add.f32.msk $0xffff, v7  }
0x15a: {  	v21 =	vmul.f32 v21, v19;
	v7 =	vor.u32 $0xA, v9;
	v26 =	vmul.f32 v28, v17;
	[tilespmem:v8+s3+$0x0] =	vst.idx.add.f32.msk $0xffff, v10  }
0x15b: {  	v8 =	vor.u32 $0xB, v9;
	v10 =	vsub.f32 v27, v29;
	v12 =	vld.idx.msk [tilespmem:v12+s11+$0x0], $0xffff  }
0x15c: {  	v21 =	vadd.f32 v26, v21;
	v6 =	vld.idx.msk [tilespmem:v6+s11+$0x0], $0xffff;
	v26 =	vadd.s32 $0x7B00, v18  }
0x15d: {  	v27 =	vadd.s32 $0x8F80, v18;
	[tilespmem:v23+s3+$0x0] =	vst.idx.add.f32.msk $0xffff, v10;
	v10 =	vmul.f32 v24, v14;
	v23 =	vmul.f32 v13, v16  }
0x15e: {  	[tilespmem:v25+s3+$0x0] =	vst.idx.add.f32.msk $0xffff, v21;
	v21 =	vmul.f32 v24, v16;
	v13 =	vmul.f32 v13, v14;
	v24 =	vor.u32 $0x8, v20  }
0x15f: {  	v7 =	vld.idx.msk [tilespmem:v7+s11+$0x0], $0xffff;
	v10 =	vsub.f32 v10, v23;
	v23 =	vor.u32 $0x9, v20  }
0x160: {  	v25 =	vadd.s32 $0x5200, v22;
	v8 =	vld.idx.msk [tilespmem:v8+s11+$0x0], $0xffff;
	v13 =	vadd.f32 v13, v21  }
0x161: {  	v21 =	vadd.s32 $0x6680, v22;
	v28 =	vmul.f32 v12, v1;
	[tilespmem:v26+s3+$0x0] =	vst.idx.add.f32.msk $0xffff, v10;
	v10 =	vmul.f32 v6, v2  }
0x162: {  	v12 =	vmul.f32 v12, v2;
	v26 =	vor.u32 $0x6, v15;
	v6 =	vmul.f32 v6, v1;
	[tilespmem:v27+s3+$0x0] =	vst.idx.add.f32.msk $0xffff, v13  }
0x163: {  	v13 =	vor.u32 $0x7, v15;
	v24 =	vld.idx.msk [tilespmem:v24+s11+$0x0], $0xffff;
	v10 =	vsub.f32 v28, v10  }
0x164: {  	v27 =	vadd.s32 $0xCD00, v11;
	v6 =	vadd.f32 v6, v12;
	v12 =	vld.idx.msk [tilespmem:v23+s11+$0x0], $0xffff  }
0x165: {  	v28 =	vmul.f32 v7, v17;
	v23 =	vadd.s32 $0xE180, v11;
	v29 =	vmul.f32 v8, v19;
	[tilespmem:v25+s3+$0x0] =	vst.idx.add.f32.msk $0xffff, v10  }
0x166: {  	v7 =	vmul.f32 v7, v19;
	v8 =	vmul.f32 v8, v17;
	v10 =	vor.u32 $0xC, v9;
	[tilespmem:v21+s3+$0x0] =	vst.idx.add.f32.msk $0xffff, v6  }
0x167: {  	v6 =	vor.u32 $0xD, v9;
	v21 =	vsub.f32 v28, v29;
	v28 =	vld.idx.msk [tilespmem:v26+s11+$0x0], $0xffff  }
0x168: {  	v7 =	vadd.f32 v8, v7;
	v8 =	vadd.s32 $0xA400, v18;
	v29 =	vld.idx.msk [tilespmem:v13+s11+$0x0], $0xffff  }
0x169: {  	v26 =	vadd.s32 $0xB880, v18;
	[tilespmem:v27+s3+$0x0] =	vst.idx.add.f32.msk $0xffff, v21;
	v13 =	vmul.f32 v24, v14;
	v21 =	vmul.f32 v12, v16  }
0x16a: {  	[tilespmem:v23+s3+$0x0] =	vst.idx.add.f32.msk $0xffff, v7;
	v7 =	vmul.f32 v24, v16;
	v12 =	vmul.f32 v12, v14;
	v23 =	vor.u32 $0xA, v20  }
0x16b: {  	s19 =	simm.s32 $0x40;
	v24 =	vld.idx.msk [tilespmem:v10+s11+$0x0], $0xffff;
	v10 =	vsub.f32 v13, v21;
	v13 =	vor.u32 $0xB, v20  }
0x16c: {  	v25 =	vld.idx.msk [tilespmem:v6+s11+$0x0], $0xffff;
	v6 =	vadd.f32 v12, v7;
	v7 =	vmov s19  }
0x16d: {  	v7 =	vshll.u32 v7, $0x4;
	[tilespmem:v8+s3+$0x0] =	vst.idx.add.f32.msk $0xffff, v10  }
0x16e: {  	v8 =	vmov s14;
	v10 =	vor.u32 v54, v7;
	[tilespmem:v26+s3+$0x0] =	vst.idx.add.f32.msk $0xffff, v6  }
0x16f: {  	v6 =	vshll.u32 v8, $0x4;
	v8 =	vor.u32 $0x1, v10;
	v12 =	vld.idx.msk [tilespmem:v23+s11+$0x0], $0xffff  }
0x170: {  	v23 =	vor.u32 v54, v6;
	v6 =	vld.idx.msk [tilespmem:v13+s11+$0x0], $0xffff  }
0x171: {  	s15 =	simm.s32 $0xA50;
	v21 =	vld [tilespmem:s14+$0xFFFFFFF0];
	v13 =	vor.u32 $0x1, v23  }
0x172: {  	v7 =	vld [tilespmem:s15+$0xFFFFFFF0]  }
0x173: {  	v55 =	vadd.s32 $0x11F00, v11;
	v27 =	vld.idx.msk [tilespmem:v10+s11+$0x0], $0xffff  }
0x174: {  	s16 =	simm.s32 $0xF50;
	v35 =	vor.u32 $0xC, v20;
	v36 =	vor.u32 $0xD, v20;
	v31 =	vadd.s32 $0xCD00, v18;
	v30 =	vld.idx.msk [tilespmem:v8+s11+$0x0], $0xffff  }
0x175: {  	v60 =	vadd.s32 $0xE180, v18;
	v8 =	vld [tilespmem:s16+$0xFFFFFFF0];
	v26 =	vmul.f32 v12, v14;
	v59 =	vmul.f32 v6, v16  }
0x176: {  	v45 =	vor.u32 $0xE, v20;
	v12 =	vmul.f32 v12, v16;
	v34 =	vld.idx.msk [tilespmem:v13+s11+$0x0], $0xffff;
	v13 =	vmul.f32 v6, v14  }
0x177: {  	v62 =	vor.u32 $0x8, v15;
	v40 =	vmul.f32 v28, v1;
	v37 =	vld.idx.msk [tilespmem:v23+s11+$0x0], $0xffff;
	v32 =	vsub.f32 v26, v59  }
0x178: {  	v41 =	vmul.f32 v29, v2;
	v21 =	vsub.s32 v21, v0;
	v6 =	vld [tilespmem:s15+$0x0];
	v12 =	vadd.f32 v13, v12  }
0x179: {  	v28 =	vmul.f32 v28, v2;
	v29 =	vmul.f32 v29, v1;
	v13 =	vmin.u32 v21, $0x1388;
	[tilespmem:v31+s3+$0x0] =	vst.idx.add.f32.msk $0xffff, v32  }
0x17a: {  	v21 =	vmul.f32 v27, v7;
	v38 =	vadd.s32 $0x1480, v13;
	v31 =	vmul.f32 v30, v8;
	[tilespmem:v60+s3+$0x0] =	vst.idx.add.f32.msk $0xffff, v12  }
0x17b: {  	v61 =	vor.u32 $0x2, v10;
	v12 =	vmul.f32 v27, v8;
	v27 =	vmul.f32 v30, v7;
	v35 =	vld.idx.msk [tilespmem:v35+s11+$0x0], $0xffff  }
0x17c: {  	v39 =	vor.u32 $0x3, v10;
	v26 =	vor.u32 $0xE, v9;
	v21 =	vsub.f32 v21, v31;
	v36 =	vld.idx.msk [tilespmem:v36+s11+$0x0], $0xffff  }
0x17d: {  	v30 =	vor.u32 $0xF, v9;
	v9 =	vld [tilespmem:s16+$0x0];
	v12 =	vadd.f32 v27, v12;
	v27 =	vadd.s32 $0x7B00, v22  }
0x17e: {  	v63 =	vadd.s32 $0xF600, v18;
	v44 =	vadd.s32 $0x10A80, v18;
	[tilespmem:v13+s3+$0x0] =	vst.idx.add.f32.msk $0xffff, v21;
	v21 =	vadd.s32 $0x8F80, v22  }
0x17f: {  	v20 =	vor.u32 $0xF, v20;
	v40 =	vsub.f32 v40, v41;
	v28 =	vadd.f32 v29, v28;
	[tilespmem:v38+s3+$0x0] =	vst.idx.add.f32.msk $0xffff, v12  }
0x180: {  	v57 =	vor.u32 $0x4, v10;
	v58 =	vor.u32 $0x5, v10;
	v47 =	vor.u32 $0x2, v23;
	v33 =	vld.idx.msk [tilespmem:v61+s11+$0x0], $0xffff  }
0x181: {  	v5 =	vor.u32 $0xF, v23;
	v29 =	vld.idx.msk [tilespmem:v39+s11+$0x0], $0xffff;
	v42 =	vmul.f32 v35, v14;
	v43 =	vmul.f32 v36, v16  }
0x182: {  	v59 =	vadd.s32 $0x13380, v11;
	v35 =	vmul.f32 v35, v16;
	v36 =	vmul.f32 v36, v14;
	[tilespmem:v27+s3+$0x0] =	vst.idx.add.f32.msk $0xffff, v40  }
0x183: {  	v46 =	vadd.s32 $0x2900, v13;
	v56 =	vadd.s32 $0x3D80, v13;
	v49 =	vsub.f32 v42, v43;
	[tilespmem:v21+s3+$0x0] =	vst.idx.add.f32.msk $0xffff, v28  }
0x184: {  	v32 =	vadd.s32 $0xF600, v11;
	v27 =	vor.u32 $0x9, v15;
	v28 =	vadd.f32 v36, v35;
	v50 =	vld.idx.msk [tilespmem:v62+s11+$0x0], $0xffff  }
0x185: {  	v51 =	vmul.f32 v37, v6;
	v60 =	vsub.s32 v48, v0;
	v0 =	vadd.s32 $0x11F00, v18;
	[tilespmem:v63+s3+$0x0] =	vst.idx.add.f32.msk $0xffff, v49  }
0x186: {  	v18 =	vadd.s32 $0x13380, v18;
	v52 =	vmul.f32 v33, v7;
	v53 =	vmul.f32 v29, v8;
	[tilespmem:v44+s3+$0x0] =	vst.idx.add.f32.msk $0xffff, v28  }
0x187: {  	v48 =	vadd.s32 $0xB880, v22;
	v29 =	vmul.f32 v29, v7;
	v28 =	vmul.f32 v33, v8;
	v44 =	vld.idx.msk [tilespmem:v45+s11+$0x0], $0xffff  }
0x188: {  	v31 =	vadd.s32 $0x10A80, v11;
	v38 =	vmin.u32 v60, $0x1388;
	v39 =	vsub.f32 v52, v53;
	v20 =	vld.idx.msk [tilespmem:v20+s11+$0x0], $0xffff  }
0x189: {  	v60 =	vor.u32 $0xF, v15;
	v61 =	vmul.f32 v34, v6;
	v27 =	vld.idx.msk [tilespmem:v27+s11+$0x0], $0xffff;
	v28 =	vadd.f32 v29, v28  }
0x18a: {  	v21 =	vor.u32 $0xA, v15;
	v63 =	vadd.s32 $0x1480, v38;
	v29 =	vmul.f32 v34, v9;
	[tilespmem:v46+s3+$0x0] =	vst.idx.add.f32.msk $0xffff, v39  }
0x18b: {  	v42 =	vor.u32 $0xB, v15;
	v36 =	vor.u32 $0xC, v15;
	v62 =	vmul.f32 v37, v9;
	[tilespmem:v56+s3+$0x0] =	vst.idx.add.f32.msk $0xffff, v28  }
0x18c: {  	v37 =	vor.u32 $0xD, v15;
	v28 =	vor.u32 $0x3, v23;
	v29 =	vsub.f32 v51, v29;
	v33 =	vld.idx.msk [tilespmem:v57+s11+$0x0], $0xffff  }
0x18d: {  	v34 =	vadd.f32 v61, v62;
	v40 =	vmul.f32 v50, v1;
	v35 =	vmul.f32 v50, v2;
	v41 =	vld.idx.msk [tilespmem:v58+s11+$0x0], $0xffff  }
0x18e: {  	v49 =	vor.u32 $0x6, v10;
	[tilespmem:v38+s3+$0x0] =	vst.idx.add.f32.msk $0xffff, v29;
	v29 =	vmul.f32 v44, v14;
	v52 =	vmul.f32 v20, v16  }
0x18f: {  	v46 =	vadd.s32 $0xA400, v22;
	v16 =	vmul.f32 v44, v16;
	v20 =	vmul.f32 v20, v14;
	[tilespmem:v63+s3+$0x0] =	vst.idx.add.f32.msk $0xffff, v34  }
0x190: {  	v53 =	vmul.f32 v27, v2;
	v27 =	vmul.f32 v27, v1;
	v34 =	vld.idx.msk [tilespmem:v47+s11+$0x0], $0xffff;
	v29 =	vsub.f32 v29, v52  }
0x191: {  	v45 =	vadd.s32 $0xE180, v22;
	v61 =	vadd.s32 $0xF600, v22;
	v16 =	vadd.f32 v20, v16;
	v28 =	vld.idx.msk [tilespmem:v28+s11+$0x0], $0xffff  }
0x192: {  	v20 =	vadd.s32 $0x5200, v13;
	v27 =	vadd.f32 v27, v35;
	[tilespmem:v0+s3+$0x0] =	vst.idx.add.f32.msk $0xffff, v29;
	v29 =	vsub.f32 v40, v53  }
0x193: {  	v50 =	vor.u32 $0x7, v10;
	v62 =	vmul.f32 v33, v7;
	v63 =	vmul.f32 v41, v8;
	[tilespmem:v18+s3+$0x0] =	vst.idx.add.f32.msk $0xffff, v16  }
0x194: {  	v51 =	vadd.s32 $0x3D80, v38;
	v0 =	vadd.s32 $0x6680, v13;
	v16 =	vmul.f32 v33, v8;
	[tilespmem:v46+s3+$0x0] =	vst.idx.add.f32.msk $0xffff, v29  }
0x195: {  	v58 =	vor.u32 $0xE, v15;
	v18 =	vmul.f32 v41, v7;
	v29 =	vsub.f32 v62, v63;
	[tilespmem:v48+s3+$0x0] =	vst.idx.add.f32.msk $0xffff, v27  }
0x196: {  	v57 =	vmul.f32 v25, v19;
	v44 =	vadd.s32 $0xCD00, v22;
	v52 =	vor.u32 $0x4, v23;
	v39 =	vld.idx.msk [tilespmem:v21+s11+$0x0], $0xffff  }
0x197: {  	v47 =	vor.u32 $0x7, v23;
	v27 =	vadd.s32 $0x2900, v38;
	v16 =	vadd.f32 v18, v16;
	[tilespmem:v20+s3+$0x0] =	vst.idx.add.f32.msk $0xffff, v29  }
0x198: {  	v53 =	vor.u32 $0x5, v23;
	v18 =	vmul.f32 v34, v6;
	v21 =	vmul.f32 v28, v9;
	v42 =	vld.idx.msk [tilespmem:v42+s11+$0x0], $0xffff  }
0x199: {  	v40 =	vadd.s32 $0x6680, v38;
	v29 =	vmul.f32 v34, v9;
	v28 =	vmul.f32 v28, v6;
	[tilespmem:v0+s3+$0x0] =	vst.idx.add.f32.msk $0xffff, v16  }
0x19a: {  	v41 =	vadd.s32 $0x7B00, v13;
	v62 =	vadd.s32 $0x10A80, v22;
	v33 =	vld.idx.msk [tilespmem:v49+s11+$0x0], $0xffff;
	v56 =	vsub.f32 v18, v21  }
0x19b: {  	v46 =	vor.u32 $0x6, v23;
	v63 =	vmul.f32 v24, v19;
	v29 =	vadd.f32 v28, v29;
	v35 =	vld.idx.msk [tilespmem:v50+s11+$0x0], $0xffff  }
0x19c: {  	v20 =	vadd.s32 $0x11F00, v22;
	v18 =	vadd.s32 $0x13380, v22;
	v22 =	vmul.f32 v24, v17;
	[tilespmem:v27+s3+$0x0] =	vst.idx.add.f32.msk $0xffff, v56  }
0x19d: {  	v0 =	vmul.f32 v25, v17;
	v25 =	vor.u32 $0xB, v23;
	v28 =	vor.u32 $0x8, v23;
	[tilespmem:v51+s3+$0x0] =	vst.idx.add.f32.msk $0xffff, v29  }
0x19e: {  	v24 =	vor.u32 $0xC, v23;
	v50 =	vadd.s32 $0x8F80, v13;
	v22 =	vsub.f32 v22, v57;
	v43 =	vld.idx.msk [tilespmem:v52+s11+$0x0], $0xffff  }
0x19f: {  	v27 =	vor.u32 $0xA, v23;
	v57 =	vor.u32 $0x8, v10;
	v34 =	vld.idx.msk [tilespmem:v53+s11+$0x0], $0xffff;
	v52 =	vadd.f32 v0, v63  }
0x1a0: {  	v29 =	vor.u32 $0x9, v23;
	[tilespmem:v32+s3+$0x0] =	vst.idx.add.f32.msk $0xffff, v22;
	v53 =	vmul.f32 v33, v7;
	v49 =	vmul.f32 v35, v8  }
0x1a1: {  	v22 =	vmul.f32 v33, v8;
	v56 =	vmul.f32 v35, v7;
	v35 =	vadd.s32 $0x8F80, v38;
	[tilespmem:v31+s3+$0x0] =	vst.idx.add.f32.msk $0xffff, v52  }
0x1a2: {  	v33 =	vadd.s32 $0xA400, v38;
	v52 =	vor.u32 $0x9, v10;
	v63 =	vsub.f32 v53, v49;
	v48 =	vld.idx.msk [tilespmem:v26+s11+$0x0], $0xffff  }
0x1a3: {  	v31 =	vadd.s32 $0x5200, v38;
	v32 =	vadd.f32 v56, v22;
	v51 =	vld.idx.msk [tilespmem:v30+s11+$0x0], $0xffff;
	v26 =	vor.u32 $0xD, v23  }
0x1a4: {  	v22 =	vor.u32 $0xE, v23;
	v0 =	vmul.f32 v43, v6;
	v30 =	vmul.f32 v34, v9;
	[tilespmem:v41+s3+$0x0] =	vst.idx.add.f32.msk $0xffff, v63  }
0x1a5: {  	v43 =	vmul.f32 v43, v9;
	v53 =	vmul.f32 v34, v6;
	v34 =	vadd.s32 $0x7B00, v38;
	[tilespmem:v50+s3+$0x0] =	vst.idx.add.f32.msk $0xffff, v32  }
0x1a6: {  	v21 =	vmovc v2;
	v63 =	vmul.f32 v42, v1;
	v41 =	vadd.s32 $0x11F00, v38;
	v30 =	vsub.f32 v0, v30;
	v49 =	vld.idx.msk [tilespmem:v57+s11+$0x0], $0xffff  }
0x1a7: {  	v56 =	vadd.f32 v53, v43;
	v57 =	vmul.f32 v39, v1;
	v39 =	vmul.f32 v39, v2;
	v52 =	vld.idx.msk [tilespmem:v52+s11+$0x0], $0xffff  }
0x1a8: {  	v32 =	vadd.s32 $0xB880, v38;
	v0 =	vmul.f32 v48, v17;
	[tilespmem:v31+s3+$0x0] =	vst.idx.add.f32.msk $0xffff, v30;
	v31 =	vmul.f32 v42, v2  }
0x1a9: {  	v30 =	vadd.s32 $0xCD00, v38;
	v2 =	vmul.f32 v48, v19;
	v53 =	vadd.f32 v63, v39;
	[tilespmem:v40+s3+$0x0] =	vst.idx.add.f32.msk $0xffff, v56  }
0x1aa: {  	v16 =	vmovc v1;
	v48 =	vadd.s32 $0xB880, v13;
	v56 =	vmul.f32 v51, v19;
	v1 =	vsub.f32 v57, v31;
	v43 =	vld.idx.msk [tilespmem:v46+s11+$0x0], $0xffff  }
0x1ab: {  	v51 =	vmul.f32 v51, v17;
	v19 =	vadd.s32 $0xF600, v38;
	v17 =	vadd.s32 $0x10A80, v38;
	v46 =	vld.idx.msk [tilespmem:v47+s11+$0x0], $0xffff  }
0x1ac: {  	v40 =	vadd.s32 $0x13380, v38;
	v31 =	vadd.s32 $0xE180, v38;
	v38 =	vor.u32 $0xB, v10;
	[tilespmem:v44+s3+$0x0] =	vst.idx.add.f32.msk $0xffff, v1  }
0x1ad: {  	v57 =	vmul.f32 v49, v7;
	v63 =	vmul.f32 v52, v8;
	v44 =	vadd.s32 $0xA400, v13;
	[tilespmem:v45+s3+$0x0] =	vst.idx.add.f32.msk $0xffff, v53  }
0x1ae: {  	v39 =	vsub.f32 v0, v56;
	v42 =	vadd.f32 v51, v2;
	v50 =	vmul.f32 v49, v8;
	v45 =	vld.idx.msk [tilespmem:v36+s11+$0x0], $0xffff  }
0x1af: {  	s18 =	simm.s32 $0x70;
	s17 =	simm.s32 $0x4;
	v52 =	vmul.f32 v52, v7;
	v49 =	vor.u32 $0xA, v10;
	v53 =	vsub.f32 v57, v63;
	v47 =	vld.idx.msk [tilespmem:v37+s11+$0x0], $0xffff  }
.LBB2_9:
0x1b0: {  	_ = 	snop  }
0x1b1: {  	v37 =	vadd.f32 v52, v50  }
0x1b2: {  	[tilespmem:v44+s3+$0x0] =	vst.idx.add.f32.msk $0xffff, v53  }
0x1b3: {  	s19 =	sadd.s32 $0xFFFFFFF0, s18;
	[tilespmem:v48+s3+$0x0] =	vst.idx.add.f32.msk $0xffff, v37  }
0x1b4: {  	v57 =	vmov s19;
	[tilespmem:v55+s3+$0x0] =	vst.idx.add.f32.msk $0xffff, v39  }
0x1b5: {  	v36 =	vmov s18;
	v44 =	vshll.u32 v57, $0x4;
	v49 =	vld.idx.msk [tilespmem:v49+s11+$0x0], $0xffff  }
0x1b6: {  	v36 =	vshll.u32 v36, $0x4;
	v56 =	vor.u32 v54, v44;
	v39 =	vmov v58;
	v58 =	vld.idx.msk [tilespmem:v38+s11+$0x0], $0xffff  }
0x1b7: {  	v1 =	vmov v20;
	v55 =	vor.u32 v54, v36;
	v20 =	vld [tilespmem:$0x1FFF0];
	v54 =	vor.u32 $0x1, v56  }
0x1b8: {  	v63 =	vmul.f32 v46, v9;
	v0 =	vmov v41;
	s15 =	sadd.s32 $0x20, s15;
	v50 =	vmul.f32 v43, v6;
	[tilespmem:v59+s3+$0x0] =	vst.idx.add.f32.msk $0xffff, v42  }
0x1b9: {  	s14 =	sadd.s32 $0x20, s14;
	[tilespmem:$0x1FF60] =	vst v0;
	v2 =	vor.u32 $0x6, v55;
	v59 =	vmov v40;
	v40 =	vld [tilespmem:s15+$0xFFFFFFF0];
	v36 =	vor.u32 $0xD, v55  }
0x1ba: {  	v57 =	vor.u32 $0x1, v55;
	v37 =	vmovc v60;
	v60 =	vsub.f32 v50, v63;
	v50 =	vld [tilespmem:s14+$0xFFFFFFF0];
	v63 =	vor.u32 $0xC, v55;
	[tilespmem:$0x1FF80] =	vst v2  }
0x1bb: {  	v3 =	vadd.s32 $0xE180, v13;
	v53 =	vmul.f32 v43, v9;
	v42 =	vmul.f32 v46, v6;
	[tilespmem:$0x1FFB0] =	vst v63;
	v52 =	vld.idx.msk [tilespmem:v56+s11+$0x0], $0xffff  }
0x1bc: {  	s16 =	sadd.s32 $0x20, s16;
	v0 =	vmul.f32 v45, v16;
	[tilespmem:$0x1FFC0] =	vst v36;
	v2 =	vadd.s32 $0xCD00, v13;
	v36 =	vmovc v5;
	v5 =	vmov v22;
	v63 =	vld.idx.msk [tilespmem:v54+s11+$0x0], $0xffff  }
0x1bd: {  	v22 =	vmovc v62;
	v62 =	vadd.f32 v42, v53;
	v42 =	vmul.f32 v49, v7;
	v53 =	vmul.f32 v58, v8;
	v54 =	vld [tilespmem:s16+$0xFFFFFFF0]  }
0x1be: {  	v11 =	vor.u32 $0xC, v10;
	v49 =	vmul.f32 v49, v8;
	v58 =	vmul.f32 v58, v7;
	v12 =	vld.idx.msk [tilespmem:v55+s11+$0x0], $0xffff  }
0x1bf: {  	v15 =	vor.u32 $0xD, v10;
	[tilespmem:$0x1FF70] =	vst v1;
	v1 =	vmul.f32 v47, v21;
	v57 =	vld.idx.msk [tilespmem:v57+s11+$0x0], $0xffff;
	v14 =	vsub.f32 v42, v53  }
0x1c0: {  	v45 =	vmul.f32 v45, v21;
	v50 =	vsub.s32 v50, v20;
	v42 =	vld [tilespmem:s15+$0x0];
	v49 =	vadd.f32 v58, v49  }
0x1c1: {  	v58 =	vmul.f32 v47, v16;
	v53 =	vmin.u32 v50, $0x1388;
	v50 =	vsub.f32 v0, v1;
	[tilespmem:v2+s3+$0x0] =	vst.idx.add.f32.msk $0xffff, v14  }
0x1c2: {  	v2 =	vadd.s32 $0x1480, v53;
	v0 =	vmul.f32 v52, v40;
	[tilespmem:v3+s3+$0x0] =	vst.idx.add.f32.msk $0xffff, v49;
	v1 =	vmul.f32 v63, v54  }
0x1c3: {  	v3 =	vmul.f32 v52, v54;
	v14 =	vmul.f32 v63, v40;
	v11 =	vld.idx.msk [tilespmem:v11+s11+$0x0], $0xffff  }
0x1c4: {  	v48 =	vor.u32 $0x7, v55;
	v63 =	vor.u32 $0x2, v56;
	v15 =	vld.idx.msk [tilespmem:v15+s11+$0x0], $0xffff;
	v0 =	vsub.f32 v0, v1  }
0x1c5: {  	[tilespmem:$0x1FF90] =	vst v48;
	v52 =	vadd.f32 v58, v45;
	v45 =	vld [tilespmem:s16+$0x0];
	v1 =	vor.u32 $0x3, v56;
	v3 =	vadd.f32 v14, v3  }
0x1c6: {  	v51 =	vor.u32 $0x2, v55;
	v41 =	vor.u32 $0x3, v55;
	v43 =	vor.u32 $0x4, v55;
	[tilespmem:v53+s3+$0x0] =	vst.idx.add.f32.msk $0xffff, v0  }
0x1c7: {  	v4 =	vmovc v61;
	v44 =	vor.u32 $0x5, v55;
	v61 =	vor.u32 $0x9, v55;
	v46 =	vor.u32 $0xB, v55;
	[tilespmem:v2+s3+$0x0] =	vst.idx.add.f32.msk $0xffff, v3  }
0x1c8: {  	[tilespmem:$0x1FFA0] =	vst v59;
	v59 =	vor.u32 $0x8, v55;
	v48 =	vor.u32 $0xA, v55;
	v47 =	vor.u32 $0xE, v55;
	v3 =	vld [tilespmem:s14+$0x0]  }
0x1c9: {  	v23 =	vmovc v16;
	v16 =	vadd.s32 $0x10A80, v13;
	v58 =	vmul.f32 v57, v42;
	v2 =	vadd.s32 $0xF600, v13;
	v0 =	vld.idx.msk [tilespmem:v63+s11+$0x0], $0xffff  }
0x1ca: {  	v38 =	vmovc v18;
	v49 =	vor.u32 $0xF, v55;
	v55 =	vmul.f32 v11, v7;
	v63 =	vmul.f32 v15, v8;
	v1 =	vld.idx.msk [tilespmem:v1+s11+$0x0], $0xffff  }
0x1cb: {  	v18 =	vor.u32 $0xE, v10;
	v11 =	vmul.f32 v11, v8;
	[tilespmem:v34+s3+$0x0] =	vst.idx.add.f32.msk $0xffff, v60;
	v15 =	vmul.f32 v15, v7  }
0x1cc: {  	v34 =	vmul.f32 v57, v45;
	v57 =	vor.u32 $0xF, v10;
	[tilespmem:v35+s3+$0x0] =	vst.idx.add.f32.msk $0xffff, v62;
	v55 =	vsub.f32 v55, v63  }
0x1cd: {  	v14 =	vmul.f32 v12, v42;
	v11 =	vadd.f32 v15, v11;
	v15 =	vld.idx.msk [tilespmem:v28+s11+$0x0], $0xffff  }
0x1ce: {  	v12 =	vmul.f32 v12, v45;
	v10 =	vmov v56;
	v60 =	vadd.s32 $0x2900, v53;
	[tilespmem:v2+s3+$0x0] =	vst.idx.add.f32.msk $0xffff, v55  }
0x1cf: {  	v55 =	vadd.s32 $0x3D80, v53;
	v62 =	vmul.f32 v0, v40;
	[tilespmem:v16+s3+$0x0] =	vst.idx.add.f32.msk $0xffff, v11;
	v63 =	vmul.f32 v1, v54  }
0x1d0: {  	v0 =	vmul.f32 v0, v54;
	v11 =	vor.u32 $0x4, v10;
	v1 =	vmul.f32 v1, v40;
	v16 =	vld.idx.msk [tilespmem:v18+s11+$0x0], $0xffff  }
0x1d1: {  	v28 =	vmovc v59;
	v3 =	vsub.s32 v3, v20;
	v18 =	vor.u32 $0x5, v10;
	v59 =	vld.idx.msk [tilespmem:v57+s11+$0x0], $0xffff;
	v2 =	vsub.f32 v62, v63  }
0x1d2: {  	v0 =	vadd.f32 v1, v0;
	v1 =	vmin.u32 v3, $0x1388;
	v3 =	vadd.f32 v58, v12;
	v12 =	vld.idx.msk [tilespmem:v29+s11+$0x0], $0xffff  }
0x1d3: {  	[tilespmem:v60+s3+$0x0] =	vst.idx.add.f32.msk $0xffff, v2;
	v2 =	vadd.s32 $0x1480, v1  }
0x1d4: {  	[tilespmem:v55+s3+$0x0] =	vst.idx.add.f32.msk $0xffff, v0  }
0x1d5: {  	v14 =	vsub.f32 v14, v34;
	v0 =	vld.idx.msk [tilespmem:v11+s11+$0x0], $0xffff  }
0x1d6: {  	v63 =	vadd.s32 $0x11F00, v13;
	v20 =	vmul.f32 v59, v8;
	v11 =	vmul.f32 v15, v6;
	v18 =	vld.idx.msk [tilespmem:v18+s11+$0x0], $0xffff  }
0x1d7: {  	v13 =	vadd.s32 $0x13380, v13;
	v15 =	vmul.f32 v15, v9;
	[tilespmem:v1+s3+$0x0] =	vst.idx.add.f32.msk $0xffff, v14;
	v14 =	vmul.f32 v16, v7  }
0x1d8: {  	[tilespmem:v2+s3+$0x0] =	vst.idx.add.f32.msk $0xffff, v3;
	v2 =	vmul.f32 v16, v8;
	v3 =	vmul.f32 v59, v7  }
0x1d9: {  	v14 =	vsub.f32 v14, v20;
	v20 =	vmul.f32 v12, v9;
	v12 =	vmul.f32 v12, v6;
	v16 =	vld.idx.msk [tilespmem:v51+s11+$0x0], $0xffff  }
0x1da: {  	v7 =	vmov v40;
	v8 =	vmov v54;
	v41 =	vld.idx.msk [tilespmem:v41+s11+$0x0], $0xffff;
	v2 =	vadd.f32 v3, v2  }
0x1db: {  	v3 =	vadd.s32 $0x5200, v53;
	[tilespmem:v63+s3+$0x0] =	vst.idx.add.f32.msk $0xffff, v14;
	v11 =	vsub.f32 v11, v20;
	v12 =	vadd.f32 v12, v15  }
0x1dc: {  	v14 =	vmul.f32 v0, v7;
	v15 =	vmul.f32 v18, v8;
	v20 =	vadd.s32 $0x6680, v53;
	[tilespmem:v13+s3+$0x0] =	vst.idx.add.f32.msk $0xffff, v2  }
0x1dd: {  	v0 =	vmul.f32 v0, v8;
	v40 =	vmul.f32 v18, v7;
	v18 =	vor.u32 $0x6, v10;
	[tilespmem:v33+s3+$0x0] =	vst.idx.add.f32.msk $0xffff, v11  }
0x1de: {  	v58 =	vadd.s32 $0x2900, v1;
	v11 =	vsub.f32 v14, v15;
	v14 =	vor.u32 $0x7, v10;
	v13 =	vmovc v53;
	[tilespmem:v32+s3+$0x0] =	vst.idx.add.f32.msk $0xffff, v12  }
0x1df: {  	v0 =	vadd.f32 v40, v0;
	v53 =	vmul.f32 v16, v42;
	v12 =	vmul.f32 v16, v45;
	v16 =	vld.idx.msk [tilespmem:v27+s11+$0x0], $0xffff  }
0x1e0: {  	v60 =	vadd.s32 $0x3D80, v1;
	[tilespmem:v3+s3+$0x0] =	vst.idx.add.f32.msk $0xffff, v11;
	v3 =	vmul.f32 v41, v45  }
0x1e1: {  	v11 =	vmul.f32 v41, v42;
	[tilespmem:v20+s3+$0x0] =	vst.idx.add.f32.msk $0xffff, v0  }
0x1e2: {  	v56 =	vadd.s32 $0x5200, v1;
	v0 =	vld.idx.msk [tilespmem:v18+s11+$0x0], $0xffff;
	v63 =	vsub.f32 v53, v3  }
0x1e3: {  	v34 =	vadd.s32 $0x7B00, v1;
	v35 =	vadd.s32 $0x8F80, v1;
	v27 =	vmovc v48;
	v48 =	vadd.f32 v11, v12;
	v3 =	vld.idx.msk [tilespmem:v14+s11+$0x0], $0xffff  }
0x1e4: {  	v29 =	vmovc v61;
	v61 =	vadd.s32 $0xA400, v1;
	v62 =	vadd.s32 $0xB880, v1;
	v57 =	vadd.s32 $0xCD00, v1;
	[tilespmem:v58+s3+$0x0] =	vst.idx.add.f32.msk $0xffff, v63  }
0x1e5: {  	v55 =	vadd.s32 $0x6680, v1;
	v59 =	vadd.s32 $0xF600, v1;
	v51 =	vadd.s32 $0xE180, v1;
	[tilespmem:v60+s3+$0x0] =	vst.idx.add.f32.msk $0xffff, v48  }
0x1e6: {  	v15 =	vadd.s32 $0x10A80, v1;
	v40 =	vadd.s32 $0x13380, v1;
	v41 =	vadd.s32 $0x11F00, v1;
	v11 =	vld.idx.msk [tilespmem:v43+s11+$0x0], $0xffff  }
0x1e7: {  	v14 =	vadd.s32 $0x7B00, v13;
	v1 =	vmul.f32 v16, v6;
	v2 =	vmul.f32 v16, v9;
	v12 =	vld.idx.msk [tilespmem:v44+s11+$0x0], $0xffff  }
0x1e8: {  	v16 =	vld.idx.msk [tilespmem:v25+s11+$0x0], $0xffff;
	v18 =	vmul.f32 v0, v7;
	v20 =	vmul.f32 v3, v8  }
0x1e9: {  	[tilespmem:v4+s3+$0x0] =	vst.idx.add.f32.msk $0xffff, v50;
	v0 =	vmul.f32 v0, v8;
	v3 =	vmul.f32 v3, v7  }
0x1ea: {  	v4 =	vld [tilespmem:$0x1FF80];
	v18 =	vsub.f32 v18, v20  }
0x1eb: {  	v0 =	vadd.f32 v3, v0  }
0x1ec: {  	v3 =	vmul.f32 v11, v42;
	[tilespmem:v14+s3+$0x0] =	vst.idx.add.f32.msk $0xffff, v18;
	v14 =	vmul.f32 v12, v45  }
0x1ed: {  	[tilespmem:v22+s3+$0x0] =	vst.idx.add.f32.msk $0xffff, v52;
	v11 =	vmul.f32 v11, v45;
	v12 =	vmul.f32 v12, v42  }
0x1ee: {  	v48 =	vld.idx.msk [tilespmem:v39+s11+$0x0], $0xffff;
	v3 =	vsub.f32 v3, v14  }
0x1ef: {  	v50 =	vld.idx.msk [tilespmem:v37+s11+$0x0], $0xffff;
	v11 =	vadd.f32 v12, v11  }
0x1f0: {  	[tilespmem:v56+s3+$0x0] =	vst.idx.add.f32.msk $0xffff, v3  }
0x1f1: {  	[tilespmem:v55+s3+$0x0] =	vst.idx.add.f32.msk $0xffff, v11  }
0x1f2: {  	v43 =	vld.idx.msk [tilespmem:v4+s11+$0x0], $0xffff  }
0x1f3: {  	v53 =	vadd.s32 $0x8F80, v13;
	v4 =	vld [tilespmem:$0x1FF90]  }
0x1f4: {  	v44 =	vor.u32 $0x8, v10  }
0x1f5: {  	v20 =	vor.u32 $0x9, v10;
	_ =	sdelay $0x1  }
0x1f6: {  	v54 =	vld [tilespmem:$0x1FFE0]  }
0x1f7: {  	[tilespmem:v53+s3+$0x0] =	vst.idx.add.f32.msk $0xffff, v0;
	v53 =	vmul.f32 v16, v9  }
0x1f8: {  	v18 =	vld.idx.msk [tilespmem:v44+s11+$0x0], $0xffff  }
0x1f9: {  	v16 =	vmul.f32 v16, v6;
	v12 =	vld.idx.msk [tilespmem:v20+s11+$0x0], $0xffff;
	v0 =	vsub.f32 v1, v53  }
0x1fa: {  	v25 =	vmov v46;
	v46 =	vld.idx.msk [tilespmem:v4+s11+$0x0], $0xffff  }
0x1fb: {  	v63 =	vadd.f32 v16, v2;
	[tilespmem:v30+s3+$0x0] =	vst.idx.add.f32.msk $0xffff, v0  }
0x1fc: {  	v30 =	vmov v57;
	v57 =	vld [tilespmem:$0x1FFB0]  }
0x1fd: {  	s17 =	sadd.s32 $0x2, s17;
	v33 =	vmovc v61;
	v61 =	vmovc v19;
	v19 =	vmov v59;
	v59 =	vmov v38;
	v32 =	vmov v62;
	[tilespmem:v31+s3+$0x0] =	vst.idx.add.f32.msk $0xffff, v63  }
0x1fe: {  	p0 =	slt.u32 s17, $0x26;
	v62 =	vmovc v17;
	v58 =	vmovc v5;
	v5 =	vmov v49;
	v49 =	vor.u32 $0xA, v10;
	v37 =	vmul.f32 v48, v23;
	v63 =	vld [tilespmem:$0x1FFC0]  }
.Ltmp5:
0x1ff: {  	v17 =	vmovc v15;
	v60 =	vmovc v36;
	v14 =	vmul.f32 v50, v23;
	v44 =	vadd.s32 $0xA400, v13;
	v20 =	vld [tilespmem:$0x1FF60];
	v3 =	vmul.f32 v48, v21;
	(pc) =	sbr.rel @p0 .LBB2_9-.Ltmp5, $4  }
0x200: {  	v22 =	vmovc v47;
	v48 =	vadd.s32 $0xB880, v13;
	v55 =	vld [tilespmem:$0x1FF70];
	v11 =	vmul.f32 v50, v21;
	v16 =	vmovc v6;
	v38 =	vmul.f32 v18, v7  }
0x201: {  	v6 =	vmovc v42;
	v21 =	vmovc v9;
	v9 =	vmov v45;
	v50 =	vmul.f32 v18, v8;
	v18 =	vld [tilespmem:$0x1FFA0];
	v56 =	vmul.f32 v12, v8  }
0x202: {  	v42 =	vadd.f32 v14, v3;
	v39 =	vsub.f32 v37, v11;
	v52 =	vmul.f32 v12, v7;
	v45 =	vld.idx.msk [tilespmem:v24+s11+$0x0], $0xffff  }
0x203: {  	s18 =	sadd.s32 $0x20, s18;
	v53 =	vsub.f32 v38, v56;
	v38 =	vor.u32 $0xB, v10;
	v31 =	vmovc v51;
	v47 =	vld.idx.msk [tilespmem:v26+s11+$0x0], $0xffff;
	v24 =	vmovc v57;
	v26 =	vmov v63  }
0x204: {  	v0 =	vmul.f32 v43, v6;
	v1 =	vmul.f32 v46, v9  }
0x205: {  	v2 =	vmul.f32 v43, v9;
	v3 =	vmul.f32 v46, v6  }
0x206: {  	v0 =	vsub.f32 v0, v1  }
0x207: {  	v51 =	vadd.f32 v3, v2  }
0x208: {  	[tilespmem:v34+s3+$0x0] =	vst.idx.add.f32.msk $0xffff, v0  }
0x209: {  	[tilespmem:v35+s3+$0x0] =	vst.idx.add.f32.msk $0xffff, v51  }
0x20a: {  	v0 =	vld.idx.msk [tilespmem:v28+s11+$0x0], $0xffff  }
0x20b: {  	v56 =	vadd.f32 v52, v50;
	v57 =	vld.idx.msk [tilespmem:v29+s11+$0x0], $0xffff  }
0x20c: {  	[tilespmem:v44+s3+$0x0] =	vst.idx.add.f32.msk $0xffff, v53  }
0x20d: {  	[tilespmem:v48+s3+$0x0] =	vst.idx.add.f32.msk $0xffff, v56  }
0x20e: {  	v1 =	vld.idx.msk [tilespmem:v49+s11+$0x0], $0xffff  }
0x20f: {  	v3 =	vld.idx.msk [tilespmem:v38+s11+$0x0], $0xffff  }
0x210: {  	v11 =	vmul.f32 v0, v6;
	v12 =	vmul.f32 v57, v9  }
0x211: {  	v0 =	vmul.f32 v0, v9;
	v2 =	vmul.f32 v57, v6  }
0x212: {  	v11 =	vsub.f32 v11, v12  }
0x213: {  	v12 =	vadd.s32 $0xCD00, v13;
	v0 =	vadd.f32 v2, v0  }
0x214: {  	v15 =	vadd.s32 $0xE180, v13;
	v63 =	vmul.f32 v1, v7;
	v14 =	vmul.f32 v3, v8;
	[tilespmem:v33+s3+$0x0] =	vst.idx.add.f32.msk $0xffff, v11  }
0x215: {  	v1 =	vmul.f32 v1, v8;
	v3 =	vmul.f32 v3, v7;
	v11 =	vor.u32 $0xC, v10;
	[tilespmem:v32+s3+$0x0] =	vst.idx.add.f32.msk $0xffff, v0  }
0x216: {  	v33 =	vor.u32 $0xD, v10;
	v32 =	vsub.f32 v63, v14;
	v14 =	vld.idx.msk [tilespmem:v27+s11+$0x0], $0xffff  }
0x217: {  	v1 =	vadd.f32 v3, v1;
	v3 =	vld.idx.msk [tilespmem:v25+s11+$0x0], $0xffff  }
0x218: {  	[tilespmem:v12+s3+$0x0] =	vst.idx.add.f32.msk $0xffff, v32  }
0x219: {  	[tilespmem:v15+s3+$0x0] =	vst.idx.add.f32.msk $0xffff, v1  }
0x21a: {  	v0 =	vld.idx.msk [tilespmem:v11+s11+$0x0], $0xffff  }
0x21b: {  	v1 =	vld.idx.msk [tilespmem:v33+s11+$0x0], $0xffff  }
0x21c: {  	v34 =	vmul.f32 v14, v6;
	v11 =	vmul.f32 v3, v9  }
0x21d: {  	v12 =	vmul.f32 v14, v9;
	v3 =	vmul.f32 v3, v6  }
0x21e: {  	v2 =	vsub.f32 v34, v11  }
0x21f: {  	v11 =	vadd.s32 $0xF600, v13;
	v3 =	vadd.f32 v3, v12  }
0x220: {  	v15 =	vadd.s32 $0x10A80, v13;
	v12 =	vmul.f32 v0, v7;
	v14 =	vmul.f32 v1, v8;
	[tilespmem:v30+s3+$0x0] =	vst.idx.add.f32.msk $0xffff, v2  }
0x221: {  	v35 =	vor.u32 $0xE, v10;
	v0 =	vmul.f32 v0, v8;
	v1 =	vmul.f32 v1, v7;
	[tilespmem:v31+s3+$0x0] =	vst.idx.add.f32.msk $0xffff, v3  }
0x222: {  	v10 =	vor.u32 $0xF, v10;
	v3 =	vsub.f32 v12, v14;
	v12 =	vld.idx.msk [tilespmem:v24+s11+$0x0], $0xffff  }
0x223: {  	v0 =	vadd.f32 v1, v0;
	v36 =	vld.idx.msk [tilespmem:v26+s11+$0x0], $0xffff  }
0x224: {  	v4 =	vmov v16;
	v14 =	vmul.f32 v45, v16;
	v16 =	vmul.f32 v47, v21;
	[tilespmem:v11+s3+$0x0] =	vst.idx.add.f32.msk $0xffff, v3  }
0x225: {  	v3 =	vmul.f32 v45, v21;
	v11 =	vmul.f32 v47, v4;
	[tilespmem:v15+s3+$0x0] =	vst.idx.add.f32.msk $0xffff, v0  }
0x226: {  	v37 =	vsub.f32 v14, v16;
	v2 =	vld.idx.msk [tilespmem:v35+s11+$0x0], $0xffff  }
0x227: {  	v3 =	vadd.f32 v11, v3;
	v10 =	vld.idx.msk [tilespmem:v10+s11+$0x0], $0xffff  }
0x228: {  	[tilespmem:v61+s3+$0x0] =	vst.idx.add.f32.msk $0xffff, v37;
	v38 =	vmul.f32 v12, v6;
	v11 =	vmul.f32 v36, v9  }
0x229: {  	[tilespmem:v62+s3+$0x0] =	vst.idx.add.f32.msk $0xffff, v3;
	v3 =	vmul.f32 v12, v9;
	v1 =	vmul.f32 v36, v6  }
0x22a: {  	v12 =	vld.idx.msk [tilespmem:v58+s11+$0x0], $0xffff;
	v0 =	vsub.f32 v38, v11  }
0x22b: {  	v11 =	vld.idx.msk [tilespmem:v60+s11+$0x0], $0xffff;
	v1 =	vadd.f32 v1, v3  }
0x22c: {  	[tilespmem:v19+s3+$0x0] =	vst.idx.add.f32.msk $0xffff, v0  }
0x22d: {  	v43 =	vadd.s32 $0x11F00, v13;
	[tilespmem:v17+s3+$0x0] =	vst.idx.add.f32.msk $0xffff, v1  }
0x22e: {  	v13 =	vadd.s32 $0x13380, v13;
	v44 =	vmul.f32 v2, v7;
	v3 =	vmul.f32 v10, v8;
	v14 =	vld.idx.msk [tilespmem:v22+s11+$0x0], $0xffff  }
0x22f: {  	v2 =	vmul.f32 v2, v8;
	v7 =	vmul.f32 v10, v7;
	v8 =	vld.idx.msk [tilespmem:v5+s11+$0x0], $0xffff  }
0x230: {  	[tilespmem:v55+s3+$0x0] =	vst.idx.add.f32.msk $0xffff, v39;
	v1 =	vsub.f32 v44, v3  }
0x231: {  	[tilespmem:v59+s3+$0x0] =	vst.idx.add.f32.msk $0xffff, v42;
	v2 =	vadd.f32 v7, v2  }
0x232: {  	v45 =	vmul.f32 v12, v4;
	[tilespmem:v43+s3+$0x0] =	vst.idx.add.f32.msk $0xffff, v1;
	v46 =	vmul.f32 v11, v21  }
0x233: {  	v47 =	vmul.f32 v12, v21;
	v3 =	vmul.f32 v11, v4;
	[tilespmem:v13+s3+$0x0] =	vst.idx.add.f32.msk $0xffff, v2  }
0x234: {  	p0 =	seq.s32 s13, $0xF9;
	v0 =	vsub.f32 v45, v46;
	v48 =	vmul.f32 v14, v6;
	v4 =	vmul.f32 v8, v9  }
0x235: {  	s14 =	smul.u32 @!p0 $0x500, s13;
	v2 =	vadd.f32 v3, v47;
	v3 =	vmul.f32 v14, v9;
	v5 =	vmul.f32 v8, v6  }
0x236: {  	[tilespmem:v20+s3+$0x0] =	vst.idx.add.f32.msk $0xffff, v0;
	v49 =	vsub.f32 v48, v4  }
0x237: {  	s14 =	sshrl.u32 @!p0 s14, $0x3;
	[tilespmem:v18+s3+$0x0] =	vst.idx.add.f32.msk $0xffff, v2;
	v50 =	vadd.f32 v5, v3  }
0x238: {  	s14 =	sadd.s32 @!p0 $0xA0, s14;
	[tilespmem:v41+s3+$0x0] =	vst.idx.add.f32.msk $0xffff, v49  }
0x239: {  	s16 =	simm.s32 @!p0 $0x0;
	s15 =	sadd.s32 @!p0 s1, s14;
	[tilespmem:v40+s3+$0x0] =	vst.idx.add.f32.msk $0xffff, v50  }
0x23a: {  	[tilespmem:s16], [sflag:$0x1] =	stream.linear.gather @!p0 [hbm4b:s15+s16], $0x280, $0x38;
	[tilespmem:$0x1B100] =	vst v63  }
0x23b: {  	s17 =	simm.s32 @!p0 $0x500;
	s15 =	sadd.s32 @!p0 s2, s14  }
0x23c: {  	[tilespmem:s17], [sflag:$0x1] =	stream.linear.gather @!p0 [hbm4b:s15+s16], $0x280, $0x38;
	[tilespmem:$0x1B100] =	vst v63  }
0x23d: {  	s15 =	sadd.s32 @!p0 s4, s14;
	s17 =	simm.s32 @!p0 $0xA00  }
0x23e: {  	[tilespmem:s17], [sflag:$0x1] =	stream.linear.gather @!p0 [hbm4b:s15+s16], $0x280, $0x38;
	[tilespmem:$0x1B100] =	vst v63  }
0x23f: {  	s14 =	sadd.s32 @!p0 s5, s14;
	s15 =	simm.s32 @!p0 $0xF00  }
0x240: {  	[tilespmem:s15], [sflag:$0x1] =	stream.linear.gather @!p0 [hbm4b:s14+s16], $0x280, $0x38;
	[tilespmem:$0x1B100] =	vst v63  }
0x241: {  	_ =	swait.ge [sflag:s10], $0x800  }
0x242: {  	[sflag:s10] =	ssyncset.done $0x0  }
0x243: {  	[sflag:s10] =	ssyncadd.s32 $0xFFFFF800  }
0x244: {  	_ =	swait.ge [sflag:s10], $0x800  }
0x245: {  	[sflag:s10] =	ssyncset.done $0x0  }
0x246: {  	[sflag:s10] =	ssyncadd.s32 $0xFFFFF800  }
0x247: {  	_ =	swait.ge [sflag:s10], $0x800  }
0x248: {  	[sflag:s10] =	ssyncset.done $0x0  }
0x249: {  	[sflag:s10] =	ssyncadd.s32 $0xFFFFF800  }
0x24a: {  	s15 =	simm.s32 $0x0;
	_ =	swait.ge [sflag:s10], $0x800  }
0x24b: {  	v51 =	vmov s15;
	[sflag:s10] =	ssyncset.done $0x0  }
0x24c: {  	v0 =	vshll.u32 v51, $0x4;
	[sflag:s10] =	ssyncadd.s32 $0xFFFFF800  }
0x24d: {  	v10 =	vor.u32 v54, v0;
	_ =	swait.ge [sflag:s10], $0x800  }
0x24e: {  	v0 =	vor.u32 $0x1, v10;
	[sflag:s10] =	ssyncset.done $0x0  }
0x24f: {  	s14 =	simm.s32 $0xC90;
	v43 =	vld [tilespmem:$0x1FFF0];
	[sflag:s10] =	ssyncadd.s32 $0xFFFFF800  }
0x250: {  	s16 =	simm.s32 $0x290;
	v6 =	vld [tilespmem:s14+$0xFFFFFFF0]  }
0x251: {  	v52 =	vld [tilespmem:s16+$0xFFFFFFF0]  }
0x252: {  	v53 =	vld.idx.msk [tilespmem:v10+s22+$0x0], $0xffff  }
0x253: {  	s18 =	simm.s32 $0x1190;
	v0 =	vld.idx.msk [tilespmem:v0+s22+$0x0], $0xffff  }
0x254: {  	v7 =	vld [tilespmem:s18+$0xFFFFFFF0];
	_ =	sdelay $0x2  }
0x255: {  	v1 =	vsub.s32 v52, v43  }
0x256: {  	v8 =	vmin.u32 v1, $0x1388  }
0x257: {  	v55 =	vmul.f32 v53, v6;
	v3 =	vmul.f32 v0, v7;
	v4 =	vadd.s32 $0x1480, v8  }
0x258: {  	v5 =	vor.u32 $0x2, v10;
	v2 =	vmul.f32 v53, v7;
	v0 =	vmul.f32 v0, v6  }
0x259: {  	v1 =	vsub.f32 v55, v3;
	v3 =	vor.u32 $0x3, v10  }
0x25a: {  	v0 =	vadd.f32 v0, v2  }
0x25b: {  	[tilespmem:v8+s3+$0x0] =	vst.idx.add.f32.msk $0xffff, v1  }
0x25c: {  	s19 =	simm.s32 $0x10;
	[tilespmem:v4+s3+$0x0] =	vst.idx.add.f32.msk $0xffff, v0  }
0x25d: {  	v9 =	vmov s19;
	v1 =	vld.idx.msk [tilespmem:v5+s22+$0x0], $0xffff  }
0x25e: {  	v56 =	vshll.u32 v9, $0x4;
	v58 =	vld.idx.msk [tilespmem:v3+s22+$0x0], $0xffff  }
0x25f: {  	v9 =	vor.u32 v54, v56  }
0x260: {  	v57 =	vor.u32 $0x1, v9;
	_ =	sdelay $0x1  }
0x261: {  	v13 =	vld [tilespmem:s16+$0x0];
	v3 =	vadd.s32 $0x2900, v8  }
0x262: {  	v16 =	vld [tilespmem:s14+$0x0];
	v12 =	vadd.s32 $0x3D80, v8;
	v5 =	vmul.f32 v1, v6;
	v11 =	vmul.f32 v58, v7  }
0x263: {  	v14 =	vor.u32 $0x4, v10;
	v18 =	vld [tilespmem:s18+$0x0];
	v1 =	vmul.f32 v1, v7;
	v2 =	vmul.f32 v58, v6  }
0x264: {  	v15 =	vor.u32 $0x5, v10;
	v0 =	vld.idx.msk [tilespmem:v57+s22+$0x0], $0xffff;
	v5 =	vsub.f32 v5, v11  }
0x265: {  	v4 =	vld.idx.msk [tilespmem:v9+s22+$0x0], $0xffff;
	v1 =	vadd.f32 v2, v1  }
0x266: {  	[tilespmem:v3+s3+$0x0] =	vst.idx.add.f32.msk $0xffff, v5  }
0x267: {  	[tilespmem:v12+s3+$0x0] =	vst.idx.add.f32.msk $0xffff, v1  }
0x268: {  	v59 =	vsub.s32 v13, v43;
	v60 =	vld.idx.msk [tilespmem:v14+s22+$0x0], $0xffff  }
0x269: {  	v11 =	vmin.u32 v59, $0x1388;
	v61 =	vld.idx.msk [tilespmem:v15+s22+$0x0], $0xffff  }
0x26a: {  	v3 =	vmul.f32 v4, v16;
	v5 =	vmul.f32 v0, v18;
	v12 =	vadd.s32 $0x1480, v11  }
0x26b: {  	v13 =	vor.u32 $0x2, v9;
	v0 =	vmul.f32 v0, v16;
	v4 =	vmul.f32 v4, v18  }
0x26c: {  	v14 =	vor.u32 $0x3, v9;
	v3 =	vsub.f32 v3, v5  }
0x26d: {  	v0 =	vadd.f32 v0, v4;
	v4 =	vadd.s32 $0x5200, v8  }
0x26e: {  	v15 =	vadd.s32 $0x6680, v8;
	[tilespmem:v11+s3+$0x0] =	vst.idx.add.f32.msk $0xffff, v3;
	v3 =	vmul.f32 v60, v6;
	v5 =	vmul.f32 v61, v7  }
0x26f: {  	v63 =	vor.u32 $0x6, v10;
	[tilespmem:v12+s3+$0x0] =	vst.idx.add.f32.msk $0xffff, v0;
	v62 =	vmul.f32 v60, v7;
	v1 =	vmul.f32 v61, v6  }
0x270: {  	v12 =	vld.idx.msk [tilespmem:v13+s22+$0x0], $0xffff;
	v3 =	vsub.f32 v3, v5;
	v5 =	vor.u32 $0x7, v10  }
0x271: {  	v13 =	vld.idx.msk [tilespmem:v14+s22+$0x0], $0xffff;
	v0 =	vadd.f32 v1, v62  }
0x272: {  	[tilespmem:v4+s3+$0x0] =	vst.idx.add.f32.msk $0xffff, v3  }
0x273: {  	[tilespmem:v15+s3+$0x0] =	vst.idx.add.f32.msk $0xffff, v0  }
0x274: {  	v0 =	vld.idx.msk [tilespmem:v63+s22+$0x0], $0xffff  }
0x275: {  	v32 =	vadd.s32 $0x2900, v11;
	v33 =	vld.idx.msk [tilespmem:v5+s22+$0x0], $0xffff  }
0x276: {  	v3 =	vadd.s32 $0x3D80, v11;
	v4 =	vmul.f32 v12, v16;
	v5 =	vmul.f32 v13, v18  }
0x277: {  	v14 =	vor.u32 $0x4, v9;
	v12 =	vmul.f32 v12, v18;
	v13 =	vmul.f32 v13, v16  }
0x278: {  	v15 =	vor.u32 $0x5, v9;
	v4 =	vsub.f32 v4, v5  }
0x279: {  	v5 =	vadd.f32 v13, v12;
	v12 =	vadd.s32 $0x7B00, v8  }
0x27a: {  	v13 =	vadd.s32 $0x8F80, v8;
	[tilespmem:v32+s3+$0x0] =	vst.idx.add.f32.msk $0xffff, v4;
	v34 =	vmul.f32 v0, v6;
	v4 =	vmul.f32 v33, v7  }
0x27b: {  	v0 =	vmul.f32 v0, v7;
	[tilespmem:v3+s3+$0x0] =	vst.idx.add.f32.msk $0xffff, v5;
	v2 =	vmul.f32 v33, v6;
	v3 =	vor.u32 $0x8, v10  }
0x27c: {  	v5 =	vld.idx.msk [tilespmem:v14+s22+$0x0], $0xffff;
	v1 =	vsub.f32 v34, v4;
	v4 =	vor.u32 $0x9, v10  }
0x27d: {  	v14 =	vld.idx.msk [tilespmem:v15+s22+$0x0], $0xffff;
	v0 =	vadd.f32 v2, v0  }
0x27e: {  	[tilespmem:v12+s3+$0x0] =	vst.idx.add.f32.msk $0xffff, v1  }
0x27f: {  	[tilespmem:v13+s3+$0x0] =	vst.idx.add.f32.msk $0xffff, v0  }
0x280: {  	v0 =	vld.idx.msk [tilespmem:v3+s22+$0x0], $0xffff  }
0x281: {  	v35 =	vadd.s32 $0x5200, v11;
	v3 =	vmul.f32 v5, v16;
	v1 =	vld.idx.msk [tilespmem:v4+s22+$0x0], $0xffff  }
0x282: {  	v12 =	vmul.f32 v14, v18;
	v4 =	vmul.f32 v5, v18;
	v5 =	vadd.s32 $0x6680, v11  }
0x283: {  	v13 =	vmul.f32 v14, v16;
	v14 =	vor.u32 $0x6, v9  }
0x284: {  	v3 =	vsub.f32 v3, v12  }
0x285: {  	v12 =	vadd.s32 $0xA400, v8;
	v4 =	vadd.f32 v13, v4  }
0x286: {  	v17 =	vadd.s32 $0xB880, v8;
	[tilespmem:v35+s3+$0x0] =	vst.idx.add.f32.msk $0xffff, v3;
	v13 =	vmul.f32 v0, v6;
	v15 =	vmul.f32 v1, v7  }
0x287: {  	v36 =	vor.u32 $0xA, v10;
	v0 =	vmul.f32 v0, v7;
	v1 =	vmul.f32 v1, v6;
	[tilespmem:v5+s3+$0x0] =	vst.idx.add.f32.msk $0xffff, v4  }
0x288: {  	s16 =	simm.s32 $0x20;
	s18 =	simm.s32 $0xCB0;
	v4 =	vor.u32 $0xB, v10;
	v5 =	vld.idx.msk [tilespmem:v14+s22+$0x0], $0xffff;
	v3 =	vsub.f32 v13, v15  }
0x289: {  	v37 =	vmov s16;
	v14 =	vld [tilespmem:s18+$0xFFFFFFF0];
	v0 =	vadd.f32 v1, v0  }
0x28a: {  	v1 =	vshll.u32 v37, $0x4;
	[tilespmem:v12+s3+$0x0] =	vst.idx.add.f32.msk $0xffff, v3  }
0x28b: {  	v20 =	vor.u32 v54, v1;
	[tilespmem:v17+s3+$0x0] =	vst.idx.add.f32.msk $0xffff, v0  }
0x28c: {  	v40 =	vor.u32 $0x1, v20;
	v39 =	vld.idx.msk [tilespmem:v36+s22+$0x0], $0xffff  }
0x28d: {  	s19 =	simm.s32 $0x2B0;
	s17 =	simm.s32 $0x30;
	v3 =	vld.idx.msk [tilespmem:v4+s22+$0x0], $0xffff;
	v4 =	vor.u32 $0x7, v9  }
0x28e: {  	v38 =	vmov s17;
	s17 =	simm.s32 $0x11B0;
	v12 =	vld [tilespmem:s19+$0xFFFFFFF0]  }
0x28f: {  	v17 =	vld [tilespmem:s17+$0xFFFFFFF0]  }
0x290: {  	v13 =	vld.idx.msk [tilespmem:v20+s22+$0x0], $0xffff  }
0x291: {  	v21 =	vadd.s32 $0xCD00, v8;
	v2 =	vld.idx.msk [tilespmem:v40+s22+$0x0], $0xffff  }
0x292: {  	v23 =	vadd.s32 $0xE180, v8;
	v22 =	vld.idx.msk [tilespmem:v4+s22+$0x0], $0xffff;
	v4 =	vmul.f32 v39, v6;
	v19 =	vmul.f32 v3, v7  }
0x293: {  	v24 =	vor.u32 $0xC, v10;
	v29 =	vld [tilespmem:s19+$0x0];
	v1 =	vmul.f32 v39, v7;
	v3 =	vmul.f32 v3, v6  }
0x294: {  	v27 =	vor.u32 $0xD, v10;
	v60 =	vld [tilespmem:s18+$0x0];
	v12 =	vsub.s32 v12, v43;
	v26 =	vsub.f32 v4, v19  }
0x295: {  	v62 =	vld [tilespmem:s17+$0x0];
	v1 =	vadd.f32 v3, v1;
	v19 =	vmin.u32 v12, $0x1388  }
0x296: {  	v3 =	vmul.f32 v13, v14;
	v12 =	vmul.f32 v2, v17;
	[tilespmem:v21+s3+$0x0] =	vst.idx.add.f32.msk $0xffff, v26;
	v21 =	vadd.s32 $0x1480, v19  }
0x297: {  	v41 =	vmul.f32 v13, v17;
	v13 =	vor.u32 $0x2, v20;
	v2 =	vmul.f32 v2, v14;
	[tilespmem:v23+s3+$0x0] =	vst.idx.add.f32.msk $0xffff, v1  }
0x298: {  	v0 =	vshll.u32 v38, $0x4;
	v3 =	vsub.f32 v3, v12;
	v12 =	vor.u32 $0x3, v20;
	v23 =	vld.idx.msk [tilespmem:v24+s22+$0x0], $0xffff  }
0x299: {  	v15 =	vor.u32 v54, v0;
	v1 =	vadd.f32 v2, v41;
	v24 =	vld.idx.msk [tilespmem:v27+s22+$0x0], $0xffff  }
0x29a: {  	v42 =	vmul.f32 v5, v16;
	v5 =	vmul.f32 v5, v18;
	v0 =	vor.u32 $0x1, v15;
	[tilespmem:v19+s3+$0x0] =	vst.idx.add.f32.msk $0xffff, v3  }
0x29b: {  	v26 =	vmul.f32 v22, v18;
	v22 =	vmul.f32 v22, v16;
	v3 =	vadd.s32 $0x7B00, v11;
	[tilespmem:v21+s3+$0x0] =	vst.idx.add.f32.msk $0xffff, v1  }
0x29c: {  	v44 =	vadd.s32 $0x8F80, v11;
	v13 =	vld.idx.msk [tilespmem:v13+s22+$0x0], $0xffff  }
0x29d: {  	v28 =	vadd.s32 $0x10A80, v8;
	v21 =	vadd.f32 v22, v5;
	v22 =	vadd.s32 $0xF600, v8;
	v12 =	vld.idx.msk [tilespmem:v12+s22+$0x0], $0xffff  }
0x29e: {  	v25 =	vld.idx.msk [tilespmem:v15+s22+$0x0], $0xffff;
	v2 =	vsub.f32 v42, v26;
	v26 =	vmul.f32 v23, v6;
	v27 =	vmul.f32 v24, v7  }
0x29f: {  	v30 =	vor.u32 $0xE, v10;
	v0 =	vld.idx.msk [tilespmem:v0+s22+$0x0], $0xffff;
	v23 =	vmul.f32 v23, v7;
	v24 =	vmul.f32 v24, v6  }
0x2a0: {  	[tilespmem:v3+s3+$0x0] =	vst.idx.add.f32.msk $0xffff, v2;
	v3 =	vor.u32 $0xF, v10;
	v45 =	vsub.f32 v26, v27  }
0x2a1: {  	v10 =	vadd.s32 $0x2900, v19;
	[tilespmem:v44+s3+$0x0] =	vst.idx.add.f32.msk $0xffff, v21;
	v46 =	vadd.f32 v24, v23;
	v47 =	vmul.f32 v13, v14  }
0x2a2: {  	v23 =	vadd.s32 $0x3D80, v19;
	[tilespmem:v22+s3+$0x0] =	vst.idx.add.f32.msk $0xffff, v45;
	v21 =	vmul.f32 v12, v17;
	v48 =	vmul.f32 v13, v17  }
0x2a3: {  	v12 =	vmul.f32 v12, v14;
	v13 =	vor.u32 $0x4, v20;
	v22 =	vsub.s32 v29, v43;
	[tilespmem:v28+s3+$0x0] =	vst.idx.add.f32.msk $0xffff, v46  }
0x2a4: {  	v26 =	vmul.f32 v0, v62;
	v22 =	vmin.u32 v22, $0x1388;
	v24 =	vld.idx.msk [tilespmem:v30+s22+$0x0], $0xffff;
	v2 =	vsub.f32 v47, v21  }
0x2a5: {  	v21 =	vor.u32 $0x5, v20;
	v3 =	vld.idx.msk [tilespmem:v3+s22+$0x0], $0xffff;
	v1 =	vadd.f32 v12, v48;
	v12 =	vmul.f32 v25, v60  }
0x2a6: {  	v0 =	vmul.f32 v0, v60;
	v49 =	vadd.s32 $0x1480, v22;
	[tilespmem:v10+s3+$0x0] =	vst.idx.add.f32.msk $0xffff, v2  }
0x2a7: {  	v50 =	vor.u32 $0x3, v15;
	v25 =	vmul.f32 v25, v62;
	v12 =	vsub.f32 v12, v26;
	[tilespmem:v23+s3+$0x0] =	vst.idx.add.f32.msk $0xffff, v1  }
0x2a8: {  	v10 =	vor.u32 $0x2, v15;
	v13 =	vld.idx.msk [tilespmem:v13+s22+$0x0], $0xffff  }
0x2a9: {  	v0 =	vadd.f32 v0, v25;
	v25 =	vor.u32 $0x9, v9;
	[tilespmem:v22+s3+$0x0] =	vst.idx.add.f32.msk $0xffff, v12  }
0x2aa: {  	v23 =	vor.u32 $0x8, v9;
	v21 =	vld.idx.msk [tilespmem:v21+s22+$0x0], $0xffff  }
0x2ab: {  	v12 =	vmul.f32 v24, v6;
	v26 =	vmul.f32 v3, v7;
	[tilespmem:v49+s3+$0x0] =	vst.idx.add.f32.msk $0xffff, v0  }
0x2ac: {  	v27 =	vadd.s32 $0x11F00, v8;
	v51 =	vmul.f32 v24, v7;
	v52 =	vmul.f32 v3, v6;
	v1 =	vld.idx.msk [tilespmem:v50+s22+$0x0], $0xffff  }
0x2ad: {  	v3 =	vadd.s32 $0x13380, v8;
	v6 =	vld.idx.msk [tilespmem:v10+s22+$0x0], $0xffff  }
0x2ae: {  	v53 =	vadd.s32 $0x5200, v19;
	v7 =	vsub.f32 v12, v26;
	v0 =	vadd.f32 v52, v51;
	v24 =	vld.idx.msk [tilespmem:v25+s22+$0x0], $0xffff  }
0x2af: {  	s15 =	simm.s32 $0x2D0;
	v8 =	vld.idx.msk [tilespmem:v23+s22+$0x0], $0xffff;
	v23 =	vadd.s32 $0x6680, v19;
	v10 =	vmul.f32 v13, v14;
	v12 =	vmul.f32 v21, v17  }
0x2b0: {  	v25 =	vor.u32 $0x6, v20;
	v52 =	vld [tilespmem:s15+$0x0];
	v13 =	vmul.f32 v13, v17;
	v21 =	vmul.f32 v21, v14  }
0x2b1: {  	[tilespmem:v27+s3+$0x0] =	vst.idx.add.f32.msk $0xffff, v7;
	v7 =	vsub.f32 v10, v12;
	v10 =	vor.u32 $0x7, v20  }
0x2b2: {  	[tilespmem:v3+s3+$0x0] =	vst.idx.add.f32.msk $0xffff, v0;
	v12 =	vadd.s32 $0x2900, v22;
	v55 =	vadd.f32 v21, v13  }
0x2b3: {  	v3 =	vadd.s32 $0x3D80, v22;
	v56 =	vmul.f32 v1, v62;
	v13 =	vmul.f32 v6, v60;
	[tilespmem:v53+s3+$0x0] =	vst.idx.add.f32.msk $0xffff, v7  }
0x2b4: {  	v1 =	vmul.f32 v1, v60;
	v6 =	vmul.f32 v6, v62;
	v7 =	vor.u32 $0x4, v15;
	[tilespmem:v23+s3+$0x0] =	vst.idx.add.f32.msk $0xffff, v55  }
0x2b5: {  	v57 =	vor.u32 $0x5, v15;
	v2 =	vsub.f32 v13, v56;
	v21 =	vld.idx.msk [tilespmem:v25+s22+$0x0], $0xffff  }
0x2b6: {  	v13 =	vadd.s32 $0xA400, v11;
	v1 =	vadd.f32 v1, v6;
	v6 =	vld.idx.msk [tilespmem:v10+s22+$0x0], $0xffff  }
0x2b7: {  	v23 =	vmul.f32 v8, v16;
	v25 =	vmul.f32 v24, v18;
	v10 =	vadd.s32 $0xB880, v11;
	[tilespmem:v12+s3+$0x0] =	vst.idx.add.f32.msk $0xffff, v2  }
0x2b8: {  	v58 =	vor.u32 $0xA, v9;
	v8 =	vmul.f32 v8, v18;
	v12 =	vmul.f32 v24, v16;
	[tilespmem:v3+s3+$0x0] =	vst.idx.add.f32.msk $0xffff, v1  }
0x2b9: {  	v59 =	vor.u32 $0xB, v9;
	v3 =	vsub.f32 v23, v25;
	v7 =	vld.idx.msk [tilespmem:v7+s22+$0x0], $0xffff  }
0x2ba: {  	v8 =	vadd.f32 v12, v8;
	v0 =	vld.idx.msk [tilespmem:v57+s22+$0x0], $0xffff;
	v12 =	vadd.s32 $0x7B00, v19  }
0x2bb: {  	v23 =	vadd.s32 $0x8F80, v19;
	[tilespmem:v13+s3+$0x0] =	vst.idx.add.f32.msk $0xffff, v3;
	v3 =	vmul.f32 v21, v14;
	v13 =	vmul.f32 v6, v17  }
0x2bc: {  	[tilespmem:v10+s3+$0x0] =	vst.idx.add.f32.msk $0xffff, v8;
	v8 =	vmul.f32 v21, v17;
	v6 =	vmul.f32 v6, v14;
	v10 =	vor.u32 $0x8, v20  }
0x2bd: {  	v2 =	vld.idx.msk [tilespmem:v58+s22+$0x0], $0xffff;
	v3 =	vsub.f32 v3, v13;
	v13 =	vor.u32 $0x9, v20  }
0x2be: {  	v21 =	vadd.s32 $0x5200, v22;
	v1 =	vld.idx.msk [tilespmem:v59+s22+$0x0], $0xffff;
	v6 =	vadd.f32 v6, v8  }
0x2bf: {  	v8 =	vadd.s32 $0x6680, v22;
	v24 =	vmul.f32 v7, v60;
	[tilespmem:v12+s3+$0x0] =	vst.idx.add.f32.msk $0xffff, v3;
	v3 =	vmul.f32 v0, v62  }
0x2c0: {  	v7 =	vmul.f32 v7, v62;
	v12 =	vor.u32 $0x6, v15;
	v0 =	vmul.f32 v0, v60;
	[tilespmem:v23+s3+$0x0] =	vst.idx.add.f32.msk $0xffff, v6  }
0x2c1: {  	v6 =	vor.u32 $0x7, v15;
	v10 =	vld.idx.msk [tilespmem:v10+s22+$0x0], $0xffff;
	v3 =	vsub.f32 v24, v3  }
0x2c2: {  	v23 =	vadd.s32 $0xCD00, v11;
	v0 =	vadd.f32 v0, v7;
	v7 =	vld.idx.msk [tilespmem:v13+s22+$0x0], $0xffff  }
0x2c3: {  	v24 =	vmul.f32 v2, v16;
	v25 =	vmul.f32 v1, v18;
	v13 =	vadd.s32 $0xE180, v11;
	[tilespmem:v21+s3+$0x0] =	vst.idx.add.f32.msk $0xffff, v3  }
0x2c4: {  	v2 =	vmul.f32 v2, v18;
	v1 =	vmul.f32 v1, v16;
	v3 =	vor.u32 $0xC, v9;
	[tilespmem:v8+s3+$0x0] =	vst.idx.add.f32.msk $0xffff, v0  }
0x2c5: {  	v61 =	vor.u32 $0xD, v9;
	v8 =	vsub.f32 v24, v25;
	v12 =	vld.idx.msk [tilespmem:v12+s22+$0x0], $0xffff  }
0x2c6: {  	v1 =	vadd.f32 v1, v2;
	v63 =	vld.idx.msk [tilespmem:v6+s22+$0x0], $0xffff;
	v6 =	vadd.s32 $0xA400, v19  }
0x2c7: {  	[tilespmem:v23+s3+$0x0] =	vst.idx.add.f32.msk $0xffff, v8;
	v8 =	vmul.f32 v10, v14;
	v23 =	vadd.s32 $0xB880, v19;
	v21 =	vmul.f32 v7, v17  }
0x2c8: {  	v38 =	vmul.f32 v10, v17;
	[tilespmem:v13+s3+$0x0] =	vst.idx.add.f32.msk $0xffff, v1;
	v7 =	vmul.f32 v7, v14;
	v13 =	vor.u32 $0xA, v20  }
0x2c9: {  	s18 =	simm.s32 $0x40;
	v24 =	vld.idx.msk [tilespmem:v3+s22+$0x0], $0xffff;
	v3 =	vsub.f32 v8, v21;
	v8 =	vor.u32 $0xB, v20  }
0x2ca: {  	v40 =	vmov s18;
	v25 =	vld.idx.msk [tilespmem:v61+s22+$0x0], $0xffff;
	v39 =	vadd.f32 v7, v38  }
0x2cb: {  	v1 =	vshll.u32 v40, $0x4;
	[tilespmem:v6+s3+$0x0] =	vst.idx.add.f32.msk $0xffff, v3  }
0x2cc: {  	s19 =	simm.s32 $0x50;
	v10 =	vor.u32 v54, v1;
	[tilespmem:v23+s3+$0x0] =	vst.idx.add.f32.msk $0xffff, v39  }
0x2cd: {  	v3 =	vmov s19;
	v42 =	vld.idx.msk [tilespmem:v13+s22+$0x0], $0xffff  }
0x2ce: {  	s14 =	simm.s32 $0xCD0;
	v41 =	vshll.u32 v3, $0x4;
	v3 =	vor.u32 $0x1, v10;
	v44 =	vld.idx.msk [tilespmem:v8+s22+$0x0], $0xffff  }
0x2cf: {  	v7 =	vld [tilespmem:s14+$0xFFFFFFF0];
	v23 =	vor.u32 v54, v41  }
0x2d0: {  	v13 =	vld [tilespmem:s15+$0xFFFFFFF0];
	v6 =	vor.u32 $0x1, v23  }
0x2d1: {  	s16 =	simm.s32 $0x11D0;
	v32 =	vadd.s32 $0xF600, v11;
	v21 =	vld.idx.msk [tilespmem:v10+s22+$0x0], $0xffff  }
0x2d2: {  	v31 =	vor.u32 $0xD, v20;
	v29 =	vadd.s32 $0xE180, v19;
	v27 =	vadd.s32 $0xCD00, v19;
	v8 =	vld [tilespmem:s16+$0xFFFFFFF0]  }
0x2d3: {  	v30 =	vor.u32 $0xC, v20;
	v3 =	vld.idx.msk [tilespmem:v3+s22+$0x0], $0xffff;
	v26 =	vmul.f32 v42, v14;
	v28 =	vmul.f32 v44, v17  }
0x2d4: {  	v48 =	vadd.s32 $0x8F80, v22;
	v1 =	vmul.f32 v42, v17;
	v34 =	vld.idx.msk [tilespmem:v23+s22+$0x0], $0xffff;
	v0 =	vmul.f32 v44, v14  }
0x2d5: {  	v4 =	vadd.s32 $0x10A80, v22;
	v50 =	vor.u32 $0x8, v15;
	v33 =	vld.idx.msk [tilespmem:v6+s22+$0x0], $0xffff;
	v28 =	vsub.f32 v26, v28  }
0x2d6: {  	v51 =	vadd.s32 $0xF600, v19;
	v13 =	vsub.s32 v13, v43;
	v6 =	vld [tilespmem:s14+$0x0];
	v0 =	vadd.f32 v0, v1  }
0x2d7: {  	v36 =	vmul.f32 v12, v60;
	v37 =	vmul.f32 v63, v62;
	v13 =	vmin.u32 v13, $0x1388;
	[tilespmem:v27+s3+$0x0] =	vst.idx.add.f32.msk $0xffff, v28  }
0x2d8: {  	v45 =	vmul.f32 v21, v7;
	v27 =	vmul.f32 v3, v8;
	v28 =	vadd.s32 $0x1480, v13;
	[tilespmem:v29+s3+$0x0] =	vst.idx.add.f32.msk $0xffff, v0  }
0x2d9: {  	v46 =	vmul.f32 v21, v8;
	v21 =	vor.u32 $0x2, v10;
	v3 =	vmul.f32 v3, v7;
	v29 =	vld.idx.msk [tilespmem:v30+s22+$0x0], $0xffff  }
0x2da: {  	v26 =	vor.u32 $0xE, v9;
	v1 =	vsub.f32 v45, v27;
	v27 =	vor.u32 $0x3, v10;
	v47 =	vld.idx.msk [tilespmem:v31+s22+$0x0], $0xffff  }
0x2db: {  	v30 =	vor.u32 $0xF, v9;
	v0 =	vadd.f32 v3, v46;
	v9 =	vld [tilespmem:s16+$0x0];
	v3 =	vadd.s32 $0x7B00, v22  }
0x2dc: {  	v56 =	vadd.s32 $0x11F00, v11;
	v49 =	vmul.f32 v12, v62;
	v2 =	vmul.f32 v63, v60;
	[tilespmem:v13+s3+$0x0] =	vst.idx.add.f32.msk $0xffff, v1  }
0x2dd: {  	v55 =	vadd.s32 $0x13380, v11;
	v58 =	vadd.s32 $0x10A80, v19;
	v59 =	vor.u32 $0xE, v20;
	[tilespmem:v28+s3+$0x0] =	vst.idx.add.f32.msk $0xffff, v0  }
0x2de: {  	v20 =	vor.u32 $0xF, v20;
	v2 =	vadd.f32 v2, v49;
	v28 =	vsub.f32 v36, v37;
	v21 =	vld.idx.msk [tilespmem:v21+s22+$0x0], $0xffff  }
0x2df: {  	v5 =	vor.u32 $0xF, v23;
	v27 =	vld.idx.msk [tilespmem:v27+s22+$0x0], $0xffff;
	v53 =	vmul.f32 v29, v14;
	v57 =	vmul.f32 v47, v17  }
0x2e0: {  	v29 =	vmul.f32 v29, v17;
	v35 =	vmul.f32 v47, v14;
	[tilespmem:v3+s3+$0x0] =	vst.idx.add.f32.msk $0xffff, v28;
	v3 =	vor.u32 $0x9, v15  }
0x2e1: {  	v42 =	vor.u32 $0x6, v23;
	v44 =	vor.u32 $0x7, v23;
	[tilespmem:v48+s3+$0x0] =	vst.idx.add.f32.msk $0xffff, v2;
	v28 =	vsub.f32 v53, v57  }
0x2e2: {  	v63 =	vadd.s32 $0x2900, v13;
	v61 =	vmul.f32 v34, v6;
	v29 =	vadd.f32 v35, v29;
	v0 =	vld.idx.msk [tilespmem:v50+s22+$0x0], $0xffff  }
0x2e3: {  	v49 =	vmul.f32 v33, v6;
	v31 =	vadd.s32 $0x10A80, v11;
	v46 =	vadd.s32 $0x3D80, v13;
	[tilespmem:v51+s3+$0x0] =	vst.idx.add.f32.msk $0xffff, v28  }
0x2e4: {  	v11 =	vor.u32 $0xD, v15;
	v28 =	vmul.f32 v21, v7;
	v45 =	vmul.f32 v27, v8;
	[tilespmem:v58+s3+$0x0] =	vst.idx.add.f32.msk $0xffff, v29  }
0x2e5: {  	v21 =	vmul.f32 v21, v8;
	v27 =	vmul.f32 v27, v7;
	v29 =	vor.u32 $0x4, v10;
	v3 =	vld.idx.msk [tilespmem:v3+s22+$0x0], $0xffff  }
0x2e6: {  	v47 =	vor.u32 $0x5, v10;
	v48 =	vsub.s32 v52, v43;
	v40 =	vld.idx.msk [tilespmem:v59+s22+$0x0], $0xffff;
	v28 =	vsub.f32 v28, v45  }
0x2e7: {  	v1 =	vor.u32 $0xA, v15;
	v38 =	vmin.u32 v48, $0x1388;
	v20 =	vld.idx.msk [tilespmem:v20+s22+$0x0], $0xffff;
	v21 =	vadd.f32 v27, v21  }
0x2e8: {  	v36 =	vor.u32 $0xC, v15;
	v27 =	vmul.f32 v33, v9;
	[tilespmem:v63+s3+$0x0] =	vst.idx.add.f32.msk $0xffff, v28;
	v28 =	vadd.s32 $0x1480, v38  }
0x2e9: {  	v37 =	vadd.s32 $0xB880, v22;
	v52 =	vor.u32 $0x2, v23;
	v50 =	vmul.f32 v34, v9;
	[tilespmem:v46+s3+$0x0] =	vst.idx.add.f32.msk $0xffff, v21  }
0x2ea: {  	v2 =	vor.u32 $0xB, v15;
	v27 =	vsub.f32 v61, v27;
	v21 =	vor.u32 $0x3, v23;
	v29 =	vld.idx.msk [tilespmem:v29+s22+$0x0], $0xffff  }
0x2eb: {  	v48 =	vadd.s32 $0x6680, v13;
	v33 =	vadd.f32 v49, v50;
	v61 =	vadd.s32 $0x11F00, v19;
	v41 =	vld.idx.msk [tilespmem:v47+s22+$0x0], $0xffff  }
0x2ec: {  	v19 =	vadd.s32 $0x13380, v19;
	[tilespmem:v38+s3+$0x0] =	vst.idx.add.f32.msk $0xffff, v27;
	v27 =	vmul.f32 v40, v14;
	v63 =	vmul.f32 v20, v17  }
0x2ed: {  	v51 =	vadd.s32 $0xA400, v22;
	v17 =	vmul.f32 v40, v17;
	v20 =	vmul.f32 v20, v14;
	[tilespmem:v28+s3+$0x0] =	vst.idx.add.f32.msk $0xffff, v33  }
0x2ee: {  	v53 =	vmul.f32 v0, v60;
	v40 =	vmul.f32 v3, v62;
	v27 =	vsub.f32 v27, v63;
	v28 =	vld.idx.msk [tilespmem:v52+s22+$0x0], $0xffff  }
0x2ef: {  	v0 =	vmul.f32 v0, v62;
	v3 =	vmul.f32 v3, v60;
	v17 =	vadd.f32 v20, v17;
	v21 =	vld.idx.msk [tilespmem:v21+s22+$0x0], $0xffff  }
0x2f0: {  	v34 =	vadd.s32 $0x7B00, v13;
	v35 =	vadd.s32 $0x8F80, v38;
	[tilespmem:v61+s3+$0x0] =	vst.idx.add.f32.msk $0xffff, v27;
	v27 =	vsub.f32 v53, v40  }
0x2f1: {  	v58 =	vor.u32 $0xE, v15;
	v20 =	vadd.s32 $0x5200, v13;
	v0 =	vadd.f32 v3, v0;
	[tilespmem:v19+s3+$0x0] =	vst.idx.add.f32.msk $0xffff, v17  }
0x2f2: {  	v59 =	vor.u32 $0xF, v15;
	v3 =	vmul.f32 v29, v7;
	v43 =	vmul.f32 v41, v8;
	[tilespmem:v51+s3+$0x0] =	vst.idx.add.f32.msk $0xffff, v27  }
0x2f3: {  	v17 =	vmul.f32 v29, v8;
	v19 =	vmul.f32 v41, v7;
	v29 =	vor.u32 $0x6, v10;
	[tilespmem:v37+s3+$0x0] =	vst.idx.add.f32.msk $0xffff, v0  }
0x2f4: {  	v45 =	vadd.s32 $0xCD00, v22;
	v27 =	vor.u32 $0x7, v10;
	v3 =	vsub.f32 v3, v43;
	v1 =	vld.idx.msk [tilespmem:v1+s22+$0x0], $0xffff  }
0x2f5: {  	v49 =	vadd.s32 $0x2900, v38;
	v50 =	vadd.s32 $0x3D80, v38;
	v17 =	vadd.f32 v19, v17;
	v2 =	vld.idx.msk [tilespmem:v2+s22+$0x0], $0xffff  }
0x2f6: {  	v46 =	vadd.s32 $0x8F80, v13;
	v19 =	vmul.f32 v28, v6;
	[tilespmem:v20+s3+$0x0] =	vst.idx.add.f32.msk $0xffff, v3;
	v3 =	vmul.f32 v21, v9  }
0x2f7: {  	v51 =	vor.u32 $0x4, v23;
	v28 =	vmul.f32 v28, v9;
	v52 =	vmul.f32 v21, v6;
	[tilespmem:v48+s3+$0x0] =	vst.idx.add.f32.msk $0xffff, v17  }
0x2f8: {  	v61 =	vadd.s32 $0xF600, v22;
	v53 =	vor.u32 $0x5, v23;
	v57 =	vld.idx.msk [tilespmem:v29+s22+$0x0], $0xffff;
	v3 =	vsub.f32 v19, v3  }
0x2f9: {  	v0 =	vadd.s32 $0xE180, v22;
	v21 =	vadd.s32 $0x11F00, v22;
	v29 =	vadd.f32 v52, v28;
	v63 =	vld.idx.msk [tilespmem:v27+s22+$0x0], $0xffff  }
0x2fa: {  	v20 =	vadd.s32 $0x13380, v22;
	v22 =	vmul.f32 v25, v18;
	[tilespmem:v49+s3+$0x0] =	vst.idx.add.f32.msk $0xffff, v3;
	v3 =	vmul.f32 v24, v16  }
0x2fb: {  	v47 =	vmul.f32 v24, v18;
	v40 =	vor.u32 $0x8, v10;
	v48 =	vmul.f32 v25, v16;
	[tilespmem:v50+s3+$0x0] =	vst.idx.add.f32.msk $0xffff, v29  }
0x2fc: {  	v41 =	vadd.s32 $0x11F00, v38;
	v25 =	vor.u32 $0xB, v23;
	v39 =	vld.idx.msk [tilespmem:v51+s22+$0x0], $0xffff;
	v3 =	vsub.f32 v3, v22  }
0x2fd: {  	v28 =	vor.u32 $0x8, v23;
	v27 =	vor.u32 $0xA, v23;
	v33 =	vadd.f32 v48, v47;
	v22 =	vld.idx.msk [tilespmem:v53+s22+$0x0], $0xffff  }
0x2fe: {  	v52 =	vadd.s32 $0x6680, v38;
	v49 =	vmul.f32 v57, v7;
	v50 =	vmul.f32 v63, v8;
	[tilespmem:v32+s3+$0x0] =	vst.idx.add.f32.msk $0xffff, v3  }
0x2ff: {  	v48 =	vadd.s32 $0xB880, v13;
	v51 =	vmul.f32 v63, v7;
	v3 =	vmul.f32 v57, v8;
	[tilespmem:v31+s3+$0x0] =	vst.idx.add.f32.msk $0xffff, v33  }
0x300: {  	v24 =	vor.u32 $0xC, v23;
	v63 =	vor.u32 $0x9, v10;
	v53 =	vsub.f32 v49, v50;
	v43 =	vld.idx.msk [tilespmem:v26+s22+$0x0], $0xffff  }
0x301: {  	v29 =	vor.u32 $0x9, v23;
	v31 =	vadd.s32 $0x5200, v38;
	v3 =	vadd.f32 v51, v3;
	v47 =	vld.idx.msk [tilespmem:v30+s22+$0x0], $0xffff  }
0x302: {  	v32 =	vadd.s32 $0xB880, v38;
	v57 =	vmul.f32 v39, v6;
	v30 =	vmul.f32 v22, v9;
	[tilespmem:v34+s3+$0x0] =	vst.idx.add.f32.msk $0xffff, v53  }
0x303: {  	v33 =	vadd.s32 $0xA400, v38;
	v37 =	vmul.f32 v39, v9;
	v39 =	vmul.f32 v22, v6;
	[tilespmem:v46+s3+$0x0] =	vst.idx.add.f32.msk $0xffff, v3  }
0x304: {  	v26 =	vor.u32 $0xD, v23;
	v22 =	vor.u32 $0xE, v23;
	v3 =	vsub.f32 v57, v30;
	v49 =	vld.idx.msk [tilespmem:v40+s22+$0x0], $0xffff  }
0x305: {  	v46 =	vmul.f32 v1, v60;
	v1 =	vmul.f32 v1, v62;
	v30 =	vadd.f32 v39, v37;
	v51 =	vld.idx.msk [tilespmem:v63+s22+$0x0], $0xffff  }
0x306: {  	v34 =	vadd.s32 $0x7B00, v38;
	[tilespmem:v31+s3+$0x0] =	vst.idx.add.f32.msk $0xffff, v3;
	v3 =	vmul.f32 v2, v62;
	v2 =	vmul.f32 v2, v60  }
0x307: {  	v40 =	vadd.s32 $0x13380, v38;
	v53 =	vmul.f32 v43, v18;
	v57 =	vmul.f32 v47, v18;
	[tilespmem:v52+s3+$0x0] =	vst.idx.add.f32.msk $0xffff, v30  }
0x308: {  	v31 =	vadd.s32 $0xE180, v38;
	v52 =	vmul.f32 v43, v16;
	v3 =	vsub.f32 v46, v3;
	v43 =	vld.idx.msk [tilespmem:v42+s22+$0x0], $0xffff  }
0x309: {  	v47 =	vmul.f32 v47, v16;
	v18 =	vadd.s32 $0xF600, v38;
	v1 =	vadd.f32 v2, v1;
	v46 =	vld.idx.msk [tilespmem:v44+s22+$0x0], $0xffff  }
0x30a: {  	v30 =	vadd.s32 $0xCD00, v38;
	v16 =	vadd.s32 $0x10A80, v38;
	v44 =	vadd.s32 $0xA400, v13;
	[tilespmem:v45+s3+$0x0] =	vst.idx.add.f32.msk $0xffff, v3  }
0x30b: {  	v38 =	vor.u32 $0xB, v10;
	v63 =	vmul.f32 v49, v7;
	v3 =	vmul.f32 v51, v8;
	[tilespmem:v0+s3+$0x0] =	vst.idx.add.f32.msk $0xffff, v1  }
0x30c: {  	v39 =	vsub.f32 v52, v57;
	v50 =	vmul.f32 v49, v8;
	v52 =	vmul.f32 v51, v7;
	v45 =	vld.idx.msk [tilespmem:v36+s22+$0x0], $0xffff  }
0x30d: {  	s17 =	simm.s32 $0x4;
	s18 =	simm.s32 $0x70;
	v42 =	vadd.f32 v47, v53;
	v49 =	vor.u32 $0xA, v10;
	v53 =	vsub.f32 v63, v3;
	v47 =	vld.idx.msk [tilespmem:v11+s22+$0x0], $0xffff  }
.LBB2_11:
0x30e: {  	v1 =	vadd.f32 v52, v50  }
0x30f: {  	[tilespmem:v44+s3+$0x0] =	vst.idx.add.f32.msk $0xffff, v53  }
0x310: {  	[tilespmem:v48+s3+$0x0] =	vst.idx.add.f32.msk $0xffff, v1  }
0x311: {  	s19 =	sadd.s32 $0xFFFFFFF0, s18;
	[tilespmem:v56+s3+$0x0] =	vst.idx.add.f32.msk $0xffff, v39;
	v3 =	vmov v21  }
0x312: {  	v2 =	vmul.f32 v43, v6;
	v36 =	vmul.f32 v46, v9;
	v19 =	vld [tilespmem:$0x1FFF0];
	[tilespmem:$0x1FEF0] =	vst v3;
	v3 =	vmov s19  }
0x313: {  	v0 =	vmov s18;
	v11 =	vmov v41;
	v49 =	vld.idx.msk [tilespmem:v49+s22+$0x0], $0xffff;
	v3 =	vshll.u32 v3, $0x4  }
0x314: {  	s14 =	sadd.s32 $0x20, s14;
	v23 =	vmovc v62;
	v0 =	vshll.u32 v0, $0x4;
	v2 =	vsub.f32 v2, v36;
	v53 =	vld.idx.msk [tilespmem:v38+s22+$0x0], $0xffff;
	v3 =	vor.u32 v54, v3  }
0x315: {  	s15 =	sadd.s32 $0x20, s15;
	[tilespmem:$0x1FF10] =	vst v11;
	v36 =	vmul.f32 v46, v6;
	v0 =	vor.u32 v54, v0;
	v39 =	vmovc v40;
	v40 =	vld [tilespmem:s14+$0xFFFFFFF0];
	v63 =	vor.u32 $0x1, v3  }
0x316: {  	v1 =	vmul.f32 v43, v9;
	v11 =	vmovc v20;
	v56 =	vld [tilespmem:s15+$0xFFFFFFF0];
	v21 =	vmovc v60;
	v60 =	vmul.f32 v45, v60;
	v50 =	vor.u32 $0x1, v0  }
0x317: {  	s16 =	sadd.s32 $0x20, s16;
	v38 =	vmovc v5;
	v5 =	vmov v22;
	v22 =	vmov v61;
	v61 =	vmul.f32 v47, v62;
	[tilespmem:v55+s3+$0x0] =	vst.idx.add.f32.msk $0xffff, v42  }
0x318: {  	v20 =	vmovc v58;
	[tilespmem:$0x1FF00] =	vst v11;
	v45 =	vmul.f32 v45, v23;
	v14 =	vor.u32 $0x6, v0;
	v11 =	vor.u32 $0xC, v0;
	v54 =	vld [tilespmem:s16+$0xFFFFFFF0]  }
0x319: {  	v1 =	vadd.f32 v36, v1;
	[tilespmem:$0x1FF40] =	vst v11;
	v11 =	vor.u32 $0xD, v0;
	v36 =	vmovc v59;
	v59 =	vadd.s32 $0xCD00, v13;
	v58 =	vld.idx.msk [tilespmem:v3+s22+$0x0], $0xffff  }
0x31a: {  	[tilespmem:$0x1FF20] =	vst v14;
	v42 =	vmul.f32 v49, v7;
	v37 =	vmul.f32 v53, v8;
	v52 =	vld.idx.msk [tilespmem:v63+s22+$0x0], $0xffff;
	v63 =	vadd.s32 $0xE180, v13  }
0x31b: {  	v12 =	vor.u32 $0x7, v0;
	[tilespmem:$0x1FF50] =	vst v11;
	v49 =	vmul.f32 v49, v8;
	v11 =	vld.idx.msk [tilespmem:v50+s22+$0x0], $0xffff;
	v50 =	vmul.f32 v53, v7  }
0x31c: {  	[tilespmem:$0x1FF30] =	vst v12;
	v12 =	vor.u32 $0xC, v10;
	v14 =	vld.idx.msk [tilespmem:v0+s22+$0x0], $0xffff;
	v53 =	vsub.s32 v56, v19;
	v62 =	vsub.f32 v42, v37  }
0x31d: {  	v37 =	vor.u32 $0xD, v10;
	v42 =	vld [tilespmem:s14+$0x0];
	v53 =	vmin.u32 v53, $0x1388;
	v49 =	vadd.f32 v50, v49  }
0x31e: {  	v56 =	vmul.f32 v47, v21;
	v50 =	vsub.f32 v60, v61;
	v61 =	vadd.s32 $0x1480, v53;
	[tilespmem:v59+s3+$0x0] =	vst.idx.add.f32.msk $0xffff, v62  }
0x31f: {  	v62 =	vor.u32 $0x2, v3;
	v59 =	vmul.f32 v58, v40;
	v60 =	vmul.f32 v52, v54;
	[tilespmem:v63+s3+$0x0] =	vst.idx.add.f32.msk $0xffff, v49  }
0x320: {  	v49 =	vmul.f32 v58, v54;
	v58 =	vmul.f32 v52, v40;
	v52 =	vadd.f32 v56, v45;
	v45 =	vld [tilespmem:s16+$0x0]  }
0x321: {  	v12 =	vld.idx.msk [tilespmem:v12+s22+$0x0], $0xffff;
	v59 =	vsub.f32 v59, v60;
	v60 =	vor.u32 $0x3, v3  }
0x322: {  	v51 =	vor.u32 $0x2, v0;
	v37 =	vld.idx.msk [tilespmem:v37+s22+$0x0], $0xffff;
	v56 =	vadd.f32 v58, v49  }
0x323: {  	v41 =	vor.u32 $0x3, v0;
	v43 =	vor.u32 $0x4, v0;
	v44 =	vor.u32 $0x5, v0;
	[tilespmem:v53+s3+$0x0] =	vst.idx.add.f32.msk $0xffff, v59  }
0x324: {  	v55 =	vor.u32 $0x8, v0;
	v57 =	vor.u32 $0x9, v0;
	v48 =	vor.u32 $0xA, v0;
	[tilespmem:v61+s3+$0x0] =	vst.idx.add.f32.msk $0xffff, v56  }
0x325: {  	v46 =	vor.u32 $0xB, v0;
	v47 =	vor.u32 $0xE, v0;
	v49 =	vor.u32 $0xF, v0;
	v0 =	vld.idx.msk [tilespmem:v62+s22+$0x0], $0xffff  }
0x326: {  	v63 =	vmul.f32 v11, v42;
	v58 =	vmul.f32 v14, v42;
	v59 =	vadd.s32 $0xF600, v13;
	v56 =	vld.idx.msk [tilespmem:v60+s22+$0x0], $0xffff  }
0x327: {  	v15 =	vadd.s32 $0x10A80, v13;
	v61 =	vmul.f32 v12, v7;
	v62 =	vmul.f32 v37, v8;
	v60 =	vld [tilespmem:s15+$0x0]  }
0x328: {  	v17 =	vor.u32 $0xE, v10;
	v12 =	vmul.f32 v12, v8;
	v37 =	vmul.f32 v37, v7;
	[tilespmem:v34+s3+$0x0] =	vst.idx.add.f32.msk $0xffff, v2  }
0x329: {  	v2 =	vmul.f32 v11, v45;
	v34 =	vor.u32 $0xF, v10;
	v11 =	vsub.f32 v61, v62;
	[tilespmem:v35+s3+$0x0] =	vst.idx.add.f32.msk $0xffff, v1  }
0x32a: {  	v61 =	vmul.f32 v14, v45;
	v12 =	vadd.f32 v37, v12;
	v14 =	vld.idx.msk [tilespmem:v28+s22+$0x0], $0xffff  }
0x32b: {  	v10 =	vmov v3;
	v3 =	vadd.s32 $0x2900, v53;
	v2 =	vsub.f32 v58, v2;
	[tilespmem:v59+s3+$0x0] =	vst.idx.add.f32.msk $0xffff, v11  }
0x32c: {  	v37 =	vadd.s32 $0x3D80, v53;
	v11 =	vmul.f32 v0, v40;
	[tilespmem:v15+s3+$0x0] =	vst.idx.add.f32.msk $0xffff, v12;
	v62 =	vmul.f32 v56, v54  }
0x32d: {  	v0 =	vmul.f32 v0, v54;
	v15 =	vor.u32 $0x4, v10;
	v12 =	vmul.f32 v56, v40;
	v17 =	vld.idx.msk [tilespmem:v17+s22+$0x0], $0xffff  }
0x32e: {  	v28 =	vmovc v55;
	v58 =	vor.u32 $0x5, v10;
	v55 =	vsub.s32 v60, v19;
	v59 =	vld.idx.msk [tilespmem:v34+s22+$0x0], $0xffff;
	v11 =	vsub.f32 v11, v62  }
0x32f: {  	v60 =	vld.idx.msk [tilespmem:v29+s22+$0x0], $0xffff;
	v0 =	vadd.f32 v12, v0;
	v12 =	vmin.u32 v55, $0x1388  }
0x330: {  	[tilespmem:v3+s3+$0x0] =	vst.idx.add.f32.msk $0xffff, v11;
	v3 =	vadd.s32 $0x1480, v12  }
0x331: {  	[tilespmem:v37+s3+$0x0] =	vst.idx.add.f32.msk $0xffff, v0  }
0x332: {  	v0 =	vld.idx.msk [tilespmem:v15+s22+$0x0], $0xffff  }
0x333: {  	v1 =	vadd.f32 v63, v61;
	v37 =	vld.idx.msk [tilespmem:v58+s22+$0x0], $0xffff  }
0x334: {  	v63 =	vadd.s32 $0x11F00, v13;
	v19 =	vmul.f32 v59, v8;
	v15 =	vmul.f32 v14, v6;
	[tilespmem:v12+s3+$0x0] =	vst.idx.add.f32.msk $0xffff, v2  }
0x335: {  	v13 =	vadd.s32 $0x13380, v13;
	v14 =	vmul.f32 v14, v9;
	v2 =	vmul.f32 v17, v7;
	[tilespmem:v3+s3+$0x0] =	vst.idx.add.f32.msk $0xffff, v1  }
0x336: {  	v1 =	vmul.f32 v17, v8;
	v3 =	vmul.f32 v59, v7;
	v8 =	vmov v54;
	v54 =	vld [tilespmem:$0x1FFE0]  }
0x337: {  	v2 =	vsub.f32 v2, v19;
	v19 =	vmul.f32 v60, v9;
	v59 =	vmul.f32 v60, v6;
	v17 =	vld.idx.msk [tilespmem:v51+s22+$0x0], $0xffff  }
0x338: {  	v7 =	vmov v40;
	v41 =	vld.idx.msk [tilespmem:v41+s22+$0x0], $0xffff;
	v1 =	vadd.f32 v3, v1  }
0x339: {  	v3 =	vadd.s32 $0x5200, v53;
	[tilespmem:v63+s3+$0x0] =	vst.idx.add.f32.msk $0xffff, v2;
	v2 =	vsub.f32 v15, v19;
	v14 =	vadd.f32 v59, v14  }
0x33a: {  	v40 =	vadd.s32 $0x6680, v53;
	v15 =	vmul.f32 v0, v7;
	v19 =	vmul.f32 v37, v8;
	[tilespmem:v13+s3+$0x0] =	vst.idx.add.f32.msk $0xffff, v1  }
0x33b: {  	v0 =	vmul.f32 v0, v8;
	v59 =	vmul.f32 v37, v7;
	v63 =	vor.u32 $0x6, v10;
	[tilespmem:v33+s3+$0x0] =	vst.idx.add.f32.msk $0xffff, v2  }
0x33c: {  	v11 =	vadd.s32 $0x2900, v12;
	v33 =	vsub.f32 v15, v19;
	v15 =	vor.u32 $0x7, v10;
	v13 =	vmovc v53;
	[tilespmem:v32+s3+$0x0] =	vst.idx.add.f32.msk $0xffff, v14  }
0x33d: {  	v0 =	vadd.f32 v59, v0;
	v53 =	vmul.f32 v17, v42;
	v14 =	vmul.f32 v17, v45;
	v17 =	vld.idx.msk [tilespmem:v27+s22+$0x0], $0xffff  }
0x33e: {  	v61 =	vadd.s32 $0x3D80, v12;
	v59 =	vmul.f32 v41, v45;
	[tilespmem:v3+s3+$0x0] =	vst.idx.add.f32.msk $0xffff, v33  }
0x33f: {  	v3 =	vmul.f32 v41, v42;
	[tilespmem:v40+s3+$0x0] =	vst.idx.add.f32.msk $0xffff, v0  }
0x340: {  	v62 =	vadd.s32 $0xB880, v12;
	v1 =	vsub.f32 v53, v59;
	v0 =	vld.idx.msk [tilespmem:v63+s22+$0x0], $0xffff  }
0x341: {  	v32 =	vmov v62;
	v62 =	vadd.f32 v3, v14;
	v3 =	vld.idx.msk [tilespmem:v15+s22+$0x0], $0xffff  }
0x342: {  	v56 =	vadd.s32 $0x5200, v12;
	v55 =	vadd.s32 $0x6680, v12;
	[tilespmem:v11+s3+$0x0] =	vst.idx.add.f32.msk $0xffff, v1  }
0x343: {  	v29 =	vmovc v57;
	v34 =	vadd.s32 $0x7B00, v12;
	v35 =	vadd.s32 $0x8F80, v12;
	v57 =	vadd.s32 $0xCD00, v12;
	[tilespmem:v61+s3+$0x0] =	vst.idx.add.f32.msk $0xffff, v62  }
0x344: {  	v58 =	vadd.s32 $0xA400, v12;
	v60 =	vadd.s32 $0xF600, v12;
	v51 =	vadd.s32 $0xE180, v12;
	v11 =	vld.idx.msk [tilespmem:v43+s22+$0x0], $0xffff  }
0x345: {  	v19 =	vadd.s32 $0x10A80, v12;
	v41 =	vadd.s32 $0x11F00, v12;
	v40 =	vadd.s32 $0x13380, v12;
	v12 =	vld.idx.msk [tilespmem:v44+s22+$0x0], $0xffff  }
0x346: {  	v27 =	vmov v48;
	v15 =	vld.idx.msk [tilespmem:v25+s22+$0x0], $0xffff  }
0x347: {  	v14 =	vadd.s32 $0x7B00, v13;
	v1 =	vmul.f32 v17, v6;
	v2 =	vmul.f32 v17, v9;
	[tilespmem:v22+s3+$0x0] =	vst.idx.add.f32.msk $0xffff, v50  }
0x348: {  	v48 =	vadd.s32 $0x8F80, v13;
	[tilespmem:v4+s3+$0x0] =	vst.idx.add.f32.msk $0xffff, v52;
	v17 =	vmul.f32 v0, v7;
	v63 =	vmul.f32 v3, v8  }
0x349: {  	v0 =	vmul.f32 v0, v8;
	v3 =	vmul.f32 v3, v7;
	v53 =	vld.idx.msk [tilespmem:v20+s22+$0x0], $0xffff  }
0x34a: {  	v61 =	vmovc v18;
	v18 =	vmov v60;
	v50 =	vor.u32 $0x8, v10;
	v62 =	vld.idx.msk [tilespmem:v36+s22+$0x0], $0xffff;
	v17 =	vsub.f32 v17, v63  }
0x34b: {  	v60 =	vmovc v6;
	v0 =	vadd.f32 v3, v0;
	v63 =	vmul.f32 v15, v9;
	v15 =	vmul.f32 v15, v6;
	v6 =	vld [tilespmem:$0x1FF20]  }
0x34c: {  	v52 =	vor.u32 $0x9, v10;
	[tilespmem:v14+s3+$0x0] =	vst.idx.add.f32.msk $0xffff, v17  }
0x34d: {  	v3 =	vmul.f32 v11, v42;
	[tilespmem:v48+s3+$0x0] =	vst.idx.add.f32.msk $0xffff, v0  }
0x34e: {  	v11 =	vmul.f32 v11, v45;
	v0 =	vsub.f32 v1, v63;
	v1 =	vadd.f32 v15, v2;
	v15 =	vld [tilespmem:$0x1FF30]  }
0x34f: {  	v14 =	vmul.f32 v12, v45;
	v12 =	vmul.f32 v12, v42;
	v63 =	vld [tilespmem:$0x1FF50]  }
0x350: {  	v17 =	vld.idx.msk [tilespmem:v50+s22+$0x0], $0xffff  }
0x351: {  	v3 =	vsub.f32 v3, v14;
	v11 =	vadd.f32 v12, v11;
	v12 =	vld.idx.msk [tilespmem:v52+s22+$0x0], $0xffff  }
0x352: {  	v36 =	vmul.f32 v53, v21;
	v14 =	vmul.f32 v62, v21;
	v21 =	vld [tilespmem:$0x1FF10]  }
0x353: {  	[tilespmem:v56+s3+$0x0] =	vst.idx.add.f32.msk $0xffff, v3  }
0x354: {  	[tilespmem:v55+s3+$0x0] =	vst.idx.add.f32.msk $0xffff, v11  }
0x355: {  	v43 =	vld.idx.msk [tilespmem:v6+s22+$0x0], $0xffff  }
0x356: {  	v25 =	vmov v46;
	v46 =	vld.idx.msk [tilespmem:v15+s22+$0x0], $0xffff  }
0x357: {  	s17 =	sadd.s32 $0x2, s17;
	v33 =	vmov v58;
	v58 =	vmov v5;
	[tilespmem:v30+s3+$0x0] =	vst.idx.add.f32.msk $0xffff, v0  }
0x358: {  	p1 =	slt.u32 s17, $0x26;
	v5 =	vmovc v49;
	v49 =	vor.u32 $0xA, v10;
	v59 =	vmovc v38;
	v11 =	vmul.f32 v62, v23;
	v30 =	vmov v57;
	v57 =	vld [tilespmem:$0x1FF40]  }
.Ltmp6:
0x359: {  	v22 =	vmovc v47;
	v44 =	vadd.s32 $0xA400, v13;
	v4 =	vmovc v16;
	v16 =	vmov v19;
	v20 =	vmov v39;
	v56 =	vld [tilespmem:$0x1FEF0];
	(pc) =	sbr.rel @p1 .LBB2_11-.Ltmp6, $4  }
0x35a: {  	v48 =	vadd.s32 $0xB880, v13;
	v3 =	vmul.f32 v53, v23;
	v55 =	vld [tilespmem:$0x1FF00];
	v62 =	vmovc v9;
	v9 =	vmovc v45;
	v39 =	vsub.f32 v36, v11  }
0x35b: {  	v6 =	vmov v42;
	v37 =	vmul.f32 v17, v7;
	v38 =	vmul.f32 v12, v8;
	[tilespmem:v31+s3+$0x0] =	vst.idx.add.f32.msk $0xffff, v1  }
0x35c: {  	v42 =	vadd.f32 v14, v3;
	v50 =	vmul.f32 v17, v8;
	v52 =	vmul.f32 v12, v7;
	v45 =	vld.idx.msk [tilespmem:v24+s22+$0x0], $0xffff  }
0x35d: {  	s18 =	sadd.s32 $0x20, s18;
	v53 =	vsub.f32 v37, v38;
	v38 =	vor.u32 $0xB, v10;
	v31 =	vmovc v51;
	v47 =	vld.idx.msk [tilespmem:v26+s22+$0x0], $0xffff;
	v26 =	vmovc v63;
	v24 =	vmov v57  }
0x35e: {  	v0 =	vmul.f32 v43, v6;
	v1 =	vmul.f32 v46, v9  }
0x35f: {  	v2 =	vmul.f32 v43, v9;
	v3 =	vmul.f32 v46, v6  }
0x360: {  	v0 =	vsub.f32 v0, v1  }
0x361: {  	v19 =	vld [tilespmem:$0x1FFF0];
	v23 =	vadd.f32 v3, v2  }
0x362: {  	[tilespmem:v34+s3+$0x0] =	vst.idx.add.f32.msk $0xffff, v0  }
0x363: {  	[tilespmem:v35+s3+$0x0] =	vst.idx.add.f32.msk $0xffff, v23  }
0x364: {  	v0 =	vld.idx.msk [tilespmem:v28+s22+$0x0], $0xffff  }
0x365: {  	v37 =	vld.idx.msk [tilespmem:v29+s22+$0x0], $0xffff  }
0x366: {  	v36 =	vadd.f32 v52, v50  }
0x367: {  	[tilespmem:v44+s3+$0x0] =	vst.idx.add.f32.msk $0xffff, v53  }
0x368: {  	[tilespmem:v48+s3+$0x0] =	vst.idx.add.f32.msk $0xffff, v36  }
0x369: {  	v1 =	vld.idx.msk [tilespmem:v49+s22+$0x0], $0xffff  }
0x36a: {  	v43 =	vld.idx.msk [tilespmem:v38+s22+$0x0], $0xffff;
	v11 =	vmul.f32 v0, v6;
	v12 =	vmul.f32 v37, v9  }
0x36b: {  	v0 =	vmul.f32 v0, v9;
	v2 =	vmul.f32 v37, v6  }
0x36c: {  	v11 =	vsub.f32 v11, v12  }
0x36d: {  	v0 =	vadd.f32 v2, v0  }
0x36e: {  	v44 =	vadd.s32 $0xCD00, v13;
	[tilespmem:v33+s3+$0x0] =	vst.idx.add.f32.msk $0xffff, v11  }
0x36f: {  	v15 =	vadd.s32 $0xE180, v13;
	v46 =	vmul.f32 v1, v7;
	v14 =	vmul.f32 v43, v8;
	[tilespmem:v32+s3+$0x0] =	vst.idx.add.f32.msk $0xffff, v0  }
0x370: {  	v50 =	vor.u32 $0xD, v10;
	v1 =	vmul.f32 v1, v8;
	v3 =	vmul.f32 v43, v7;
	v51 =	vld.idx.msk [tilespmem:v27+s22+$0x0], $0xffff  }
0x371: {  	v48 =	vor.u32 $0xC, v10;
	v49 =	vsub.f32 v46, v14;
	v52 =	vld.idx.msk [tilespmem:v25+s22+$0x0], $0xffff  }
0x372: {  	v1 =	vadd.f32 v3, v1  }
0x373: {  	[tilespmem:v44+s3+$0x0] =	vst.idx.add.f32.msk $0xffff, v49  }
0x374: {  	[tilespmem:v15+s3+$0x0] =	vst.idx.add.f32.msk $0xffff, v1  }
0x375: {  	v1 =	vld.idx.msk [tilespmem:v50+s22+$0x0], $0xffff  }
0x376: {  	v0 =	vld.idx.msk [tilespmem:v48+s22+$0x0], $0xffff;
	v53 =	vmul.f32 v51, v6;
	v57 =	vmul.f32 v52, v9  }
0x377: {  	v63 =	vmul.f32 v51, v9;
	v3 =	vmul.f32 v52, v6  }
0x378: {  	v2 =	vsub.f32 v53, v57  }
0x379: {  	[tilespmem:v56+s3+$0x0] =	vst.idx.add.f32.msk $0xffff, v39;
	v34 =	vmul.f32 v45, v60;
	v3 =	vadd.f32 v3, v63  }
0x37a: {  	v17 =	vmul.f32 v47, v62;
	v36 =	vmul.f32 v47, v60;
	v23 =	vadd.s32 $0xF600, v13;
	[tilespmem:v30+s3+$0x0] =	vst.idx.add.f32.msk $0xffff, v2  }
0x37b: {  	v28 =	vadd.s32 $0x10A80, v13;
	v27 =	vmul.f32 v1, v8;
	v25 =	vmul.f32 v0, v7;
	[tilespmem:v31+s3+$0x0] =	vst.idx.add.f32.msk $0xffff, v3  }
0x37c: {  	v37 =	vsub.f32 v34, v17;
	v1 =	vmul.f32 v1, v7;
	v0 =	vmul.f32 v0, v8;
	v32 =	vld.idx.msk [tilespmem:v24+s22+$0x0], $0xffff  }
0x37d: {  	v35 =	vmul.f32 v45, v62;
	v29 =	vor.u32 $0xE, v10;
	v30 =	vsub.f32 v25, v27;
	v33 =	vld.idx.msk [tilespmem:v26+s22+$0x0], $0xffff  }
0x37e: {  	[tilespmem:v61+s3+$0x0] =	vst.idx.add.f32.msk $0xffff, v37;
	v0 =	vadd.f32 v1, v0  }
0x37f: {  	v31 =	vor.u32 $0xF, v10;
	v3 =	vadd.f32 v36, v35;
	[tilespmem:v23+s3+$0x0] =	vst.idx.add.f32.msk $0xffff, v30  }
0x380: {  	[tilespmem:v28+s3+$0x0] =	vst.idx.add.f32.msk $0xffff, v0  }
0x381: {  	[tilespmem:v4+s3+$0x0] =	vst.idx.add.f32.msk $0xffff, v3  }
0x382: {  	v2 =	vld.idx.msk [tilespmem:v29+s22+$0x0], $0xffff;
	v38 =	vmul.f32 v32, v6;
	v43 =	vmul.f32 v33, v9  }
0x383: {  	v45 =	vld.idx.msk [tilespmem:v58+s22+$0x0], $0xffff;
	v44 =	vmul.f32 v32, v9;
	v1 =	vmul.f32 v33, v6  }
0x384: {  	v10 =	vld.idx.msk [tilespmem:v31+s22+$0x0], $0xffff;
	v0 =	vsub.f32 v38, v43  }
0x385: {  	v46 =	vld.idx.msk [tilespmem:v59+s22+$0x0], $0xffff;
	v1 =	vadd.f32 v1, v44  }
0x386: {  	[tilespmem:v18+s3+$0x0] =	vst.idx.add.f32.msk $0xffff, v0  }
0x387: {  	[tilespmem:v16+s3+$0x0] =	vst.idx.add.f32.msk $0xffff, v1  }
0x388: {  	v47 =	vadd.s32 $0x11F00, v13;
	v51 =	vld.idx.msk [tilespmem:v22+s22+$0x0], $0xffff  }
0x389: {  	v50 =	vadd.s32 $0x13380, v13;
	v48 =	vmul.f32 v2, v7;
	v49 =	vmul.f32 v10, v8;
	v53 =	vld.idx.msk [tilespmem:v5+s22+$0x0], $0xffff  }
0x38a: {  	[tilespmem:v55+s3+$0x0] =	vst.idx.add.f32.msk $0xffff, v42;
	v2 =	vmul.f32 v2, v8;
	v52 =	vmul.f32 v10, v7  }
0x38b: {  	v55 =	vmul.f32 v45, v60;
	v56 =	vmul.f32 v46, v62;
	v1 =	vsub.f32 v48, v49  }
0x38c: {  	v57 =	vmul.f32 v45, v62;
	v2 =	vadd.f32 v52, v2  }
0x38d: {  	v58 =	vmul.f32 v46, v60;
	v0 =	vsub.f32 v55, v56;
	[tilespmem:v47+s3+$0x0] =	vst.idx.add.f32.msk $0xffff, v1  }
0x38e: {  	[tilespmem:v50+s3+$0x0] =	vst.idx.add.f32.msk $0xffff, v2;
	v59 =	vmul.f32 v51, v6;
	v60 =	vmul.f32 v53, v9  }
.Ltmp7:
0x38f: {  	v2 =	vadd.f32 v58, v57;
	v61 =	vmul.f32 v51, v9;
	v5 =	vmul.f32 v53, v6;
	(pc) =	sbr.rel @p0 .LBB2_16-.Ltmp7, $4  }
0x390: {  	[tilespmem:v21+s3+$0x0] =	vst.idx.add.f32.msk $0xffff, v0;
	v62 =	vsub.f32 v59, v60  }
0x391: {  	[tilespmem:v20+s3+$0x0] =	vst.idx.add.f32.msk $0xffff, v2;
	v63 =	vadd.f32 v5, v61  }
0x392: {  	[tilespmem:v41+s3+$0x0] =	vst.idx.add.f32.msk $0xffff, v62  }
0x393: {  	[tilespmem:v40+s3+$0x0] =	vst.idx.add.f32.msk $0xffff, v63  }
0x394: {  	s14 =	smul.u32 $0x500, s13;
	_ =	sdelay $0x1  }
0x395: {  	s14 =	sshrl.u32 s14, $0x3  }
0x396: {  	s14 =	sadd.s32 $0xF0, s14  }
0x397: {  	s16 =	simm.s32 $0x280;
	s15 =	sadd.s32 s1, s14  }
0x398: {  	[tilespmem:s16], [sflag:$0x2] =	stream.linear.gather [hbm4b:s15+s6], $0x280, $0x38;
	[tilespmem:$0x1B100] =	vst v63  }
0x399: {  	s19 =	simm.s32 $0x780;
	s18 =	sadd.s32 s2, s14  }
0x39a: {  	[tilespmem:s19], [sflag:$0x2] =	stream.linear.gather [hbm4b:s18+s6], $0x280, $0x38;
	[tilespmem:$0x1B100] =	vst v63  }
0x39b: {  	s17 =	simm.s32 $0xC80;
	s16 =	sadd.s32 s4, s14  }
0x39c: {  	[tilespmem:s17], [sflag:$0x2] =	stream.linear.gather [hbm4b:s16+s6], $0x280, $0x38;
	[tilespmem:$0x1B100] =	vst v63  }
0x39d: {  	s14 =	sadd.s32 s5, s14;
	s18 =	simm.s32 $0x1180  }
0x39e: {  	[tilespmem:s18], [sflag:$0x2] =	stream.linear.gather [hbm4b:s14+s6], $0x280, $0x38;
	[tilespmem:$0x1B100] =	vst v63  }
0x39f: {  	_ =	swait.ge [sflag:s8], $0x280  }
0x3a0: {  	[sflag:s8] =	ssyncset.done $0x0  }
0x3a1: {  	[sflag:s8] =	ssyncadd.s32 $0xFFFFFD80  }
0x3a2: {  	_ =	swait.ge [sflag:s8], $0x280  }
0x3a3: {  	[sflag:s8] =	ssyncset.done $0x0  }
0x3a4: {  	[sflag:s8] =	ssyncadd.s32 $0xFFFFFD80  }
0x3a5: {  	_ =	swait.ge [sflag:s8], $0x280  }
0x3a6: {  	[sflag:s8] =	ssyncset.done $0x0  }
0x3a7: {  	[sflag:s8] =	ssyncadd.s32 $0xFFFFFD80  }
0x3a8: {  	_ =	swait.ge [sflag:s8], $0x280  }
0x3a9: {  	[sflag:s8] =	ssyncset.done $0x0  }
0x3aa: {  	s19 =	simm.s32 $0x510;
	v2 =	vld [tilespmem:$0x1FFD0];
	[sflag:s8] =	ssyncadd.s32 $0xFFFFFD80  }
0x3ab: {  	v0 =	vld [tilespmem:s19+$0xFFFFFFF0]  }
0x3ac: {  	v1 =	vld [tilespmem:s19+$0x0];
	_ =	sdelay $0x3  }
0x3ad: {  	s15 =	simm.s32 $0x530;
	v0 =	vshll.u32 v0, $0x4  }
0x3ae: {  	s14 =	simm.s32 $0x1410;
	v5 =	vld [tilespmem:s15+$0xFFFFFFF0];
	v1 =	vshll.u32 v1, $0x4;
	v0 =	vor.u32 v2, v0  }
0x3af: {  	s16 =	simm.s32 $0x2;
	v4 =	vld [tilespmem:s15+$0x0];
	v6 =	vor.u32 v2, v1;
	[tilespmem:s14+$0xFFFFFFF0] =	vst v0  }
.LBB2_14:
0x3b0: {  	s16 =	sadd.s32 $0x2, s16  }
0x3b1: {  	[tilespmem:s14+$0x0] =	vst v6;
	s14 =	sadd.s32 $0x20, s14;
	p0 =	slt.u32 s16, $0x26  }
.Ltmp8:
0x3b2: {  	(pc) =	sbr.rel @p0 .LBB2_14-.Ltmp8, $4  }
0x3b3: {  	_ = 	snop  }
0x3b4: {  	s15 =	sadd.s32 $0x20, s15;
	v0 =	vshll.u32 v5, $0x4  }
0x3b5: {  	v5 =	vld [tilespmem:s15+$0xFFFFFFF0];
	v0 =	vor.u32 v2, v0;
	v1 =	vshll.u32 v4, $0x4  }
0x3b6: {  	v4 =	vld [tilespmem:s15+$0x0];
	[tilespmem:s14+$0xFFFFFFF0] =	vst v0;
	v6 =	vor.u32 v2, v1  }
0x3b7: {  	_ =	sdelay $0x2  }
0x3b8: {  	v0 =	vshll.u32 v5, $0x4  }
0x3b9: {  	[tilespmem:s14+$0x0] =	vst v6;
	s15 =	sadd.s32 $0x20, s14;
	v0 =	vor.u32 v2, v0;
	v1 =	vshll.u32 v4, $0x4  }
0x3ba: {  	[tilespmem:s15+$0xFFFFFFF0] =	vst v0;
	v0 =	vor.u32 v2, v1  }
0x3bb: {  	s16 =	simm.s32 $0x1400;
	[tilespmem:s15+$0x0] =	vst v0  }
0x3bc: {  	[tilespmem:s11], [sflag:$0x3] =	stream.indirect.gather [hbm4b:s7+s9], $0x10, s16, s9, $0xb8;
	[tilespmem:$0x1B100] =	vst v63  }
0x3bd: {  	s17 =	simm.s32 $0x1480;
	s15 =	simm.s32 $0x2100  }
0x3be: {  	[tilespmem:s15], [sflag:$0x3] =	stream.indirect.gather [hbm4b:s7+s9], $0x10, s17, s9, $0xb8;
	[tilespmem:$0x1B100] =	vst v63  }
0x3bf: {  	s18 =	simm.s32 $0x1500;
	s19 =	simm.s32 $0x2900  }
0x3c0: {  	[tilespmem:s19], [sflag:$0x3] =	stream.indirect.gather [hbm4b:s7+s9], $0x10, s18, s9, $0xb8;
	[tilespmem:$0x1B100] =	vst v63  }
.Ltmp9:
0x3c1: {  	_ = 	snop;
	(pc) =	sbr.rel .LBB2_6-.Ltmp9, $4  }
0x3c2: {  	s16 =	simm.s32 $0x1580;
	s17 =	simm.s32 $0x3100  }
0x3c3: {  	[tilespmem:s17], [sflag:$0x3] =	stream.indirect.gather [hbm4b:s7+s9], $0x10, s16, s9, $0xb8;
	[tilespmem:$0x1B100] =	vst v63  }
0x3c4: {  	s13 =	sadd.s32 $0x1, s13;
	s18 =	simm.s32 $0x1600;
	s19 =	simm.s32 $0x3900  }
0x3c5: {  	v0 =	vmov v19;
	[tilespmem:s19], [sflag:$0x3] =	stream.indirect.gather [hbm4b:s7+s9], $0x10, s18, s9, $0xb8;
	[tilespmem:$0x1B100] =	vst v63  }
.LBB2_17:
0x3c6: {  	_ =	sfence.sel $0x180000  }
0x3c7: {  	[bflag:$0x0] =	sbarrier.arrive $0xFFFF  }
0x3c8: {  	_ =	strace $0x90000047  }
0x3c9: {  	s0 =	stileid.u32;
	[bflag:$0x2] =	sbarrier.arrive $0xFFFF  }
0x3ca: {  	p0 =	sne.s32 s0, $0x0;
	s0 =	rddreg [dreg:$0x5]  }
0x3cb: {  	s0 =	sadd.s32 @!p0 $0x100000, s0  }
0x3cc: {  	[sflag:s0] =	ssyncadd.tile.s32 @!p0 $0x1;
	_ =	shalt  }
.Lfunc_end2:
_tile_overlayer_lowered:
.L_overlay_start_2:
0x3cd: {  	(tag) =	ssettag $0x2  }
0x3ce: {  	s0 =	rddreg [dreg:$0x0];
	s2 =	stileid.u32  }
0x3cf: {  	s1 =	rddreg [dreg:$0x1];
	p0 =	sne.s32 s2, $0x0  }
0x3d0: {  	s3 =	rddreg [dreg:$0x2];
	[bflag:$0x3] =	sbarrier.arrive $0xFFFF;
	s2 =	simm.s32 @!p0 $0x1C05  }
0x3d1: {  	[timem:s3], [sflag:s2] =	dma.local @!p0 [hbm:s0], s1  }
0x3d2: {  	s0 =	simm.s32 @!p0 $0x5  }
0x3d3: {  	_ =	swait.ge @!p0 [sflag:s0], s1  }
0x3d4: {  	s1 =	ssub.s32 @!p0 $0x0, s1;
	[sflag:s0] =	ssyncset.done @!p0 $0x0  }
0x3d5: {  	[sflag:s0] =	ssyncadd.s32 @!p0 s1  }
0x3d6: {  	[bflag:$0x3] =	sbarrier.arrive $0xFFFF  }
0x3d7: {  	_ =	shalt  }

</sc_bundles>
